<compile_context>
chip_gen: v7x
topology: tpu7x:2x2x1
jax: 0.10.2.dev20260603
libtpu: 0.0.44.dev20260713+nightly
codegen_flags: <defaults>
</compile_context>

<pallas_src>
import dataclasses
import functools

import jax
import jax.numpy as jnp
from jax import lax
from jax.experimental import pallas as pl
from jax.experimental.pallas import tpu as pltpu
from jax.experimental.pallas import tpu_sc as plsc

NC = 2
NS = 16
LANES = 16
K = 80
TCB = 400


def _vector_mesh():
    return plsc.VectorSubcoreMesh(core_axis_name="c", subcore_axis_name="s")


def _fill(ref, rows, width, value):
    @pl.loop(0, rows)
    def _(i):
        @pl.loop(0, width, step=LANES)
        def _(j):
            ref.at[i].at[pl.ds(j, LANES)][...] = jnp.full((LANES,), value,
                                                          jnp.float32)


def _deg2_call(dst2d, ident, nh):
    n_rows = dst2d.shape[0]
    n_chunks = n_rows // (NC * NS)
    half = nh // 2
    hrows = nh * LANES // 128
    hhalf = hrows // 2
    stripe = hrows // NS

    cp = pltpu.CompilerParams()
    if "needs_layout_passes" in pltpu.CompilerParams.__dataclass_fields__:
        cp = dataclasses.replace(cp, needs_layout_passes=False)

    @functools.partial(
        pl.kernel,
        out_type=jax.ShapeDtypeStruct((NC, hrows, 128), jnp.float32),
        mesh=_vector_mesh(),
        compiler_params=cp,
        scratch_types=[
            pltpu.VMEM((n_chunks, K), jnp.int32),
            pltpu.VMEM((hhalf, 128), jnp.float32),
            pltpu.VMEM((hrows // 128, 128), jnp.int32),
            pltpu.VMEM_SHARED((hrows, 128), jnp.float32),
        ],
    )
    def k(dst_hbm, id_hbm, out_hbm, idx_v, hist_v, id_v, h_sh):
        cid = lax.axis_index("c")
        sid = lax.axis_index("s")
        row_base = (cid * NS + sid) * n_chunks
        pltpu.sync_copy(dst_hbm.at[pl.ds(row_base, n_chunks)], idx_v)
        pltpu.sync_copy(id_hbm, id_v)
        _fill(hist_v, hhalf, 128, 0.0)
        pltpu.sync_copy(hist_v.at[pl.ds(0, stripe)],
                        h_sh.at[pl.ds(sid * stripe, stripe)])
        plsc.subcore_barrier()

        lane = lax.broadcasted_iota(jnp.int32, (LANES,), 0)
        ones16 = jnp.ones((LANES,), jnp.float32)

        for p in range(2):
            lo = p * half

            @pl.loop(0, n_chunks)
            def _(ci):
                @pl.loop(0, K, step=LANES)
                def _(j):
                    idx = idx_v.at[ci].at[pl.ds(j, LANES)][...]
                    mask = (idx >= lo) if p else (idx < half)
                    flat = ((idx - lo) << 4) | lane
                    row = lax.shift_right_logical(flat, 7)
                    col = flat & 127
                    plsc.addupdate_scatter(hist_v, [row, col], ones16,
                                           mask=mask)

            @pl.loop(0, hhalf // 128)
            def _(t):
                pltpu.sync_copy(hist_v.at[pl.ds(t * 128, 128)],
                                h_sh.at[id_v.at[p * (hhalf // 128) + t]],
                                add=True)
            if p == 0:
                _fill(hist_v, hhalf, 128, 0.0)

        plsc.subcore_barrier()

        r = sid * stripe
        pltpu.sync_copy(h_sh.at[pl.ds(r, stripe)],
                        out_hbm.at[cid].at[pl.ds(r, stripe)])

    out = k(dst2d, ident)
    return out.reshape(NC, nh, LANES)


def _agg_call(p, ei2, npad, width):
    n_rows = ei2.shape[0]
    n_chunks = n_rows // (NC * NS)
    assert n_chunks % 8 == 0
    stripe = npad // NS

    @functools.partial(
        pl.kernel,
        out_type=jax.ShapeDtypeStruct((NC, npad, width), jnp.float32),
        mesh=_vector_mesh(),
        scratch_types=(
            [pltpu.VMEM((2, K), jnp.int32)] * 8
            + [pltpu.VMEM((K, width), jnp.float32)] * 4
            + [pltpu.VMEM_SHARED((npad, width), jnp.float32)]
            + [pltpu.SemaphoreType.DMA] * 16
        ),
    )
    def k(p_hbm, ei_hbm, out_hbm, *refs):
        idx = refs[0:8]
        rows = refs[8:12]
        s_sh = refs[12]
        g = refs[13:17]
        s = refs[17:21]
        si = refs[21:29]
        cid = lax.axis_index("c")
        sid = lax.axis_index("s")
        base = (cid * NS + sid) * n_chunks

        for q in range(6):
            pltpu.async_copy(ei_hbm.at[base + q], idx[q], si[q])
        for b in range(2):
            pltpu.make_async_copy(ei_hbm.at[base + b], idx[b], si[b]).wait()
            pltpu.async_copy(p_hbm.at[idx[b].at[0]], rows[b], g[b])

        _fill(rows[3], K, width, 0.0)
        n_full = stripe // K
        tail = stripe - n_full * K

        @pl.loop(0, n_full)
        def _(t):
            pltpu.sync_copy(rows[3], s_sh.at[pl.ds(sid * stripe + t * K, K)])
        if tail:
            pltpu.sync_copy(rows[3].at[pl.ds(0, tail)],
                            s_sh.at[pl.ds(sid * stripe + n_full * K, tail)])

        plsc.subcore_barrier()

        @pl.loop(0, n_chunks, step=8)
        def _(c):
            for u in range(8):
                b = u % 4
                br = (u + 2) % 4
                qr = (u + 2) % 8
                qp = (u + 6) % 8

                pltpu.make_async_copy(p_hbm.at[idx[u].at[0]], rows[b],
                                      g[b]).wait()
                pltpu.async_copy(rows[b], s_sh.at[idx[u].at[1]], s[b],
                                 add=True)

                @pl.when(c + u + 2 < n_chunks)
                def _():
                    @pl.when(c + u - 2 >= 0)
                    def _():
                        pltpu.make_async_copy(rows[br],
                                              s_sh.at[idx[qr].at[1]],
                                              s[br]).wait()
                    pltpu.make_async_copy(ei_hbm.at[base + c + u + 2],
                                          idx[qr], si[qr]).wait()
                    pltpu.async_copy(p_hbm.at[idx[qr].at[0]], rows[br], g[br])

                @pl.when(c + u + 6 < n_chunks)
                def _():
                    pltpu.async_copy(ei_hbm.at[base + c + u + 6], idx[qp],
                                     si[qp])

        for b in range(4):
            pltpu.make_async_copy(rows[b], s_sh.at[idx[4 + b].at[1]],
                                  s[b]).wait()

        plsc.subcore_barrier()

        @pl.loop(0, n_full)
        def _(t):
            r = sid * stripe + t * K
            pltpu.sync_copy(s_sh.at[pl.ds(r, K)],
                            out_hbm.at[cid].at[pl.ds(r, K)])
        if tail:
            r = sid * stripe + n_full * K
            pltpu.sync_copy(s_sh.at[pl.ds(r, tail)],
                            out_hbm.at[cid].at[pl.ds(r, tail)])

    return k(p, ei2)


def _dinv_block(c0, c1):
    deg = c0[0].sum(axis=-1) + c1[0].sum(axis=-1) + 1.0
    return lax.rsqrt(deg)


def _p0_call(x, w0, cnt, npad):
    n, d = x.shape
    h = w0.shape[1]

    def body(x_ref, w_ref, c0_ref, c1_ref, p_ref):
        dinv = _dinv_block(c0_ref, c1_ref)
        hw = jnp.dot(x_ref[...], w_ref[...], preferred_element_type=jnp.float32)
        p_ref[...] = hw * dinv[:, None]

    return pl.pallas_call(
        body,
        grid=(n // TCB,),
        in_specs=[
            pl.BlockSpec((TCB, d), lambda i: (i, 0)),
            pl.BlockSpec((d, h), lambda i: (0, 0)),
            pl.BlockSpec((1, TCB, 16), lambda i: (0, i, 0)),
            pl.BlockSpec((1, TCB, 16), lambda i: (1, i, 0)),
        ],
        out_specs=pl.BlockSpec((TCB, h), lambda i: (i, 0)),
        out_shape=jax.ShapeDtypeStruct((n, h), jnp.float32),
    )(x, w0, cnt, cnt)


def _p1_call(s0, p0, cnt, b0, npad):
    n, h = p0.shape

    def body(s0a, s0b, p0_ref, c0_ref, c1_ref, b_ref, p1_ref):
        dinv = _dinv_block(c0_ref, c1_ref)
        hmat = (s0a[0] + s0b[0] + p0_ref[...]) * dinv[:, None] + b_ref[...]
        hmat = jnp.maximum(hmat, 0.0)
        p1_ref[...] = hmat * dinv[:, None]

    return pl.pallas_call(
        body,
        grid=(n // TCB,),
        in_specs=[
            pl.BlockSpec((1, TCB, h), lambda i: (0, i, 0)),
            pl.BlockSpec((1, TCB, h), lambda i: (1, i, 0)),
            pl.BlockSpec((TCB, h), lambda i: (i, 0)),
            pl.BlockSpec((1, TCB, 16), lambda i: (0, i, 0)),
            pl.BlockSpec((1, TCB, 16), lambda i: (1, i, 0)),
            pl.BlockSpec((1, h), lambda i: (0, 0)),
        ],
        out_specs=pl.BlockSpec((TCB, h), lambda i: (i, 0)),
        out_shape=jax.ShapeDtypeStruct((n, h), jnp.float32),
    )(s0, s0, p0, cnt, cnt, b0)


def _out_call(s1, p1, cnt, w1, b1, npad):
    n, h = p1.shape
    c = w1.shape[1]

    def body(s1a, s1b, p1_ref, c0_ref, c1_ref, w_ref, b_ref, o_ref):
        dinv = _dinv_block(c0_ref, c1_ref)
        agg = (s1a[0] + s1b[0] + p1_ref[...]) * dinv[:, None]
        o_ref[...] = jnp.dot(agg, w_ref[...],
                             preferred_element_type=jnp.float32) + b_ref[...]

    return pl.pallas_call(
        body,
        grid=(n // TCB,),
        in_specs=[
            pl.BlockSpec((1, TCB, h), lambda i: (0, i, 0)),
            pl.BlockSpec((1, TCB, h), lambda i: (1, i, 0)),
            pl.BlockSpec((TCB, h), lambda i: (i, 0)),
            pl.BlockSpec((1, TCB, 16), lambda i: (0, i, 0)),
            pl.BlockSpec((1, TCB, 16), lambda i: (1, i, 0)),
            pl.BlockSpec((h, c), lambda i: (0, 0)),
            pl.BlockSpec((1, c), lambda i: (0, 0)),
        ],
        out_specs=pl.BlockSpec((TCB, c), lambda i: (i, 0)),
        out_shape=jax.ShapeDtypeStruct((n, c), jnp.float32),
    )(s1, s1, p1, cnt, cnt, w1, b1)


def kernel(x, edge_index, W0, b0, W1, b1):
    n, d = x.shape
    h = W0.shape[1]

    src, dst = edge_index[0], edge_index[1]
    e = src.shape[0]
    chunk_total = NC * NS * K * 8
    epad = ((e + chunk_total - 1) // chunk_total) * chunk_total
    npad = ((n + 1 + 127) // 128) * 128

    pad = epad - e
    arp = jnp.arange(pad, dtype=src.dtype)
    src_p = jnp.concatenate([src, n + arp % K]).reshape(-1, K)
    dst_p = jnp.concatenate([dst, arp % n]).reshape(-1, K)
    dst_deg = jnp.concatenate([dst, n + arp % (npad - n)]).reshape(-1, K)
    ei2 = jnp.stack([src_p, dst_p], axis=1)
    b0r = b0.reshape(1, h)
    b1r = b1.reshape(1, b1.shape[0])
    zrows = jnp.zeros((K, h), jnp.float32)

    nh = 10240
    ident = jnp.arange(nh * LANES // 128, dtype=jnp.int32).reshape(-1, 128)
    cnt = _deg2_call(dst_deg, ident, nh)
    p0 = _p0_call(x, W0, cnt, npad)
    s0 = _agg_call(jnp.concatenate([p0, zrows]), ei2, npad, h)
    p1 = _p1_call(s0, p0, cnt, b0r, npad)
    s1 = _agg_call(jnp.concatenate([p1, zrows]), ei2, npad, h)
    return _out_call(s1, p1, cnt, W1, b1r, npad)

# --- scband reference (transcript-rebuilt; emitter-appended) ---
"""Pipeline reference for scband-tricks-comb-76982993814135 (READ-ONLY COPY).

The authoritative reference and input builder live on the scoring server;
editing this copy changes nothing except your own understanding.
"""

import jax, jax.numpy as jnp
import numpy as np

N = 10000
E = 320000
D = 128
H = 128
C = 40


def setup_inputs(seed: int = 0) -> dict:
    key = jax.random.key(seed)
    ks = jax.random.split(key, 8)
    x = jax.random.normal(ks[0], (N, D), dtype=jnp.float32)
    edge_index = jax.random.randint(ks[1], (2, E), 0, N, dtype=jnp.int32)
    # GCNConv layer 0: num_feats -> dim_hidden
    W0 = jax.random.normal(ks[2], (D, H), dtype=jnp.float32) * (1.0 / np.sqrt(D))
    b0 = jnp.zeros((H,), dtype=jnp.float32)
    # GCNConv layer 1: dim_hidden -> num_classes
    W1 = jax.random.normal(ks[3], (H, C), dtype=jnp.float32) * (1.0 / np.sqrt(H))
    b1 = jnp.zeros((C,), dtype=jnp.float32)
    return {"x": x, "edge_index": edge_index, "W0": W0, "b0": b0, "W1": W1, "b1": b1}


def reference(x, edge_index, W0, b0, W1, b1):
    # TricksComb with type_model='GCN', type_trick='None', type_norm='None',
    # num_layers=2, eval mode (all dropouts inactive, DropoutTrick is identity).
    # has_residual_MLP=False -> layers_GCN = [GCNConv(D,H), GCNConv(H,C)]
    # lamda=1.0 -> beta=1.0 -> standard GCN propagation with full weight transform.
    src, dst = edge_index[0], edge_index[1]
    loop = jnp.arange(N, dtype=src.dtype)
    src2 = jnp.concatenate([src, loop])
    dst2 = jnp.concatenate([dst, loop])
    deg = jax.ops.segment_sum(jnp.ones_like(dst2, dtype=jnp.float32), dst2, num_segments=N)
    dinv = jnp.where(deg > 0, jax.lax.rsqrt(jnp.maximum(deg, 1e-12)), 0.0)
    norm = dinv[src2] * dinv[dst2]

    def gcn_conv(h, W, b):
        hw = h @ W
        msg = hw[src2] * norm[:, None]
        agg = jax.ops.segment_sum(msg, dst2, num_segments=N)
        return agg + b

    h = gcn_conv(x, W0, b0)
    h = jax.nn.relu(h)  # i < num_layers - 1
    out = gcn_conv(h, W1, b1)  # last layer, no relu (not has_residual_MLP)
    return out

if __name__ == "__main__":
    import jax
    _d = setup_inputs()
    print(jax.jit(kernel)(*tuple(_d.values())))

</pallas_src>

<mosaic_0001>
#map = affine_map<(d0, d1) -> (0, 0)>
#map1 = affine_map<(d0, d1) -> (0, 0, 0)>
module attributes {stable_mosaic.version = 14 : i64} {
  func.func @k(%arg0: i32, %arg1: i32, %arg2: memref<4096x80xi32, #tpu.memory_space<hbm>>, %arg3: memref<10x128xi32, #tpu.memory_space<hbm>>, %arg4: memref<2x1280x128xf32, #tpu.memory_space<hbm>>, %arg5: memref<128x80xi32, #tpu.memory_space<vmem>>, %arg6: memref<640x128xf32, #tpu.memory_space<vmem>>, %arg7: memref<10x128xi32, #tpu.memory_space<vmem>>, %arg8: memref<1280x128xf32, #tpu.memory_space<vmem_shared>>) attributes {dimension_semantics = [#tpu.dimension_semantics<core_parallel>, #tpu.dimension_semantics<subcore_parallel>], iteration_bounds = array<i64: 2, 16>, scalar_prefetch = 0 : i64, scratch_operands = 4 : i64, tpu.core_type = #tpu.core_type<sc_vector_subcore>, window_params = [{transform_indices = #map}, {transform_indices = #map}, {transform_indices = #map1}]} {
    %mul3A = arith.constant 16 : i32
    %mul3A_0 = arith.muli %arg0, %mul3A : i32
    %add3A = arith.addi %mul3A_0, %arg1 : i32
    %mul3A_1 = arith.constant 128 : i32
    %mul3A_2 = arith.muli %add3A, %mul3A_1 : i32
    "tpu.region"() ({
      %run_scoped3A = tpu.sem_alloc : memref<!tpu.dma_semaphore, #tpu.memory_space<semaphore_mem>>
      %dma_start3A = arith.constant 0 : i32
      %dma_start3A_38 = tpu.memref_slice %arg2[%mul3A_2, %dma_start3A] : memref<4096x80xi32, #tpu.memory_space<hbm>> -> memref<128x80xi32, #tpu.memory_space<hbm>>
      %dma_start3A_39 = arith.constant 0 : i32
      %dma_start3A_40 = tpu.memref_slice %arg2[%mul3A_2, %dma_start3A_39] : memref<4096x80xi32, #tpu.memory_space<hbm>> -> memref<128x80xi32, #tpu.memory_space<hbm>>
      tpu.enqueue_dma source(%dma_start3A_40 : memref<128x80xi32, #tpu.memory_space<hbm>>) target(%arg5 : memref<128x80xi32, #tpu.memory_space<vmem>>) target_semaphore(%run_scoped3A : memref<!tpu.dma_semaphore, #tpu.memory_space<semaphore_mem>>)
      %dma_wait3A = arith.constant 0 : i32
      %dma_wait3A_41 = tpu.memref_slice %arg2[%mul3A_2, %dma_wait3A] : memref<4096x80xi32, #tpu.memory_space<hbm>> -> memref<128x80xi32, #tpu.memory_space<hbm>>
      %dma_wait3A_42 = arith.constant 0 : i32
      %dma_wait3A_43 = tpu.memref_slice %arg2[%mul3A_2, %dma_wait3A_42] : memref<4096x80xi32, #tpu.memory_space<hbm>> -> memref<128x80xi32, #tpu.memory_space<hbm>>
      tpu.wait_dma2 semaphore(%run_scoped3A : memref<!tpu.dma_semaphore, #tpu.memory_space<semaphore_mem>>) src(%dma_wait3A_43 : memref<128x80xi32, #tpu.memory_space<hbm>>) dst(%arg5 : memref<128x80xi32, #tpu.memory_space<vmem>>)
      tpu.yield
    }) : () -> ()
    "tpu.region"() ({
      %run_scoped3A = tpu.sem_alloc : memref<!tpu.dma_semaphore, #tpu.memory_space<semaphore_mem>>
      tpu.enqueue_dma source(%arg3 : memref<10x128xi32, #tpu.memory_space<hbm>>) target(%arg7 : memref<10x128xi32, #tpu.memory_space<vmem>>) target_semaphore(%run_scoped3A : memref<!tpu.dma_semaphore, #tpu.memory_space<semaphore_mem>>)
      tpu.wait_dma2 semaphore(%run_scoped3A : memref<!tpu.dma_semaphore, #tpu.memory_space<semaphore_mem>>) src(%arg3 : memref<10x128xi32, #tpu.memory_space<hbm>>) dst(%arg7 : memref<10x128xi32, #tpu.memory_space<vmem>>)
      tpu.yield
    }) : () -> ()
    %scan3A = arith.constant 0 : i32
    %scan3A_3 = arith.constant 640 : i32
    %scan3A_4 = arith.addi %scan3A, %scan3A_3 : i32
    %scan3A_5 = arith.constant 1 : i32
    scf.for %scan3A_38 = %scan3A to %scan3A_4 step %scan3A_5  : i32 {
      %mul3A_39 = arith.constant 1 : i32
      %mul3A_40 = arith.muli %scan3A_38, %mul3A_39 : i32
      %add3A_41 = arith.constant 0 : i32
      %add3A_42 = arith.addi %add3A_41, %mul3A_40 : i32
      %scan3A_43 = arith.constant 0 : i32
      %scan3A_44 = arith.constant 8 : i32
      %scan3A_45 = arith.addi %scan3A_43, %scan3A_44 : i32
      %scan3A_46 = arith.constant 1 : i32
      scf.for %scan3A_48 = %scan3A_43 to %scan3A_45 step %scan3A_46  : i32 {
        %mul3A_49 = arith.constant 16 : i32
        %mul3A_50 = arith.muli %scan3A_48, %mul3A_49 : i32
        %add3A_51 = arith.constant 0 : i32
        %add3A_52 = arith.addi %add3A_51, %mul3A_50 : i32
        %broadcast_in_dim3A_53 = arith.constant 0.000000e+00 : f32
        %broadcast_in_dim3A_54 = vector.broadcast %broadcast_in_dim3A_53 : f32 to vector<16xf32>
        %swap3A = arith.constant 0 : i32
        %swap3A_55 = tpu.memref_slice %arg6[%add3A_42, %swap3A] : memref<640x128xf32, #tpu.memory_space<vmem>> -> memref<1x128xf32, #tpu.memory_space<vmem>>
        %swap3A_56 = tpu.memref_squeeze %swap3A_55 : memref<1x128xf32, #tpu.memory_space<vmem>> -> memref<128xf32, #tpu.memory_space<vmem>>
        %swap3A_57 = arith.index_cast %add3A_52 : i32 to index
        %swap3A_58 = tpu.vector_load %swap3A_56[%swap3A_57] {strides = array<i32>} : memref<128xf32, #tpu.memory_space<vmem>>, vector<16xf32>,
        tpu.vector_store %swap3A_56[%swap3A_57], %broadcast_in_dim3A_54 {strides = array<i32>} : memref<128xf32, #tpu.memory_space<vmem>>, vector<16xf32>,
      }
      %scan3A_47 = arith.constant 8 : i32
    }
    %scan3A_6 = arith.constant 640 : i32
    %mul3A_7 = arith.constant 80 : i32
    %mul3A_8 = arith.muli %arg1, %mul3A_7 : i32
    "tpu.region"() ({
      %run_scoped3A = tpu.sem_alloc : memref<!tpu.dma_semaphore, #tpu.memory_space<semaphore_mem>>
      %dma_start3A = arith.constant 0 : i32
      %dma_start3A_38 = arith.constant 0 : i32
      %dma_start3A_39 = tpu.memref_slice %arg6[%dma_start3A, %dma_start3A_38] : memref<640x128xf32, #tpu.memory_space<vmem>> -> memref<80x128xf32, #tpu.memory_space<vmem>>
      %dma_start3A_40 = arith.constant 0 : i32
      %dma_start3A_41 = tpu.memref_slice %arg8[%mul3A_8, %dma_start3A_40] : memref<1280x128xf32, #tpu.memory_space<vmem_shared>> -> memref<80x128xf32, #tpu.memory_space<vmem_shared>>
      %dma_start3A_42 = arith.constant 0 : i32
      %dma_start3A_43 = tpu.memref_slice %arg8[%mul3A_8, %dma_start3A_42] : memref<1280x128xf32, #tpu.memory_space<vmem_shared>> -> memref<80x128xf32, #tpu.memory_space<vmem_shared>>
      %dma_start3A_44 = arith.constant 0 : i32
      %dma_start3A_45 = arith.constant 0 : i32
      %dma_start3A_46 = tpu.memref_slice %arg6[%dma_start3A_44, %dma_start3A_45] : memref<640x128xf32, #tpu.memory_space<vmem>> -> memref<80x128xf32, #tpu.memory_space<vmem>>
      tpu.enqueue_dma source(%dma_start3A_46 : memref<80x128xf32, #tpu.memory_space<vmem>>) target(%dma_start3A_43 : memref<80x128xf32, #tpu.memory_space<vmem_shared>>) target_semaphore(%run_scoped3A : memref<!tpu.dma_semaphore, #tpu.memory_space<semaphore_mem>>)
      %dma_wait3A = arith.constant 0 : i32
      %dma_wait3A_47 = arith.constant 0 : i32
      %dma_wait3A_48 = tpu.memref_slice %arg6[%dma_wait3A, %dma_wait3A_47] : memref<640x128xf32, #tpu.memory_space<vmem>> -> memref<80x128xf32, #tpu.memory_space<vmem>>
      %dma_wait3A_49 = arith.constant 0 : i32
      %dma_wait3A_50 = tpu.memref_slice %arg8[%mul3A_8, %dma_wait3A_49] : memref<1280x128xf32, #tpu.memory_space<vmem_shared>> -> memref<80x128xf32, #tpu.memory_space<vmem_shared>>
      %dma_wait3A_51 = arith.constant 0 : i32
      %dma_wait3A_52 = tpu.memref_slice %arg8[%mul3A_8, %dma_wait3A_51] : memref<1280x128xf32, #tpu.memory_space<vmem_shared>> -> memref<80x128xf32, #tpu.memory_space<vmem_shared>>
      %dma_wait3A_53 = arith.constant 0 : i32
      %dma_wait3A_54 = arith.constant 0 : i32
      %dma_wait3A_55 = tpu.memref_slice %arg6[%dma_wait3A_53, %dma_wait3A_54] : memref<640x128xf32, #tpu.memory_space<vmem>> -> memref<80x128xf32, #tpu.memory_space<vmem>>
      tpu.wait_dma2 semaphore(%run_scoped3A : memref<!tpu.dma_semaphore, #tpu.memory_space<semaphore_mem>>) src(%dma_wait3A_55 : memref<80x128xf32, #tpu.memory_space<vmem>>) dst(%dma_wait3A_52 : memref<80x128xf32, #tpu.memory_space<vmem_shared>>)
      tpu.yield
    }) : () -> ()
    %barrier3A = arith.constant 0 : index
    tpu.barrier barrier_id(%barrier3A)
    %iota3A = tpu.iota {dimensions = array<i32: 0>} : vector<16xi32>
    %broadcast_in_dim3A = arith.constant 1.000000e+00 : f32
    %broadcast_in_dim3A_9 = vector.broadcast %broadcast_in_dim3A : f32 to vector<16xf32>
    %scan3A_10 = arith.constant 0 : i32
    %scan3A_11 = arith.constant 128 : i32
    %scan3A_12 = arith.addi %scan3A_10, %scan3A_11 : i32
    %scan3A_13 = arith.constant 1 : i32
    scf.for %scan3A_38 = %scan3A_10 to %scan3A_12 step %scan3A_13  : i32 {
      %mul3A_39 = arith.constant 1 : i32
      %mul3A_40 = arith.muli %scan3A_38, %mul3A_39 : i32
      %add3A_41 = arith.constant 0 : i32
      %add3A_42 = arith.addi %add3A_41, %mul3A_40 : i32
      %scan3A_43 = arith.constant 0 : i32
      %scan3A_44 = arith.constant 5 : i32
      %scan3A_45 = arith.addi %scan3A_43, %scan3A_44 : i32
      %scan3A_46 = arith.constant 1 : i32
      scf.for %scan3A_48 = %scan3A_43 to %scan3A_45 step %scan3A_46  : i32 {
        %mul3A_49 = arith.constant 16 : i32
        %mul3A_50 = arith.muli %scan3A_48, %mul3A_49 : i32
        %add3A_51 = arith.constant 0 : i32
        %add3A_52 = arith.addi %add3A_51, %mul3A_50 : i32
        %get3A = arith.constant 0 : i32
        %get3A_53 = tpu.memref_slice %arg5[%add3A_42, %get3A] : memref<128x80xi32, #tpu.memory_space<vmem>> -> memref<1x80xi32, #tpu.memory_space<vmem>>
        %get3A_54 = tpu.memref_squeeze %get3A_53 : memref<1x80xi32, #tpu.memory_space<vmem>> -> memref<80xi32, #tpu.memory_space<vmem>>
        %get3A_55 = arith.index_cast %add3A_52 : i32 to index
        %get3A_56 = tpu.vector_load %get3A_54[%get3A_55] {strides = array<i32>} : memref<80xi32, #tpu.memory_space<vmem>>, vector<16xi32>,
        %lt3A = arith.constant 5120 : i32
        %lt3A_57 = vector.broadcast %lt3A : i32 to vector<16xi32>
        %lt3A_58 = arith.cmpi slt, %get3A_56, %lt3A_57 : vector<16xi32>
        %sub3A = arith.constant 0 : i32
        %sub3A_59 = vector.broadcast %sub3A : i32 to vector<16xi32>
        %sub3A_60 = arith.subi %get3A_56, %sub3A_59 : vector<16xi32>
        %shift_left3A = arith.constant 4 : i32
        %shift_left3A_61 = vector.broadcast %shift_left3A : i32 to vector<16xi32>
        %shift_left3A_62 = arith.shli %sub3A_60, %shift_left3A_61 : vector<16xi32>
        %or3A = arith.ori %shift_left3A_62, %iota3A : vector<16xi32>
        %shift_right_logical3A = arith.constant 7 : i32
        %shift_right_logical3A_63 = vector.broadcast %shift_right_logical3A : i32 to vector<16xi32>
        %shift_right_logical3A_64 = arith.shrui %or3A, %shift_right_logical3A_63 : vector<16xi32>
        %and3A = arith.constant 127 : i32
        %and3A_65 = vector.broadcast %and3A : i32 to vector<16xi32>
        %and3A_66 = arith.andi %or3A, %and3A_65 : vector<16xi32>
        tpu.vector_store_idx %arg6[%shift_right_logical3A_64, %and3A_66], %broadcast_in_dim3A_9 masked %lt3A_58 {add = true} : memref<640x128xf32, #tpu.memory_space<vmem>>[vector<16xi32>, vector<16xi32>], vector<16xf32>, vector<16xi1>
      }
      %scan3A_47 = arith.constant 5 : i32
    }
    %scan3A_14 = arith.constant 128 : i32
    %scan3A_15 = arith.constant 0 : i32
    %scan3A_16 = arith.constant 5 : i32
    %scan3A_17 = arith.addi %scan3A_15, %scan3A_16 : i32
    %scan3A_18 = arith.constant 1 : i32
    scf.for %scan3A_38 = %scan3A_15 to %scan3A_17 step %scan3A_18  : i32 {
      %mul3A_39 = arith.constant 1 : i32
      %mul3A_40 = arith.muli %scan3A_38, %mul3A_39 : i32
      %add3A_41 = arith.constant 0 : i32
      %add3A_42 = arith.addi %add3A_41, %mul3A_40 : i32
      %mul3A_43 = arith.constant 128 : i32
      %mul3A_44 = arith.muli %add3A_42, %mul3A_43 : i32
      %add3A_45 = arith.constant 0 : i32
      %add3A_46 = arith.addi %add3A_45, %add3A_42 : i32
      "tpu.region"() ({
        %run_scoped3A = tpu.sem_alloc : memref<!tpu.dma_semaphore, #tpu.memory_space<semaphore_mem>>
        %dma_start3A = arith.constant 0 : i32
        %dma_start3A_47 = tpu.memref_slice %arg6[%mul3A_44, %dma_start3A] : memref<640x128xf32, #tpu.memory_space<vmem>> -> memref<128x128xf32, #tpu.memory_space<vmem>>
        %dma_start3A_48 = arith.constant 0 : i32
        %dma_start3A_49 = tpu.memref_slice %arg7[%add3A_46, %dma_start3A_48] : memref<10x128xi32, #tpu.memory_space<vmem>> -> memref<1x128xi32, #tpu.memory_space<vmem>>
        %dma_start3A_50 = tpu.memref_squeeze %dma_start3A_49 : memref<1x128xi32, #tpu.memory_space<vmem>> -> memref<128xi32, #tpu.memory_space<vmem>>
        %dma_start3A_51 = arith.constant 0 : i32
        %dma_start3A_52 = arith.constant 0 : i32
        %dma_start3A_53 = tpu.memref_slice %arg8[%dma_start3A_51, %dma_start3A_52] : memref<1280x128xf32, #tpu.memory_space<vmem_shared>> -> memref<1280x128xf32, #tpu.memory_space<vmem_shared>>
        tpu.enqueue_indirect_dma source(%dma_start3A_47 : memref<128x128xf32, #tpu.memory_space<vmem>>) target(%dma_start3A_53 : memref<1280x128xf32, #tpu.memory_space<vmem_shared>>) offsets(%dma_start3A_50 : memref<128xi32, #tpu.memory_space<vmem>>) semaphore(%run_scoped3A : memref<!tpu.dma_semaphore, #tpu.memory_space<semaphore_mem>>) {add = true}
        %dma_wait3A = arith.constant 0 : i32
        %dma_wait3A_54 = tpu.memref_slice %arg6[%mul3A_44, %dma_wait3A] : memref<640x128xf32, #tpu.memory_space<vmem>> -> memref<128x128xf32, #tpu.memory_space<vmem>>
        %dma_wait3A_55 = arith.constant 0 : i32
        %dma_wait3A_56 = tpu.memref_slice %arg7[%add3A_46, %dma_wait3A_55] : memref<10x128xi32, #tpu.memory_space<vmem>> -> memref<1x128xi32, #tpu.memory_space<vmem>>
        %dma_wait3A_57 = tpu.memref_squeeze %dma_wait3A_56 : memref<1x128xi32, #tpu.memory_space<vmem>> -> memref<128xi32, #tpu.memory_space<vmem>>
        %dma_wait3A_58 = arith.constant 0 : i32
        %dma_wait3A_59 = arith.constant 0 : i32
        %dma_wait3A_60 = tpu.memref_slice %arg8[%dma_wait3A_58, %dma_wait3A_59] : memref<1280x128xf32, #tpu.memory_space<vmem_shared>> -> memref<1280x128xf32, #tpu.memory_space<vmem_shared>>
        tpu.wait_indirect_dma semaphore(%run_scoped3A : memref<!tpu.dma_semaphore, #tpu.memory_space<semaphore_mem>>) src(%dma_wait3A_54 : memref<128x128xf32, #tpu.memory_space<vmem>>) dst(%dma_wait3A_60 : memref<1280x128xf32, #tpu.memory_space<vmem_shared>>)
        tpu.yield
      }) : () -> ()
    }
    %scan3A_19 = arith.constant 5 : i32
    %scan3A_20 = arith.constant 0 : i32
    %scan3A_21 = arith.constant 640 : i32
    %scan3A_22 = arith.addi %scan3A_20, %scan3A_21 : i32
    %scan3A_23 = arith.constant 1 : i32
    scf.for %scan3A_38 = %scan3A_20 to %scan3A_22 step %scan3A_23  : i32 {
      %mul3A_39 = arith.constant 1 : i32
      %mul3A_40 = arith.muli %scan3A_38, %mul3A_39 : i32
      %add3A_41 = arith.constant 0 : i32
      %add3A_42 = arith.addi %add3A_41, %mul3A_40 : i32
      %scan3A_43 = arith.constant 0 : i32
      %scan3A_44 = arith.constant 8 : i32
      %scan3A_45 = arith.addi %scan3A_43, %scan3A_44 : i32
      %scan3A_46 = arith.constant 1 : i32
      scf.for %scan3A_48 = %scan3A_43 to %scan3A_45 step %scan3A_46  : i32 {
        %mul3A_49 = arith.constant 16 : i32
        %mul3A_50 = arith.muli %scan3A_48, %mul3A_49 : i32
        %add3A_51 = arith.constant 0 : i32
        %add3A_52 = arith.addi %add3A_51, %mul3A_50 : i32
        %broadcast_in_dim3A_53 = arith.constant 0.000000e+00 : f32
        %broadcast_in_dim3A_54 = vector.broadcast %broadcast_in_dim3A_53 : f32 to vector<16xf32>
        %swap3A = arith.constant 0 : i32
        %swap3A_55 = tpu.memref_slice %arg6[%add3A_42, %swap3A] : memref<640x128xf32, #tpu.memory_space<vmem>> -> memref<1x128xf32, #tpu.memory_space<vmem>>
        %swap3A_56 = tpu.memref_squeeze %swap3A_55 : memref<1x128xf32, #tpu.memory_space<vmem>> -> memref<128xf32, #tpu.memory_space<vmem>>
        %swap3A_57 = arith.index_cast %add3A_52 : i32 to index
        %swap3A_58 = tpu.vector_load %swap3A_56[%swap3A_57] {strides = array<i32>} : memref<128xf32, #tpu.memory_space<vmem>>, vector<16xf32>,
        tpu.vector_store %swap3A_56[%swap3A_57], %broadcast_in_dim3A_54 {strides = array<i32>} : memref<128xf32, #tpu.memory_space<vmem>>, vector<16xf32>,
      }
      %scan3A_47 = arith.constant 8 : i32
    }
    %scan3A_24 = arith.constant 640 : i32
    %scan3A_25 = arith.constant 0 : i32
    %scan3A_26 = arith.constant 128 : i32
    %scan3A_27 = arith.addi %scan3A_25, %scan3A_26 : i32
    %scan3A_28 = arith.constant 1 : i32
    scf.for %scan3A_38 = %scan3A_25 to %scan3A_27 step %scan3A_28  : i32 {
      %mul3A_39 = arith.constant 1 : i32
      %mul3A_40 = arith.muli %scan3A_38, %mul3A_39 : i32
      %add3A_41 = arith.constant 0 : i32
      %add3A_42 = arith.addi %add3A_41, %mul3A_40 : i32
      %scan3A_43 = arith.constant 0 : i32
      %scan3A_44 = arith.constant 5 : i32
      %scan3A_45 = arith.addi %scan3A_43, %scan3A_44 : i32
      %scan3A_46 = arith.constant 1 : i32
      scf.for %scan3A_48 = %scan3A_43 to %scan3A_45 step %scan3A_46  : i32 {
        %mul3A_49 = arith.constant 16 : i32
        %mul3A_50 = arith.muli %scan3A_48, %mul3A_49 : i32
        %add3A_51 = arith.constant 0 : i32
        %add3A_52 = arith.addi %add3A_51, %mul3A_50 : i32
        %get3A = arith.constant 0 : i32
        %get3A_53 = tpu.memref_slice %arg5[%add3A_42, %get3A] : memref<128x80xi32, #tpu.memory_space<vmem>> -> memref<1x80xi32, #tpu.memory_space<vmem>>
        %get3A_54 = tpu.memref_squeeze %get3A_53 : memref<1x80xi32, #tpu.memory_space<vmem>> -> memref<80xi32, #tpu.memory_space<vmem>>
        %get3A_55 = arith.index_cast %add3A_52 : i32 to index
        %get3A_56 = tpu.vector_load %get3A_54[%get3A_55] {strides = array<i32>} : memref<80xi32, #tpu.memory_space<vmem>>, vector<16xi32>,
        %ge3A = arith.constant 5120 : i32
        %ge3A_57 = vector.broadcast %ge3A : i32 to vector<16xi32>
        %ge3A_58 = arith.cmpi sge, %get3A_56, %ge3A_57 : vector<16xi32>
        %sub3A = arith.constant 5120 : i32
        %sub3A_59 = vector.broadcast %sub3A : i32 to vector<16xi32>
        %sub3A_60 = arith.subi %get3A_56, %sub3A_59 : vector<16xi32>
        %shift_left3A = arith.constant 4 : i32
        %shift_left3A_61 = vector.broadcast %shift_left3A : i32 to vector<16xi32>
        %shift_left3A_62 = arith.shli %sub3A_60, %shift_left3A_61 : vector<16xi32>
        %or3A = arith.ori %shift_left3A_62, %iota3A : vector<16xi32>
        %shift_right_logical3A = arith.constant 7 : i32
        %shift_right_logical3A_63 = vector.broadcast %shift_right_logical3A : i32 to vector<16xi32>
        %shift_right_logical3A_64 = arith.shrui %or3A, %shift_right_logical3A_63 : vector<16xi32>
        %and3A = arith.constant 127 : i32
        %and3A_65 = vector.broadcast %and3A : i32 to vector<16xi32>
        %and3A_66 = arith.andi %or3A, %and3A_65 : vector<16xi32>
        tpu.vector_store_idx %arg6[%shift_right_logical3A_64, %and3A_66], %broadcast_in_dim3A_9 masked %ge3A_58 {add = true} : memref<640x128xf32, #tpu.memory_space<vmem>>[vector<16xi32>, vector<16xi32>], vector<16xf32>, vector<16xi1>
      }
      %scan3A_47 = arith.constant 5 : i32
    }
    %scan3A_29 = arith.constant 128 : i32
    %scan3A_30 = arith.constant 0 : i32
    %scan3A_31 = arith.constant 5 : i32
    %scan3A_32 = arith.addi %scan3A_30, %scan3A_31 : i32
    %scan3A_33 = arith.constant 1 : i32
    scf.for %scan3A_38 = %scan3A_30 to %scan3A_32 step %scan3A_33  : i32 {
      %mul3A_39 = arith.constant 1 : i32
      %mul3A_40 = arith.muli %scan3A_38, %mul3A_39 : i32
      %add3A_41 = arith.constant 0 : i32
      %add3A_42 = arith.addi %add3A_41, %mul3A_40 : i32
      %mul3A_43 = arith.constant 128 : i32
      %mul3A_44 = arith.muli %add3A_42, %mul3A_43 : i32
      %add3A_45 = arith.constant 5 : i32
      %add3A_46 = arith.addi %add3A_45, %add3A_42 : i32
      "tpu.region"() ({
        %run_scoped3A = tpu.sem_alloc : memref<!tpu.dma_semaphore, #tpu.memory_space<semaphore_mem>>
        %dma_start3A = arith.constant 0 : i32
        %dma_start3A_47 = tpu.memref_slice %arg6[%mul3A_44, %dma_start3A] : memref<640x128xf32, #tpu.memory_space<vmem>> -> memref<128x128xf32, #tpu.memory_space<vmem>>
        %dma_start3A_48 = arith.constant 0 : i32
        %dma_start3A_49 = tpu.memref_slice %arg7[%add3A_46, %dma_start3A_48] : memref<10x128xi32, #tpu.memory_space<vmem>> -> memref<1x128xi32, #tpu.memory_space<vmem>>
        %dma_start3A_50 = tpu.memref_squeeze %dma_start3A_49 : memref<1x128xi32, #tpu.memory_space<vmem>> -> memref<128xi32, #tpu.memory_space<vmem>>
        %dma_start3A_51 = arith.constant 0 : i32
        %dma_start3A_52 = arith.constant 0 : i32
        %dma_start3A_53 = tpu.memref_slice %arg8[%dma_start3A_51, %dma_start3A_52] : memref<1280x128xf32, #tpu.memory_space<vmem_shared>> -> memref<1280x128xf32, #tpu.memory_space<vmem_shared>>
        tpu.enqueue_indirect_dma source(%dma_start3A_47 : memref<128x128xf32, #tpu.memory_space<vmem>>) target(%dma_start3A_53 : memref<1280x128xf32, #tpu.memory_space<vmem_shared>>) offsets(%dma_start3A_50 : memref<128xi32, #tpu.memory_space<vmem>>) semaphore(%run_scoped3A : memref<!tpu.dma_semaphore, #tpu.memory_space<semaphore_mem>>) {add = true}
        %dma_wait3A = arith.constant 0 : i32
        %dma_wait3A_54 = tpu.memref_slice %arg6[%mul3A_44, %dma_wait3A] : memref<640x128xf32, #tpu.memory_space<vmem>> -> memref<128x128xf32, #tpu.memory_space<vmem>>
        %dma_wait3A_55 = arith.constant 0 : i32
        %dma_wait3A_56 = tpu.memref_slice %arg7[%add3A_46, %dma_wait3A_55] : memref<10x128xi32, #tpu.memory_space<vmem>> -> memref<1x128xi32, #tpu.memory_space<vmem>>
        %dma_wait3A_57 = tpu.memref_squeeze %dma_wait3A_56 : memref<1x128xi32, #tpu.memory_space<vmem>> -> memref<128xi32, #tpu.memory_space<vmem>>
        %dma_wait3A_58 = arith.constant 0 : i32
        %dma_wait3A_59 = arith.constant 0 : i32
        %dma_wait3A_60 = tpu.memref_slice %arg8[%dma_wait3A_58, %dma_wait3A_59] : memref<1280x128xf32, #tpu.memory_space<vmem_shared>> -> memref<1280x128xf32, #tpu.memory_space<vmem_shared>>
        tpu.wait_indirect_dma semaphore(%run_scoped3A : memref<!tpu.dma_semaphore, #tpu.memory_space<semaphore_mem>>) src(%dma_wait3A_54 : memref<128x128xf32, #tpu.memory_space<vmem>>) dst(%dma_wait3A_60 : memref<1280x128xf32, #tpu.memory_space<vmem_shared>>)
        tpu.yield
      }) : () -> ()
    }
    %scan3A_34 = arith.constant 5 : i32
    %barrier3A_35 = arith.constant 0 : index
    tpu.barrier barrier_id(%barrier3A_35)
    %mul3A_36 = arith.constant 80 : i32
    %mul3A_37 = arith.muli %arg1, %mul3A_36 : i32
    "tpu.region"() ({
      %run_scoped3A = tpu.sem_alloc : memref<!tpu.dma_semaphore, #tpu.memory_space<semaphore_mem>>
      %dma_start3A = arith.constant 0 : i32
      %dma_start3A_38 = arith.constant 0 : i32
      %dma_start3A_39 = tpu.memref_slice %arg4[%arg0, %dma_start3A, %dma_start3A_38] : memref<2x1280x128xf32, #tpu.memory_space<hbm>> -> memref<1x1280x128xf32, #tpu.memory_space<hbm>>
      %dma_start3A_40 = tpu.memref_squeeze %dma_start3A_39 : memref<1x1280x128xf32, #tpu.memory_space<hbm>> -> memref<1280x128xf32, #tpu.memory_space<hbm>>
      %dma_start3A_41 = arith.constant 0 : i32
      %dma_start3A_42 = tpu.memref_slice %dma_start3A_40[%mul3A_37, %dma_start3A_41] : memref<1280x128xf32, #tpu.memory_space<hbm>> -> memref<80x128xf32, #tpu.memory_space<hbm>>
      %dma_start3A_43 = arith.constant 0 : i32
      %dma_start3A_44 = tpu.memref_slice %arg8[%mul3A_37, %dma_start3A_43] : memref<1280x128xf32, #tpu.memory_space<vmem_shared>> -> memref<80x128xf32, #tpu.memory_space<vmem_shared>>
      tpu.enqueue_dma source(%dma_start3A_44 : memref<80x128xf32, #tpu.memory_space<vmem_shared>>) target(%dma_start3A_42 : memref<80x128xf32, #tpu.memory_space<hbm>>) target_semaphore(%run_scoped3A : memref<!tpu.dma_semaphore, #tpu.memory_space<semaphore_mem>>)
      %dma_wait3A = arith.constant 0 : i32
      %dma_wait3A_45 = arith.constant 0 : i32
      %dma_wait3A_46 = tpu.memref_slice %arg4[%arg0, %dma_wait3A, %dma_wait3A_45] : memref<2x1280x128xf32, #tpu.memory_space<hbm>> -> memref<1x1280x128xf32, #tpu.memory_space<hbm>>
      %dma_wait3A_47 = tpu.memref_squeeze %dma_wait3A_46 : memref<1x1280x128xf32, #tpu.memory_space<hbm>> -> memref<1280x128xf32, #tpu.memory_space<hbm>>
      %dma_wait3A_48 = arith.constant 0 : i32
      %dma_wait3A_49 = tpu.memref_slice %dma_wait3A_47[%mul3A_37, %dma_wait3A_48] : memref<1280x128xf32, #tpu.memory_space<hbm>> -> memref<80x128xf32, #tpu.memory_space<hbm>>
      %dma_wait3A_50 = arith.constant 0 : i32
      %dma_wait3A_51 = tpu.memref_slice %arg8[%mul3A_37, %dma_wait3A_50] : memref<1280x128xf32, #tpu.memory_space<vmem_shared>> -> memref<80x128xf32, #tpu.memory_space<vmem_shared>>
      tpu.wait_dma2 semaphore(%run_scoped3A : memref<!tpu.dma_semaphore, #tpu.memory_space<semaphore_mem>>) src(%dma_wait3A_51 : memref<80x128xf32, #tpu.memory_space<vmem_shared>>) dst(%dma_wait3A_49 : memref<80x128xf32, #tpu.memory_space<hbm>>)
      tpu.yield
    }) : () -> ()
    return
  }
}

#map = affine_map<(d0, d1) -> (0, 0)>
#map1 = affine_map<(d0, d1) -> (0, 0, 0)>
module attributes {stable_mosaic.version = 14 : i64} {
  func.func @k(%arg0: i32, %arg1: i32, %arg2: memref<10080x128xf32, #tpu.memory_space<hbm>>, %arg3: memref<4096x2x80xi32, #tpu.memory_space<hbm>>, %arg4: memref<2x10112x128xf32, #tpu.memory_space<hbm>>, %arg5: memref<2x80xi32, #tpu.memory_space<vmem>>, %arg6: memref<2x80xi32, #tpu.memory_space<vmem>>, %arg7: memref<2x80xi32, #tpu.memory_space<vmem>>, %arg8: memref<2x80xi32, #tpu.memory_space<vmem>>, %arg9: memref<2x80xi32, #tpu.memory_space<vmem>>, %arg10: memref<2x80xi32, #tpu.memory_space<vmem>>, %arg11: memref<2x80xi32, #tpu.memory_space<vmem>>, %arg12: memref<2x80xi32, #tpu.memory_space<vmem>>, %arg13: memref<80x128xf32, #tpu.memory_space<vmem>>, %arg14: memref<80x128xf32, #tpu.memory_space<vmem>>, %arg15: memref<80x128xf32, #tpu.memory_space<vmem>>, %arg16: memref<80x128xf32, #tpu.memory_space<vmem>>, %arg17: memref<10112x128xf32, #tpu.memory_space<vmem_shared>>, %arg18: memref<!tpu.dma_semaphore, #tpu.memory_space<semaphore_mem>>, %arg19: memref<!tpu.dma_semaphore, #tpu.memory_space<semaphore_mem>>, %arg20: memref<!tpu.dma_semaphore, #tpu.memory_space<semaphore_mem>>, %arg21: memref<!tpu.dma_semaphore, #tpu.memory_space<semaphore_mem>>, %arg22: memref<!tpu.dma_semaphore, #tpu.memory_space<semaphore_mem>>, %arg23: memref<!tpu.dma_semaphore, #tpu.memory_space<semaphore_mem>>, %arg24: memref<!tpu.dma_semaphore, #tpu.memory_space<semaphore_mem>>, %arg25: memref<!tpu.dma_semaphore, #tpu.memory_space<semaphore_mem>>, %arg26: memref<!tpu.dma_semaphore, #tpu.memory_space<semaphore_mem>>, %arg27: memref<!tpu.dma_semaphore, #tpu.memory_space<semaphore_mem>>, %arg28: memref<!tpu.dma_semaphore, #tpu.memory_space<semaphore_mem>>, %arg29: memref<!tpu.dma_semaphore, #tpu.memory_space<semaphore_mem>>, %arg30: memref<!tpu.dma_semaphore, #tpu.memory_space<semaphore_mem>>, %arg31: memref<!tpu.dma_semaphore, #tpu.memory_space<semaphore_mem>>, %arg32: memref<!tpu.dma_semaphore, #tpu.memory_space<semaphore_mem>>, %arg33: memref<!tpu.dma_semaphore, #tpu.memory_space<semaphore_mem>>) attributes {dimension_semantics = [#tpu.dimension_semantics<core_parallel>, #tpu.dimension_semantics<subcore_parallel>], iteration_bounds = array<i64: 2, 16>, scalar_prefetch = 0 : i64, scratch_operands = 29 : i64, tpu.core_type = #tpu.core_type<sc_vector_subcore>, window_params = [{transform_indices = #map}, {transform_indices = #map1}, {transform_indices = #map1}]} {
    %mul3A = arith.constant 16 : i32
    %mul3A_0 = arith.muli %arg0, %mul3A : i32
    %add3A = arith.addi %mul3A_0, %arg1 : i32
    %mul3A_1 = arith.constant 128 : i32
    %mul3A_2 = arith.muli %add3A, %mul3A_1 : i32
    %add3A_3 = arith.constant 0 : i32
    %add3A_4 = arith.addi %mul3A_2, %add3A_3 : i32
    %dma_start3A = arith.constant 0 : i32
    %dma_start3A_5 = arith.constant 0 : i32
    %dma_start3A_6 = tpu.memref_slice %arg3[%add3A_4, %dma_start3A, %dma_start3A_5] : memref<4096x2x80xi32, #tpu.memory_space<hbm>> -> memref<1x2x80xi32, #tpu.memory_space<hbm>>
    %dma_start3A_7 = tpu.memref_squeeze %dma_start3A_6 : memref<1x2x80xi32, #tpu.memory_space<hbm>> -> memref<2x80xi32, #tpu.memory_space<hbm>>
    %dma_start3A_8 = arith.constant 0 : i32
    %dma_start3A_9 = arith.constant 0 : i32
    %dma_start3A_10 = tpu.memref_slice %arg3[%add3A_4, %dma_start3A_8, %dma_start3A_9] : memref<4096x2x80xi32, #tpu.memory_space<hbm>> -> memref<1x2x80xi32, #tpu.memory_space<hbm>>
    %dma_start3A_11 = tpu.memref_squeeze %dma_start3A_10 : memref<1x2x80xi32, #tpu.memory_space<hbm>> -> memref<2x80xi32, #tpu.memory_space<hbm>>
    tpu.enqueue_dma source(%dma_start3A_11 : memref<2x80xi32, #tpu.memory_space<hbm>>) target(%arg5 : memref<2x80xi32, #tpu.memory_space<vmem>>) target_semaphore(%arg26 : memref<!tpu.dma_semaphore, #tpu.memory_space<semaphore_mem>>)
    %add3A_12 = arith.constant 1 : i32
    %add3A_13 = arith.addi %mul3A_2, %add3A_12 : i32
    %dma_start3A_14 = arith.constant 0 : i32
    %dma_start3A_15 = arith.constant 0 : i32
    %dma_start3A_16 = tpu.memref_slice %arg3[%add3A_13, %dma_start3A_14, %dma_start3A_15] : memref<4096x2x80xi32, #tpu.memory_space<hbm>> -> memref<1x2x80xi32, #tpu.memory_space<hbm>>
    %dma_start3A_17 = tpu.memref_squeeze %dma_start3A_16 : memref<1x2x80xi32, #tpu.memory_space<hbm>> -> memref<2x80xi32, #tpu.memory_space<hbm>>
    %dma_start3A_18 = arith.constant 0 : i32
    %dma_start3A_19 = arith.constant 0 : i32
    %dma_start3A_20 = tpu.memref_slice %arg3[%add3A_13, %dma_start3A_18, %dma_start3A_19] : memref<4096x2x80xi32, #tpu.memory_space<hbm>> -> memref<1x2x80xi32, #tpu.memory_space<hbm>>
    %dma_start3A_21 = tpu.memref_squeeze %dma_start3A_20 : memref<1x2x80xi32, #tpu.memory_space<hbm>> -> memref<2x80xi32, #tpu.memory_space<hbm>>
    tpu.enqueue_dma source(%dma_start3A_21 : memref<2x80xi32, #tpu.memory_space<hbm>>) target(%arg6 : memref<2x80xi32, #tpu.memory_space<vmem>>) target_semaphore(%arg27 : memref<!tpu.dma_semaphore, #tpu.memory_space<semaphore_mem>>)
    %add3A_22 = arith.constant 2 : i32
    %add3A_23 = arith.addi %mul3A_2, %add3A_22 : i32
    %dma_start3A_24 = arith.constant 0 : i32
    %dma_start3A_25 = arith.constant 0 : i32
    %dma_start3A_26 = tpu.memref_slice %arg3[%add3A_23, %dma_start3A_24, %dma_start3A_25] : memref<4096x2x80xi32, #tpu.memory_space<hbm>> -> memref<1x2x80xi32, #tpu.memory_space<hbm>>
    %dma_start3A_27 = tpu.memref_squeeze %dma_start3A_26 : memref<1x2x80xi32, #tpu.memory_space<hbm>> -> memref<2x80xi32, #tpu.memory_space<hbm>>
    %dma_start3A_28 = arith.constant 0 : i32
    %dma_start3A_29 = arith.constant 0 : i32
    %dma_start3A_30 = tpu.memref_slice %arg3[%add3A_23, %dma_start3A_28, %dma_start3A_29] : memref<4096x2x80xi32, #tpu.memory_space<hbm>> -> memref<1x2x80xi32, #tpu.memory_space<hbm>>
    %dma_start3A_31 = tpu.memref_squeeze %dma_start3A_30 : memref<1x2x80xi32, #tpu.memory_space<hbm>> -> memref<2x80xi32, #tpu.memory_space<hbm>>
    tpu.enqueue_dma source(%dma_start3A_31 : memref<2x80xi32, #tpu.memory_space<hbm>>) target(%arg7 : memref<2x80xi32, #tpu.memory_space<vmem>>) target_semaphore(%arg28 : memref<!tpu.dma_semaphore, #tpu.memory_space<semaphore_mem>>)
    %add3A_32 = arith.constant 3 : i32
    %add3A_33 = arith.addi %mul3A_2, %add3A_32 : i32
    %dma_start3A_34 = arith.constant 0 : i32
    %dma_start3A_35 = arith.constant 0 : i32
    %dma_start3A_36 = tpu.memref_slice %arg3[%add3A_33, %dma_start3A_34, %dma_start3A_35] : memref<4096x2x80xi32, #tpu.memory_space<hbm>> -> memref<1x2x80xi32, #tpu.memory_space<hbm>>
    %dma_start3A_37 = tpu.memref_squeeze %dma_start3A_36 : memref<1x2x80xi32, #tpu.memory_space<hbm>> -> memref<2x80xi32, #tpu.memory_space<hbm>>
    %dma_start3A_38 = arith.constant 0 : i32
    %dma_start3A_39 = arith.constant 0 : i32
    %dma_start3A_40 = tpu.memref_slice %arg3[%add3A_33, %dma_start3A_38, %dma_start3A_39] : memref<4096x2x80xi32, #tpu.memory_space<hbm>> -> memref<1x2x80xi32, #tpu.memory_space<hbm>>
    %dma_start3A_41 = tpu.memref_squeeze %dma_start3A_40 : memref<1x2x80xi32, #tpu.memory_space<hbm>> -> memref<2x80xi32, #tpu.memory_space<hbm>>
    tpu.enqueue_dma source(%dma_start3A_41 : memref<2x80xi32, #tpu.memory_space<hbm>>) target(%arg8 : memref<2x80xi32, #tpu.memory_space<vmem>>) target_semaphore(%arg29 : memref<!tpu.dma_semaphore, #tpu.memory_space<semaphore_mem>>)
    %add3A_42 = arith.constant 4 : i32
    %add3A_43 = arith.addi %mul3A_2, %add3A_42 : i32
    %dma_start3A_44 = arith.constant 0 : i32
    %dma_start3A_45 = arith.constant 0 : i32
    %dma_start3A_46 = tpu.memref_slice %arg3[%add3A_43, %dma_start3A_44, %dma_start3A_45] : memref<4096x2x80xi32, #tpu.memory_space<hbm>> -> memref<1x2x80xi32, #tpu.memory_space<hbm>>
    %dma_start3A_47 = tpu.memref_squeeze %dma_start3A_46 : memref<1x2x80xi32, #tpu.memory_space<hbm>> -> memref<2x80xi32, #tpu.memory_space<hbm>>
    %dma_start3A_48 = arith.constant 0 : i32
    %dma_start3A_49 = arith.constant 0 : i32
    %dma_start3A_50 = tpu.memref_slice %arg3[%add3A_43, %dma_start3A_48, %dma_start3A_49] : memref<4096x2x80xi32, #tpu.memory_space<hbm>> -> memref<1x2x80xi32, #tpu.memory_space<hbm>>
    %dma_start3A_51 = tpu.memref_squeeze %dma_start3A_50 : memref<1x2x80xi32, #tpu.memory_space<hbm>> -> memref<2x80xi32, #tpu.memory_space<hbm>>
    tpu.enqueue_dma source(%dma_start3A_51 : memref<2x80xi32, #tpu.memory_space<hbm>>) target(%arg9 : memref<2x80xi32, #tpu.memory_space<vmem>>) target_semaphore(%arg30 : memref<!tpu.dma_semaphore, #tpu.memory_space<semaphore_mem>>)
    %add3A_52 = arith.constant 5 : i32
    %add3A_53 = arith.addi %mul3A_2, %add3A_52 : i32
    %dma_start3A_54 = arith.constant 0 : i32
    %dma_start3A_55 = arith.constant 0 : i32
    %dma_start3A_56 = tpu.memref_slice %arg3[%add3A_53, %dma_start3A_54, %dma_start3A_55] : memref<4096x2x80xi32, #tpu.memory_space<hbm>> -> memref<1x2x80xi32, #tpu.memory_space<hbm>>
    %dma_start3A_57 = tpu.memref_squeeze %dma_start3A_56 : memref<1x2x80xi32, #tpu.memory_space<hbm>> -> memref<2x80xi32, #tpu.memory_space<hbm>>
    %dma_start3A_58 = arith.constant 0 : i32
    %dma_start3A_59 = arith.constant 0 : i32
    %dma_start3A_60 = tpu.memref_slice %arg3[%add3A_53, %dma_start3A_58, %dma_start3A_59] : memref<4096x2x80xi32, #tpu.memory_space<hbm>> -> memref<1x2x80xi32, #tpu.memory_space<hbm>>
    %dma_start3A_61 = tpu.memref_squeeze %dma_start3A_60 : memref<1x2x80xi32, #tpu.memory_space<hbm>> -> memref<2x80xi32, #tpu.memory_space<hbm>>
    tpu.enqueue_dma source(%dma_start3A_61 : memref<2x80xi32, #tpu.memory_space<hbm>>) target(%arg10 : memref<2x80xi32, #tpu.memory_space<vmem>>) target_semaphore(%arg31 : memref<!tpu.dma_semaphore, #tpu.memory_space<semaphore_mem>>)
    %add3A_62 = arith.constant 0 : i32
    %add3A_63 = arith.addi %mul3A_2, %add3A_62 : i32
    %dma_wait3A = arith.constant 0 : i32
    %dma_wait3A_64 = arith.constant 0 : i32
    %dma_wait3A_65 = tpu.memref_slice %arg3[%add3A_63, %dma_wait3A, %dma_wait3A_64] : memref<4096x2x80xi32, #tpu.memory_space<hbm>> -> memref<1x2x80xi32, #tpu.memory_space<hbm>>
    %dma_wait3A_66 = tpu.memref_squeeze %dma_wait3A_65 : memref<1x2x80xi32, #tpu.memory_space<hbm>> -> memref<2x80xi32, #tpu.memory_space<hbm>>
    %dma_wait3A_67 = arith.constant 0 : i32
    %dma_wait3A_68 = arith.constant 0 : i32
    %dma_wait3A_69 = tpu.memref_slice %arg3[%add3A_63, %dma_wait3A_67, %dma_wait3A_68] : memref<4096x2x80xi32, #tpu.memory_space<hbm>> -> memref<1x2x80xi32, #tpu.memory_space<hbm>>
    %dma_wait3A_70 = tpu.memref_squeeze %dma_wait3A_69 : memref<1x2x80xi32, #tpu.memory_space<hbm>> -> memref<2x80xi32, #tpu.memory_space<hbm>>
    tpu.wait_dma2 semaphore(%arg26 : memref<!tpu.dma_semaphore, #tpu.memory_space<semaphore_mem>>) src(%dma_wait3A_70 : memref<2x80xi32, #tpu.memory_space<hbm>>) dst(%arg5 : memref<2x80xi32, #tpu.memory_space<vmem>>)
    %dma_start3A_71 = arith.constant 0 : i32
    %dma_start3A_72 = arith.constant 0 : i32
    %dma_start3A_73 = tpu.memref_slice %arg5[%dma_start3A_71, %dma_start3A_72] : memref<2x80xi32, #tpu.memory_space<vmem>> -> memref<1x80xi32, #tpu.memory_space<vmem>>
    %dma_start3A_74 = tpu.memref_squeeze %dma_start3A_73 : memref<1x80xi32, #tpu.memory_space<vmem>> -> memref<80xi32, #tpu.memory_space<vmem>>
    %dma_start3A_75 = arith.constant 0 : i32
    %dma_start3A_76 = arith.constant 0 : i32
    %dma_start3A_77 = tpu.memref_slice %arg2[%dma_start3A_75, %dma_start3A_76] : memref<10080x128xf32, #tpu.memory_space<hbm>> -> memref<10080x128xf32, #tpu.memory_space<hbm>>
    tpu.enqueue_indirect_dma source(%dma_start3A_77 : memref<10080x128xf32, #tpu.memory_space<hbm>>) target(%arg13 : memref<80x128xf32, #tpu.memory_space<vmem>>) offsets(%dma_start3A_74 : memref<80xi32, #tpu.memory_space<vmem>>) semaphore(%arg18 : memref<!tpu.dma_semaphore, #tpu.memory_space<semaphore_mem>>)
    %add3A_78 = arith.constant 1 : i32
    %add3A_79 = arith.addi %mul3A_2, %add3A_78 : i32
    %dma_wait3A_80 = arith.constant 0 : i32
    %dma_wait3A_81 = arith.constant 0 : i32
    %dma_wait3A_82 = tpu.memref_slice %arg3[%add3A_79, %dma_wait3A_80, %dma_wait3A_81] : memref<4096x2x80xi32, #tpu.memory_space<hbm>> -> memref<1x2x80xi32, #tpu.memory_space<hbm>>
    %dma_wait3A_83 = tpu.memref_squeeze %dma_wait3A_82 : memref<1x2x80xi32, #tpu.memory_space<hbm>> -> memref<2x80xi32, #tpu.memory_space<hbm>>
    %dma_wait3A_84 = arith.constant 0 : i32
    %dma_wait3A_85 = arith.constant 0 : i32
    %dma_wait3A_86 = tpu.memref_slice %arg3[%add3A_79, %dma_wait3A_84, %dma_wait3A_85] : memref<4096x2x80xi32, #tpu.memory_space<hbm>> -> memref<1x2x80xi32, #tpu.memory_space<hbm>>
    %dma_wait3A_87 = tpu.memref_squeeze %dma_wait3A_86 : memref<1x2x80xi32, #tpu.memory_space<hbm>> -> memref<2x80xi32, #tpu.memory_space<hbm>>
    tpu.wait_dma2 semaphore(%arg27 : memref<!tpu.dma_semaphore, #tpu.memory_space<semaphore_mem>>) src(%dma_wait3A_87 : memref<2x80xi32, #tpu.memory_space<hbm>>) dst(%arg6 : memref<2x80xi32, #tpu.memory_space<vmem>>)
    %dma_start3A_88 = arith.constant 0 : i32
    %dma_start3A_89 = arith.constant 0 : i32
    %dma_start3A_90 = tpu.memref_slice %arg6[%dma_start3A_88, %dma_start3A_89] : memref<2x80xi32, #tpu.memory_space<vmem>> -> memref<1x80xi32, #tpu.memory_space<vmem>>
    %dma_start3A_91 = tpu.memref_squeeze %dma_start3A_90 : memref<1x80xi32, #tpu.memory_space<vmem>> -> memref<80xi32, #tpu.memory_space<vmem>>
    %dma_start3A_92 = arith.constant 0 : i32
    %dma_start3A_93 = arith.constant 0 : i32
    %dma_start3A_94 = tpu.memref_slice %arg2[%dma_start3A_92, %dma_start3A_93] : memref<10080x128xf32, #tpu.memory_space<hbm>> -> memref<10080x128xf32, #tpu.memory_space<hbm>>
    tpu.enqueue_indirect_dma source(%dma_start3A_94 : memref<10080x128xf32, #tpu.memory_space<hbm>>) target(%arg14 : memref<80x128xf32, #tpu.memory_space<vmem>>) offsets(%dma_start3A_91 : memref<80xi32, #tpu.memory_space<vmem>>) semaphore(%arg19 : memref<!tpu.dma_semaphore, #tpu.memory_space<semaphore_mem>>)
    %scan3A = arith.constant 0 : i32
    %scan3A_95 = arith.constant 80 : i32
    %scan3A_96 = arith.addi %scan3A, %scan3A_95 : i32
    %scan3A_97 = arith.constant 1 : i32
    scf.for %scan3A_151 = %scan3A to %scan3A_96 step %scan3A_97  : i32 {
      %mul3A_152 = arith.constant 1 : i32
      %mul3A_153 = arith.muli %scan3A_151, %mul3A_152 : i32
      %add3A_154 = arith.constant 0 : i32
      %add3A_155 = arith.addi %add3A_154, %mul3A_153 : i32
      %scan3A_156 = arith.constant 0 : i32
      %scan3A_157 = arith.constant 8 : i32
      %scan3A_158 = arith.addi %scan3A_156, %scan3A_157 : i32
      %scan3A_159 = arith.constant 1 : i32
      scf.for %scan3A_161 = %scan3A_156 to %scan3A_158 step %scan3A_159  : i32 {
        %mul3A_162 = arith.constant 16 : i32
        %mul3A_163 = arith.muli %scan3A_161, %mul3A_162 : i32
        %add3A_164 = arith.constant 0 : i32
        %add3A_165 = arith.addi %add3A_164, %mul3A_163 : i32
        %broadcast_in_dim3A = arith.constant 0.000000e+00 : f32
        %broadcast_in_dim3A_166 = vector.broadcast %broadcast_in_dim3A : f32 to vector<16xf32>
        %swap3A = arith.constant 0 : i32
        %swap3A_167 = tpu.memref_slice %arg16[%add3A_155, %swap3A] : memref<80x128xf32, #tpu.memory_space<vmem>> -> memref<1x128xf32, #tpu.memory_space<vmem>>
        %swap3A_168 = tpu.memref_squeeze %swap3A_167 : memref<1x128xf32, #tpu.memory_space<vmem>> -> memref<128xf32, #tpu.memory_space<vmem>>
        %swap3A_169 = arith.index_cast %add3A_165 : i32 to index
        %swap3A_170 = tpu.vector_load %swap3A_168[%swap3A_169] {strides = array<i32>} : memref<128xf32, #tpu.memory_space<vmem>>, vector<16xf32>,
        %swap3A_171 = vector.shape_cast %swap3A_170 : vector<16xf32> to vector<16xf32>
        %swap3A_172 = vector.shape_cast %broadcast_in_dim3A_166 : vector<16xf32> to vector<16xf32>
        tpu.vector_store %swap3A_168[%swap3A_169], %swap3A_172 {strides = array<i32>} : memref<128xf32, #tpu.memory_space<vmem>>, vector<16xf32>,
      }
      %scan3A_160 = arith.constant 8 : i32
    }
    %scan3A_98 = arith.constant 80 : i32
    %scan3A_99 = arith.constant 0 : i32
    %scan3A_100 = arith.constant 7 : i32
    %scan3A_101 = arith.addi %scan3A_99, %scan3A_100 : i32
    %scan3A_102 = arith.constant 1 : i32
    scf.for %scan3A_151 = %scan3A_99 to %scan3A_101 step %scan3A_102  : i32 {
      %mul3A_152 = arith.constant 1 : i32
      %mul3A_153 = arith.muli %scan3A_151, %mul3A_152 : i32
      %add3A_154 = arith.constant 0 : i32
      %add3A_155 = arith.addi %add3A_154, %mul3A_153 : i32
      %mul3A_156 = arith.constant 632 : i32
      %mul3A_157 = arith.muli %arg1, %mul3A_156 : i32
      %mul3A_158 = arith.constant 80 : i32
      %mul3A_159 = arith.muli %add3A_155, %mul3A_158 : i32
      %add3A_160 = arith.addi %mul3A_157, %mul3A_159 : i32
      "tpu.region"() ({
        %run_scoped3A = tpu.sem_alloc : memref<!tpu.dma_semaphore, #tpu.memory_space<semaphore_mem>>
        %dma_start3A_161 = arith.constant 0 : i32
        %dma_start3A_162 = tpu.memref_slice %arg17[%add3A_160, %dma_start3A_161] : memref<10112x128xf32, #tpu.memory_space<vmem_shared>> -> memref<80x128xf32, #tpu.memory_space<vmem_shared>>
        %dma_start3A_163 = arith.constant 0 : i32
        %dma_start3A_164 = tpu.memref_slice %arg17[%add3A_160, %dma_start3A_163] : memref<10112x128xf32, #tpu.memory_space<vmem_shared>> -> memref<80x128xf32, #tpu.memory_space<vmem_shared>>
        tpu.enqueue_dma source(%arg16 : memref<80x128xf32, #tpu.memory_space<vmem>>) target(%dma_start3A_164 : memref<80x128xf32, #tpu.memory_space<vmem_shared>>) target_semaphore(%run_scoped3A : memref<!tpu.dma_semaphore, #tpu.memory_space<semaphore_mem>>)
        %dma_wait3A_165 = arith.constant 0 : i32
        %dma_wait3A_166 = tpu.memref_slice %arg17[%add3A_160, %dma_wait3A_165] : memref<10112x128xf32, #tpu.memory_space<vmem_shared>> -> memref<80x128xf32, #tpu.memory_space<vmem_shared>>
        %dma_wait3A_167 = arith.constant 0 : i32
        %dma_wait3A_168 = tpu.memref_slice %arg17[%add3A_160, %dma_wait3A_167] : memref<10112x128xf32, #tpu.memory_space<vmem_shared>> -> memref<80x128xf32, #tpu.memory_space<vmem_shared>>
        tpu.wait_dma2 semaphore(%run_scoped3A : memref<!tpu.dma_semaphore, #tpu.memory_space<semaphore_mem>>) src(%arg16 : memref<80x128xf32, #tpu.memory_space<vmem>>) dst(%dma_wait3A_168 : memref<80x128xf32, #tpu.memory_space<vmem_shared>>)
        tpu.yield
      }) : () -> ()
    }
    %scan3A_103 = arith.constant 7 : i32
    %mul3A_104 = arith.constant 632 : i32
    %mul3A_105 = arith.muli %arg1, %mul3A_104 : i32
    %add3A_106 = arith.constant 560 : i32
    %add3A_107 = arith.addi %mul3A_105, %add3A_106 : i32
    "tpu.region"() ({
      %run_scoped3A = tpu.sem_alloc : memref<!tpu.dma_semaphore, #tpu.memory_space<semaphore_mem>>
      %dma_start3A_151 = arith.constant 0 : i32
      %dma_start3A_152 = arith.constant 0 : i32
      %dma_start3A_153 = tpu.memref_slice %arg16[%dma_start3A_151, %dma_start3A_152] : memref<80x128xf32, #tpu.memory_space<vmem>> -> memref<72x128xf32, #tpu.memory_space<vmem>>
      %dma_start3A_154 = arith.constant 0 : i32
      %dma_start3A_155 = tpu.memref_slice %arg17[%add3A_107, %dma_start3A_154] : memref<10112x128xf32, #tpu.memory_space<vmem_shared>> -> memref<72x128xf32, #tpu.memory_space<vmem_shared>>
      %dma_start3A_156 = arith.constant 0 : i32
      %dma_start3A_157 = tpu.memref_slice %arg17[%add3A_107, %dma_start3A_156] : memref<10112x128xf32, #tpu.memory_space<vmem_shared>> -> memref<72x128xf32, #tpu.memory_space<vmem_shared>>
      %dma_start3A_158 = arith.constant 0 : i32
      %dma_start3A_159 = arith.constant 0 : i32
      %dma_start3A_160 = tpu.memref_slice %arg16[%dma_start3A_158, %dma_start3A_159] : memref<80x128xf32, #tpu.memory_space<vmem>> -> memref<72x128xf32, #tpu.memory_space<vmem>>
      tpu.enqueue_dma source(%dma_start3A_160 : memref<72x128xf32, #tpu.memory_space<vmem>>) target(%dma_start3A_157 : memref<72x128xf32, #tpu.memory_space<vmem_shared>>) target_semaphore(%run_scoped3A : memref<!tpu.dma_semaphore, #tpu.memory_space<semaphore_mem>>)
      %dma_wait3A_161 = arith.constant 0 : i32
      %dma_wait3A_162 = arith.constant 0 : i32
      %dma_wait3A_163 = tpu.memref_slice %arg16[%dma_wait3A_161, %dma_wait3A_162] : memref<80x128xf32, #tpu.memory_space<vmem>> -> memref<72x128xf32, #tpu.memory_space<vmem>>
      %dma_wait3A_164 = arith.constant 0 : i32
      %dma_wait3A_165 = tpu.memref_slice %arg17[%add3A_107, %dma_wait3A_164] : memref<10112x128xf32, #tpu.memory_space<vmem_shared>> -> memref<72x128xf32, #tpu.memory_space<vmem_shared>>
      %dma_wait3A_166 = arith.constant 0 : i32
      %dma_wait3A_167 = tpu.memref_slice %arg17[%add3A_107, %dma_wait3A_166] : memref<10112x128xf32, #tpu.memory_space<vmem_shared>> -> memref<72x128xf32, #tpu.memory_space<vmem_shared>>
      %dma_wait3A_168 = arith.constant 0 : i32
      %dma_wait3A_169 = arith.constant 0 : i32
      %dma_wait3A_170 = tpu.memref_slice %arg16[%dma_wait3A_168, %dma_wait3A_169] : memref<80x128xf32, #tpu.memory_space<vmem>> -> memref<72x128xf32, #tpu.memory_space<vmem>>
      tpu.wait_dma2 semaphore(%run_scoped3A : memref<!tpu.dma_semaphore, #tpu.memory_space<semaphore_mem>>) src(%dma_wait3A_170 : memref<72x128xf32, #tpu.memory_space<vmem>>) dst(%dma_wait3A_167 : memref<72x128xf32, #tpu.memory_space<vmem_shared>>)
      tpu.yield
    }) : () -> ()
    %barrier3A = arith.constant 0 : index
    tpu.barrier barrier_id(%barrier3A)
    %scan3A_108 = arith.constant 0 : i32
    %scan3A_109 = arith.constant 16 : i32
    %scan3A_110 = arith.addi %scan3A_108, %scan3A_109 : i32
    %scan3A_111 = arith.constant 1 : i32
    scf.for %scan3A_151 = %scan3A_108 to %scan3A_110 step %scan3A_111  : i32 {
      %mul3A_152 = arith.constant 8 : i32
      %mul3A_153 = arith.muli %scan3A_151, %mul3A_152 : i32
      %add3A_154 = arith.constant 0 : i32
      %add3A_155 = arith.addi %add3A_154, %mul3A_153 : i32
      %dma_wait3A_156 = arith.constant 0 : i32
      %dma_wait3A_157 = arith.constant 0 : i32
      %dma_wait3A_158 = tpu.memref_slice %arg5[%dma_wait3A_156, %dma_wait3A_157] : memref<2x80xi32, #tpu.memory_space<vmem>> -> memref<1x80xi32, #tpu.memory_space<vmem>>
      %dma_wait3A_159 = tpu.memref_squeeze %dma_wait3A_158 : memref<1x80xi32, #tpu.memory_space<vmem>> -> memref<80xi32, #tpu.memory_space<vmem>>
      %dma_wait3A_160 = arith.constant 0 : i32
      %dma_wait3A_161 = arith.constant 0 : i32
      %dma_wait3A_162 = tpu.memref_slice %arg2[%dma_wait3A_160, %dma_wait3A_161] : memref<10080x128xf32, #tpu.memory_space<hbm>> -> memref<10080x128xf32, #tpu.memory_space<hbm>>
      tpu.wait_indirect_dma semaphore(%arg18 : memref<!tpu.dma_semaphore, #tpu.memory_space<semaphore_mem>>) src(%dma_wait3A_162 : memref<10080x128xf32, #tpu.memory_space<hbm>>) dst(%arg13 : memref<80x128xf32, #tpu.memory_space<vmem>>)
      %dma_start3A_163 = arith.constant 1 : i32
      %dma_start3A_164 = arith.constant 0 : i32
      %dma_start3A_165 = tpu.memref_slice %arg5[%dma_start3A_163, %dma_start3A_164] : memref<2x80xi32, #tpu.memory_space<vmem>> -> memref<1x80xi32, #tpu.memory_space<vmem>>
      %dma_start3A_166 = tpu.memref_squeeze %dma_start3A_165 : memref<1x80xi32, #tpu.memory_space<vmem>> -> memref<80xi32, #tpu.memory_space<vmem>>
      %dma_start3A_167 = arith.constant 0 : i32
      %dma_start3A_168 = arith.constant 0 : i32
      %dma_start3A_169 = tpu.memref_slice %arg17[%dma_start3A_167, %dma_start3A_168] : memref<10112x128xf32, #tpu.memory_space<vmem_shared>> -> memref<10112x128xf32, #tpu.memory_space<vmem_shared>>
      tpu.enqueue_indirect_dma source(%arg13 : memref<80x128xf32, #tpu.memory_space<vmem>>) target(%dma_start3A_169 : memref<10112x128xf32, #tpu.memory_space<vmem_shared>>) offsets(%dma_start3A_166 : memref<80xi32, #tpu.memory_space<vmem>>) semaphore(%arg22 : memref<!tpu.dma_semaphore, #tpu.memory_space<semaphore_mem>>) {add = true}
      %add3A_170 = arith.constant 0 : i32
      %add3A_171 = arith.addi %add3A_155, %add3A_170 : i32
      %add3A_172 = arith.constant 2 : i32
      %add3A_173 = arith.addi %add3A_171, %add3A_172 : i32
      %lt3A = arith.constant 128 : i32
      %lt3A_174 = arith.cmpi slt, %add3A_173, %lt3A : i32
      %convert_element_type3A = arith.extui %lt3A_174 : i1 to i32
      %cond3A = arith.constant 0 : i32
      %cond3A_175 = arith.cmpi ne, %convert_element_type3A, %cond3A : i32
      scf.if %cond3A_175 {
        %add3A_409 = arith.constant 0 : i32
        %add3A_410 = arith.addi %add3A_155, %add3A_409 : i32
        %sub3A = arith.constant 2 : i32
        %sub3A_411 = arith.subi %add3A_410, %sub3A : i32
        %ge3A = arith.constant 0 : i32
        %ge3A_412 = arith.cmpi sge, %sub3A_411, %ge3A : i32
        %convert_element_type3A_413 = arith.extui %ge3A_412 : i1 to i32
        %cond3A_414 = arith.constant 0 : i32
        %cond3A_415 = arith.cmpi ne, %convert_element_type3A_413, %cond3A_414 : i32
        scf.if %cond3A_415 {
          %dma_wait3A_436 = arith.constant 1 : i32
          %dma_wait3A_437 = arith.constant 0 : i32
          %dma_wait3A_438 = tpu.memref_slice %arg7[%dma_wait3A_436, %dma_wait3A_437] : memref<2x80xi32, #tpu.memory_space<vmem>> -> memref<1x80xi32, #tpu.memory_space<vmem>>
          %dma_wait3A_439 = tpu.memref_squeeze %dma_wait3A_438 : memref<1x80xi32, #tpu.memory_space<vmem>> -> memref<80xi32, #tpu.memory_space<vmem>>
          %dma_wait3A_440 = arith.constant 0 : i32
          %dma_wait3A_441 = arith.constant 0 : i32
          %dma_wait3A_442 = tpu.memref_slice %arg17[%dma_wait3A_440, %dma_wait3A_441] : memref<10112x128xf32, #tpu.memory_space<vmem_shared>> -> memref<10112x128xf32, #tpu.memory_space<vmem_shared>>
          tpu.wait_indirect_dma semaphore(%arg24 : memref<!tpu.dma_semaphore, #tpu.memory_space<semaphore_mem>>) src(%arg15 : memref<80x128xf32, #tpu.memory_space<vmem>>) dst(%dma_wait3A_442 : memref<10112x128xf32, #tpu.memory_space<vmem_shared>>)
        } else {
        }
        %add3A_416 = arith.addi %mul3A_2, %add3A_155 : i32
        %add3A_417 = arith.constant 0 : i32
        %add3A_418 = arith.addi %add3A_416, %add3A_417 : i32
        %add3A_419 = arith.constant 2 : i32
        %add3A_420 = arith.addi %add3A_418, %add3A_419 : i32
        %dma_wait3A_421 = arith.constant 0 : i32
        %dma_wait3A_422 = arith.constant 0 : i32
        %dma_wait3A_423 = tpu.memref_slice %arg3[%add3A_420, %dma_wait3A_421, %dma_wait3A_422] : memref<4096x2x80xi32, #tpu.memory_space<hbm>> -> memref<1x2x80xi32, #tpu.memory_space<hbm>>
        %dma_wait3A_424 = tpu.memref_squeeze %dma_wait3A_423 : memref<1x2x80xi32, #tpu.memory_space<hbm>> -> memref<2x80xi32, #tpu.memory_space<hbm>>
        %dma_wait3A_425 = arith.constant 0 : i32
        %dma_wait3A_426 = arith.constant 0 : i32
        %dma_wait3A_427 = tpu.memref_slice %arg3[%add3A_420, %dma_wait3A_425, %dma_wait3A_426] : memref<4096x2x80xi32, #tpu.memory_space<hbm>> -> memref<1x2x80xi32, #tpu.memory_space<hbm>>
        %dma_wait3A_428 = tpu.memref_squeeze %dma_wait3A_427 : memref<1x2x80xi32, #tpu.memory_space<hbm>> -> memref<2x80xi32, #tpu.memory_space<hbm>>
        tpu.wait_dma2 semaphore(%arg28 : memref<!tpu.dma_semaphore, #tpu.memory_space<semaphore_mem>>) src(%dma_wait3A_428 : memref<2x80xi32, #tpu.memory_space<hbm>>) dst(%arg7 : memref<2x80xi32, #tpu.memory_space<vmem>>)
        %dma_start3A_429 = arith.constant 0 : i32
        %dma_start3A_430 = arith.constant 0 : i32
        %dma_start3A_431 = tpu.memref_slice %arg7[%dma_start3A_429, %dma_start3A_430] : memref<2x80xi32, #tpu.memory_space<vmem>> -> memref<1x80xi32, #tpu.memory_space<vmem>>
        %dma_start3A_432 = tpu.memref_squeeze %dma_start3A_431 : memref<1x80xi32, #tpu.memory_space<vmem>> -> memref<80xi32, #tpu.memory_space<vmem>>
        %dma_start3A_433 = arith.constant 0 : i32
        %dma_start3A_434 = arith.constant 0 : i32
        %dma_start3A_435 = tpu.memref_slice %arg2[%dma_start3A_433, %dma_start3A_434] : memref<10080x128xf32, #tpu.memory_space<hbm>> -> memref<10080x128xf32, #tpu.memory_space<hbm>>
        tpu.enqueue_indirect_dma source(%dma_start3A_435 : memref<10080x128xf32, #tpu.memory_space<hbm>>) target(%arg15 : memref<80x128xf32, #tpu.memory_space<vmem>>) offsets(%dma_start3A_432 : memref<80xi32, #tpu.memory_space<vmem>>) semaphore(%arg20 : memref<!tpu.dma_semaphore, #tpu.memory_space<semaphore_mem>>)
      } else {
      }
      %add3A_176 = arith.constant 0 : i32
      %add3A_177 = arith.addi %add3A_155, %add3A_176 : i32
      %add3A_178 = arith.constant 6 : i32
      %add3A_179 = arith.addi %add3A_177, %add3A_178 : i32
      %lt3A_180 = arith.constant 128 : i32
      %lt3A_181 = arith.cmpi slt, %add3A_179, %lt3A_180 : i32
      %convert_element_type3A_182 = arith.extui %lt3A_181 : i1 to i32
      %cond3A_183 = arith.constant 0 : i32
      %cond3A_184 = arith.cmpi ne, %convert_element_type3A_182, %cond3A_183 : i32
      scf.if %cond3A_184 {
        %add3A_409 = arith.addi %mul3A_2, %add3A_155 : i32
        %add3A_410 = arith.constant 0 : i32
        %add3A_411 = arith.addi %add3A_409, %add3A_410 : i32
        %add3A_412 = arith.constant 6 : i32
        %add3A_413 = arith.addi %add3A_411, %add3A_412 : i32
        %dma_start3A_414 = arith.constant 0 : i32
        %dma_start3A_415 = arith.constant 0 : i32
        %dma_start3A_416 = tpu.memref_slice %arg3[%add3A_413, %dma_start3A_414, %dma_start3A_415] : memref<4096x2x80xi32, #tpu.memory_space<hbm>> -> memref<1x2x80xi32, #tpu.memory_space<hbm>>
        %dma_start3A_417 = tpu.memref_squeeze %dma_start3A_416 : memref<1x2x80xi32, #tpu.memory_space<hbm>> -> memref<2x80xi32, #tpu.memory_space<hbm>>
        %dma_start3A_418 = arith.constant 0 : i32
        %dma_start3A_419 = arith.constant 0 : i32
        %dma_start3A_420 = tpu.memref_slice %arg3[%add3A_413, %dma_start3A_418, %dma_start3A_419] : memref<4096x2x80xi32, #tpu.memory_space<hbm>> -> memref<1x2x80xi32, #tpu.memory_space<hbm>>
        %dma_start3A_421 = tpu.memref_squeeze %dma_start3A_420 : memref<1x2x80xi32, #tpu.memory_space<hbm>> -> memref<2x80xi32, #tpu.memory_space<hbm>>
        tpu.enqueue_dma source(%dma_start3A_421 : memref<2x80xi32, #tpu.memory_space<hbm>>) target(%arg11 : memref<2x80xi32, #tpu.memory_space<vmem>>) target_semaphore(%arg32 : memref<!tpu.dma_semaphore, #tpu.memory_space<semaphore_mem>>)
      } else {
      }
      %dma_wait3A_185 = arith.constant 0 : i32
      %dma_wait3A_186 = arith.constant 0 : i32
      %dma_wait3A_187 = tpu.memref_slice %arg6[%dma_wait3A_185, %dma_wait3A_186] : memref<2x80xi32, #tpu.memory_space<vmem>> -> memref<1x80xi32, #tpu.memory_space<vmem>>
      %dma_wait3A_188 = tpu.memref_squeeze %dma_wait3A_187 : memref<1x80xi32, #tpu.memory_space<vmem>> -> memref<80xi32, #tpu.memory_space<vmem>>
      %dma_wait3A_189 = arith.constant 0 : i32
      %dma_wait3A_190 = arith.constant 0 : i32
      %dma_wait3A_191 = tpu.memref_slice %arg2[%dma_wait3A_189, %dma_wait3A_190] : memref<10080x128xf32, #tpu.memory_space<hbm>> -> memref<10080x128xf32, #tpu.memory_space<hbm>>
      tpu.wait_indirect_dma semaphore(%arg19 : memref<!tpu.dma_semaphore, #tpu.memory_space<semaphore_mem>>) src(%dma_wait3A_191 : memref<10080x128xf32, #tpu.memory_space<hbm>>) dst(%arg14 : memref<80x128xf32, #tpu.memory_space<vmem>>)
      %dma_start3A_192 = arith.constant 1 : i32
      %dma_start3A_193 = arith.constant 0 : i32
      %dma_start3A_194 = tpu.memref_slice %arg6[%dma_start3A_192, %dma_start3A_193] : memref<2x80xi32, #tpu.memory_space<vmem>> -> memref<1x80xi32, #tpu.memory_space<vmem>>
      %dma_start3A_195 = tpu.memref_squeeze %dma_start3A_194 : memref<1x80xi32, #tpu.memory_space<vmem>> -> memref<80xi32, #tpu.memory_space<vmem>>
      %dma_start3A_196 = arith.constant 0 : i32
      %dma_start3A_197 = arith.constant 0 : i32
      %dma_start3A_198 = tpu.memref_slice %arg17[%dma_start3A_196, %dma_start3A_197] : memref<10112x128xf32, #tpu.memory_space<vmem_shared>> -> memref<10112x128xf32, #tpu.memory_space<vmem_shared>>
      tpu.enqueue_indirect_dma source(%arg14 : memref<80x128xf32, #tpu.memory_space<vmem>>) target(%dma_start3A_198 : memref<10112x128xf32, #tpu.memory_space<vmem_shared>>) offsets(%dma_start3A_195 : memref<80xi32, #tpu.memory_space<vmem>>) semaphore(%arg23 : memref<!tpu.dma_semaphore, #tpu.memory_space<semaphore_mem>>) {add = true}
      %add3A_199 = arith.constant 1 : i32
      %add3A_200 = arith.addi %add3A_155, %add3A_199 : i32
      %add3A_201 = arith.constant 2 : i32
      %add3A_202 = arith.addi %add3A_200, %add3A_201 : i32
      %lt3A_203 = arith.constant 128 : i32
      %lt3A_204 = arith.cmpi slt, %add3A_202, %lt3A_203 : i32
      %convert_element_type3A_205 = arith.extui %lt3A_204 : i1 to i32
      %cond3A_206 = arith.constant 0 : i32
      %cond3A_207 = arith.cmpi ne, %convert_element_type3A_205, %cond3A_206 : i32
      scf.if %cond3A_207 {
        %add3A_409 = arith.constant 1 : i32
        %add3A_410 = arith.addi %add3A_155, %add3A_409 : i32
        %sub3A = arith.constant 2 : i32
        %sub3A_411 = arith.subi %add3A_410, %sub3A : i32
        %ge3A = arith.constant 0 : i32
        %ge3A_412 = arith.cmpi sge, %sub3A_411, %ge3A : i32
        %convert_element_type3A_413 = arith.extui %ge3A_412 : i1 to i32
        %cond3A_414 = arith.constant 0 : i32
        %cond3A_415 = arith.cmpi ne, %convert_element_type3A_413, %cond3A_414 : i32
        scf.if %cond3A_415 {
          %dma_wait3A_436 = arith.constant 1 : i32
          %dma_wait3A_437 = arith.constant 0 : i32
          %dma_wait3A_438 = tpu.memref_slice %arg8[%dma_wait3A_436, %dma_wait3A_437] : memref<2x80xi32, #tpu.memory_space<vmem>> -> memref<1x80xi32, #tpu.memory_space<vmem>>
          %dma_wait3A_439 = tpu.memref_squeeze %dma_wait3A_438 : memref<1x80xi32, #tpu.memory_space<vmem>> -> memref<80xi32, #tpu.memory_space<vmem>>
          %dma_wait3A_440 = arith.constant 0 : i32
          %dma_wait3A_441 = arith.constant 0 : i32
          %dma_wait3A_442 = tpu.memref_slice %arg17[%dma_wait3A_440, %dma_wait3A_441] : memref<10112x128xf32, #tpu.memory_space<vmem_shared>> -> memref<10112x128xf32, #tpu.memory_space<vmem_shared>>
          tpu.wait_indirect_dma semaphore(%arg25 : memref<!tpu.dma_semaphore, #tpu.memory_space<semaphore_mem>>) src(%arg16 : memref<80x128xf32, #tpu.memory_space<vmem>>) dst(%dma_wait3A_442 : memref<10112x128xf32, #tpu.memory_space<vmem_shared>>)
        } else {
        }
        %add3A_416 = arith.addi %mul3A_2, %add3A_155 : i32
        %add3A_417 = arith.constant 1 : i32
        %add3A_418 = arith.addi %add3A_416, %add3A_417 : i32
        %add3A_419 = arith.constant 2 : i32
        %add3A_420 = arith.addi %add3A_418, %add3A_419 : i32
        %dma_wait3A_421 = arith.constant 0 : i32
        %dma_wait3A_422 = arith.constant 0 : i32
        %dma_wait3A_423 = tpu.memref_slice %arg3[%add3A_420, %dma_wait3A_421, %dma_wait3A_422] : memref<4096x2x80xi32, #tpu.memory_space<hbm>> -> memref<1x2x80xi32, #tpu.memory_space<hbm>>
        %dma_wait3A_424 = tpu.memref_squeeze %dma_wait3A_423 : memref<1x2x80xi32, #tpu.memory_space<hbm>> -> memref<2x80xi32, #tpu.memory_space<hbm>>
        %dma_wait3A_425 = arith.constant 0 : i32
        %dma_wait3A_426 = arith.constant 0 : i32
        %dma_wait3A_427 = tpu.memref_slice %arg3[%add3A_420, %dma_wait3A_425, %dma_wait3A_426] : memref<4096x2x80xi32, #tpu.memory_space<hbm>> -> memref<1x2x80xi32, #tpu.memory_space<hbm>>
        %dma_wait3A_428 = tpu.memref_squeeze %dma_wait3A_427 : memref<1x2x80xi32, #tpu.memory_space<hbm>> -> memref<2x80xi32, #tpu.memory_space<hbm>>
        tpu.wait_dma2 semaphore(%arg29 : memref<!tpu.dma_semaphore, #tpu.memory_space<semaphore_mem>>) src(%dma_wait3A_428 : memref<2x80xi32, #tpu.memory_space<hbm>>) dst(%arg8 : memref<2x80xi32, #tpu.memory_space<vmem>>)
        %dma_start3A_429 = arith.constant 0 : i32
        %dma_start3A_430 = arith.constant 0 : i32
        %dma_start3A_431 = tpu.memref_slice %arg8[%dma_start3A_429, %dma_start3A_430] : memref<2x80xi32, #tpu.memory_space<vmem>> -> memref<1x80xi32, #tpu.memory_space<vmem>>
        %dma_start3A_432 = tpu.memref_squeeze %dma_start3A_431 : memref<1x80xi32, #tpu.memory_space<vmem>> -> memref<80xi32, #tpu.memory_space<vmem>>
        %dma_start3A_433 = arith.constant 0 : i32
        %dma_start3A_434 = arith.constant 0 : i32
        %dma_start3A_435 = tpu.memref_slice %arg2[%dma_start3A_433, %dma_start3A_434] : memref<10080x128xf32, #tpu.memory_space<hbm>> -> memref<10080x128xf32, #tpu.memory_space<hbm>>
        tpu.enqueue_indirect_dma source(%dma_start3A_435 : memref<10080x128xf32, #tpu.memory_space<hbm>>) target(%arg16 : memref<80x128xf32, #tpu.memory_space<vmem>>) offsets(%dma_start3A_432 : memref<80xi32, #tpu.memory_space<vmem>>) semaphore(%arg21 : memref<!tpu.dma_semaphore, #tpu.memory_space<semaphore_mem>>)
      } else {
      }
      %add3A_208 = arith.constant 1 : i32
      %add3A_209 = arith.addi %add3A_155, %add3A_208 : i32
      %add3A_210 = arith.constant 6 : i32
      %add3A_211 = arith.addi %add3A_209, %add3A_210 : i32
      %lt3A_212 = arith.constant 128 : i32
      %lt3A_213 = arith.cmpi slt, %add3A_211, %lt3A_212 : i32
      %convert_element_type3A_214 = arith.extui %lt3A_213 : i1 to i32
      %cond3A_215 = arith.constant 0 : i32
      %cond3A_216 = arith.cmpi ne, %convert_element_type3A_214, %cond3A_215 : i32
      scf.if %cond3A_216 {
        %add3A_409 = arith.addi %mul3A_2, %add3A_155 : i32
        %add3A_410 = arith.constant 1 : i32
        %add3A_411 = arith.addi %add3A_409, %add3A_410 : i32
        %add3A_412 = arith.constant 6 : i32
        %add3A_413 = arith.addi %add3A_411, %add3A_412 : i32
        %dma_start3A_414 = arith.constant 0 : i32
        %dma_start3A_415 = arith.constant 0 : i32
        %dma_start3A_416 = tpu.memref_slice %arg3[%add3A_413, %dma_start3A_414, %dma_start3A_415] : memref<4096x2x80xi32, #tpu.memory_space<hbm>> -> memref<1x2x80xi32, #tpu.memory_space<hbm>>
        %dma_start3A_417 = tpu.memref_squeeze %dma_start3A_416 : memref<1x2x80xi32, #tpu.memory_space<hbm>> -> memref<2x80xi32, #tpu.memory_space<hbm>>
        %dma_start3A_418 = arith.constant 0 : i32
        %dma_start3A_419 = arith.constant 0 : i32
        %dma_start3A_420 = tpu.memref_slice %arg3[%add3A_413, %dma_start3A_418, %dma_start3A_419] : memref<4096x2x80xi32, #tpu.memory_space<hbm>> -> memref<1x2x80xi32, #tpu.memory_space<hbm>>
        %dma_start3A_421 = tpu.memref_squeeze %dma_start3A_420 : memref<1x2x80xi32, #tpu.memory_space<hbm>> -> memref<2x80xi32, #tpu.memory_space<hbm>>
        tpu.enqueue_dma source(%dma_start3A_421 : memref<2x80xi32, #tpu.memory_space<hbm>>) target(%arg12 : memref<2x80xi32, #tpu.memory_space<vmem>>) target_semaphore(%arg33 : memref<!tpu.dma_semaphore, #tpu.memory_space<semaphore_mem>>)
      } else {
      }
      %dma_wait3A_217 = arith.constant 0 : i32
      %dma_wait3A_218 = arith.constant 0 : i32
      %dma_wait3A_219 = tpu.memref_slice %arg7[%dma_wait3A_217, %dma_wait3A_218] : memref<2x80xi32, #tpu.memory_space<vmem>> -> memref<1x80xi32, #tpu.memory_space<vmem>>
      %dma_wait3A_220 = tpu.memref_squeeze %dma_wait3A_219 : memref<1x80xi32, #tpu.memory_space<vmem>> -> memref<80xi32, #tpu.memory_space<vmem>>
      %dma_wait3A_221 = arith.constant 0 : i32
      %dma_wait3A_222 = arith.constant 0 : i32
      %dma_wait3A_223 = tpu.memref_slice %arg2[%dma_wait3A_221, %dma_wait3A_222] : memref<10080x128xf32, #tpu.memory_space<hbm>> -> memref<10080x128xf32, #tpu.memory_space<hbm>>
      tpu.wait_indirect_dma semaphore(%arg20 : memref<!tpu.dma_semaphore, #tpu.memory_space<semaphore_mem>>) src(%dma_wait3A_223 : memref<10080x128xf32, #tpu.memory_space<hbm>>) dst(%arg15 : memref<80x128xf32, #tpu.memory_space<vmem>>)
      %dma_start3A_224 = arith.constant 1 : i32
      %dma_start3A_225 = arith.constant 0 : i32
      %dma_start3A_226 = tpu.memref_slice %arg7[%dma_start3A_224, %dma_start3A_225] : memref<2x80xi32, #tpu.memory_space<vmem>> -> memref<1x80xi32, #tpu.memory_space<vmem>>
      %dma_start3A_227 = tpu.memref_squeeze %dma_start3A_226 : memref<1x80xi32, #tpu.memory_space<vmem>> -> memref<80xi32, #tpu.memory_space<vmem>>
      %dma_start3A_228 = arith.constant 0 : i32
      %dma_start3A_229 = arith.constant 0 : i32
      %dma_start3A_230 = tpu.memref_slice %arg17[%dma_start3A_228, %dma_start3A_229] : memref<10112x128xf32, #tpu.memory_space<vmem_shared>> -> memref<10112x128xf32, #tpu.memory_space<vmem_shared>>
      tpu.enqueue_indirect_dma source(%arg15 : memref<80x128xf32, #tpu.memory_space<vmem>>) target(%dma_start3A_230 : memref<10112x128xf32, #tpu.memory_space<vmem_shared>>) offsets(%dma_start3A_227 : memref<80xi32, #tpu.memory_space<vmem>>) semaphore(%arg24 : memref<!tpu.dma_semaphore, #tpu.memory_space<semaphore_mem>>) {add = true}
      %add3A_231 = arith.constant 2 : i32
      %add3A_232 = arith.addi %add3A_155, %add3A_231 : i32
      %add3A_233 = arith.constant 2 : i32
      %add3A_234 = arith.addi %add3A_232, %add3A_233 : i32
      %lt3A_235 = arith.constant 128 : i32
      %lt3A_236 = arith.cmpi slt, %add3A_234, %lt3A_235 : i32
      %convert_element_type3A_237 = arith.extui %lt3A_236 : i1 to i32
      %cond3A_238 = arith.constant 0 : i32
      %cond3A_239 = arith.cmpi ne, %convert_element_type3A_237, %cond3A_238 : i32
      scf.if %cond3A_239 {
        %add3A_409 = arith.constant 2 : i32
        %add3A_410 = arith.addi %add3A_155, %add3A_409 : i32
        %sub3A = arith.constant 2 : i32
        %sub3A_411 = arith.subi %add3A_410, %sub3A : i32
        %ge3A = arith.constant 0 : i32
        %ge3A_412 = arith.cmpi sge, %sub3A_411, %ge3A : i32
        %convert_element_type3A_413 = arith.extui %ge3A_412 : i1 to i32
        %cond3A_414 = arith.constant 0 : i32
        %cond3A_415 = arith.cmpi ne, %convert_element_type3A_413, %cond3A_414 : i32
        scf.if %cond3A_415 {
          %dma_wait3A_436 = arith.constant 1 : i32
          %dma_wait3A_437 = arith.constant 0 : i32
          %dma_wait3A_438 = tpu.memref_slice %arg9[%dma_wait3A_436, %dma_wait3A_437] : memref<2x80xi32, #tpu.memory_space<vmem>> -> memref<1x80xi32, #tpu.memory_space<vmem>>
          %dma_wait3A_439 = tpu.memref_squeeze %dma_wait3A_438 : memref<1x80xi32, #tpu.memory_space<vmem>> -> memref<80xi32, #tpu.memory_space<vmem>>
          %dma_wait3A_440 = arith.constant 0 : i32
          %dma_wait3A_441 = arith.constant 0 : i32
          %dma_wait3A_442 = tpu.memref_slice %arg17[%dma_wait3A_440, %dma_wait3A_441] : memref<10112x128xf32, #tpu.memory_space<vmem_shared>> -> memref<10112x128xf32, #tpu.memory_space<vmem_shared>>
          tpu.wait_indirect_dma semaphore(%arg22 : memref<!tpu.dma_semaphore, #tpu.memory_space<semaphore_mem>>) src(%arg13 : memref<80x128xf32, #tpu.memory_space<vmem>>) dst(%dma_wait3A_442 : memref<10112x128xf32, #tpu.memory_space<vmem_shared>>)
        } else {
        }
        %add3A_416 = arith.addi %mul3A_2, %add3A_155 : i32
        %add3A_417 = arith.constant 2 : i32
        %add3A_418 = arith.addi %add3A_416, %add3A_417 : i32
        %add3A_419 = arith.constant 2 : i32
        %add3A_420 = arith.addi %add3A_418, %add3A_419 : i32
        %dma_wait3A_421 = arith.constant 0 : i32
        %dma_wait3A_422 = arith.constant 0 : i32
        %dma_wait3A_423 = tpu.memref_slice %arg3[%add3A_420, %dma_wait3A_421, %dma_wait3A_422] : memref<4096x2x80xi32, #tpu.memory_space<hbm>> -> memref<1x2x80xi32, #tpu.memory_space<hbm>>
        %dma_wait3A_424 = tpu.memref_squeeze %dma_wait3A_423 : memref<1x2x80xi32, #tpu.memory_space<hbm>> -> memref<2x80xi32, #tpu.memory_space<hbm>>
        %dma_wait3A_425 = arith.constant 0 : i32
        %dma_wait3A_426 = arith.constant 0 : i32
        %dma_wait3A_427 = tpu.memref_slice %arg3[%add3A_420, %dma_wait3A_425, %dma_wait3A_426] : memref<4096x2x80xi32, #tpu.memory_space<hbm>> -> memref<1x2x80xi32, #tpu.memory_space<hbm>>
        %dma_wait3A_428 = tpu.memref_squeeze %dma_wait3A_427 : memref<1x2x80xi32, #tpu.memory_space<hbm>> -> memref<2x80xi32, #tpu.memory_space<hbm>>
        tpu.wait_dma2 semaphore(%arg30 : memref<!tpu.dma_semaphore, #tpu.memory_space<semaphore_mem>>) src(%dma_wait3A_428 : memref<2x80xi32, #tpu.memory_space<hbm>>) dst(%arg9 : memref<2x80xi32, #tpu.memory_space<vmem>>)
        %dma_start3A_429 = arith.constant 0 : i32
        %dma_start3A_430 = arith.constant 0 : i32
        %dma_start3A_431 = tpu.memref_slice %arg9[%dma_start3A_429, %dma_start3A_430] : memref<2x80xi32, #tpu.memory_space<vmem>> -> memref<1x80xi32, #tpu.memory_space<vmem>>
        %dma_start3A_432 = tpu.memref_squeeze %dma_start3A_431 : memref<1x80xi32, #tpu.memory_space<vmem>> -> memref<80xi32, #tpu.memory_space<vmem>>
        %dma_start3A_433 = arith.constant 0 : i32
        %dma_start3A_434 = arith.constant 0 : i32
        %dma_start3A_435 = tpu.memref_slice %arg2[%dma_start3A_433, %dma_start3A_434] : memref<10080x128xf32, #tpu.memory_space<hbm>> -> memref<10080x128xf32, #tpu.memory_space<hbm>>
        tpu.enqueue_indirect_dma source(%dma_start3A_435 : memref<10080x128xf32, #tpu.memory_space<hbm>>) target(%arg13 : memref<80x128xf32, #tpu.memory_space<vmem>>) offsets(%dma_start3A_432 : memref<80xi32, #tpu.memory_space<vmem>>) semaphore(%arg18 : memref<!tpu.dma_semaphore, #tpu.memory_space<semaphore_mem>>)
      } else {
      }
      %add3A_240 = arith.constant 2 : i32
      %add3A_241 = arith.addi %add3A_155, %add3A_240 : i32
      %add3A_242 = arith.constant 6 : i32
      %add3A_243 = arith.addi %add3A_241, %add3A_242 : i32
      %lt3A_244 = arith.constant 128 : i32
      %lt3A_245 = arith.cmpi slt, %add3A_243, %lt3A_244 : i32
      %convert_element_type3A_246 = arith.extui %lt3A_245 : i1 to i32
      %cond3A_247 = arith.constant 0 : i32
      %cond3A_248 = arith.cmpi ne, %convert_element_type3A_246, %cond3A_247 : i32
      scf.if %cond3A_248 {
        %add3A_409 = arith.addi %mul3A_2, %add3A_155 : i32
        %add3A_410 = arith.constant 2 : i32
        %add3A_411 = arith.addi %add3A_409, %add3A_410 : i32
        %add3A_412 = arith.constant 6 : i32
        %add3A_413 = arith.addi %add3A_411, %add3A_412 : i32
        %dma_start3A_414 = arith.constant 0 : i32
        %dma_start3A_415 = arith.constant 0 : i32
        %dma_start3A_416 = tpu.memref_slice %arg3[%add3A_413, %dma_start3A_414, %dma_start3A_415] : memref<4096x2x80xi32, #tpu.memory_space<hbm>> -> memref<1x2x80xi32, #tpu.memory_space<hbm>>
        %dma_start3A_417 = tpu.memref_squeeze %dma_start3A_416 : memref<1x2x80xi32, #tpu.memory_space<hbm>> -> memref<2x80xi32, #tpu.memory_space<hbm>>
        %dma_start3A_418 = arith.constant 0 : i32
        %dma_start3A_419 = arith.constant 0 : i32
        %dma_start3A_420 = tpu.memref_slice %arg3[%add3A_413, %dma_start3A_418, %dma_start3A_419] : memref<4096x2x80xi32, #tpu.memory_space<hbm>> -> memref<1x2x80xi32, #tpu.memory_space<hbm>>
        %dma_start3A_421 = tpu.memref_squeeze %dma_start3A_420 : memref<1x2x80xi32, #tpu.memory_space<hbm>> -> memref<2x80xi32, #tpu.memory_space<hbm>>
        tpu.enqueue_dma source(%dma_start3A_421 : memref<2x80xi32, #tpu.memory_space<hbm>>) target(%arg5 : memref<2x80xi32, #tpu.memory_space<vmem>>) target_semaphore(%arg26 : memref<!tpu.dma_semaphore, #tpu.memory_space<semaphore_mem>>)
      } else {
      }
      %dma_wait3A_249 = arith.constant 0 : i32
      %dma_wait3A_250 = arith.constant 0 : i32
      %dma_wait3A_251 = tpu.memref_slice %arg8[%dma_wait3A_249, %dma_wait3A_250] : memref<2x80xi32, #tpu.memory_space<vmem>> -> memref<1x80xi32, #tpu.memory_space<vmem>>
      %dma_wait3A_252 = tpu.memref_squeeze %dma_wait3A_251 : memref<1x80xi32, #tpu.memory_space<vmem>> -> memref<80xi32, #tpu.memory_space<vmem>>
      %dma_wait3A_253 = arith.constant 0 : i32
      %dma_wait3A_254 = arith.constant 0 : i32
      %dma_wait3A_255 = tpu.memref_slice %arg2[%dma_wait3A_253, %dma_wait3A_254] : memref<10080x128xf32, #tpu.memory_space<hbm>> -> memref<10080x128xf32, #tpu.memory_space<hbm>>
      tpu.wait_indirect_dma semaphore(%arg21 : memref<!tpu.dma_semaphore, #tpu.memory_space<semaphore_mem>>) src(%dma_wait3A_255 : memref<10080x128xf32, #tpu.memory_space<hbm>>) dst(%arg16 : memref<80x128xf32, #tpu.memory_space<vmem>>)
      %dma_start3A_256 = arith.constant 1 : i32
      %dma_start3A_257 = arith.constant 0 : i32
      %dma_start3A_258 = tpu.memref_slice %arg8[%dma_start3A_256, %dma_start3A_257] : memref<2x80xi32, #tpu.memory_space<vmem>> -> memref<1x80xi32, #tpu.memory_space<vmem>>
      %dma_start3A_259 = tpu.memref_squeeze %dma_start3A_258 : memref<1x80xi32, #tpu.memory_space<vmem>> -> memref<80xi32, #tpu.memory_space<vmem>>
      %dma_start3A_260 = arith.constant 0 : i32
      %dma_start3A_261 = arith.constant 0 : i32
      %dma_start3A_262 = tpu.memref_slice %arg17[%dma_start3A_260, %dma_start3A_261] : memref<10112x128xf32, #tpu.memory_space<vmem_shared>> -> memref<10112x128xf32, #tpu.memory_space<vmem_shared>>
      tpu.enqueue_indirect_dma source(%arg16 : memref<80x128xf32, #tpu.memory_space<vmem>>) target(%dma_start3A_262 : memref<10112x128xf32, #tpu.memory_space<vmem_shared>>) offsets(%dma_start3A_259 : memref<80xi32, #tpu.memory_space<vmem>>) semaphore(%arg25 : memref<!tpu.dma_semaphore, #tpu.memory_space<semaphore_mem>>) {add = true}
      %add3A_263 = arith.constant 3 : i32
      %add3A_264 = arith.addi %add3A_155, %add3A_263 : i32
      %add3A_265 = arith.constant 2 : i32
      %add3A_266 = arith.addi %add3A_264, %add3A_265 : i32
      %lt3A_267 = arith.constant 128 : i32
      %lt3A_268 = arith.cmpi slt, %add3A_266, %lt3A_267 : i32
      %convert_element_type3A_269 = arith.extui %lt3A_268 : i1 to i32
      %cond3A_270 = arith.constant 0 : i32
      %cond3A_271 = arith.cmpi ne, %convert_element_type3A_269, %cond3A_270 : i32
      scf.if %cond3A_271 {
        %add3A_409 = arith.constant 3 : i32
        %add3A_410 = arith.addi %add3A_155, %add3A_409 : i32
        %sub3A = arith.constant 2 : i32
        %sub3A_411 = arith.subi %add3A_410, %sub3A : i32
        %ge3A = arith.constant 0 : i32
        %ge3A_412 = arith.cmpi sge, %sub3A_411, %ge3A : i32
        %convert_element_type3A_413 = arith.extui %ge3A_412 : i1 to i32
        %cond3A_414 = arith.constant 0 : i32
        %cond3A_415 = arith.cmpi ne, %convert_element_type3A_413, %cond3A_414 : i32
        scf.if %cond3A_415 {
          %dma_wait3A_436 = arith.constant 1 : i32
          %dma_wait3A_437 = arith.constant 0 : i32
          %dma_wait3A_438 = tpu.memref_slice %arg10[%dma_wait3A_436, %dma_wait3A_437] : memref<2x80xi32, #tpu.memory_space<vmem>> -> memref<1x80xi32, #tpu.memory_space<vmem>>
          %dma_wait3A_439 = tpu.memref_squeeze %dma_wait3A_438 : memref<1x80xi32, #tpu.memory_space<vmem>> -> memref<80xi32, #tpu.memory_space<vmem>>
          %dma_wait3A_440 = arith.constant 0 : i32
          %dma_wait3A_441 = arith.constant 0 : i32
          %dma_wait3A_442 = tpu.memref_slice %arg17[%dma_wait3A_440, %dma_wait3A_441] : memref<10112x128xf32, #tpu.memory_space<vmem_shared>> -> memref<10112x128xf32, #tpu.memory_space<vmem_shared>>
          tpu.wait_indirect_dma semaphore(%arg23 : memref<!tpu.dma_semaphore, #tpu.memory_space<semaphore_mem>>) src(%arg14 : memref<80x128xf32, #tpu.memory_space<vmem>>) dst(%dma_wait3A_442 : memref<10112x128xf32, #tpu.memory_space<vmem_shared>>)
        } else {
        }
        %add3A_416 = arith.addi %mul3A_2, %add3A_155 : i32
        %add3A_417 = arith.constant 3 : i32
        %add3A_418 = arith.addi %add3A_416, %add3A_417 : i32
        %add3A_419 = arith.constant 2 : i32
        %add3A_420 = arith.addi %add3A_418, %add3A_419 : i32
        %dma_wait3A_421 = arith.constant 0 : i32
        %dma_wait3A_422 = arith.constant 0 : i32
        %dma_wait3A_423 = tpu.memref_slice %arg3[%add3A_420, %dma_wait3A_421, %dma_wait3A_422] : memref<4096x2x80xi32, #tpu.memory_space<hbm>> -> memref<1x2x80xi32, #tpu.memory_space<hbm>>
        %dma_wait3A_424 = tpu.memref_squeeze %dma_wait3A_423 : memref<1x2x80xi32, #tpu.memory_space<hbm>> -> memref<2x80xi32, #tpu.memory_space<hbm>>
        %dma_wait3A_425 = arith.constant 0 : i32
        %dma_wait3A_426 = arith.constant 0 : i32
        %dma_wait3A_427 = tpu.memref_slice %arg3[%add3A_420, %dma_wait3A_425, %dma_wait3A_426] : memref<4096x2x80xi32, #tpu.memory_space<hbm>> -> memref<1x2x80xi32, #tpu.memory_space<hbm>>
        %dma_wait3A_428 = tpu.memref_squeeze %dma_wait3A_427 : memref<1x2x80xi32, #tpu.memory_space<hbm>> -> memref<2x80xi32, #tpu.memory_space<hbm>>
        tpu.wait_dma2 semaphore(%arg31 : memref<!tpu.dma_semaphore, #tpu.memory_space<semaphore_mem>>) src(%dma_wait3A_428 : memref<2x80xi32, #tpu.memory_space<hbm>>) dst(%arg10 : memref<2x80xi32, #tpu.memory_space<vmem>>)
        %dma_start3A_429 = arith.constant 0 : i32
        %dma_start3A_430 = arith.constant 0 : i32
        %dma_start3A_431 = tpu.memref_slice %arg10[%dma_start3A_429, %dma_start3A_430] : memref<2x80xi32, #tpu.memory_space<vmem>> -> memref<1x80xi32, #tpu.memory_space<vmem>>
        %dma_start3A_432 = tpu.memref_squeeze %dma_start3A_431 : memref<1x80xi32, #tpu.memory_space<vmem>> -> memref<80xi32, #tpu.memory_space<vmem>>
        %dma_start3A_433 = arith.constant 0 : i32
        %dma_start3A_434 = arith.constant 0 : i32
        %dma_start3A_435 = tpu.memref_slice %arg2[%dma_start3A_433, %dma_start3A_434] : memref<10080x128xf32, #tpu.memory_space<hbm>> -> memref<10080x128xf32, #tpu.memory_space<hbm>>
        tpu.enqueue_indirect_dma source(%dma_start3A_435 : memref<10080x128xf32, #tpu.memory_space<hbm>>) target(%arg14 : memref<80x128xf32, #tpu.memory_space<vmem>>) offsets(%dma_start3A_432 : memref<80xi32, #tpu.memory_space<vmem>>) semaphore(%arg19 : memref<!tpu.dma_semaphore, #tpu.memory_space<semaphore_mem>>)
      } else {
      }
      %add3A_272 = arith.constant 3 : i32
      %add3A_273 = arith.addi %add3A_155, %add3A_272 : i32
      %add3A_274 = arith.constant 6 : i32
      %add3A_275 = arith.addi %add3A_273, %add3A_274 : i32
      %lt3A_276 = arith.constant 128 : i32
      %lt3A_277 = arith.cmpi slt, %add3A_275, %lt3A_276 : i32
      %convert_element_type3A_278 = arith.extui %lt3A_277 : i1 to i32
      %cond3A_279 = arith.constant 0 : i32
      %cond3A_280 = arith.cmpi ne, %convert_element_type3A_278, %cond3A_279 : i32
      scf.if %cond3A_280 {
        %add3A_409 = arith.addi %mul3A_2, %add3A_155 : i32
        %add3A_410 = arith.constant 3 : i32
        %add3A_411 = arith.addi %add3A_409, %add3A_410 : i32
        %add3A_412 = arith.constant 6 : i32
        %add3A_413 = arith.addi %add3A_411, %add3A_412 : i32
        %dma_start3A_414 = arith.constant 0 : i32
        %dma_start3A_415 = arith.constant 0 : i32
        %dma_start3A_416 = tpu.memref_slice %arg3[%add3A_413, %dma_start3A_414, %dma_start3A_415] : memref<4096x2x80xi32, #tpu.memory_space<hbm>> -> memref<1x2x80xi32, #tpu.memory_space<hbm>>
        %dma_start3A_417 = tpu.memref_squeeze %dma_start3A_416 : memref<1x2x80xi32, #tpu.memory_space<hbm>> -> memref<2x80xi32, #tpu.memory_space<hbm>>
        %dma_start3A_418 = arith.constant 0 : i32
        %dma_start3A_419 = arith.constant 0 : i32
        %dma_start3A_420 = tpu.memref_slice %arg3[%add3A_413, %dma_start3A_418, %dma_start3A_419] : memref<4096x2x80xi32, #tpu.memory_space<hbm>> -> memref<1x2x80xi32, #tpu.memory_space<hbm>>
        %dma_start3A_421 = tpu.memref_squeeze %dma_start3A_420 : memref<1x2x80xi32, #tpu.memory_space<hbm>> -> memref<2x80xi32, #tpu.memory_space<hbm>>
        tpu.enqueue_dma source(%dma_start3A_421 : memref<2x80xi32, #tpu.memory_space<hbm>>) target(%arg6 : memref<2x80xi32, #tpu.memory_space<vmem>>) target_semaphore(%arg27 : memref<!tpu.dma_semaphore, #tpu.memory_space<semaphore_mem>>)
      } else {
      }
      %dma_wait3A_281 = arith.constant 0 : i32
      %dma_wait3A_282 = arith.constant 0 : i32
      %dma_wait3A_283 = tpu.memref_slice %arg9[%dma_wait3A_281, %dma_wait3A_282] : memref<2x80xi32, #tpu.memory_space<vmem>> -> memref<1x80xi32, #tpu.memory_space<vmem>>
      %dma_wait3A_284 = tpu.memref_squeeze %dma_wait3A_283 : memref<1x80xi32, #tpu.memory_space<vmem>> -> memref<80xi32, #tpu.memory_space<vmem>>
      %dma_wait3A_285 = arith.constant 0 : i32
      %dma_wait3A_286 = arith.constant 0 : i32
      %dma_wait3A_287 = tpu.memref_slice %arg2[%dma_wait3A_285, %dma_wait3A_286] : memref<10080x128xf32, #tpu.memory_space<hbm>> -> memref<10080x128xf32, #tpu.memory_space<hbm>>
      tpu.wait_indirect_dma semaphore(%arg18 : memref<!tpu.dma_semaphore, #tpu.memory_space<semaphore_mem>>) src(%dma_wait3A_287 : memref<10080x128xf32, #tpu.memory_space<hbm>>) dst(%arg13 : memref<80x128xf32, #tpu.memory_space<vmem>>)
      %dma_start3A_288 = arith.constant 1 : i32
      %dma_start3A_289 = arith.constant 0 : i32
      %dma_start3A_290 = tpu.memref_slice %arg9[%dma_start3A_288, %dma_start3A_289] : memref<2x80xi32, #tpu.memory_space<vmem>> -> memref<1x80xi32, #tpu.memory_space<vmem>>
      %dma_start3A_291 = tpu.memref_squeeze %dma_start3A_290 : memref<1x80xi32, #tpu.memory_space<vmem>> -> memref<80xi32, #tpu.memory_space<vmem>>
      %dma_start3A_292 = arith.constant 0 : i32
      %dma_start3A_293 = arith.constant 0 : i32
      %dma_start3A_294 = tpu.memref_slice %arg17[%dma_start3A_292, %dma_start3A_293] : memref<10112x128xf32, #tpu.memory_space<vmem_shared>> -> memref<10112x128xf32, #tpu.memory_space<vmem_shared>>
      tpu.enqueue_indirect_dma source(%arg13 : memref<80x128xf32, #tpu.memory_space<vmem>>) target(%dma_start3A_294 : memref<10112x128xf32, #tpu.memory_space<vmem_shared>>) offsets(%dma_start3A_291 : memref<80xi32, #tpu.memory_space<vmem>>) semaphore(%arg22 : memref<!tpu.dma_semaphore, #tpu.memory_space<semaphore_mem>>) {add = true}
      %add3A_295 = arith.constant 4 : i32
      %add3A_296 = arith.addi %add3A_155, %add3A_295 : i32
      %add3A_297 = arith.constant 2 : i32
      %add3A_298 = arith.addi %add3A_296, %add3A_297 : i32
      %lt3A_299 = arith.constant 128 : i32
      %lt3A_300 = arith.cmpi slt, %add3A_298, %lt3A_299 : i32
      %convert_element_type3A_301 = arith.extui %lt3A_300 : i1 to i32
      %cond3A_302 = arith.constant 0 : i32
      %cond3A_303 = arith.cmpi ne, %convert_element_type3A_301, %cond3A_302 : i32
      scf.if %cond3A_303 {
        %add3A_409 = arith.constant 4 : i32
        %add3A_410 = arith.addi %add3A_155, %add3A_409 : i32
        %sub3A = arith.constant 2 : i32
        %sub3A_411 = arith.subi %add3A_410, %sub3A : i32
        %ge3A = arith.constant 0 : i32
        %ge3A_412 = arith.cmpi sge, %sub3A_411, %ge3A : i32
        %convert_element_type3A_413 = arith.extui %ge3A_412 : i1 to i32
        %cond3A_414 = arith.constant 0 : i32
        %cond3A_415 = arith.cmpi ne, %convert_element_type3A_413, %cond3A_414 : i32
        scf.if %cond3A_415 {
          %dma_wait3A_436 = arith.constant 1 : i32
          %dma_wait3A_437 = arith.constant 0 : i32
          %dma_wait3A_438 = tpu.memref_slice %arg11[%dma_wait3A_436, %dma_wait3A_437] : memref<2x80xi32, #tpu.memory_space<vmem>> -> memref<1x80xi32, #tpu.memory_space<vmem>>
          %dma_wait3A_439 = tpu.memref_squeeze %dma_wait3A_438 : memref<1x80xi32, #tpu.memory_space<vmem>> -> memref<80xi32, #tpu.memory_space<vmem>>
          %dma_wait3A_440 = arith.constant 0 : i32
          %dma_wait3A_441 = arith.constant 0 : i32
          %dma_wait3A_442 = tpu.memref_slice %arg17[%dma_wait3A_440, %dma_wait3A_441] : memref<10112x128xf32, #tpu.memory_space<vmem_shared>> -> memref<10112x128xf32, #tpu.memory_space<vmem_shared>>
          tpu.wait_indirect_dma semaphore(%arg24 : memref<!tpu.dma_semaphore, #tpu.memory_space<semaphore_mem>>) src(%arg15 : memref<80x128xf32, #tpu.memory_space<vmem>>) dst(%dma_wait3A_442 : memref<10112x128xf32, #tpu.memory_space<vmem_shared>>)
        } else {
        }
        %add3A_416 = arith.addi %mul3A_2, %add3A_155 : i32
        %add3A_417 = arith.constant 4 : i32
        %add3A_418 = arith.addi %add3A_416, %add3A_417 : i32
        %add3A_419 = arith.constant 2 : i32
        %add3A_420 = arith.addi %add3A_418, %add3A_419 : i32
        %dma_wait3A_421 = arith.constant 0 : i32
        %dma_wait3A_422 = arith.constant 0 : i32
        %dma_wait3A_423 = tpu.memref_slice %arg3[%add3A_420, %dma_wait3A_421, %dma_wait3A_422] : memref<4096x2x80xi32, #tpu.memory_space<hbm>> -> memref<1x2x80xi32, #tpu.memory_space<hbm>>
        %dma_wait3A_424 = tpu.memref_squeeze %dma_wait3A_423 : memref<1x2x80xi32, #tpu.memory_space<hbm>> -> memref<2x80xi32, #tpu.memory_space<hbm>>
        %dma_wait3A_425 = arith.constant 0 : i32
        %dma_wait3A_426 = arith.constant 0 : i32
        %dma_wait3A_427 = tpu.memref_slice %arg3[%add3A_420, %dma_wait3A_425, %dma_wait3A_426] : memref<4096x2x80xi32, #tpu.memory_space<hbm>> -> memref<1x2x80xi32, #tpu.memory_space<hbm>>
        %dma_wait3A_428 = tpu.memref_squeeze %dma_wait3A_427 : memref<1x2x80xi32, #tpu.memory_space<hbm>> -> memref<2x80xi32, #tpu.memory_space<hbm>>
        tpu.wait_dma2 semaphore(%arg32 : memref<!tpu.dma_semaphore, #tpu.memory_space<semaphore_mem>>) src(%dma_wait3A_428 : memref<2x80xi32, #tpu.memory_space<hbm>>) dst(%arg11 : memref<2x80xi32, #tpu.memory_space<vmem>>)
        %dma_start3A_429 = arith.constant 0 : i32
        %dma_start3A_430 = arith.constant 0 : i32
        %dma_start3A_431 = tpu.memref_slice %arg11[%dma_start3A_429, %dma_start3A_430] : memref<2x80xi32, #tpu.memory_space<vmem>> -> memref<1x80xi32, #tpu.memory_space<vmem>>
        %dma_start3A_432 = tpu.memref_squeeze %dma_start3A_431 : memref<1x80xi32, #tpu.memory_space<vmem>> -> memref<80xi32, #tpu.memory_space<vmem>>
        %dma_start3A_433 = arith.constant 0 : i32
        %dma_start3A_434 = arith.constant 0 : i32
        %dma_start3A_435 = tpu.memref_slice %arg2[%dma_start3A_433, %dma_start3A_434] : memref<10080x128xf32, #tpu.memory_space<hbm>> -> memref<10080x128xf32, #tpu.memory_space<hbm>>
        tpu.enqueue_indirect_dma source(%dma_start3A_435 : memref<10080x128xf32, #tpu.memory_space<hbm>>) target(%arg15 : memref<80x128xf32, #tpu.memory_space<vmem>>) offsets(%dma_start3A_432 : memref<80xi32, #tpu.memory_space<vmem>>) semaphore(%arg20 : memref<!tpu.dma_semaphore, #tpu.memory_space<semaphore_mem>>)
      } else {
      }
      %add3A_304 = arith.constant 4 : i32
      %add3A_305 = arith.addi %add3A_155, %add3A_304 : i32
      %add3A_306 = arith.constant 6 : i32
      %add3A_307 = arith.addi %add3A_305, %add3A_306 : i32
      %lt3A_308 = arith.constant 128 : i32
      %lt3A_309 = arith.cmpi slt, %add3A_307, %lt3A_308 : i32
      %convert_element_type3A_310 = arith.extui %lt3A_309 : i1 to i32
      %cond3A_311 = arith.constant 0 : i32
      %cond3A_312 = arith.cmpi ne, %convert_element_type3A_310, %cond3A_311 : i32
      scf.if %cond3A_312 {
        %add3A_409 = arith.addi %mul3A_2, %add3A_155 : i32
        %add3A_410 = arith.constant 4 : i32
        %add3A_411 = arith.addi %add3A_409, %add3A_410 : i32
        %add3A_412 = arith.constant 6 : i32
        %add3A_413 = arith.addi %add3A_411, %add3A_412 : i32
        %dma_start3A_414 = arith.constant 0 : i32
        %dma_start3A_415 = arith.constant 0 : i32
        %dma_start3A_416 = tpu.memref_slice %arg3[%add3A_413, %dma_start3A_414, %dma_start3A_415] : memref<4096x2x80xi32, #tpu.memory_space<hbm>> -> memref<1x2x80xi32, #tpu.memory_space<hbm>>
        %dma_start3A_417 = tpu.memref_squeeze %dma_start3A_416 : memref<1x2x80xi32, #tpu.memory_space<hbm>> -> memref<2x80xi32, #tpu.memory_space<hbm>>
        %dma_start3A_418 = arith.constant 0 : i32
        %dma_start3A_419 = arith.constant 0 : i32
        %dma_start3A_420 = tpu.memref_slice %arg3[%add3A_413, %dma_start3A_418, %dma_start3A_419] : memref<4096x2x80xi32, #tpu.memory_space<hbm>> -> memref<1x2x80xi32, #tpu.memory_space<hbm>>
        %dma_start3A_421 = tpu.memref_squeeze %dma_start3A_420 : memref<1x2x80xi32, #tpu.memory_space<hbm>> -> memref<2x80xi32, #tpu.memory_space<hbm>>
        tpu.enqueue_dma source(%dma_start3A_421 : memref<2x80xi32, #tpu.memory_space<hbm>>) target(%arg7 : memref<2x80xi32, #tpu.memory_space<vmem>>) target_semaphore(%arg28 : memref<!tpu.dma_semaphore, #tpu.memory_space<semaphore_mem>>)
      } else {
      }
      %dma_wait3A_313 = arith.constant 0 : i32
      %dma_wait3A_314 = arith.constant 0 : i32
      %dma_wait3A_315 = tpu.memref_slice %arg10[%dma_wait3A_313, %dma_wait3A_314] : memref<2x80xi32, #tpu.memory_space<vmem>> -> memref<1x80xi32, #tpu.memory_space<vmem>>
      %dma_wait3A_316 = tpu.memref_squeeze %dma_wait3A_315 : memref<1x80xi32, #tpu.memory_space<vmem>> -> memref<80xi32, #tpu.memory_space<vmem>>
      %dma_wait3A_317 = arith.constant 0 : i32
      %dma_wait3A_318 = arith.constant 0 : i32
      %dma_wait3A_319 = tpu.memref_slice %arg2[%dma_wait3A_317, %dma_wait3A_318] : memref<10080x128xf32, #tpu.memory_space<hbm>> -> memref<10080x128xf32, #tpu.memory_space<hbm>>
      tpu.wait_indirect_dma semaphore(%arg19 : memref<!tpu.dma_semaphore, #tpu.memory_space<semaphore_mem>>) src(%dma_wait3A_319 : memref<10080x128xf32, #tpu.memory_space<hbm>>) dst(%arg14 : memref<80x128xf32, #tpu.memory_space<vmem>>)
      %dma_start3A_320 = arith.constant 1 : i32
      %dma_start3A_321 = arith.constant 0 : i32
      %dma_start3A_322 = tpu.memref_slice %arg10[%dma_start3A_320, %dma_start3A_321] : memref<2x80xi32, #tpu.memory_space<vmem>> -> memref<1x80xi32, #tpu.memory_space<vmem>>
      %dma_start3A_323 = tpu.memref_squeeze %dma_start3A_322 : memref<1x80xi32, #tpu.memory_space<vmem>> -> memref<80xi32, #tpu.memory_space<vmem>>
      %dma_start3A_324 = arith.constant 0 : i32
      %dma_start3A_325 = arith.constant 0 : i32
      %dma_start3A_326 = tpu.memref_slice %arg17[%dma_start3A_324, %dma_start3A_325] : memref<10112x128xf32, #tpu.memory_space<vmem_shared>> -> memref<10112x128xf32, #tpu.memory_space<vmem_shared>>
      tpu.enqueue_indirect_dma source(%arg14 : memref<80x128xf32, #tpu.memory_space<vmem>>) target(%dma_start3A_326 : memref<10112x128xf32, #tpu.memory_space<vmem_shared>>) offsets(%dma_start3A_323 : memref<80xi32, #tpu.memory_space<vmem>>) semaphore(%arg23 : memref<!tpu.dma_semaphore, #tpu.memory_space<semaphore_mem>>) {add = true}
      %add3A_327 = arith.constant 5 : i32
      %add3A_328 = arith.addi %add3A_155, %add3A_327 : i32
      %add3A_329 = arith.constant 2 : i32
      %add3A_330 = arith.addi %add3A_328, %add3A_329 : i32
      %lt3A_331 = arith.constant 128 : i32
      %lt3A_332 = arith.cmpi slt, %add3A_330, %lt3A_331 : i32
      %convert_element_type3A_333 = arith.extui %lt3A_332 : i1 to i32
      %cond3A_334 = arith.constant 0 : i32
      %cond3A_335 = arith.cmpi ne, %convert_element_type3A_333, %cond3A_334 : i32
      scf.if %cond3A_335 {
        %add3A_409 = arith.constant 5 : i32
        %add3A_410 = arith.addi %add3A_155, %add3A_409 : i32
        %sub3A = arith.constant 2 : i32
        %sub3A_411 = arith.subi %add3A_410, %sub3A : i32
        %ge3A = arith.constant 0 : i32
        %ge3A_412 = arith.cmpi sge, %sub3A_411, %ge3A : i32
        %convert_element_type3A_413 = arith.extui %ge3A_412 : i1 to i32
        %cond3A_414 = arith.constant 0 : i32
        %cond3A_415 = arith.cmpi ne, %convert_element_type3A_413, %cond3A_414 : i32
        scf.if %cond3A_415 {
          %dma_wait3A_436 = arith.constant 1 : i32
          %dma_wait3A_437 = arith.constant 0 : i32
          %dma_wait3A_438 = tpu.memref_slice %arg12[%dma_wait3A_436, %dma_wait3A_437] : memref<2x80xi32, #tpu.memory_space<vmem>> -> memref<1x80xi32, #tpu.memory_space<vmem>>
          %dma_wait3A_439 = tpu.memref_squeeze %dma_wait3A_438 : memref<1x80xi32, #tpu.memory_space<vmem>> -> memref<80xi32, #tpu.memory_space<vmem>>
          %dma_wait3A_440 = arith.constant 0 : i32
          %dma_wait3A_441 = arith.constant 0 : i32
          %dma_wait3A_442 = tpu.memref_slice %arg17[%dma_wait3A_440, %dma_wait3A_441] : memref<10112x128xf32, #tpu.memory_space<vmem_shared>> -> memref<10112x128xf32, #tpu.memory_space<vmem_shared>>
          tpu.wait_indirect_dma semaphore(%arg25 : memref<!tpu.dma_semaphore, #tpu.memory_space<semaphore_mem>>) src(%arg16 : memref<80x128xf32, #tpu.memory_space<vmem>>) dst(%dma_wait3A_442 : memref<10112x128xf32, #tpu.memory_space<vmem_shared>>)
        } else {
        }
        %add3A_416 = arith.addi %mul3A_2, %add3A_155 : i32
        %add3A_417 = arith.constant 5 : i32
        %add3A_418 = arith.addi %add3A_416, %add3A_417 : i32
        %add3A_419 = arith.constant 2 : i32
        %add3A_420 = arith.addi %add3A_418, %add3A_419 : i32
        %dma_wait3A_421 = arith.constant 0 : i32
        %dma_wait3A_422 = arith.constant 0 : i32
        %dma_wait3A_423 = tpu.memref_slice %arg3[%add3A_420, %dma_wait3A_421, %dma_wait3A_422] : memref<4096x2x80xi32, #tpu.memory_space<hbm>> -> memref<1x2x80xi32, #tpu.memory_space<hbm>>
        %dma_wait3A_424 = tpu.memref_squeeze %dma_wait3A_423 : memref<1x2x80xi32, #tpu.memory_space<hbm>> -> memref<2x80xi32, #tpu.memory_space<hbm>>
        %dma_wait3A_425 = arith.constant 0 : i32
        %dma_wait3A_426 = arith.constant 0 : i32
        %dma_wait3A_427 = tpu.memref_slice %arg3[%add3A_420, %dma_wait3A_425, %dma_wait3A_426] : memref<4096x2x80xi32, #tpu.memory_space<hbm>> -> memref<1x2x80xi32, #tpu.memory_space<hbm>>
        %dma_wait3A_428 = tpu.memref_squeeze %dma_wait3A_427 : memref<1x2x80xi32, #tpu.memory_space<hbm>> -> memref<2x80xi32, #tpu.memory_space<hbm>>
        tpu.wait_dma2 semaphore(%arg33 : memref<!tpu.dma_semaphore, #tpu.memory_space<semaphore_mem>>) src(%dma_wait3A_428 : memref<2x80xi32, #tpu.memory_space<hbm>>) dst(%arg12 : memref<2x80xi32, #tpu.memory_space<vmem>>)
        %dma_start3A_429 = arith.constant 0 : i32
        %dma_start3A_430 = arith.constant 0 : i32
        %dma_start3A_431 = tpu.memref_slice %arg12[%dma_start3A_429, %dma_start3A_430] : memref<2x80xi32, #tpu.memory_space<vmem>> -> memref<1x80xi32, #tpu.memory_space<vmem>>
        %dma_start3A_432 = tpu.memref_squeeze %dma_start3A_431 : memref<1x80xi32, #tpu.memory_space<vmem>> -> memref<80xi32, #tpu.memory_space<vmem>>
        %dma_start3A_433 = arith.constant 0 : i32
        %dma_start3A_434 = arith.constant 0 : i32
        %dma_start3A_435 = tpu.memref_slice %arg2[%dma_start3A_433, %dma_start3A_434] : memref<10080x128xf32, #tpu.memory_space<hbm>> -> memref<10080x128xf32, #tpu.memory_space<hbm>>
        tpu.enqueue_indirect_dma source(%dma_start3A_435 : memref<10080x128xf32, #tpu.memory_space<hbm>>) target(%arg16 : memref<80x128xf32, #tpu.memory_space<vmem>>) offsets(%dma_start3A_432 : memref<80xi32, #tpu.memory_space<vmem>>) semaphore(%arg21 : memref<!tpu.dma_semaphore, #tpu.memory_space<semaphore_mem>>)
      } else {
      }
      %add3A_336 = arith.constant 5 : i32
      %add3A_337 = arith.addi %add3A_155, %add3A_336 : i32
      %add3A_338 = arith.constant 6 : i32
      %add3A_339 = arith.addi %add3A_337, %add3A_338 : i32
      %lt3A_340 = arith.constant 128 : i32
      %lt3A_341 = arith.cmpi slt, %add3A_339, %lt3A_340 : i32
      %convert_element_type3A_342 = arith.extui %lt3A_341 : i1 to i32
      %cond3A_343 = arith.constant 0 : i32
      %cond3A_344 = arith.cmpi ne, %convert_element_type3A_342, %cond3A_343 : i32
      scf.if %cond3A_344 {
        %add3A_409 = arith.addi %mul3A_2, %add3A_155 : i32
        %add3A_410 = arith.constant 5 : i32
        %add3A_411 = arith.addi %add3A_409, %add3A_410 : i32
        %add3A_412 = arith.constant 6 : i32
        %add3A_413 = arith.addi %add3A_411, %add3A_412 : i32
        %dma_start3A_414 = arith.constant 0 : i32
        %dma_start3A_415 = arith.constant 0 : i32
        %dma_start3A_416 = tpu.memref_slice %arg3[%add3A_413, %dma_start3A_414, %dma_start3A_415] : memref<4096x2x80xi32, #tpu.memory_space<hbm>> -> memref<1x2x80xi32, #tpu.memory_space<hbm>>
        %dma_start3A_417 = tpu.memref_squeeze %dma_start3A_416 : memref<1x2x80xi32, #tpu.memory_space<hbm>> -> memref<2x80xi32, #tpu.memory_space<hbm>>
        %dma_start3A_418 = arith.constant 0 : i32
        %dma_start3A_419 = arith.constant 0 : i32
        %dma_start3A_420 = tpu.memref_slice %arg3[%add3A_413, %dma_start3A_418, %dma_start3A_419] : memref<4096x2x80xi32, #tpu.memory_space<hbm>> -> memref<1x2x80xi32, #tpu.memory_space<hbm>>
        %dma_start3A_421 = tpu.memref_squeeze %dma_start3A_420 : memref<1x2x80xi32, #tpu.memory_space<hbm>> -> memref<2x80xi32, #tpu.memory_space<hbm>>
        tpu.enqueue_dma source(%dma_start3A_421 : memref<2x80xi32, #tpu.memory_space<hbm>>) target(%arg8 : memref<2x80xi32, #tpu.memory_space<vmem>>) target_semaphore(%arg29 : memref<!tpu.dma_semaphore, #tpu.memory_space<semaphore_mem>>)
      } else {
      }
      %dma_wait3A_345 = arith.constant 0 : i32
      %dma_wait3A_346 = arith.constant 0 : i32
      %dma_wait3A_347 = tpu.memref_slice %arg11[%dma_wait3A_345, %dma_wait3A_346] : memref<2x80xi32, #tpu.memory_space<vmem>> -> memref<1x80xi32, #tpu.memory_space<vmem>>
      %dma_wait3A_348 = tpu.memref_squeeze %dma_wait3A_347 : memref<1x80xi32, #tpu.memory_space<vmem>> -> memref<80xi32, #tpu.memory_space<vmem>>
      %dma_wait3A_349 = arith.constant 0 : i32
      %dma_wait3A_350 = arith.constant 0 : i32
      %dma_wait3A_351 = tpu.memref_slice %arg2[%dma_wait3A_349, %dma_wait3A_350] : memref<10080x128xf32, #tpu.memory_space<hbm>> -> memref<10080x128xf32, #tpu.memory_space<hbm>>
      tpu.wait_indirect_dma semaphore(%arg20 : memref<!tpu.dma_semaphore, #tpu.memory_space<semaphore_mem>>) src(%dma_wait3A_351 : memref<10080x128xf32, #tpu.memory_space<hbm>>) dst(%arg15 : memref<80x128xf32, #tpu.memory_space<vmem>>)
      %dma_start3A_352 = arith.constant 1 : i32
      %dma_start3A_353 = arith.constant 0 : i32
      %dma_start3A_354 = tpu.memref_slice %arg11[%dma_start3A_352, %dma_start3A_353] : memref<2x80xi32, #tpu.memory_space<vmem>> -> memref<1x80xi32, #tpu.memory_space<vmem>>
      %dma_start3A_355 = tpu.memref_squeeze %dma_start3A_354 : memref<1x80xi32, #tpu.memory_space<vmem>> -> memref<80xi32, #tpu.memory_space<vmem>>
      %dma_start3A_356 = arith.constant 0 : i32
      %dma_start3A_357 = arith.constant 0 : i32
      %dma_start3A_358 = tpu.memref_slice %arg17[%dma_start3A_356, %dma_start3A_357] : memref<10112x128xf32, #tpu.memory_space<vmem_shared>> -> memref<10112x128xf32, #tpu.memory_space<vmem_shared>>
      tpu.enqueue_indirect_dma source(%arg15 : memref<80x128xf32, #tpu.memory_space<vmem>>) target(%dma_start3A_358 : memref<10112x128xf32, #tpu.memory_space<vmem_shared>>) offsets(%dma_start3A_355 : memref<80xi32, #tpu.memory_space<vmem>>) semaphore(%arg24 : memref<!tpu.dma_semaphore, #tpu.memory_space<semaphore_mem>>) {add = true}
      %add3A_359 = arith.constant 6 : i32
      %add3A_360 = arith.addi %add3A_155, %add3A_359 : i32
      %add3A_361 = arith.constant 2 : i32
      %add3A_362 = arith.addi %add3A_360, %add3A_361 : i32
      %lt3A_363 = arith.constant 128 : i32
      %lt3A_364 = arith.cmpi slt, %add3A_362, %lt3A_363 : i32
      %convert_element_type3A_365 = arith.extui %lt3A_364 : i1 to i32
      %cond3A_366 = arith.constant 0 : i32
      %cond3A_367 = arith.cmpi ne, %convert_element_type3A_365, %cond3A_366 : i32
      scf.if %cond3A_367 {
        %add3A_409 = arith.constant 6 : i32
        %add3A_410 = arith.addi %add3A_155, %add3A_409 : i32
        %sub3A = arith.constant 2 : i32
        %sub3A_411 = arith.subi %add3A_410, %sub3A : i32
        %ge3A = arith.constant 0 : i32
        %ge3A_412 = arith.cmpi sge, %sub3A_411, %ge3A : i32
        %convert_element_type3A_413 = arith.extui %ge3A_412 : i1 to i32
        %cond3A_414 = arith.constant 0 : i32
        %cond3A_415 = arith.cmpi ne, %convert_element_type3A_413, %cond3A_414 : i32
        scf.if %cond3A_415 {
          %dma_wait3A_436 = arith.constant 1 : i32
          %dma_wait3A_437 = arith.constant 0 : i32
          %dma_wait3A_438 = tpu.memref_slice %arg5[%dma_wait3A_436, %dma_wait3A_437] : memref<2x80xi32, #tpu.memory_space<vmem>> -> memref<1x80xi32, #tpu.memory_space<vmem>>
          %dma_wait3A_439 = tpu.memref_squeeze %dma_wait3A_438 : memref<1x80xi32, #tpu.memory_space<vmem>> -> memref<80xi32, #tpu.memory_space<vmem>>
          %dma_wait3A_440 = arith.constant 0 : i32
          %dma_wait3A_441 = arith.constant 0 : i32
          %dma_wait3A_442 = tpu.memref_slice %arg17[%dma_wait3A_440, %dma_wait3A_441] : memref<10112x128xf32, #tpu.memory_space<vmem_shared>> -> memref<10112x128xf32, #tpu.memory_space<vmem_shared>>
          tpu.wait_indirect_dma semaphore(%arg22 : memref<!tpu.dma_semaphore, #tpu.memory_space<semaphore_mem>>) src(%arg13 : memref<80x128xf32, #tpu.memory_space<vmem>>) dst(%dma_wait3A_442 : memref<10112x128xf32, #tpu.memory_space<vmem_shared>>)
        } else {
        }
        %add3A_416 = arith.addi %mul3A_2, %add3A_155 : i32
        %add3A_417 = arith.constant 6 : i32
        %add3A_418 = arith.addi %add3A_416, %add3A_417 : i32
        %add3A_419 = arith.constant 2 : i32
        %add3A_420 = arith.addi %add3A_418, %add3A_419 : i32
        %dma_wait3A_421 = arith.constant 0 : i32
        %dma_wait3A_422 = arith.constant 0 : i32
        %dma_wait3A_423 = tpu.memref_slice %arg3[%add3A_420, %dma_wait3A_421, %dma_wait3A_422] : memref<4096x2x80xi32, #tpu.memory_space<hbm>> -> memref<1x2x80xi32, #tpu.memory_space<hbm>>
        %dma_wait3A_424 = tpu.memref_squeeze %dma_wait3A_423 : memref<1x2x80xi32, #tpu.memory_space<hbm>> -> memref<2x80xi32, #tpu.memory_space<hbm>>
        %dma_wait3A_425 = arith.constant 0 : i32
        %dma_wait3A_426 = arith.constant 0 : i32
        %dma_wait3A_427 = tpu.memref_slice %arg3[%add3A_420, %dma_wait3A_425, %dma_wait3A_426] : memref<4096x2x80xi32, #tpu.memory_space<hbm>> -> memref<1x2x80xi32, #tpu.memory_space<hbm>>
        %dma_wait3A_428 = tpu.memref_squeeze %dma_wait3A_427 : memref<1x2x80xi32, #tpu.memory_space<hbm>> -> memref<2x80xi32, #tpu.memory_space<hbm>>
        tpu.wait_dma2 semaphore(%arg26 : memref<!tpu.dma_semaphore, #tpu.memory_space<semaphore_mem>>) src(%dma_wait3A_428 : memref<2x80xi32, #tpu.memory_space<hbm>>) dst(%arg5 : memref<2x80xi32, #tpu.memory_space<vmem>>)
        %dma_start3A_429 = arith.constant 0 : i32
        %dma_start3A_430 = arith.constant 0 : i32
        %dma_start3A_431 = tpu.memref_slice %arg5[%dma_start3A_429, %dma_start3A_430] : memref<2x80xi32, #tpu.memory_space<vmem>> -> memref<1x80xi32, #tpu.memory_space<vmem>>
        %dma_start3A_432 = tpu.memref_squeeze %dma_start3A_431 : memref<1x80xi32, #tpu.memory_space<vmem>> -> memref<80xi32, #tpu.memory_space<vmem>>
        %dma_start3A_433 = arith.constant 0 : i32
        %dma_start3A_434 = arith.constant 0 : i32
        %dma_start3A_435 = tpu.memref_slice %arg2[%dma_start3A_433, %dma_start3A_434] : memref<10080x128xf32, #tpu.memory_space<hbm>> -> memref<10080x128xf32, #tpu.memory_space<hbm>>
        tpu.enqueue_indirect_dma source(%dma_start3A_435 : memref<10080x128xf32, #tpu.memory_space<hbm>>) target(%arg13 : memref<80x128xf32, #tpu.memory_space<vmem>>) offsets(%dma_start3A_432 : memref<80xi32, #tpu.memory_space<vmem>>) semaphore(%arg18 : memref<!tpu.dma_semaphore, #tpu.memory_space<semaphore_mem>>)
      } else {
      }
      %add3A_368 = arith.constant 6 : i32
      %add3A_369 = arith.addi %add3A_155, %add3A_368 : i32
      %add3A_370 = arith.constant 6 : i32
      %add3A_371 = arith.addi %add3A_369, %add3A_370 : i32
      %lt3A_372 = arith.constant 128 : i32
      %lt3A_373 = arith.cmpi slt, %add3A_371, %lt3A_372 : i32
      %convert_element_type3A_374 = arith.extui %lt3A_373 : i1 to i32
      %cond3A_375 = arith.constant 0 : i32
      %cond3A_376 = arith.cmpi ne, %convert_element_type3A_374, %cond3A_375 : i32
      scf.if %cond3A_376 {
        %add3A_409 = arith.addi %mul3A_2, %add3A_155 : i32
        %add3A_410 = arith.constant 6 : i32
        %add3A_411 = arith.addi %add3A_409, %add3A_410 : i32
        %add3A_412 = arith.constant 6 : i32
        %add3A_413 = arith.addi %add3A_411, %add3A_412 : i32
        %dma_start3A_414 = arith.constant 0 : i32
        %dma_start3A_415 = arith.constant 0 : i32
        %dma_start3A_416 = tpu.memref_slice %arg3[%add3A_413, %dma_start3A_414, %dma_start3A_415] : memref<4096x2x80xi32, #tpu.memory_space<hbm>> -> memref<1x2x80xi32, #tpu.memory_space<hbm>>
        %dma_start3A_417 = tpu.memref_squeeze %dma_start3A_416 : memref<1x2x80xi32, #tpu.memory_space<hbm>> -> memref<2x80xi32, #tpu.memory_space<hbm>>
        %dma_start3A_418 = arith.constant 0 : i32
        %dma_start3A_419 = arith.constant 0 : i32
        %dma_start3A_420 = tpu.memref_slice %arg3[%add3A_413, %dma_start3A_418, %dma_start3A_419] : memref<4096x2x80xi32, #tpu.memory_space<hbm>> -> memref<1x2x80xi32, #tpu.memory_space<hbm>>
        %dma_start3A_421 = tpu.memref_squeeze %dma_start3A_420 : memref<1x2x80xi32, #tpu.memory_space<hbm>> -> memref<2x80xi32, #tpu.memory_space<hbm>>
        tpu.enqueue_dma source(%dma_start3A_421 : memref<2x80xi32, #tpu.memory_space<hbm>>) target(%arg9 : memref<2x80xi32, #tpu.memory_space<vmem>>) target_semaphore(%arg30 : memref<!tpu.dma_semaphore, #tpu.memory_space<semaphore_mem>>)
      } else {
      }
      %dma_wait3A_377 = arith.constant 0 : i32
      %dma_wait3A_378 = arith.constant 0 : i32
      %dma_wait3A_379 = tpu.memref_slice %arg12[%dma_wait3A_377, %dma_wait3A_378] : memref<2x80xi32, #tpu.memory_space<vmem>> -> memref<1x80xi32, #tpu.memory_space<vmem>>
      %dma_wait3A_380 = tpu.memref_squeeze %dma_wait3A_379 : memref<1x80xi32, #tpu.memory_space<vmem>> -> memref<80xi32, #tpu.memory_space<vmem>>
      %dma_wait3A_381 = arith.constant 0 : i32
      %dma_wait3A_382 = arith.constant 0 : i32
      %dma_wait3A_383 = tpu.memref_slice %arg2[%dma_wait3A_381, %dma_wait3A_382] : memref<10080x128xf32, #tpu.memory_space<hbm>> -> memref<10080x128xf32, #tpu.memory_space<hbm>>
      tpu.wait_indirect_dma semaphore(%arg21 : memref<!tpu.dma_semaphore, #tpu.memory_space<semaphore_mem>>) src(%dma_wait3A_383 : memref<10080x128xf32, #tpu.memory_space<hbm>>) dst(%arg16 : memref<80x128xf32, #tpu.memory_space<vmem>>)
      %dma_start3A_384 = arith.constant 1 : i32
      %dma_start3A_385 = arith.constant 0 : i32
      %dma_start3A_386 = tpu.memref_slice %arg12[%dma_start3A_384, %dma_start3A_385] : memref<2x80xi32, #tpu.memory_space<vmem>> -> memref<1x80xi32, #tpu.memory_space<vmem>>
      %dma_start3A_387 = tpu.memref_squeeze %dma_start3A_386 : memref<1x80xi32, #tpu.memory_space<vmem>> -> memref<80xi32, #tpu.memory_space<vmem>>
      %dma_start3A_388 = arith.constant 0 : i32
      %dma_start3A_389 = arith.constant 0 : i32
      %dma_start3A_390 = tpu.memref_slice %arg17[%dma_start3A_388, %dma_start3A_389] : memref<10112x128xf32, #tpu.memory_space<vmem_shared>> -> memref<10112x128xf32, #tpu.memory_space<vmem_shared>>
      tpu.enqueue_indirect_dma source(%arg16 : memref<80x128xf32, #tpu.memory_space<vmem>>) target(%dma_start3A_390 : memref<10112x128xf32, #tpu.memory_space<vmem_shared>>) offsets(%dma_start3A_387 : memref<80xi32, #tpu.memory_space<vmem>>) semaphore(%arg25 : memref<!tpu.dma_semaphore, #tpu.memory_space<semaphore_mem>>) {add = true}
      %add3A_391 = arith.constant 7 : i32
      %add3A_392 = arith.addi %add3A_155, %add3A_391 : i32
      %add3A_393 = arith.constant 2 : i32
      %add3A_394 = arith.addi %add3A_392, %add3A_393 : i32
      %lt3A_395 = arith.constant 128 : i32
      %lt3A_396 = arith.cmpi slt, %add3A_394, %lt3A_395 : i32
      %convert_element_type3A_397 = arith.extui %lt3A_396 : i1 to i32
      %cond3A_398 = arith.constant 0 : i32
      %cond3A_399 = arith.cmpi ne, %convert_element_type3A_397, %cond3A_398 : i32
      scf.if %cond3A_399 {
        %add3A_409 = arith.constant 7 : i32
        %add3A_410 = arith.addi %add3A_155, %add3A_409 : i32
        %sub3A = arith.constant 2 : i32
        %sub3A_411 = arith.subi %add3A_410, %sub3A : i32
        %ge3A = arith.constant 0 : i32
        %ge3A_412 = arith.cmpi sge, %sub3A_411, %ge3A : i32
        %convert_element_type3A_413 = arith.extui %ge3A_412 : i1 to i32
        %cond3A_414 = arith.constant 0 : i32
        %cond3A_415 = arith.cmpi ne, %convert_element_type3A_413, %cond3A_414 : i32
        scf.if %cond3A_415 {
          %dma_wait3A_436 = arith.constant 1 : i32
          %dma_wait3A_437 = arith.constant 0 : i32
          %dma_wait3A_438 = tpu.memref_slice %arg6[%dma_wait3A_436, %dma_wait3A_437] : memref<2x80xi32, #tpu.memory_space<vmem>> -> memref<1x80xi32, #tpu.memory_space<vmem>>
          %dma_wait3A_439 = tpu.memref_squeeze %dma_wait3A_438 : memref<1x80xi32, #tpu.memory_space<vmem>> -> memref<80xi32, #tpu.memory_space<vmem>>
          %dma_wait3A_440 = arith.constant 0 : i32
          %dma_wait3A_441 = arith.constant 0 : i32
          %dma_wait3A_442 = tpu.memref_slice %arg17[%dma_wait3A_440, %dma_wait3A_441] : memref<10112x128xf32, #tpu.memory_space<vmem_shared>> -> memref<10112x128xf32, #tpu.memory_space<vmem_shared>>
          tpu.wait_indirect_dma semaphore(%arg23 : memref<!tpu.dma_semaphore, #tpu.memory_space<semaphore_mem>>) src(%arg14 : memref<80x128xf32, #tpu.memory_space<vmem>>) dst(%dma_wait3A_442 : memref<10112x128xf32, #tpu.memory_space<vmem_shared>>)
        } else {
        }
        %add3A_416 = arith.addi %mul3A_2, %add3A_155 : i32
        %add3A_417 = arith.constant 7 : i32
        %add3A_418 = arith.addi %add3A_416, %add3A_417 : i32
        %add3A_419 = arith.constant 2 : i32
        %add3A_420 = arith.addi %add3A_418, %add3A_419 : i32
        %dma_wait3A_421 = arith.constant 0 : i32
        %dma_wait3A_422 = arith.constant 0 : i32
        %dma_wait3A_423 = tpu.memref_slice %arg3[%add3A_420, %dma_wait3A_421, %dma_wait3A_422] : memref<4096x2x80xi32, #tpu.memory_space<hbm>> -> memref<1x2x80xi32, #tpu.memory_space<hbm>>
        %dma_wait3A_424 = tpu.memref_squeeze %dma_wait3A_423 : memref<1x2x80xi32, #tpu.memory_space<hbm>> -> memref<2x80xi32, #tpu.memory_space<hbm>>
        %dma_wait3A_425 = arith.constant 0 : i32
        %dma_wait3A_426 = arith.constant 0 : i32
        %dma_wait3A_427 = tpu.memref_slice %arg3[%add3A_420, %dma_wait3A_425, %dma_wait3A_426] : memref<4096x2x80xi32, #tpu.memory_space<hbm>> -> memref<1x2x80xi32, #tpu.memory_space<hbm>>
        %dma_wait3A_428 = tpu.memref_squeeze %dma_wait3A_427 : memref<1x2x80xi32, #tpu.memory_space<hbm>> -> memref<2x80xi32, #tpu.memory_space<hbm>>
        tpu.wait_dma2 semaphore(%arg27 : memref<!tpu.dma_semaphore, #tpu.memory_space<semaphore_mem>>) src(%dma_wait3A_428 : memref<2x80xi32, #tpu.memory_space<hbm>>) dst(%arg6 : memref<2x80xi32, #tpu.memory_space<vmem>>)
        %dma_start3A_429 = arith.constant 0 : i32
        %dma_start3A_430 = arith.constant 0 : i32
        %dma_start3A_431 = tpu.memref_slice %arg6[%dma_start3A_429, %dma_start3A_430] : memref<2x80xi32, #tpu.memory_space<vmem>> -> memref<1x80xi32, #tpu.memory_space<vmem>>
        %dma_start3A_432 = tpu.memref_squeeze %dma_start3A_431 : memref<1x80xi32, #tpu.memory_space<vmem>> -> memref<80xi32, #tpu.memory_space<vmem>>
        %dma_start3A_433 = arith.constant 0 : i32
        %dma_start3A_434 = arith.constant 0 : i32
        %dma_start3A_435 = tpu.memref_slice %arg2[%dma_start3A_433, %dma_start3A_434] : memref<10080x128xf32, #tpu.memory_space<hbm>> -> memref<10080x128xf32, #tpu.memory_space<hbm>>
        tpu.enqueue_indirect_dma source(%dma_start3A_435 : memref<10080x128xf32, #tpu.memory_space<hbm>>) target(%arg14 : memref<80x128xf32, #tpu.memory_space<vmem>>) offsets(%dma_start3A_432 : memref<80xi32, #tpu.memory_space<vmem>>) semaphore(%arg19 : memref<!tpu.dma_semaphore, #tpu.memory_space<semaphore_mem>>)
      } else {
      }
      %add3A_400 = arith.constant 7 : i32
      %add3A_401 = arith.addi %add3A_155, %add3A_400 : i32
      %add3A_402 = arith.constant 6 : i32
      %add3A_403 = arith.addi %add3A_401, %add3A_402 : i32
      %lt3A_404 = arith.constant 128 : i32
      %lt3A_405 = arith.cmpi slt, %add3A_403, %lt3A_404 : i32
      %convert_element_type3A_406 = arith.extui %lt3A_405 : i1 to i32
      %cond3A_407 = arith.constant 0 : i32
      %cond3A_408 = arith.cmpi ne, %convert_element_type3A_406, %cond3A_407 : i32
      scf.if %cond3A_408 {
        %add3A_409 = arith.addi %mul3A_2, %add3A_155 : i32
        %add3A_410 = arith.constant 7 : i32
        %add3A_411 = arith.addi %add3A_409, %add3A_410 : i32
        %add3A_412 = arith.constant 6 : i32
        %add3A_413 = arith.addi %add3A_411, %add3A_412 : i32
        %dma_start3A_414 = arith.constant 0 : i32
        %dma_start3A_415 = arith.constant 0 : i32
        %dma_start3A_416 = tpu.memref_slice %arg3[%add3A_413, %dma_start3A_414, %dma_start3A_415] : memref<4096x2x80xi32, #tpu.memory_space<hbm>> -> memref<1x2x80xi32, #tpu.memory_space<hbm>>
        %dma_start3A_417 = tpu.memref_squeeze %dma_start3A_416 : memref<1x2x80xi32, #tpu.memory_space<hbm>> -> memref<2x80xi32, #tpu.memory_space<hbm>>
        %dma_start3A_418 = arith.constant 0 : i32
        %dma_start3A_419 = arith.constant 0 : i32
        %dma_start3A_420 = tpu.memref_slice %arg3[%add3A_413, %dma_start3A_418, %dma_start3A_419] : memref<4096x2x80xi32, #tpu.memory_space<hbm>> -> memref<1x2x80xi32, #tpu.memory_space<hbm>>
        %dma_start3A_421 = tpu.memref_squeeze %dma_start3A_420 : memref<1x2x80xi32, #tpu.memory_space<hbm>> -> memref<2x80xi32, #tpu.memory_space<hbm>>
        tpu.enqueue_dma source(%dma_start3A_421 : memref<2x80xi32, #tpu.memory_space<hbm>>) target(%arg10 : memref<2x80xi32, #tpu.memory_space<vmem>>) target_semaphore(%arg31 : memref<!tpu.dma_semaphore, #tpu.memory_space<semaphore_mem>>)
      } else {
      }
    }
    %scan3A_112 = arith.constant 16 : i32
    %dma_wait3A_113 = arith.constant 1 : i32
    %dma_wait3A_114 = arith.constant 0 : i32
    %dma_wait3A_115 = tpu.memref_slice %arg9[%dma_wait3A_113, %dma_wait3A_114] : memref<2x80xi32, #tpu.memory_space<vmem>> -> memref<1x80xi32, #tpu.memory_space<vmem>>
    %dma_wait3A_116 = tpu.memref_squeeze %dma_wait3A_115 : memref<1x80xi32, #tpu.memory_space<vmem>> -> memref<80xi32, #tpu.memory_space<vmem>>
    %dma_wait3A_117 = arith.constant 0 : i32
    %dma_wait3A_118 = arith.constant 0 : i32
    %dma_wait3A_119 = tpu.memref_slice %arg17[%dma_wait3A_117, %dma_wait3A_118] : memref<10112x128xf32, #tpu.memory_space<vmem_shared>> -> memref<10112x128xf32, #tpu.memory_space<vmem_shared>>
    tpu.wait_indirect_dma semaphore(%arg22 : memref<!tpu.dma_semaphore, #tpu.memory_space<semaphore_mem>>) src(%arg13 : memref<80x128xf32, #tpu.memory_space<vmem>>) dst(%dma_wait3A_119 : memref<10112x128xf32, #tpu.memory_space<vmem_shared>>)
    %dma_wait3A_120 = arith.constant 1 : i32
    %dma_wait3A_121 = arith.constant 0 : i32
    %dma_wait3A_122 = tpu.memref_slice %arg10[%dma_wait3A_120, %dma_wait3A_121] : memref<2x80xi32, #tpu.memory_space<vmem>> -> memref<1x80xi32, #tpu.memory_space<vmem>>
    %dma_wait3A_123 = tpu.memref_squeeze %dma_wait3A_122 : memref<1x80xi32, #tpu.memory_space<vmem>> -> memref<80xi32, #tpu.memory_space<vmem>>
    %dma_wait3A_124 = arith.constant 0 : i32
    %dma_wait3A_125 = arith.constant 0 : i32
    %dma_wait3A_126 = tpu.memref_slice %arg17[%dma_wait3A_124, %dma_wait3A_125] : memref<10112x128xf32, #tpu.memory_space<vmem_shared>> -> memref<10112x128xf32, #tpu.memory_space<vmem_shared>>
    tpu.wait_indirect_dma semaphore(%arg23 : memref<!tpu.dma_semaphore, #tpu.memory_space<semaphore_mem>>) src(%arg14 : memref<80x128xf32, #tpu.memory_space<vmem>>) dst(%dma_wait3A_126 : memref<10112x128xf32, #tpu.memory_space<vmem_shared>>)
    %dma_wait3A_127 = arith.constant 1 : i32
    %dma_wait3A_128 = arith.constant 0 : i32
    %dma_wait3A_129 = tpu.memref_slice %arg11[%dma_wait3A_127, %dma_wait3A_128] : memref<2x80xi32, #tpu.memory_space<vmem>> -> memref<1x80xi32, #tpu.memory_space<vmem>>
    %dma_wait3A_130 = tpu.memref_squeeze %dma_wait3A_129 : memref<1x80xi32, #tpu.memory_space<vmem>> -> memref<80xi32, #tpu.memory_space<vmem>>
    %dma_wait3A_131 = arith.constant 0 : i32
    %dma_wait3A_132 = arith.constant 0 : i32
    %dma_wait3A_133 = tpu.memref_slice %arg17[%dma_wait3A_131, %dma_wait3A_132] : memref<10112x128xf32, #tpu.memory_space<vmem_shared>> -> memref<10112x128xf32, #tpu.memory_space<vmem_shared>>
    tpu.wait_indirect_dma semaphore(%arg24 : memref<!tpu.dma_semaphore, #tpu.memory_space<semaphore_mem>>) src(%arg15 : memref<80x128xf32, #tpu.memory_space<vmem>>) dst(%dma_wait3A_133 : memref<10112x128xf32, #tpu.memory_space<vmem_shared>>)
    %dma_wait3A_134 = arith.constant 1 : i32
    %dma_wait3A_135 = arith.constant 0 : i32
    %dma_wait3A_136 = tpu.memref_slice %arg12[%dma_wait3A_134, %dma_wait3A_135] : memref<2x80xi32, #tpu.memory_space<vmem>> -> memref<1x80xi32, #tpu.memory_space<vmem>>
    %dma_wait3A_137 = tpu.memref_squeeze %dma_wait3A_136 : memref<1x80xi32, #tpu.memory_space<vmem>> -> memref<80xi32, #tpu.memory_space<vmem>>
    %dma_wait3A_138 = arith.constant 0 : i32
    %dma_wait3A_139 = arith.constant 0 : i32
    %dma_wait3A_140 = tpu.memref_slice %arg17[%dma_wait3A_138, %dma_wait3A_139] : memref<10112x128xf32, #tpu.memory_space<vmem_shared>> -> memref<10112x128xf32, #tpu.memory_space<vmem_shared>>
    tpu.wait_indirect_dma semaphore(%arg25 : memref<!tpu.dma_semaphore, #tpu.memory_space<semaphore_mem>>) src(%arg16 : memref<80x128xf32, #tpu.memory_space<vmem>>) dst(%dma_wait3A_140 : memref<10112x128xf32, #tpu.memory_space<vmem_shared>>)
    %barrier3A_141 = arith.constant 0 : index
    tpu.barrier barrier_id(%barrier3A_141)
    %scan3A_142 = arith.constant 0 : i32
    %scan3A_143 = arith.constant 7 : i32
    %scan3A_144 = arith.addi %scan3A_142, %scan3A_143 : i32
    %scan3A_145 = arith.constant 1 : i32
    scf.for %scan3A_151 = %scan3A_142 to %scan3A_144 step %scan3A_145  : i32 {
      %mul3A_152 = arith.constant 1 : i32
      %mul3A_153 = arith.muli %scan3A_151, %mul3A_152 : i32
      %add3A_154 = arith.constant 0 : i32
      %add3A_155 = arith.addi %add3A_154, %mul3A_153 : i32
      %mul3A_156 = arith.constant 632 : i32
      %mul3A_157 = arith.muli %arg1, %mul3A_156 : i32
      %mul3A_158 = arith.constant 80 : i32
      %mul3A_159 = arith.muli %add3A_155, %mul3A_158 : i32
      %add3A_160 = arith.addi %mul3A_157, %mul3A_159 : i32
      "tpu.region"() ({
        %run_scoped3A = tpu.sem_alloc : memref<!tpu.dma_semaphore, #tpu.memory_space<semaphore_mem>>
        %dma_start3A_161 = arith.constant 0 : i32
        %dma_start3A_162 = arith.constant 0 : i32
        %dma_start3A_163 = tpu.memref_slice %arg4[%arg0, %dma_start3A_161, %dma_start3A_162] : memref<2x10112x128xf32, #tpu.memory_space<hbm>> -> memref<1x10112x128xf32, #tpu.memory_space<hbm>>
        %dma_start3A_164 = tpu.memref_squeeze %dma_start3A_163 : memref<1x10112x128xf32, #tpu.memory_space<hbm>> -> memref<10112x128xf32, #tpu.memory_space<hbm>>
        %dma_start3A_165 = arith.constant 0 : i32
        %dma_start3A_166 = tpu.memref_slice %dma_start3A_164[%add3A_160, %dma_start3A_165] : memref<10112x128xf32, #tpu.memory_space<hbm>> -> memref<80x128xf32, #tpu.memory_space<hbm>>
        %dma_start3A_167 = arith.constant 0 : i32
        %dma_start3A_168 = tpu.memref_slice %arg17[%add3A_160, %dma_start3A_167] : memref<10112x128xf32, #tpu.memory_space<vmem_shared>> -> memref<80x128xf32, #tpu.memory_space<vmem_shared>>
        tpu.enqueue_dma source(%dma_start3A_168 : memref<80x128xf32, #tpu.memory_space<vmem_shared>>) target(%dma_start3A_166 : memref<80x128xf32, #tpu.memory_space<hbm>>) target_semaphore(%run_scoped3A : memref<!tpu.dma_semaphore, #tpu.memory_space<semaphore_mem>>)
        %dma_wait3A_169 = arith.constant 0 : i32
        %dma_wait3A_170 = arith.constant 0 : i32
        %dma_wait3A_171 = tpu.memref_slice %arg4[%arg0, %dma_wait3A_169, %dma_wait3A_170] : memref<2x10112x128xf32, #tpu.memory_space<hbm>> -> memref<1x10112x128xf32, #tpu.memory_space<hbm>>
        %dma_wait3A_172 = tpu.memref_squeeze %dma_wait3A_171 : memref<1x10112x128xf32, #tpu.memory_space<hbm>> -> memref<10112x128xf32, #tpu.memory_space<hbm>>
        %dma_wait3A_173 = arith.constant 0 : i32
        %dma_wait3A_174 = tpu.memref_slice %dma_wait3A_172[%add3A_160, %dma_wait3A_173] : memref<10112x128xf32, #tpu.memory_space<hbm>> -> memref<80x128xf32, #tpu.memory_space<hbm>>
        %dma_wait3A_175 = arith.constant 0 : i32
        %dma_wait3A_176 = tpu.memref_slice %arg17[%add3A_160, %dma_wait3A_175] : memref<10112x128xf32, #tpu.memory_space<vmem_shared>> -> memref<80x128xf32, #tpu.memory_space<vmem_shared>>
        tpu.wait_dma2 semaphore(%run_scoped3A : memref<!tpu.dma_semaphore, #tpu.memory_space<semaphore_mem>>) src(%dma_wait3A_176 : memref<80x128xf32, #tpu.memory_space<vmem_shared>>) dst(%dma_wait3A_174 : memref<80x128xf32, #tpu.memory_space<hbm>>)
        tpu.yield
      }) : () -> ()
    }
    %scan3A_146 = arith.constant 7 : i32
    %mul3A_147 = arith.constant 632 : i32
    %mul3A_148 = arith.muli %arg1, %mul3A_147 : i32
    %add3A_149 = arith.constant 560 : i32
    %add3A_150 = arith.addi %mul3A_148, %add3A_149 : i32
    "tpu.region"() ({
      %run_scoped3A = tpu.sem_alloc : memref<!tpu.dma_semaphore, #tpu.memory_space<semaphore_mem>>
      %dma_start3A_151 = arith.constant 0 : i32
      %dma_start3A_152 = arith.constant 0 : i32
      %dma_start3A_153 = tpu.memref_slice %arg4[%arg0, %dma_start3A_151, %dma_start3A_152] : memref<2x10112x128xf32, #tpu.memory_space<hbm>> -> memref<1x10112x128xf32, #tpu.memory_space<hbm>>
      %dma_start3A_154 = tpu.memref_squeeze %dma_start3A_153 : memref<1x10112x128xf32, #tpu.memory_space<hbm>> -> memref<10112x128xf32, #tpu.memory_space<hbm>>
      %dma_start3A_155 = arith.constant 0 : i32
      %dma_start3A_156 = tpu.memref_slice %dma_start3A_154[%add3A_150, %dma_start3A_155] : memref<10112x128xf32, #tpu.memory_space<hbm>> -> memref<72x128xf32, #tpu.memory_space<hbm>>
      %dma_start3A_157 = arith.constant 0 : i32
      %dma_start3A_158 = tpu.memref_slice %arg17[%add3A_150, %dma_start3A_157] : memref<10112x128xf32, #tpu.memory_space<vmem_shared>> -> memref<72x128xf32, #tpu.memory_space<vmem_shared>>
      tpu.enqueue_dma source(%dma_start3A_158 : memref<72x128xf32, #tpu.memory_space<vmem_shared>>) target(%dma_start3A_156 : memref<72x128xf32, #tpu.memory_space<hbm>>) target_semaphore(%run_scoped3A : memref<!tpu.dma_semaphore, #tpu.memory_space<semaphore_mem>>)
      %dma_wait3A_159 = arith.constant 0 : i32
      %dma_wait3A_160 = arith.constant 0 : i32
      %dma_wait3A_161 = tpu.memref_slice %arg4[%arg0, %dma_wait3A_159, %dma_wait3A_160] : memref<2x10112x128xf32, #tpu.memory_space<hbm>> -> memref<1x10112x128xf32, #tpu.memory_space<hbm>>
      %dma_wait3A_162 = tpu.memref_squeeze %dma_wait3A_161 : memref<1x10112x128xf32, #tpu.memory_space<hbm>> -> memref<10112x128xf32, #tpu.memory_space<hbm>>
      %dma_wait3A_163 = arith.constant 0 : i32
      %dma_wait3A_164 = tpu.memref_slice %dma_wait3A_162[%add3A_150, %dma_wait3A_163] : memref<10112x128xf32, #tpu.memory_space<hbm>> -> memref<72x128xf32, #tpu.memory_space<hbm>>
      %dma_wait3A_165 = arith.constant 0 : i32
      %dma_wait3A_166 = tpu.memref_slice %arg17[%add3A_150, %dma_wait3A_165] : memref<10112x128xf32, #tpu.memory_space<vmem_shared>> -> memref<72x128xf32, #tpu.memory_space<vmem_shared>>
      tpu.wait_dma2 semaphore(%run_scoped3A : memref<!tpu.dma_semaphore, #tpu.memory_space<semaphore_mem>>) src(%dma_wait3A_166 : memref<72x128xf32, #tpu.memory_space<vmem_shared>>) dst(%dma_wait3A_164 : memref<72x128xf32, #tpu.memory_space<hbm>>)
      tpu.yield
    }) : () -> ()
    return
  }
}

#map = affine_map<(d0, d1) -> (0, 0)>
#map1 = affine_map<(d0, d1) -> (0, 0, 0)>
module attributes {stable_mosaic.version = 14 : i64} {
  func.func @k(%arg0: i32, %arg1: i32, %arg2: memref<10080x128xf32, #tpu.memory_space<hbm>>, %arg3: memref<4096x2x80xi32, #tpu.memory_space<hbm>>, %arg4: memref<2x10112x128xf32, #tpu.memory_space<hbm>>, %arg5: memref<2x80xi32, #tpu.memory_space<vmem>>, %arg6: memref<2x80xi32, #tpu.memory_space<vmem>>, %arg7: memref<2x80xi32, #tpu.memory_space<vmem>>, %arg8: memref<2x80xi32, #tpu.memory_space<vmem>>, %arg9: memref<2x80xi32, #tpu.memory_space<vmem>>, %arg10: memref<2x80xi32, #tpu.memory_space<vmem>>, %arg11: memref<2x80xi32, #tpu.memory_space<vmem>>, %arg12: memref<2x80xi32, #tpu.memory_space<vmem>>, %arg13: memref<80x128xf32, #tpu.memory_space<vmem>>, %arg14: memref<80x128xf32, #tpu.memory_space<vmem>>, %arg15: memref<80x128xf32, #tpu.memory_space<vmem>>, %arg16: memref<80x128xf32, #tpu.memory_space<vmem>>, %arg17: memref<10112x128xf32, #tpu.memory_space<vmem_shared>>, %arg18: memref<!tpu.dma_semaphore, #tpu.memory_space<semaphore_mem>>, %arg19: memref<!tpu.dma_semaphore, #tpu.memory_space<semaphore_mem>>, %arg20: memref<!tpu.dma_semaphore, #tpu.memory_space<semaphore_mem>>, %arg21: memref<!tpu.dma_semaphore, #tpu.memory_space<semaphore_mem>>, %arg22: memref<!tpu.dma_semaphore, #tpu.memory_space<semaphore_mem>>, %arg23: memref<!tpu.dma_semaphore, #tpu.memory_space<semaphore_mem>>, %arg24: memref<!tpu.dma_semaphore, #tpu.memory_space<semaphore_mem>>, %arg25: memref<!tpu.dma_semaphore, #tpu.memory_space<semaphore_mem>>, %arg26: memref<!tpu.dma_semaphore, #tpu.memory_space<semaphore_mem>>, %arg27: memref<!tpu.dma_semaphore, #tpu.memory_space<semaphore_mem>>, %arg28: memref<!tpu.dma_semaphore, #tpu.memory_space<semaphore_mem>>, %arg29: memref<!tpu.dma_semaphore, #tpu.memory_space<semaphore_mem>>, %arg30: memref<!tpu.dma_semaphore, #tpu.memory_space<semaphore_mem>>, %arg31: memref<!tpu.dma_semaphore, #tpu.memory_space<semaphore_mem>>, %arg32: memref<!tpu.dma_semaphore, #tpu.memory_space<semaphore_mem>>, %arg33: memref<!tpu.dma_semaphore, #tpu.memory_space<semaphore_mem>>) attributes {dimension_semantics = [#tpu.dimension_semantics<core_parallel>, #tpu.dimension_semantics<subcore_parallel>], iteration_bounds = array<i64: 2, 16>, scalar_prefetch = 0 : i64, scratch_operands = 29 : i64, tpu.core_type = #tpu.core_type<sc_vector_subcore>, window_params = [{transform_indices = #map}, {transform_indices = #map1}, {transform_indices = #map1}]} {
    %mul3A = arith.constant 16 : i32
    %mul3A_0 = arith.muli %arg0, %mul3A : i32
    %add3A = arith.addi %mul3A_0, %arg1 : i32
    %mul3A_1 = arith.constant 128 : i32
    %mul3A_2 = arith.muli %add3A, %mul3A_1 : i32
    %add3A_3 = arith.constant 0 : i32
    %add3A_4 = arith.addi %mul3A_2, %add3A_3 : i32
    %dma_start3A = arith.constant 0 : i32
    %dma_start3A_5 = arith.constant 0 : i32
    %dma_start3A_6 = tpu.memref_slice %arg3[%add3A_4, %dma_start3A, %dma_start3A_5] : memref<4096x2x80xi32, #tpu.memory_space<hbm>> -> memref<1x2x80xi32, #tpu.memory_space<hbm>>
    %dma_start3A_7 = tpu.memref_squeeze %dma_start3A_6 : memref<1x2x80xi32, #tpu.memory_space<hbm>> -> memref<2x80xi32, #tpu.memory_space<hbm>>
    %dma_start3A_8 = arith.constant 0 : i32
    %dma_start3A_9 = arith.constant 0 : i32
    %dma_start3A_10 = tpu.memref_slice %arg3[%add3A_4, %dma_start3A_8, %dma_start3A_9] : memref<4096x2x80xi32, #tpu.memory_space<hbm>> -> memref<1x2x80xi32, #tpu.memory_space<hbm>>
    %dma_start3A_11 = tpu.memref_squeeze %dma_start3A_10 : memref<1x2x80xi32, #tpu.memory_space<hbm>> -> memref<2x80xi32, #tpu.memory_space<hbm>>
    tpu.enqueue_dma source(%dma_start3A_11 : memref<2x80xi32, #tpu.memory_space<hbm>>) target(%arg5 : memref<2x80xi32, #tpu.memory_space<vmem>>) target_semaphore(%arg26 : memref<!tpu.dma_semaphore, #tpu.memory_space<semaphore_mem>>)
    %add3A_12 = arith.constant 1 : i32
    %add3A_13 = arith.addi %mul3A_2, %add3A_12 : i32
    %dma_start3A_14 = arith.constant 0 : i32
    %dma_start3A_15 = arith.constant 0 : i32
    %dma_start3A_16 = tpu.memref_slice %arg3[%add3A_13, %dma_start3A_14, %dma_start3A_15] : memref<4096x2x80xi32, #tpu.memory_space<hbm>> -> memref<1x2x80xi32, #tpu.memory_space<hbm>>
    %dma_start3A_17 = tpu.memref_squeeze %dma_start3A_16 : memref<1x2x80xi32, #tpu.memory_space<hbm>> -> memref<2x80xi32, #tpu.memory_space<hbm>>
    %dma_start3A_18 = arith.constant 0 : i32
    %dma_start3A_19 = arith.constant 0 : i32
    %dma_start3A_20 = tpu.memref_slice %arg3[%add3A_13, %dma_start3A_18, %dma_start3A_19] : memref<4096x2x80xi32, #tpu.memory_space<hbm>> -> memref<1x2x80xi32, #tpu.memory_space<hbm>>
    %dma_start3A_21 = tpu.memref_squeeze %dma_start3A_20 : memref<1x2x80xi32, #tpu.memory_space<hbm>> -> memref<2x80xi32, #tpu.memory_space<hbm>>
    tpu.enqueue_dma source(%dma_start3A_21 : memref<2x80xi32, #tpu.memory_space<hbm>>) target(%arg6 : memref<2x80xi32, #tpu.memory_space<vmem>>) target_semaphore(%arg27 : memref<!tpu.dma_semaphore, #tpu.memory_space<semaphore_mem>>)
    %add3A_22 = arith.constant 2 : i32
    %add3A_23 = arith.addi %mul3A_2, %add3A_22 : i32
    %dma_start3A_24 = arith.constant 0 : i32
    %dma_start3A_25 = arith.constant 0 : i32
    %dma_start3A_26 = tpu.memref_slice %arg3[%add3A_23, %dma_start3A_24, %dma_start3A_25] : memref<4096x2x80xi32, #tpu.memory_space<hbm>> -> memref<1x2x80xi32, #tpu.memory_space<hbm>>
    %dma_start3A_27 = tpu.memref_squeeze %dma_start3A_26 : memref<1x2x80xi32, #tpu.memory_space<hbm>> -> memref<2x80xi32, #tpu.memory_space<hbm>>
    %dma_start3A_28 = arith.constant 0 : i32
    %dma_start3A_29 = arith.constant 0 : i32
    %dma_start3A_30 = tpu.memref_slice %arg3[%add3A_23, %dma_start3A_28, %dma_start3A_29] : memref<4096x2x80xi32, #tpu.memory_space<hbm>> -> memref<1x2x80xi32, #tpu.memory_space<hbm>>
    %dma_start3A_31 = tpu.memref_squeeze %dma_start3A_30 : memref<1x2x80xi32, #tpu.memory_space<hbm>> -> memref<2x80xi32, #tpu.memory_space<hbm>>
    tpu.enqueue_dma source(%dma_start3A_31 : memref<2x80xi32, #tpu.memory_space<hbm>>) target(%arg7 : memref<2x80xi32, #tpu.memory_space<vmem>>) target_semaphore(%arg28 : memref<!tpu.dma_semaphore, #tpu.memory_space<semaphore_mem>>)
    %add3A_32 = arith.constant 3 : i32
    %add3A_33 = arith.addi %mul3A_2, %add3A_32 : i32
    %dma_start3A_34 = arith.constant 0 : i32
    %dma_start3A_35 = arith.constant 0 : i32
    %dma_start3A_36 = tpu.memref_slice %arg3[%add3A_33, %dma_start3A_34, %dma_start3A_35] : memref<4096x2x80xi32, #tpu.memory_space<hbm>> -> memref<1x2x80xi32, #tpu.memory_space<hbm>>
    %dma_start3A_37 = tpu.memref_squeeze %dma_start3A_36 : memref<1x2x80xi32, #tpu.memory_space<hbm>> -> memref<2x80xi32, #tpu.memory_space<hbm>>
    %dma_start3A_38 = arith.constant 0 : i32
    %dma_start3A_39 = arith.constant 0 : i32
    %dma_start3A_40 = tpu.memref_slice %arg3[%add3A_33, %dma_start3A_38, %dma_start3A_39] : memref<4096x2x80xi32, #tpu.memory_space<hbm>> -> memref<1x2x80xi32, #tpu.memory_space<hbm>>
    %dma_start3A_41 = tpu.memref_squeeze %dma_start3A_40 : memref<1x2x80xi32, #tpu.memory_space<hbm>> -> memref<2x80xi32, #tpu.memory_space<hbm>>
    tpu.enqueue_dma source(%dma_start3A_41 : memref<2x80xi32, #tpu.memory_space<hbm>>) target(%arg8 : memref<2x80xi32, #tpu.memory_space<vmem>>) target_semaphore(%arg29 : memref<!tpu.dma_semaphore, #tpu.memory_space<semaphore_mem>>)
    %add3A_42 = arith.constant 4 : i32
    %add3A_43 = arith.addi %mul3A_2, %add3A_42 : i32
    %dma_start3A_44 = arith.constant 0 : i32
    %dma_start3A_45 = arith.constant 0 : i32
    %dma_start3A_46 = tpu.memref_slice %arg3[%add3A_43, %dma_start3A_44, %dma_start3A_45] : memref<4096x2x80xi32, #tpu.memory_space<hbm>> -> memref<1x2x80xi32, #tpu.memory_space<hbm>>
    %dma_start3A_47 = tpu.memref_squeeze %dma_start3A_46 : memref<1x2x80xi32, #tpu.memory_space<hbm>> -> memref<2x80xi32, #tpu.memory_space<hbm>>
    %dma_start3A_48 = arith.constant 0 : i32
    %dma_start3A_49 = arith.constant 0 : i32
    %dma_start3A_50 = tpu.memref_slice %arg3[%add3A_43, %dma_start3A_48, %dma_start3A_49] : memref<4096x2x80xi32, #tpu.memory_space<hbm>> -> memref<1x2x80xi32, #tpu.memory_space<hbm>>
    %dma_start3A_51 = tpu.memref_squeeze %dma_start3A_50 : memref<1x2x80xi32, #tpu.memory_space<hbm>> -> memref<2x80xi32, #tpu.memory_space<hbm>>
    tpu.enqueue_dma source(%dma_start3A_51 : memref<2x80xi32, #tpu.memory_space<hbm>>) target(%arg9 : memref<2x80xi32, #tpu.memory_space<vmem>>) target_semaphore(%arg30 : memref<!tpu.dma_semaphore, #tpu.memory_space<semaphore_mem>>)
    %add3A_52 = arith.constant 5 : i32
    %add3A_53 = arith.addi %mul3A_2, %add3A_52 : i32
    %dma_start3A_54 = arith.constant 0 : i32
    %dma_start3A_55 = arith.constant 0 : i32
    %dma_start3A_56 = tpu.memref_slice %arg3[%add3A_53, %dma_start3A_54, %dma_start3A_55] : memref<4096x2x80xi32, #tpu.memory_space<hbm>> -> memref<1x2x80xi32, #tpu.memory_space<hbm>>
    %dma_start3A_57 = tpu.memref_squeeze %dma_start3A_56 : memref<1x2x80xi32, #tpu.memory_space<hbm>> -> memref<2x80xi32, #tpu.memory_space<hbm>>
    %dma_start3A_58 = arith.constant 0 : i32
    %dma_start3A_59 = arith.constant 0 : i32
    %dma_start3A_60 = tpu.memref_slice %arg3[%add3A_53, %dma_start3A_58, %dma_start3A_59] : memref<4096x2x80xi32, #tpu.memory_space<hbm>> -> memref<1x2x80xi32, #tpu.memory_space<hbm>>
    %dma_start3A_61 = tpu.memref_squeeze %dma_start3A_60 : memref<1x2x80xi32, #tpu.memory_space<hbm>> -> memref<2x80xi32, #tpu.memory_space<hbm>>
    tpu.enqueue_dma source(%dma_start3A_61 : memref<2x80xi32, #tpu.memory_space<hbm>>) target(%arg10 : memref<2x80xi32, #tpu.memory_space<vmem>>) target_semaphore(%arg31 : memref<!tpu.dma_semaphore, #tpu.memory_space<semaphore_mem>>)
    %add3A_62 = arith.constant 0 : i32
    %add3A_63 = arith.addi %mul3A_2, %add3A_62 : i32
    %dma_wait3A = arith.constant 0 : i32
    %dma_wait3A_64 = arith.constant 0 : i32
    %dma_wait3A_65 = tpu.memref_slice %arg3[%add3A_63, %dma_wait3A, %dma_wait3A_64] : memref<4096x2x80xi32, #tpu.memory_space<hbm>> -> memref<1x2x80xi32, #tpu.memory_space<hbm>>
    %dma_wait3A_66 = tpu.memref_squeeze %dma_wait3A_65 : memref<1x2x80xi32, #tpu.memory_space<hbm>> -> memref<2x80xi32, #tpu.memory_space<hbm>>
    %dma_wait3A_67 = arith.constant 0 : i32
    %dma_wait3A_68 = arith.constant 0 : i32
    %dma_wait3A_69 = tpu.memref_slice %arg3[%add3A_63, %dma_wait3A_67, %dma_wait3A_68] : memref<4096x2x80xi32, #tpu.memory_space<hbm>> -> memref<1x2x80xi32, #tpu.memory_space<hbm>>
    %dma_wait3A_70 = tpu.memref_squeeze %dma_wait3A_69 : memref<1x2x80xi32, #tpu.memory_space<hbm>> -> memref<2x80xi32, #tpu.memory_space<hbm>>
    tpu.wait_dma2 semaphore(%arg26 : memref<!tpu.dma_semaphore, #tpu.memory_space<semaphore_mem>>) src(%dma_wait3A_70 : memref<2x80xi32, #tpu.memory_space<hbm>>) dst(%arg5 : memref<2x80xi32, #tpu.memory_space<vmem>>)
    %dma_start3A_71 = arith.constant 0 : i32
    %dma_start3A_72 = arith.constant 0 : i32
    %dma_start3A_73 = tpu.memref_slice %arg5[%dma_start3A_71, %dma_start3A_72] : memref<2x80xi32, #tpu.memory_space<vmem>> -> memref<1x80xi32, #tpu.memory_space<vmem>>
    %dma_start3A_74 = tpu.memref_squeeze %dma_start3A_73 : memref<1x80xi32, #tpu.memory_space<vmem>> -> memref<80xi32, #tpu.memory_space<vmem>>
    %dma_start3A_75 = arith.constant 0 : i32
    %dma_start3A_76 = arith.constant 0 : i32
    %dma_start3A_77 = tpu.memref_slice %arg2[%dma_start3A_75, %dma_start3A_76] : memref<10080x128xf32, #tpu.memory_space<hbm>> -> memref<10080x128xf32, #tpu.memory_space<hbm>>
    tpu.enqueue_indirect_dma source(%dma_start3A_77 : memref<10080x128xf32, #tpu.memory_space<hbm>>) target(%arg13 : memref<80x128xf32, #tpu.memory_space<vmem>>) offsets(%dma_start3A_74 : memref<80xi32, #tpu.memory_space<vmem>>) semaphore(%arg18 : memref<!tpu.dma_semaphore, #tpu.memory_space<semaphore_mem>>)
    %add3A_78 = arith.constant 1 : i32
    %add3A_79 = arith.addi %mul3A_2, %add3A_78 : i32
    %dma_wait3A_80 = arith.constant 0 : i32
    %dma_wait3A_81 = arith.constant 0 : i32
    %dma_wait3A_82 = tpu.memref_slice %arg3[%add3A_79, %dma_wait3A_80, %dma_wait3A_81] : memref<4096x2x80xi32, #tpu.memory_space<hbm>> -> memref<1x2x80xi32, #tpu.memory_space<hbm>>
    %dma_wait3A_83 = tpu.memref_squeeze %dma_wait3A_82 : memref<1x2x80xi32, #tpu.memory_space<hbm>> -> memref<2x80xi32, #tpu.memory_space<hbm>>
    %dma_wait3A_84 = arith.constant 0 : i32
    %dma_wait3A_85 = arith.constant 0 : i32
    %dma_wait3A_86 = tpu.memref_slice %arg3[%add3A_79, %dma_wait3A_84, %dma_wait3A_85] : memref<4096x2x80xi32, #tpu.memory_space<hbm>> -> memref<1x2x80xi32, #tpu.memory_space<hbm>>
    %dma_wait3A_87 = tpu.memref_squeeze %dma_wait3A_86 : memref<1x2x80xi32, #tpu.memory_space<hbm>> -> memref<2x80xi32, #tpu.memory_space<hbm>>
    tpu.wait_dma2 semaphore(%arg27 : memref<!tpu.dma_semaphore, #tpu.memory_space<semaphore_mem>>) src(%dma_wait3A_87 : memref<2x80xi32, #tpu.memory_space<hbm>>) dst(%arg6 : memref<2x80xi32, #tpu.memory_space<vmem>>)
    %dma_start3A_88 = arith.constant 0 : i32
    %dma_start3A_89 = arith.constant 0 : i32
    %dma_start3A_90 = tpu.memref_slice %arg6[%dma_start3A_88, %dma_start3A_89] : memref<2x80xi32, #tpu.memory_space<vmem>> -> memref<1x80xi32, #tpu.memory_space<vmem>>
    %dma_start3A_91 = tpu.memref_squeeze %dma_start3A_90 : memref<1x80xi32, #tpu.memory_space<vmem>> -> memref<80xi32, #tpu.memory_space<vmem>>
    %dma_start3A_92 = arith.constant 0 : i32
    %dma_start3A_93 = arith.constant 0 : i32
    %dma_start3A_94 = tpu.memref_slice %arg2[%dma_start3A_92, %dma_start3A_93] : memref<10080x128xf32, #tpu.memory_space<hbm>> -> memref<10080x128xf32, #tpu.memory_space<hbm>>
    tpu.enqueue_indirect_dma source(%dma_start3A_94 : memref<10080x128xf32, #tpu.memory_space<hbm>>) target(%arg14 : memref<80x128xf32, #tpu.memory_space<vmem>>) offsets(%dma_start3A_91 : memref<80xi32, #tpu.memory_space<vmem>>) semaphore(%arg19 : memref<!tpu.dma_semaphore, #tpu.memory_space<semaphore_mem>>)
    %scan3A = arith.constant 0 : i32
    %scan3A_95 = arith.constant 80 : i32
    %scan3A_96 = arith.addi %scan3A, %scan3A_95 : i32
    %scan3A_97 = arith.constant 1 : i32
    scf.for %scan3A_151 = %scan3A to %scan3A_96 step %scan3A_97  : i32 {
      %mul3A_152 = arith.constant 1 : i32
      %mul3A_153 = arith.muli %scan3A_151, %mul3A_152 : i32
      %add3A_154 = arith.constant 0 : i32
      %add3A_155 = arith.addi %add3A_154, %mul3A_153 : i32
      %scan3A_156 = arith.constant 0 : i32
      %scan3A_157 = arith.constant 8 : i32
      %scan3A_158 = arith.addi %scan3A_156, %scan3A_157 : i32
      %scan3A_159 = arith.constant 1 : i32
      scf.for %scan3A_161 = %scan3A_156 to %scan3A_158 step %scan3A_159  : i32 {
        %mul3A_162 = arith.constant 16 : i32
        %mul3A_163 = arith.muli %scan3A_161, %mul3A_162 : i32
        %add3A_164 = arith.constant 0 : i32
        %add3A_165 = arith.addi %add3A_164, %mul3A_163 : i32
        %broadcast_in_dim3A = arith.constant 0.000000e+00 : f32
        %broadcast_in_dim3A_166 = vector.broadcast %broadcast_in_dim3A : f32 to vector<16xf32>
        %swap3A = arith.constant 0 : i32
        %swap3A_167 = tpu.memref_slice %arg16[%add3A_155, %swap3A] : memref<80x128xf32, #tpu.memory_space<vmem>> -> memref<1x128xf32, #tpu.memory_space<vmem>>
        %swap3A_168 = tpu.memref_squeeze %swap3A_167 : memref<1x128xf32, #tpu.memory_space<vmem>> -> memref<128xf32, #tpu.memory_space<vmem>>
        %swap3A_169 = arith.index_cast %add3A_165 : i32 to index
        %swap3A_170 = tpu.vector_load %swap3A_168[%swap3A_169] {strides = array<i32>} : memref<128xf32, #tpu.memory_space<vmem>>, vector<16xf32>,
        %swap3A_171 = vector.shape_cast %swap3A_170 : vector<16xf32> to vector<16xf32>
        %swap3A_172 = vector.shape_cast %broadcast_in_dim3A_166 : vector<16xf32> to vector<16xf32>
        tpu.vector_store %swap3A_168[%swap3A_169], %swap3A_172 {strides = array<i32>} : memref<128xf32, #tpu.memory_space<vmem>>, vector<16xf32>,
      }
      %scan3A_160 = arith.constant 8 : i32
    }
    %scan3A_98 = arith.constant 80 : i32
    %scan3A_99 = arith.constant 0 : i32
    %scan3A_100 = arith.constant 7 : i32
    %scan3A_101 = arith.addi %scan3A_99, %scan3A_100 : i32
    %scan3A_102 = arith.constant 1 : i32
    scf.for %scan3A_151 = %scan3A_99 to %scan3A_101 step %scan3A_102  : i32 {
      %mul3A_152 = arith.constant 1 : i32
      %mul3A_153 = arith.muli %scan3A_151, %mul3A_152 : i32
      %add3A_154 = arith.constant 0 : i32
      %add3A_155 = arith.addi %add3A_154, %mul3A_153 : i32
      %mul3A_156 = arith.constant 632 : i32
      %mul3A_157 = arith.muli %arg1, %mul3A_156 : i32
      %mul3A_158 = arith.constant 80 : i32
      %mul3A_159 = arith.muli %add3A_155, %mul3A_158 : i32
      %add3A_160 = arith.addi %mul3A_157, %mul3A_159 : i32
      "tpu.region"() ({
        %run_scoped3A = tpu.sem_alloc : memref<!tpu.dma_semaphore, #tpu.memory_space<semaphore_mem>>
        %dma_start3A_161 = arith.constant 0 : i32
        %dma_start3A_162 = tpu.memref_slice %arg17[%add3A_160, %dma_start3A_161] : memref<10112x128xf32, #tpu.memory_space<vmem_shared>> -> memref<80x128xf32, #tpu.memory_space<vmem_shared>>
        %dma_start3A_163 = arith.constant 0 : i32
        %dma_start3A_164 = tpu.memref_slice %arg17[%add3A_160, %dma_start3A_163] : memref<10112x128xf32, #tpu.memory_space<vmem_shared>> -> memref<80x128xf32, #tpu.memory_space<vmem_shared>>
        tpu.enqueue_dma source(%arg16 : memref<80x128xf32, #tpu.memory_space<vmem>>) target(%dma_start3A_164 : memref<80x128xf32, #tpu.memory_space<vmem_shared>>) target_semaphore(%run_scoped3A : memref<!tpu.dma_semaphore, #tpu.memory_space<semaphore_mem>>)
        %dma_wait3A_165 = arith.constant 0 : i32
        %dma_wait3A_166 = tpu.memref_slice %arg17[%add3A_160, %dma_wait3A_165] : memref<10112x128xf32, #tpu.memory_space<vmem_shared>> -> memref<80x128xf32, #tpu.memory_space<vmem_shared>>
        %dma_wait3A_167 = arith.constant 0 : i32
        %dma_wait3A_168 = tpu.memref_slice %arg17[%add3A_160, %dma_wait3A_167] : memref<10112x128xf32, #tpu.memory_space<vmem_shared>> -> memref<80x128xf32, #tpu.memory_space<vmem_shared>>
        tpu.wait_dma2 semaphore(%run_scoped3A : memref<!tpu.dma_semaphore, #tpu.memory_space<semaphore_mem>>) src(%arg16 : memref<80x128xf32, #tpu.memory_space<vmem>>) dst(%dma_wait3A_168 : memref<80x128xf32, #tpu.memory_space<vmem_shared>>)
        tpu.yield
      }) : () -> ()
    }
    %scan3A_103 = arith.constant 7 : i32
    %mul3A_104 = arith.constant 632 : i32
    %mul3A_105 = arith.muli %arg1, %mul3A_104 : i32
    %add3A_106 = arith.constant 560 : i32
    %add3A_107 = arith.addi %mul3A_105, %add3A_106 : i32
    "tpu.region"() ({
      %run_scoped3A = tpu.sem_alloc : memref<!tpu.dma_semaphore, #tpu.memory_space<semaphore_mem>>
      %dma_start3A_151 = arith.constant 0 : i32
      %dma_start3A_152 = arith.constant 0 : i32
      %dma_start3A_153 = tpu.memref_slice %arg16[%dma_start3A_151, %dma_start3A_152] : memref<80x128xf32, #tpu.memory_space<vmem>> -> memref<72x128xf32, #tpu.memory_space<vmem>>
      %dma_start3A_154 = arith.constant 0 : i32
      %dma_start3A_155 = tpu.memref_slice %arg17[%add3A_107, %dma_start3A_154] : memref<10112x128xf32, #tpu.memory_space<vmem_shared>> -> memref<72x128xf32, #tpu.memory_space<vmem_shared>>
      %dma_start3A_156 = arith.constant 0 : i32
      %dma_start3A_157 = tpu.memref_slice %arg17[%add3A_107, %dma_start3A_156] : memref<10112x128xf32, #tpu.memory_space<vmem_shared>> -> memref<72x128xf32, #tpu.memory_space<vmem_shared>>
      %dma_start3A_158 = arith.constant 0 : i32
      %dma_start3A_159 = arith.constant 0 : i32
      %dma_start3A_160 = tpu.memref_slice %arg16[%dma_start3A_158, %dma_start3A_159] : memref<80x128xf32, #tpu.memory_space<vmem>> -> memref<72x128xf32, #tpu.memory_space<vmem>>
      tpu.enqueue_dma source(%dma_start3A_160 : memref<72x128xf32, #tpu.memory_space<vmem>>) target(%dma_start3A_157 : memref<72x128xf32, #tpu.memory_space<vmem_shared>>) target_semaphore(%run_scoped3A : memref<!tpu.dma_semaphore, #tpu.memory_space<semaphore_mem>>)
      %dma_wait3A_161 = arith.constant 0 : i32
      %dma_wait3A_162 = arith.constant 0 : i32
      %dma_wait3A_163 = tpu.memref_slice %arg16[%dma_wait3A_161, %dma_wait3A_162] : memref<80x128xf32, #tpu.memory_space<vmem>> -> memref<72x128xf32, #tpu.memory_space<vmem>>
      %dma_wait3A_164 = arith.constant 0 : i32
      %dma_wait3A_165 = tpu.memref_slice %arg17[%add3A_107, %dma_wait3A_164] : memref<10112x128xf32, #tpu.memory_space<vmem_shared>> -> memref<72x128xf32, #tpu.memory_space<vmem_shared>>
      %dma_wait3A_166 = arith.constant 0 : i32
      %dma_wait3A_167 = tpu.memref_slice %arg17[%add3A_107, %dma_wait3A_166] : memref<10112x128xf32, #tpu.memory_space<vmem_shared>> -> memref<72x128xf32, #tpu.memory_space<vmem_shared>>
      %dma_wait3A_168 = arith.constant 0 : i32
      %dma_wait3A_169 = arith.constant 0 : i32
      %dma_wait3A_170 = tpu.memref_slice %arg16[%dma_wait3A_168, %dma_wait3A_169] : memref<80x128xf32, #tpu.memory_space<vmem>> -> memref<72x128xf32, #tpu.memory_space<vmem>>
      tpu.wait_dma2 semaphore(%run_scoped3A : memref<!tpu.dma_semaphore, #tpu.memory_space<semaphore_mem>>) src(%dma_wait3A_170 : memref<72x128xf32, #tpu.memory_space<vmem>>) dst(%dma_wait3A_167 : memref<72x128xf32, #tpu.memory_space<vmem_shared>>)
      tpu.yield
    }) : () -> ()
    %barrier3A = arith.constant 0 : index
    tpu.barrier barrier_id(%barrier3A)
    %scan3A_108 = arith.constant 0 : i32
    %scan3A_109 = arith.constant 16 : i32
    %scan3A_110 = arith.addi %scan3A_108, %scan3A_109 : i32
    %scan3A_111 = arith.constant 1 : i32
    scf.for %scan3A_151 = %scan3A_108 to %scan3A_110 step %scan3A_111  : i32 {
      %mul3A_152 = arith.constant 8 : i32
      %mul3A_153 = arith.muli %scan3A_151, %mul3A_152 : i32
      %add3A_154 = arith.constant 0 : i32
      %add3A_155 = arith.addi %add3A_154, %mul3A_153 : i32
      %dma_wait3A_156 = arith.constant 0 : i32
      %dma_wait3A_157 = arith.constant 0 : i32
      %dma_wait3A_158 = tpu.memref_slice %arg5[%dma_wait3A_156, %dma_wait3A_157] : memref<2x80xi32, #tpu.memory_space<vmem>> -> memref<1x80xi32, #tpu.memory_space<vmem>>
      %dma_wait3A_159 = tpu.memref_squeeze %dma_wait3A_158 : memref<1x80xi32, #tpu.memory_space<vmem>> -> memref<80xi32, #tpu.memory_space<vmem>>
      %dma_wait3A_160 = arith.constant 0 : i32
      %dma_wait3A_161 = arith.constant 0 : i32
      %dma_wait3A_162 = tpu.memref_slice %arg2[%dma_wait3A_160, %dma_wait3A_161] : memref<10080x128xf32, #tpu.memory_space<hbm>> -> memref<10080x128xf32, #tpu.memory_space<hbm>>
      tpu.wait_indirect_dma semaphore(%arg18 : memref<!tpu.dma_semaphore, #tpu.memory_space<semaphore_mem>>) src(%dma_wait3A_162 : memref<10080x128xf32, #tpu.memory_space<hbm>>) dst(%arg13 : memref<80x128xf32, #tpu.memory_space<vmem>>)
      %dma_start3A_163 = arith.constant 1 : i32
      %dma_start3A_164 = arith.constant 0 : i32
      %dma_start3A_165 = tpu.memref_slice %arg5[%dma_start3A_163, %dma_start3A_164] : memref<2x80xi32, #tpu.memory_space<vmem>> -> memref<1x80xi32, #tpu.memory_space<vmem>>
      %dma_start3A_166 = tpu.memref_squeeze %dma_start3A_165 : memref<1x80xi32, #tpu.memory_space<vmem>> -> memref<80xi32, #tpu.memory_space<vmem>>
      %dma_start3A_167 = arith.constant 0 : i32
      %dma_start3A_168 = arith.constant 0 : i32
      %dma_start3A_169 = tpu.memref_slice %arg17[%dma_start3A_167, %dma_start3A_168] : memref<10112x128xf32, #tpu.memory_space<vmem_shared>> -> memref<10112x128xf32, #tpu.memory_space<vmem_shared>>
      tpu.enqueue_indirect_dma source(%arg13 : memref<80x128xf32, #tpu.memory_space<vmem>>) target(%dma_start3A_169 : memref<10112x128xf32, #tpu.memory_space<vmem_shared>>) offsets(%dma_start3A_166 : memref<80xi32, #tpu.memory_space<vmem>>) semaphore(%arg22 : memref<!tpu.dma_semaphore, #tpu.memory_space<semaphore_mem>>) {add = true}
      %add3A_170 = arith.constant 0 : i32
      %add3A_171 = arith.addi %add3A_155, %add3A_170 : i32
      %add3A_172 = arith.constant 2 : i32
      %add3A_173 = arith.addi %add3A_171, %add3A_172 : i32
      %lt3A = arith.constant 128 : i32
      %lt3A_174 = arith.cmpi slt, %add3A_173, %lt3A : i32
      %convert_element_type3A = arith.extui %lt3A_174 : i1 to i32
      %cond3A = arith.constant 0 : i32
      %cond3A_175 = arith.cmpi ne, %convert_element_type3A, %cond3A : i32
      scf.if %cond3A_175 {
        %add3A_409 = arith.constant 0 : i32
        %add3A_410 = arith.addi %add3A_155, %add3A_409 : i32
        %sub3A = arith.constant 2 : i32
        %sub3A_411 = arith.subi %add3A_410, %sub3A : i32
        %ge3A = arith.constant 0 : i32
        %ge3A_412 = arith.cmpi sge, %sub3A_411, %ge3A : i32
        %convert_element_type3A_413 = arith.extui %ge3A_412 : i1 to i32
        %cond3A_414 = arith.constant 0 : i32
        %cond3A_415 = arith.cmpi ne, %convert_element_type3A_413, %cond3A_414 : i32
        scf.if %cond3A_415 {
          %dma_wait3A_436 = arith.constant 1 : i32
          %dma_wait3A_437 = arith.constant 0 : i32
          %dma_wait3A_438 = tpu.memref_slice %arg7[%dma_wait3A_436, %dma_wait3A_437] : memref<2x80xi32, #tpu.memory_space<vmem>> -> memref<1x80xi32, #tpu.memory_space<vmem>>
          %dma_wait3A_439 = tpu.memref_squeeze %dma_wait3A_438 : memref<1x80xi32, #tpu.memory_space<vmem>> -> memref<80xi32, #tpu.memory_space<vmem>>
          %dma_wait3A_440 = arith.constant 0 : i32
          %dma_wait3A_441 = arith.constant 0 : i32
          %dma_wait3A_442 = tpu.memref_slice %arg17[%dma_wait3A_440, %dma_wait3A_441] : memref<10112x128xf32, #tpu.memory_space<vmem_shared>> -> memref<10112x128xf32, #tpu.memory_space<vmem_shared>>
          tpu.wait_indirect_dma semaphore(%arg24 : memref<!tpu.dma_semaphore, #tpu.memory_space<semaphore_mem>>) src(%arg15 : memref<80x128xf32, #tpu.memory_space<vmem>>) dst(%dma_wait3A_442 : memref<10112x128xf32, #tpu.memory_space<vmem_shared>>)
        } else {
        }
        %add3A_416 = arith.addi %mul3A_2, %add3A_155 : i32
        %add3A_417 = arith.constant 0 : i32
        %add3A_418 = arith.addi %add3A_416, %add3A_417 : i32
        %add3A_419 = arith.constant 2 : i32
        %add3A_420 = arith.addi %add3A_418, %add3A_419 : i32
        %dma_wait3A_421 = arith.constant 0 : i32
        %dma_wait3A_422 = arith.constant 0 : i32
        %dma_wait3A_423 = tpu.memref_slice %arg3[%add3A_420, %dma_wait3A_421, %dma_wait3A_422] : memref<4096x2x80xi32, #tpu.memory_space<hbm>> -> memref<1x2x80xi32, #tpu.memory_space<hbm>>
        %dma_wait3A_424 = tpu.memref_squeeze %dma_wait3A_423 : memref<1x2x80xi32, #tpu.memory_space<hbm>> -> memref<2x80xi32, #tpu.memory_space<hbm>>
        %dma_wait3A_425 = arith.constant 0 : i32
        %dma_wait3A_426 = arith.constant 0 : i32
        %dma_wait3A_427 = tpu.memref_slice %arg3[%add3A_420, %dma_wait3A_425, %dma_wait3A_426] : memref<4096x2x80xi32, #tpu.memory_space<hbm>> -> memref<1x2x80xi32, #tpu.memory_space<hbm>>
        %dma_wait3A_428 = tpu.memref_squeeze %dma_wait3A_427 : memref<1x2x80xi32, #tpu.memory_space<hbm>> -> memref<2x80xi32, #tpu.memory_space<hbm>>
        tpu.wait_dma2 semaphore(%arg28 : memref<!tpu.dma_semaphore, #tpu.memory_space<semaphore_mem>>) src(%dma_wait3A_428 : memref<2x80xi32, #tpu.memory_space<hbm>>) dst(%arg7 : memref<2x80xi32, #tpu.memory_space<vmem>>)
        %dma_start3A_429 = arith.constant 0 : i32
        %dma_start3A_430 = arith.constant 0 : i32
        %dma_start3A_431 = tpu.memref_slice %arg7[%dma_start3A_429, %dma_start3A_430] : memref<2x80xi32, #tpu.memory_space<vmem>> -> memref<1x80xi32, #tpu.memory_space<vmem>>
        %dma_start3A_432 = tpu.memref_squeeze %dma_start3A_431 : memref<1x80xi32, #tpu.memory_space<vmem>> -> memref<80xi32, #tpu.memory_space<vmem>>
        %dma_start3A_433 = arith.constant 0 : i32
        %dma_start3A_434 = arith.constant 0 : i32
        %dma_start3A_435 = tpu.memref_slice %arg2[%dma_start3A_433, %dma_start3A_434] : memref<10080x128xf32, #tpu.memory_space<hbm>> -> memref<10080x128xf32, #tpu.memory_space<hbm>>
        tpu.enqueue_indirect_dma source(%dma_start3A_435 : memref<10080x128xf32, #tpu.memory_space<hbm>>) target(%arg15 : memref<80x128xf32, #tpu.memory_space<vmem>>) offsets(%dma_start3A_432 : memref<80xi32, #tpu.memory_space<vmem>>) semaphore(%arg20 : memref<!tpu.dma_semaphore, #tpu.memory_space<semaphore_mem>>)
      } else {
      }
      %add3A_176 = arith.constant 0 : i32
      %add3A_177 = arith.addi %add3A_155, %add3A_176 : i32
      %add3A_178 = arith.constant 6 : i32
      %add3A_179 = arith.addi %add3A_177, %add3A_178 : i32
      %lt3A_180 = arith.constant 128 : i32
      %lt3A_181 = arith.cmpi slt, %add3A_179, %lt3A_180 : i32
      %convert_element_type3A_182 = arith.extui %lt3A_181 : i1 to i32
      %cond3A_183 = arith.constant 0 : i32
      %cond3A_184 = arith.cmpi ne, %convert_element_type3A_182, %cond3A_183 : i32
      scf.if %cond3A_184 {
        %add3A_409 = arith.addi %mul3A_2, %add3A_155 : i32
        %add3A_410 = arith.constant 0 : i32
        %add3A_411 = arith.addi %add3A_409, %add3A_410 : i32
        %add3A_412 = arith.constant 6 : i32
        %add3A_413 = arith.addi %add3A_411, %add3A_412 : i32
        %dma_start3A_414 = arith.constant 0 : i32
        %dma_start3A_415 = arith.constant 0 : i32
        %dma_start3A_416 = tpu.memref_slice %arg3[%add3A_413, %dma_start3A_414, %dma_start3A_415] : memref<4096x2x80xi32, #tpu.memory_space<hbm>> -> memref<1x2x80xi32, #tpu.memory_space<hbm>>
        %dma_start3A_417 = tpu.memref_squeeze %dma_start3A_416 : memref<1x2x80xi32, #tpu.memory_space<hbm>> -> memref<2x80xi32, #tpu.memory_space<hbm>>
        %dma_start3A_418 = arith.constant 0 : i32
        %dma_start3A_419 = arith.constant 0 : i32
        %dma_start3A_420 = tpu.memref_slice %arg3[%add3A_413, %dma_start3A_418, %dma_start3A_419] : memref<4096x2x80xi32, #tpu.memory_space<hbm>> -> memref<1x2x80xi32, #tpu.memory_space<hbm>>
        %dma_start3A_421 = tpu.memref_squeeze %dma_start3A_420 : memref<1x2x80xi32, #tpu.memory_space<hbm>> -> memref<2x80xi32, #tpu.memory_space<hbm>>
        tpu.enqueue_dma source(%dma_start3A_421 : memref<2x80xi32, #tpu.memory_space<hbm>>) target(%arg11 : memref<2x80xi32, #tpu.memory_space<vmem>>) target_semaphore(%arg32 : memref<!tpu.dma_semaphore, #tpu.memory_space<semaphore_mem>>)
      } else {
      }
      %dma_wait3A_185 = arith.constant 0 : i32
      %dma_wait3A_186 = arith.constant 0 : i32
      %dma_wait3A_187 = tpu.memref_slice %arg6[%dma_wait3A_185, %dma_wait3A_186] : memref<2x80xi32, #tpu.memory_space<vmem>> -> memref<1x80xi32, #tpu.memory_space<vmem>>
      %dma_wait3A_188 = tpu.memref_squeeze %dma_wait3A_187 : memref<1x80xi32, #tpu.memory_space<vmem>> -> memref<80xi32, #tpu.memory_space<vmem>>
      %dma_wait3A_189 = arith.constant 0 : i32
      %dma_wait3A_190 = arith.constant 0 : i32
      %dma_wait3A_191 = tpu.memref_slice %arg2[%dma_wait3A_189, %dma_wait3A_190] : memref<10080x128xf32, #tpu.memory_space<hbm>> -> memref<10080x128xf32, #tpu.memory_space<hbm>>
      tpu.wait_indirect_dma semaphore(%arg19 : memref<!tpu.dma_semaphore, #tpu.memory_space<semaphore_mem>>) src(%dma_wait3A_191 : memref<10080x128xf32, #tpu.memory_space<hbm>>) dst(%arg14 : memref<80x128xf32, #tpu.memory_space<vmem>>)
      %dma_start3A_192 = arith.constant 1 : i32
      %dma_start3A_193 = arith.constant 0 : i32
      %dma_start3A_194 = tpu.memref_slice %arg6[%dma_start3A_192, %dma_start3A_193] : memref<2x80xi32, #tpu.memory_space<vmem>> -> memref<1x80xi32, #tpu.memory_space<vmem>>
      %dma_start3A_195 = tpu.memref_squeeze %dma_start3A_194 : memref<1x80xi32, #tpu.memory_space<vmem>> -> memref<80xi32, #tpu.memory_space<vmem>>
      %dma_start3A_196 = arith.constant 0 : i32
      %dma_start3A_197 = arith.constant 0 : i32
      %dma_start3A_198 = tpu.memref_slice %arg17[%dma_start3A_196, %dma_start3A_197] : memref<10112x128xf32, #tpu.memory_space<vmem_shared>> -> memref<10112x128xf32, #tpu.memory_space<vmem_shared>>
      tpu.enqueue_indirect_dma source(%arg14 : memref<80x128xf32, #tpu.memory_space<vmem>>) target(%dma_start3A_198 : memref<10112x128xf32, #tpu.memory_space<vmem_shared>>) offsets(%dma_start3A_195 : memref<80xi32, #tpu.memory_space<vmem>>) semaphore(%arg23 : memref<!tpu.dma_semaphore, #tpu.memory_space<semaphore_mem>>) {add = true}
      %add3A_199 = arith.constant 1 : i32
      %add3A_200 = arith.addi %add3A_155, %add3A_199 : i32
      %add3A_201 = arith.constant 2 : i32
      %add3A_202 = arith.addi %add3A_200, %add3A_201 : i32
      %lt3A_203 = arith.constant 128 : i32
      %lt3A_204 = arith.cmpi slt, %add3A_202, %lt3A_203 : i32
      %convert_element_type3A_205 = arith.extui %lt3A_204 : i1 to i32
      %cond3A_206 = arith.constant 0 : i32
      %cond3A_207 = arith.cmpi ne, %convert_element_type3A_205, %cond3A_206 : i32
      scf.if %cond3A_207 {
        %add3A_409 = arith.constant 1 : i32
        %add3A_410 = arith.addi %add3A_155, %add3A_409 : i32
        %sub3A = arith.constant 2 : i32
        %sub3A_411 = arith.subi %add3A_410, %sub3A : i32
        %ge3A = arith.constant 0 : i32
        %ge3A_412 = arith.cmpi sge, %sub3A_411, %ge3A : i32
        %convert_element_type3A_413 = arith.extui %ge3A_412 : i1 to i32
        %cond3A_414 = arith.constant 0 : i32
        %cond3A_415 = arith.cmpi ne, %convert_element_type3A_413, %cond3A_414 : i32
        scf.if %cond3A_415 {
          %dma_wait3A_436 = arith.constant 1 : i32
          %dma_wait3A_437 = arith.constant 0 : i32
          %dma_wait3A_438 = tpu.memref_slice %arg8[%dma_wait3A_436, %dma_wait3A_437] : memref<2x80xi32, #tpu.memory_space<vmem>> -> memref<1x80xi32, #tpu.memory_space<vmem>>
          %dma_wait3A_439 = tpu.memref_squeeze %dma_wait3A_438 : memref<1x80xi32, #tpu.memory_space<vmem>> -> memref<80xi32, #tpu.memory_space<vmem>>
          %dma_wait3A_440 = arith.constant 0 : i32
          %dma_wait3A_441 = arith.constant 0 : i32
          %dma_wait3A_442 = tpu.memref_slice %arg17[%dma_wait3A_440, %dma_wait3A_441] : memref<10112x128xf32, #tpu.memory_space<vmem_shared>> -> memref<10112x128xf32, #tpu.memory_space<vmem_shared>>
          tpu.wait_indirect_dma semaphore(%arg25 : memref<!tpu.dma_semaphore, #tpu.memory_space<semaphore_mem>>) src(%arg16 : memref<80x128xf32, #tpu.memory_space<vmem>>) dst(%dma_wait3A_442 : memref<10112x128xf32, #tpu.memory_space<vmem_shared>>)
        } else {
        }
        %add3A_416 = arith.addi %mul3A_2, %add3A_155 : i32
        %add3A_417 = arith.constant 1 : i32
        %add3A_418 = arith.addi %add3A_416, %add3A_417 : i32
        %add3A_419 = arith.constant 2 : i32
        %add3A_420 = arith.addi %add3A_418, %add3A_419 : i32
        %dma_wait3A_421 = arith.constant 0 : i32
        %dma_wait3A_422 = arith.constant 0 : i32
        %dma_wait3A_423 = tpu.memref_slice %arg3[%add3A_420, %dma_wait3A_421, %dma_wait3A_422] : memref<4096x2x80xi32, #tpu.memory_space<hbm>> -> memref<1x2x80xi32, #tpu.memory_space<hbm>>
        %dma_wait3A_424 = tpu.memref_squeeze %dma_wait3A_423 : memref<1x2x80xi32, #tpu.memory_space<hbm>> -> memref<2x80xi32, #tpu.memory_space<hbm>>
        %dma_wait3A_425 = arith.constant 0 : i32
        %dma_wait3A_426 = arith.constant 0 : i32
        %dma_wait3A_427 = tpu.memref_slice %arg3[%add3A_420, %dma_wait3A_425, %dma_wait3A_426] : memref<4096x2x80xi32, #tpu.memory_space<hbm>> -> memref<1x2x80xi32, #tpu.memory_space<hbm>>
        %dma_wait3A_428 = tpu.memref_squeeze %dma_wait3A_427 : memref<1x2x80xi32, #tpu.memory_space<hbm>> -> memref<2x80xi32, #tpu.memory_space<hbm>>
        tpu.wait_dma2 semaphore(%arg29 : memref<!tpu.dma_semaphore, #tpu.memory_space<semaphore_mem>>) src(%dma_wait3A_428 : memref<2x80xi32, #tpu.memory_space<hbm>>) dst(%arg8 : memref<2x80xi32, #tpu.memory_space<vmem>>)
        %dma_start3A_429 = arith.constant 0 : i32
        %dma_start3A_430 = arith.constant 0 : i32
        %dma_start3A_431 = tpu.memref_slice %arg8[%dma_start3A_429, %dma_start3A_430] : memref<2x80xi32, #tpu.memory_space<vmem>> -> memref<1x80xi32, #tpu.memory_space<vmem>>
        %dma_start3A_432 = tpu.memref_squeeze %dma_start3A_431 : memref<1x80xi32, #tpu.memory_space<vmem>> -> memref<80xi32, #tpu.memory_space<vmem>>
        %dma_start3A_433 = arith.constant 0 : i32
        %dma_start3A_434 = arith.constant 0 : i32
        %dma_start3A_435 = tpu.memref_slice %arg2[%dma_start3A_433, %dma_start3A_434] : memref<10080x128xf32, #tpu.memory_space<hbm>> -> memref<10080x128xf32, #tpu.memory_space<hbm>>
        tpu.enqueue_indirect_dma source(%dma_start3A_435 : memref<10080x128xf32, #tpu.memory_space<hbm>>) target(%arg16 : memref<80x128xf32, #tpu.memory_space<vmem>>) offsets(%dma_start3A_432 : memref<80xi32, #tpu.memory_space<vmem>>) semaphore(%arg21 : memref<!tpu.dma_semaphore, #tpu.memory_space<semaphore_mem>>)
      } else {
      }
      %add3A_208 = arith.constant 1 : i32
      %add3A_209 = arith.addi %add3A_155, %add3A_208 : i32
      %add3A_210 = arith.constant 6 : i32
      %add3A_211 = arith.addi %add3A_209, %add3A_210 : i32
      %lt3A_212 = arith.constant 128 : i32
      %lt3A_213 = arith.cmpi slt, %add3A_211, %lt3A_212 : i32
      %convert_element_type3A_214 = arith.extui %lt3A_213 : i1 to i32
      %cond3A_215 = arith.constant 0 : i32
      %cond3A_216 = arith.cmpi ne, %convert_element_type3A_214, %cond3A_215 : i32
      scf.if %cond3A_216 {
        %add3A_409 = arith.addi %mul3A_2, %add3A_155 : i32
        %add3A_410 = arith.constant 1 : i32
        %add3A_411 = arith.addi %add3A_409, %add3A_410 : i32
        %add3A_412 = arith.constant 6 : i32
        %add3A_413 = arith.addi %add3A_411, %add3A_412 : i32
        %dma_start3A_414 = arith.constant 0 : i32
        %dma_start3A_415 = arith.constant 0 : i32
        %dma_start3A_416 = tpu.memref_slice %arg3[%add3A_413, %dma_start3A_414, %dma_start3A_415] : memref<4096x2x80xi32, #tpu.memory_space<hbm>> -> memref<1x2x80xi32, #tpu.memory_space<hbm>>
        %dma_start3A_417 = tpu.memref_squeeze %dma_start3A_416 : memref<1x2x80xi32, #tpu.memory_space<hbm>> -> memref<2x80xi32, #tpu.memory_space<hbm>>
        %dma_start3A_418 = arith.constant 0 : i32
        %dma_start3A_419 = arith.constant 0 : i32
        %dma_start3A_420 = tpu.memref_slice %arg3[%add3A_413, %dma_start3A_418, %dma_start3A_419] : memref<4096x2x80xi32, #tpu.memory_space<hbm>> -> memref<1x2x80xi32, #tpu.memory_space<hbm>>
        %dma_start3A_421 = tpu.memref_squeeze %dma_start3A_420 : memref<1x2x80xi32, #tpu.memory_space<hbm>> -> memref<2x80xi32, #tpu.memory_space<hbm>>
        tpu.enqueue_dma source(%dma_start3A_421 : memref<2x80xi32, #tpu.memory_space<hbm>>) target(%arg12 : memref<2x80xi32, #tpu.memory_space<vmem>>) target_semaphore(%arg33 : memref<!tpu.dma_semaphore, #tpu.memory_space<semaphore_mem>>)
      } else {
      }
      %dma_wait3A_217 = arith.constant 0 : i32
      %dma_wait3A_218 = arith.constant 0 : i32
      %dma_wait3A_219 = tpu.memref_slice %arg7[%dma_wait3A_217, %dma_wait3A_218] : memref<2x80xi32, #tpu.memory_space<vmem>> -> memref<1x80xi32, #tpu.memory_space<vmem>>
      %dma_wait3A_220 = tpu.memref_squeeze %dma_wait3A_219 : memref<1x80xi32, #tpu.memory_space<vmem>> -> memref<80xi32, #tpu.memory_space<vmem>>
      %dma_wait3A_221 = arith.constant 0 : i32
      %dma_wait3A_222 = arith.constant 0 : i32
      %dma_wait3A_223 = tpu.memref_slice %arg2[%dma_wait3A_221, %dma_wait3A_222] : memref<10080x128xf32, #tpu.memory_space<hbm>> -> memref<10080x128xf32, #tpu.memory_space<hbm>>
      tpu.wait_indirect_dma semaphore(%arg20 : memref<!tpu.dma_semaphore, #tpu.memory_space<semaphore_mem>>) src(%dma_wait3A_223 : memref<10080x128xf32, #tpu.memory_space<hbm>>) dst(%arg15 : memref<80x128xf32, #tpu.memory_space<vmem>>)
      %dma_start3A_224 = arith.constant 1 : i32
      %dma_start3A_225 = arith.constant 0 : i32
      %dma_start3A_226 = tpu.memref_slice %arg7[%dma_start3A_224, %dma_start3A_225] : memref<2x80xi32, #tpu.memory_space<vmem>> -> memref<1x80xi32, #tpu.memory_space<vmem>>
      %dma_start3A_227 = tpu.memref_squeeze %dma_start3A_226 : memref<1x80xi32, #tpu.memory_space<vmem>> -> memref<80xi32, #tpu.memory_space<vmem>>
      %dma_start3A_228 = arith.constant 0 : i32
      %dma_start3A_229 = arith.constant 0 : i32
      %dma_start3A_230 = tpu.memref_slice %arg17[%dma_start3A_228, %dma_start3A_229] : memref<10112x128xf32, #tpu.memory_space<vmem_shared>> -> memref<10112x128xf32, #tpu.memory_space<vmem_shared>>
      tpu.enqueue_indirect_dma source(%arg15 : memref<80x128xf32, #tpu.memory_space<vmem>>) target(%dma_start3A_230 : memref<10112x128xf32, #tpu.memory_space<vmem_shared>>) offsets(%dma_start3A_227 : memref<80xi32, #tpu.memory_space<vmem>>) semaphore(%arg24 : memref<!tpu.dma_semaphore, #tpu.memory_space<semaphore_mem>>) {add = true}
      %add3A_231 = arith.constant 2 : i32
      %add3A_232 = arith.addi %add3A_155, %add3A_231 : i32
      %add3A_233 = arith.constant 2 : i32
      %add3A_234 = arith.addi %add3A_232, %add3A_233 : i32
      %lt3A_235 = arith.constant 128 : i32
      %lt3A_236 = arith.cmpi slt, %add3A_234, %lt3A_235 : i32
      %convert_element_type3A_237 = arith.extui %lt3A_236 : i1 to i32
      %cond3A_238 = arith.constant 0 : i32
      %cond3A_239 = arith.cmpi ne, %convert_element_type3A_237, %cond3A_238 : i32
      scf.if %cond3A_239 {
        %add3A_409 = arith.constant 2 : i32
        %add3A_410 = arith.addi %add3A_155, %add3A_409 : i32
        %sub3A = arith.constant 2 : i32
        %sub3A_411 = arith.subi %add3A_410, %sub3A : i32
        %ge3A = arith.constant 0 : i32
        %ge3A_412 = arith.cmpi sge, %sub3A_411, %ge3A : i32
        %convert_element_type3A_413 = arith.extui %ge3A_412 : i1 to i32
        %cond3A_414 = arith.constant 0 : i32
        %cond3A_415 = arith.cmpi ne, %convert_element_type3A_413, %cond3A_414 : i32
        scf.if %cond3A_415 {
          %dma_wait3A_436 = arith.constant 1 : i32
          %dma_wait3A_437 = arith.constant 0 : i32
          %dma_wait3A_438 = tpu.memref_slice %arg9[%dma_wait3A_436, %dma_wait3A_437] : memref<2x80xi32, #tpu.memory_space<vmem>> -> memref<1x80xi32, #tpu.memory_space<vmem>>
          %dma_wait3A_439 = tpu.memref_squeeze %dma_wait3A_438 : memref<1x80xi32, #tpu.memory_space<vmem>> -> memref<80xi32, #tpu.memory_space<vmem>>
          %dma_wait3A_440 = arith.constant 0 : i32
          %dma_wait3A_441 = arith.constant 0 : i32
          %dma_wait3A_442 = tpu.memref_slice %arg17[%dma_wait3A_440, %dma_wait3A_441] : memref<10112x128xf32, #tpu.memory_space<vmem_shared>> -> memref<10112x128xf32, #tpu.memory_space<vmem_shared>>
          tpu.wait_indirect_dma semaphore(%arg22 : memref<!tpu.dma_semaphore, #tpu.memory_space<semaphore_mem>>) src(%arg13 : memref<80x128xf32, #tpu.memory_space<vmem>>) dst(%dma_wait3A_442 : memref<10112x128xf32, #tpu.memory_space<vmem_shared>>)
        } else {
        }
        %add3A_416 = arith.addi %mul3A_2, %add3A_155 : i32
        %add3A_417 = arith.constant 2 : i32
        %add3A_418 = arith.addi %add3A_416, %add3A_417 : i32
        %add3A_419 = arith.constant 2 : i32
        %add3A_420 = arith.addi %add3A_418, %add3A_419 : i32
        %dma_wait3A_421 = arith.constant 0 : i32
        %dma_wait3A_422 = arith.constant 0 : i32
        %dma_wait3A_423 = tpu.memref_slice %arg3[%add3A_420, %dma_wait3A_421, %dma_wait3A_422] : memref<4096x2x80xi32, #tpu.memory_space<hbm>> -> memref<1x2x80xi32, #tpu.memory_space<hbm>>
        %dma_wait3A_424 = tpu.memref_squeeze %dma_wait3A_423 : memref<1x2x80xi32, #tpu.memory_space<hbm>> -> memref<2x80xi32, #tpu.memory_space<hbm>>
        %dma_wait3A_425 = arith.constant 0 : i32
        %dma_wait3A_426 = arith.constant 0 : i32
        %dma_wait3A_427 = tpu.memref_slice %arg3[%add3A_420, %dma_wait3A_425, %dma_wait3A_426] : memref<4096x2x80xi32, #tpu.memory_space<hbm>> -> memref<1x2x80xi32, #tpu.memory_space<hbm>>
        %dma_wait3A_428 = tpu.memref_squeeze %dma_wait3A_427 : memref<1x2x80xi32, #tpu.memory_space<hbm>> -> memref<2x80xi32, #tpu.memory_space<hbm>>
        tpu.wait_dma2 semaphore(%arg30 : memref<!tpu.dma_semaphore, #tpu.memory_space<semaphore_mem>>) src(%dma_wait3A_428 : memref<2x80xi32, #tpu.memory_space<hbm>>) dst(%arg9 : memref<2x80xi32, #tpu.memory_space<vmem>>)
        %dma_start3A_429 = arith.constant 0 : i32
        %dma_start3A_430 = arith.constant 0 : i32
        %dma_start3A_431 = tpu.memref_slice %arg9[%dma_start3A_429, %dma_start3A_430] : memref<2x80xi32, #tpu.memory_space<vmem>> -> memref<1x80xi32, #tpu.memory_space<vmem>>
        %dma_start3A_432 = tpu.memref_squeeze %dma_start3A_431 : memref<1x80xi32, #tpu.memory_space<vmem>> -> memref<80xi32, #tpu.memory_space<vmem>>
        %dma_start3A_433 = arith.constant 0 : i32
        %dma_start3A_434 = arith.constant 0 : i32
        %dma_start3A_435 = tpu.memref_slice %arg2[%dma_start3A_433, %dma_start3A_434] : memref<10080x128xf32, #tpu.memory_space<hbm>> -> memref<10080x128xf32, #tpu.memory_space<hbm>>
        tpu.enqueue_indirect_dma source(%dma_start3A_435 : memref<10080x128xf32, #tpu.memory_space<hbm>>) target(%arg13 : memref<80x128xf32, #tpu.memory_space<vmem>>) offsets(%dma_start3A_432 : memref<80xi32, #tpu.memory_space<vmem>>) semaphore(%arg18 : memref<!tpu.dma_semaphore, #tpu.memory_space<semaphore_mem>>)
      } else {
      }
      %add3A_240 = arith.constant 2 : i32
      %add3A_241 = arith.addi %add3A_155, %add3A_240 : i32
      %add3A_242 = arith.constant 6 : i32
      %add3A_243 = arith.addi %add3A_241, %add3A_242 : i32
      %lt3A_244 = arith.constant 128 : i32
      %lt3A_245 = arith.cmpi slt, %add3A_243, %lt3A_244 : i32
      %convert_element_type3A_246 = arith.extui %lt3A_245 : i1 to i32
      %cond3A_247 = arith.constant 0 : i32
      %cond3A_248 = arith.cmpi ne, %convert_element_type3A_246, %cond3A_247 : i32
      scf.if %cond3A_248 {
        %add3A_409 = arith.addi %mul3A_2, %add3A_155 : i32
        %add3A_410 = arith.constant 2 : i32
        %add3A_411 = arith.addi %add3A_409, %add3A_410 : i32
        %add3A_412 = arith.constant 6 : i32
        %add3A_413 = arith.addi %add3A_411, %add3A_412 : i32
        %dma_start3A_414 = arith.constant 0 : i32
        %dma_start3A_415 = arith.constant 0 : i32
        %dma_start3A_416 = tpu.memref_slice %arg3[%add3A_413, %dma_start3A_414, %dma_start3A_415] : memref<4096x2x80xi32, #tpu.memory_space<hbm>> -> memref<1x2x80xi32, #tpu.memory_space<hbm>>
        %dma_start3A_417 = tpu.memref_squeeze %dma_start3A_416 : memref<1x2x80xi32, #tpu.memory_space<hbm>> -> memref<2x80xi32, #tpu.memory_space<hbm>>
        %dma_start3A_418 = arith.constant 0 : i32
        %dma_start3A_419 = arith.constant 0 : i32
        %dma_start3A_420 = tpu.memref_slice %arg3[%add3A_413, %dma_start3A_418, %dma_start3A_419] : memref<4096x2x80xi32, #tpu.memory_space<hbm>> -> memref<1x2x80xi32, #tpu.memory_space<hbm>>
        %dma_start3A_421 = tpu.memref_squeeze %dma_start3A_420 : memref<1x2x80xi32, #tpu.memory_space<hbm>> -> memref<2x80xi32, #tpu.memory_space<hbm>>
        tpu.enqueue_dma source(%dma_start3A_421 : memref<2x80xi32, #tpu.memory_space<hbm>>) target(%arg5 : memref<2x80xi32, #tpu.memory_space<vmem>>) target_semaphore(%arg26 : memref<!tpu.dma_semaphore, #tpu.memory_space<semaphore_mem>>)
      } else {
      }
      %dma_wait3A_249 = arith.constant 0 : i32
      %dma_wait3A_250 = arith.constant 0 : i32
      %dma_wait3A_251 = tpu.memref_slice %arg8[%dma_wait3A_249, %dma_wait3A_250] : memref<2x80xi32, #tpu.memory_space<vmem>> -> memref<1x80xi32, #tpu.memory_space<vmem>>
      %dma_wait3A_252 = tpu.memref_squeeze %dma_wait3A_251 : memref<1x80xi32, #tpu.memory_space<vmem>> -> memref<80xi32, #tpu.memory_space<vmem>>
      %dma_wait3A_253 = arith.constant 0 : i32
      %dma_wait3A_254 = arith.constant 0 : i32
      %dma_wait3A_255 = tpu.memref_slice %arg2[%dma_wait3A_253, %dma_wait3A_254] : memref<10080x128xf32, #tpu.memory_space<hbm>> -> memref<10080x128xf32, #tpu.memory_space<hbm>>
      tpu.wait_indirect_dma semaphore(%arg21 : memref<!tpu.dma_semaphore, #tpu.memory_space<semaphore_mem>>) src(%dma_wait3A_255 : memref<10080x128xf32, #tpu.memory_space<hbm>>) dst(%arg16 : memref<80x128xf32, #tpu.memory_space<vmem>>)
      %dma_start3A_256 = arith.constant 1 : i32
      %dma_start3A_257 = arith.constant 0 : i32
      %dma_start3A_258 = tpu.memref_slice %arg8[%dma_start3A_256, %dma_start3A_257] : memref<2x80xi32, #tpu.memory_space<vmem>> -> memref<1x80xi32, #tpu.memory_space<vmem>>
      %dma_start3A_259 = tpu.memref_squeeze %dma_start3A_258 : memref<1x80xi32, #tpu.memory_space<vmem>> -> memref<80xi32, #tpu.memory_space<vmem>>
      %dma_start3A_260 = arith.constant 0 : i32
      %dma_start3A_261 = arith.constant 0 : i32
      %dma_start3A_262 = tpu.memref_slice %arg17[%dma_start3A_260, %dma_start3A_261] : memref<10112x128xf32, #tpu.memory_space<vmem_shared>> -> memref<10112x128xf32, #tpu.memory_space<vmem_shared>>
      tpu.enqueue_indirect_dma source(%arg16 : memref<80x128xf32, #tpu.memory_space<vmem>>) target(%dma_start3A_262 : memref<10112x128xf32, #tpu.memory_space<vmem_shared>>) offsets(%dma_start3A_259 : memref<80xi32, #tpu.memory_space<vmem>>) semaphore(%arg25 : memref<!tpu.dma_semaphore, #tpu.memory_space<semaphore_mem>>) {add = true}
      %add3A_263 = arith.constant 3 : i32
      %add3A_264 = arith.addi %add3A_155, %add3A_263 : i32
      %add3A_265 = arith.constant 2 : i32
      %add3A_266 = arith.addi %add3A_264, %add3A_265 : i32
      %lt3A_267 = arith.constant 128 : i32
      %lt3A_268 = arith.cmpi slt, %add3A_266, %lt3A_267 : i32
      %convert_element_type3A_269 = arith.extui %lt3A_268 : i1 to i32
      %cond3A_270 = arith.constant 0 : i32
      %cond3A_271 = arith.cmpi ne, %convert_element_type3A_269, %cond3A_270 : i32
      scf.if %cond3A_271 {
        %add3A_409 = arith.constant 3 : i32
        %add3A_410 = arith.addi %add3A_155, %add3A_409 : i32
        %sub3A = arith.constant 2 : i32
        %sub3A_411 = arith.subi %add3A_410, %sub3A : i32
        %ge3A = arith.constant 0 : i32
        %ge3A_412 = arith.cmpi sge, %sub3A_411, %ge3A : i32
        %convert_element_type3A_413 = arith.extui %ge3A_412 : i1 to i32
        %cond3A_414 = arith.constant 0 : i32
        %cond3A_415 = arith.cmpi ne, %convert_element_type3A_413, %cond3A_414 : i32
        scf.if %cond3A_415 {
          %dma_wait3A_436 = arith.constant 1 : i32
          %dma_wait3A_437 = arith.constant 0 : i32
          %dma_wait3A_438 = tpu.memref_slice %arg10[%dma_wait3A_436, %dma_wait3A_437] : memref<2x80xi32, #tpu.memory_space<vmem>> -> memref<1x80xi32, #tpu.memory_space<vmem>>
          %dma_wait3A_439 = tpu.memref_squeeze %dma_wait3A_438 : memref<1x80xi32, #tpu.memory_space<vmem>> -> memref<80xi32, #tpu.memory_space<vmem>>
          %dma_wait3A_440 = arith.constant 0 : i32
          %dma_wait3A_441 = arith.constant 0 : i32
          %dma_wait3A_442 = tpu.memref_slice %arg17[%dma_wait3A_440, %dma_wait3A_441] : memref<10112x128xf32, #tpu.memory_space<vmem_shared>> -> memref<10112x128xf32, #tpu.memory_space<vmem_shared>>
          tpu.wait_indirect_dma semaphore(%arg23 : memref<!tpu.dma_semaphore, #tpu.memory_space<semaphore_mem>>) src(%arg14 : memref<80x128xf32, #tpu.memory_space<vmem>>) dst(%dma_wait3A_442 : memref<10112x128xf32, #tpu.memory_space<vmem_shared>>)
        } else {
        }
        %add3A_416 = arith.addi %mul3A_2, %add3A_155 : i32
        %add3A_417 = arith.constant 3 : i32
        %add3A_418 = arith.addi %add3A_416, %add3A_417 : i32
        %add3A_419 = arith.constant 2 : i32
        %add3A_420 = arith.addi %add3A_418, %add3A_419 : i32
        %dma_wait3A_421 = arith.constant 0 : i32
        %dma_wait3A_422 = arith.constant 0 : i32
        %dma_wait3A_423 = tpu.memref_slice %arg3[%add3A_420, %dma_wait3A_421, %dma_wait3A_422] : memref<4096x2x80xi32, #tpu.memory_space<hbm>> -> memref<1x2x80xi32, #tpu.memory_space<hbm>>
        %dma_wait3A_424 = tpu.memref_squeeze %dma_wait3A_423 : memref<1x2x80xi32, #tpu.memory_space<hbm>> -> memref<2x80xi32, #tpu.memory_space<hbm>>
        %dma_wait3A_425 = arith.constant 0 : i32
        %dma_wait3A_426 = arith.constant 0 : i32
        %dma_wait3A_427 = tpu.memref_slice %arg3[%add3A_420, %dma_wait3A_425, %dma_wait3A_426] : memref<4096x2x80xi32, #tpu.memory_space<hbm>> -> memref<1x2x80xi32, #tpu.memory_space<hbm>>
        %dma_wait3A_428 = tpu.memref_squeeze %dma_wait3A_427 : memref<1x2x80xi32, #tpu.memory_space<hbm>> -> memref<2x80xi32, #tpu.memory_space<hbm>>
        tpu.wait_dma2 semaphore(%arg31 : memref<!tpu.dma_semaphore, #tpu.memory_space<semaphore_mem>>) src(%dma_wait3A_428 : memref<2x80xi32, #tpu.memory_space<hbm>>) dst(%arg10 : memref<2x80xi32, #tpu.memory_space<vmem>>)
        %dma_start3A_429 = arith.constant 0 : i32
        %dma_start3A_430 = arith.constant 0 : i32
        %dma_start3A_431 = tpu.memref_slice %arg10[%dma_start3A_429, %dma_start3A_430] : memref<2x80xi32, #tpu.memory_space<vmem>> -> memref<1x80xi32, #tpu.memory_space<vmem>>
        %dma_start3A_432 = tpu.memref_squeeze %dma_start3A_431 : memref<1x80xi32, #tpu.memory_space<vmem>> -> memref<80xi32, #tpu.memory_space<vmem>>
        %dma_start3A_433 = arith.constant 0 : i32
        %dma_start3A_434 = arith.constant 0 : i32
        %dma_start3A_435 = tpu.memref_slice %arg2[%dma_start3A_433, %dma_start3A_434] : memref<10080x128xf32, #tpu.memory_space<hbm>> -> memref<10080x128xf32, #tpu.memory_space<hbm>>
        tpu.enqueue_indirect_dma source(%dma_start3A_435 : memref<10080x128xf32, #tpu.memory_space<hbm>>) target(%arg14 : memref<80x128xf32, #tpu.memory_space<vmem>>) offsets(%dma_start3A_432 : memref<80xi32, #tpu.memory_space<vmem>>) semaphore(%arg19 : memref<!tpu.dma_semaphore, #tpu.memory_space<semaphore_mem>>)
      } else {
      }
      %add3A_272 = arith.constant 3 : i32
      %add3A_273 = arith.addi %add3A_155, %add3A_272 : i32
      %add3A_274 = arith.constant 6 : i32
      %add3A_275 = arith.addi %add3A_273, %add3A_274 : i32
      %lt3A_276 = arith.constant 128 : i32
      %lt3A_277 = arith.cmpi slt, %add3A_275, %lt3A_276 : i32
      %convert_element_type3A_278 = arith.extui %lt3A_277 : i1 to i32
      %cond3A_279 = arith.constant 0 : i32
      %cond3A_280 = arith.cmpi ne, %convert_element_type3A_278, %cond3A_279 : i32
      scf.if %cond3A_280 {
        %add3A_409 = arith.addi %mul3A_2, %add3A_155 : i32
        %add3A_410 = arith.constant 3 : i32
        %add3A_411 = arith.addi %add3A_409, %add3A_410 : i32
        %add3A_412 = arith.constant 6 : i32
        %add3A_413 = arith.addi %add3A_411, %add3A_412 : i32
        %dma_start3A_414 = arith.constant 0 : i32
        %dma_start3A_415 = arith.constant 0 : i32
        %dma_start3A_416 = tpu.memref_slice %arg3[%add3A_413, %dma_start3A_414, %dma_start3A_415] : memref<4096x2x80xi32, #tpu.memory_space<hbm>> -> memref<1x2x80xi32, #tpu.memory_space<hbm>>
        %dma_start3A_417 = tpu.memref_squeeze %dma_start3A_416 : memref<1x2x80xi32, #tpu.memory_space<hbm>> -> memref<2x80xi32, #tpu.memory_space<hbm>>
        %dma_start3A_418 = arith.constant 0 : i32
        %dma_start3A_419 = arith.constant 0 : i32
        %dma_start3A_420 = tpu.memref_slice %arg3[%add3A_413, %dma_start3A_418, %dma_start3A_419] : memref<4096x2x80xi32, #tpu.memory_space<hbm>> -> memref<1x2x80xi32, #tpu.memory_space<hbm>>
        %dma_start3A_421 = tpu.memref_squeeze %dma_start3A_420 : memref<1x2x80xi32, #tpu.memory_space<hbm>> -> memref<2x80xi32, #tpu.memory_space<hbm>>
        tpu.enqueue_dma source(%dma_start3A_421 : memref<2x80xi32, #tpu.memory_space<hbm>>) target(%arg6 : memref<2x80xi32, #tpu.memory_space<vmem>>) target_semaphore(%arg27 : memref<!tpu.dma_semaphore, #tpu.memory_space<semaphore_mem>>)
      } else {
      }
      %dma_wait3A_281 = arith.constant 0 : i32
      %dma_wait3A_282 = arith.constant 0 : i32
      %dma_wait3A_283 = tpu.memref_slice %arg9[%dma_wait3A_281, %dma_wait3A_282] : memref<2x80xi32, #tpu.memory_space<vmem>> -> memref<1x80xi32, #tpu.memory_space<vmem>>
      %dma_wait3A_284 = tpu.memref_squeeze %dma_wait3A_283 : memref<1x80xi32, #tpu.memory_space<vmem>> -> memref<80xi32, #tpu.memory_space<vmem>>
      %dma_wait3A_285 = arith.constant 0 : i32
      %dma_wait3A_286 = arith.constant 0 : i32
      %dma_wait3A_287 = tpu.memref_slice %arg2[%dma_wait3A_285, %dma_wait3A_286] : memref<10080x128xf32, #tpu.memory_space<hbm>> -> memref<10080x128xf32, #tpu.memory_space<hbm>>
      tpu.wait_indirect_dma semaphore(%arg18 : memref<!tpu.dma_semaphore, #tpu.memory_space<semaphore_mem>>) src(%dma_wait3A_287 : memref<10080x128xf32, #tpu.memory_space<hbm>>) dst(%arg13 : memref<80x128xf32, #tpu.memory_space<vmem>>)
      %dma_start3A_288 = arith.constant 1 : i32
      %dma_start3A_289 = arith.constant 0 : i32
      %dma_start3A_290 = tpu.memref_slice %arg9[%dma_start3A_288, %dma_start3A_289] : memref<2x80xi32, #tpu.memory_space<vmem>> -> memref<1x80xi32, #tpu.memory_space<vmem>>
      %dma_start3A_291 = tpu.memref_squeeze %dma_start3A_290 : memref<1x80xi32, #tpu.memory_space<vmem>> -> memref<80xi32, #tpu.memory_space<vmem>>
      %dma_start3A_292 = arith.constant 0 : i32
      %dma_start3A_293 = arith.constant 0 : i32
      %dma_start3A_294 = tpu.memref_slice %arg17[%dma_start3A_292, %dma_start3A_293] : memref<10112x128xf32, #tpu.memory_space<vmem_shared>> -> memref<10112x128xf32, #tpu.memory_space<vmem_shared>>
      tpu.enqueue_indirect_dma source(%arg13 : memref<80x128xf32, #tpu.memory_space<vmem>>) target(%dma_start3A_294 : memref<10112x128xf32, #tpu.memory_space<vmem_shared>>) offsets(%dma_start3A_291 : memref<80xi32, #tpu.memory_space<vmem>>) semaphore(%arg22 : memref<!tpu.dma_semaphore, #tpu.memory_space<semaphore_mem>>) {add = true}
      %add3A_295 = arith.constant 4 : i32
      %add3A_296 = arith.addi %add3A_155, %add3A_295 : i32
      %add3A_297 = arith.constant 2 : i32
      %add3A_298 = arith.addi %add3A_296, %add3A_297 : i32
      %lt3A_299 = arith.constant 128 : i32
      %lt3A_300 = arith.cmpi slt, %add3A_298, %lt3A_299 : i32
      %convert_element_type3A_301 = arith.extui %lt3A_300 : i1 to i32
      %cond3A_302 = arith.constant 0 : i32
      %cond3A_303 = arith.cmpi ne, %convert_element_type3A_301, %cond3A_302 : i32
      scf.if %cond3A_303 {
        %add3A_409 = arith.constant 4 : i32
        %add3A_410 = arith.addi %add3A_155, %add3A_409 : i32
        %sub3A = arith.constant 2 : i32
        %sub3A_411 = arith.subi %add3A_410, %sub3A : i32
        %ge3A = arith.constant 0 : i32
        %ge3A_412 = arith.cmpi sge, %sub3A_411, %ge3A : i32
        %convert_element_type3A_413 = arith.extui %ge3A_412 : i1 to i32
        %cond3A_414 = arith.constant 0 : i32
        %cond3A_415 = arith.cmpi ne, %convert_element_type3A_413, %cond3A_414 : i32
        scf.if %cond3A_415 {
          %dma_wait3A_436 = arith.constant 1 : i32
          %dma_wait3A_437 = arith.constant 0 : i32
          %dma_wait3A_438 = tpu.memref_slice %arg11[%dma_wait3A_436, %dma_wait3A_437] : memref<2x80xi32, #tpu.memory_space<vmem>> -> memref<1x80xi32, #tpu.memory_space<vmem>>
          %dma_wait3A_439 = tpu.memref_squeeze %dma_wait3A_438 : memref<1x80xi32, #tpu.memory_space<vmem>> -> memref<80xi32, #tpu.memory_space<vmem>>
          %dma_wait3A_440 = arith.constant 0 : i32
          %dma_wait3A_441 = arith.constant 0 : i32
          %dma_wait3A_442 = tpu.memref_slice %arg17[%dma_wait3A_440, %dma_wait3A_441] : memref<10112x128xf32, #tpu.memory_space<vmem_shared>> -> memref<10112x128xf32, #tpu.memory_space<vmem_shared>>
          tpu.wait_indirect_dma semaphore(%arg24 : memref<!tpu.dma_semaphore, #tpu.memory_space<semaphore_mem>>) src(%arg15 : memref<80x128xf32, #tpu.memory_space<vmem>>) dst(%dma_wait3A_442 : memref<10112x128xf32, #tpu.memory_space<vmem_shared>>)
        } else {
        }
        %add3A_416 = arith.addi %mul3A_2, %add3A_155 : i32
        %add3A_417 = arith.constant 4 : i32
        %add3A_418 = arith.addi %add3A_416, %add3A_417 : i32
        %add3A_419 = arith.constant 2 : i32
        %add3A_420 = arith.addi %add3A_418, %add3A_419 : i32
        %dma_wait3A_421 = arith.constant 0 : i32
        %dma_wait3A_422 = arith.constant 0 : i32
        %dma_wait3A_423 = tpu.memref_slice %arg3[%add3A_420, %dma_wait3A_421, %dma_wait3A_422] : memref<4096x2x80xi32, #tpu.memory_space<hbm>> -> memref<1x2x80xi32, #tpu.memory_space<hbm>>
        %dma_wait3A_424 = tpu.memref_squeeze %dma_wait3A_423 : memref<1x2x80xi32, #tpu.memory_space<hbm>> -> memref<2x80xi32, #tpu.memory_space<hbm>>
        %dma_wait3A_425 = arith.constant 0 : i32
        %dma_wait3A_426 = arith.constant 0 : i32
        %dma_wait3A_427 = tpu.memref_slice %arg3[%add3A_420, %dma_wait3A_425, %dma_wait3A_426] : memref<4096x2x80xi32, #tpu.memory_space<hbm>> -> memref<1x2x80xi32, #tpu.memory_space<hbm>>
        %dma_wait3A_428 = tpu.memref_squeeze %dma_wait3A_427 : memref<1x2x80xi32, #tpu.memory_space<hbm>> -> memref<2x80xi32, #tpu.memory_space<hbm>>
        tpu.wait_dma2 semaphore(%arg32 : memref<!tpu.dma_semaphore, #tpu.memory_space<semaphore_mem>>) src(%dma_wait3A_428 : memref<2x80xi32, #tpu.memory_space<hbm>>) dst(%arg11 : memref<2x80xi32, #tpu.memory_space<vmem>>)
        %dma_start3A_429 = arith.constant 0 : i32
        %dma_start3A_430 = arith.constant 0 : i32
        %dma_start3A_431 = tpu.memref_slice %arg11[%dma_start3A_429, %dma_start3A_430] : memref<2x80xi32, #tpu.memory_space<vmem>> -> memref<1x80xi32, #tpu.memory_space<vmem>>
        %dma_start3A_432 = tpu.memref_squeeze %dma_start3A_431 : memref<1x80xi32, #tpu.memory_space<vmem>> -> memref<80xi32, #tpu.memory_space<vmem>>
        %dma_start3A_433 = arith.constant 0 : i32
        %dma_start3A_434 = arith.constant 0 : i32
        %dma_start3A_435 = tpu.memref_slice %arg2[%dma_start3A_433, %dma_start3A_434] : memref<10080x128xf32, #tpu.memory_space<hbm>> -> memref<10080x128xf32, #tpu.memory_space<hbm>>
        tpu.enqueue_indirect_dma source(%dma_start3A_435 : memref<10080x128xf32, #tpu.memory_space<hbm>>) target(%arg15 : memref<80x128xf32, #tpu.memory_space<vmem>>) offsets(%dma_start3A_432 : memref<80xi32, #tpu.memory_space<vmem>>) semaphore(%arg20 : memref<!tpu.dma_semaphore, #tpu.memory_space<semaphore_mem>>)
      } else {
      }
      %add3A_304 = arith.constant 4 : i32
      %add3A_305 = arith.addi %add3A_155, %add3A_304 : i32
      %add3A_306 = arith.constant 6 : i32
      %add3A_307 = arith.addi %add3A_305, %add3A_306 : i32
      %lt3A_308 = arith.constant 128 : i32
      %lt3A_309 = arith.cmpi slt, %add3A_307, %lt3A_308 : i32
      %convert_element_type3A_310 = arith.extui %lt3A_309 : i1 to i32
      %cond3A_311 = arith.constant 0 : i32
      %cond3A_312 = arith.cmpi ne, %convert_element_type3A_310, %cond3A_311 : i32
      scf.if %cond3A_312 {
        %add3A_409 = arith.addi %mul3A_2, %add3A_155 : i32
        %add3A_410 = arith.constant 4 : i32
        %add3A_411 = arith.addi %add3A_409, %add3A_410 : i32
        %add3A_412 = arith.constant 6 : i32
        %add3A_413 = arith.addi %add3A_411, %add3A_412 : i32
        %dma_start3A_414 = arith.constant 0 : i32
        %dma_start3A_415 = arith.constant 0 : i32
        %dma_start3A_416 = tpu.memref_slice %arg3[%add3A_413, %dma_start3A_414, %dma_start3A_415] : memref<4096x2x80xi32, #tpu.memory_space<hbm>> -> memref<1x2x80xi32, #tpu.memory_space<hbm>>
        %dma_start3A_417 = tpu.memref_squeeze %dma_start3A_416 : memref<1x2x80xi32, #tpu.memory_space<hbm>> -> memref<2x80xi32, #tpu.memory_space<hbm>>
        %dma_start3A_418 = arith.constant 0 : i32
        %dma_start3A_419 = arith.constant 0 : i32
        %dma_start3A_420 = tpu.memref_slice %arg3[%add3A_413, %dma_start3A_418, %dma_start3A_419] : memref<4096x2x80xi32, #tpu.memory_space<hbm>> -> memref<1x2x80xi32, #tpu.memory_space<hbm>>
        %dma_start3A_421 = tpu.memref_squeeze %dma_start3A_420 : memref<1x2x80xi32, #tpu.memory_space<hbm>> -> memref<2x80xi32, #tpu.memory_space<hbm>>
        tpu.enqueue_dma source(%dma_start3A_421 : memref<2x80xi32, #tpu.memory_space<hbm>>) target(%arg7 : memref<2x80xi32, #tpu.memory_space<vmem>>) target_semaphore(%arg28 : memref<!tpu.dma_semaphore, #tpu.memory_space<semaphore_mem>>)
      } else {
      }
      %dma_wait3A_313 = arith.constant 0 : i32
      %dma_wait3A_314 = arith.constant 0 : i32
      %dma_wait3A_315 = tpu.memref_slice %arg10[%dma_wait3A_313, %dma_wait3A_314] : memref<2x80xi32, #tpu.memory_space<vmem>> -> memref<1x80xi32, #tpu.memory_space<vmem>>
      %dma_wait3A_316 = tpu.memref_squeeze %dma_wait3A_315 : memref<1x80xi32, #tpu.memory_space<vmem>> -> memref<80xi32, #tpu.memory_space<vmem>>
      %dma_wait3A_317 = arith.constant 0 : i32
      %dma_wait3A_318 = arith.constant 0 : i32
      %dma_wait3A_319 = tpu.memref_slice %arg2[%dma_wait3A_317, %dma_wait3A_318] : memref<10080x128xf32, #tpu.memory_space<hbm>> -> memref<10080x128xf32, #tpu.memory_space<hbm>>
      tpu.wait_indirect_dma semaphore(%arg19 : memref<!tpu.dma_semaphore, #tpu.memory_space<semaphore_mem>>) src(%dma_wait3A_319 : memref<10080x128xf32, #tpu.memory_space<hbm>>) dst(%arg14 : memref<80x128xf32, #tpu.memory_space<vmem>>)
      %dma_start3A_320 = arith.constant 1 : i32
      %dma_start3A_321 = arith.constant 0 : i32
      %dma_start3A_322 = tpu.memref_slice %arg10[%dma_start3A_320, %dma_start3A_321] : memref<2x80xi32, #tpu.memory_space<vmem>> -> memref<1x80xi32, #tpu.memory_space<vmem>>
      %dma_start3A_323 = tpu.memref_squeeze %dma_start3A_322 : memref<1x80xi32, #tpu.memory_space<vmem>> -> memref<80xi32, #tpu.memory_space<vmem>>
      %dma_start3A_324 = arith.constant 0 : i32
      %dma_start3A_325 = arith.constant 0 : i32
      %dma_start3A_326 = tpu.memref_slice %arg17[%dma_start3A_324, %dma_start3A_325] : memref<10112x128xf32, #tpu.memory_space<vmem_shared>> -> memref<10112x128xf32, #tpu.memory_space<vmem_shared>>
      tpu.enqueue_indirect_dma source(%arg14 : memref<80x128xf32, #tpu.memory_space<vmem>>) target(%dma_start3A_326 : memref<10112x128xf32, #tpu.memory_space<vmem_shared>>) offsets(%dma_start3A_323 : memref<80xi32, #tpu.memory_space<vmem>>) semaphore(%arg23 : memref<!tpu.dma_semaphore, #tpu.memory_space<semaphore_mem>>) {add = true}
      %add3A_327 = arith.constant 5 : i32
      %add3A_328 = arith.addi %add3A_155, %add3A_327 : i32
      %add3A_329 = arith.constant 2 : i32
      %add3A_330 = arith.addi %add3A_328, %add3A_329 : i32
      %lt3A_331 = arith.constant 128 : i32
      %lt3A_332 = arith.cmpi slt, %add3A_330, %lt3A_331 : i32
      %convert_element_type3A_333 = arith.extui %lt3A_332 : i1 to i32
      %cond3A_334 = arith.constant 0 : i32
      %cond3A_335 = arith.cmpi ne, %convert_element_type3A_333, %cond3A_334 : i32
      scf.if %cond3A_335 {
        %add3A_409 = arith.constant 5 : i32
        %add3A_410 = arith.addi %add3A_155, %add3A_409 : i32
        %sub3A = arith.constant 2 : i32
        %sub3A_411 = arith.subi %add3A_410, %sub3A : i32
        %ge3A = arith.constant 0 : i32
        %ge3A_412 = arith.cmpi sge, %sub3A_411, %ge3A : i32
        %convert_element_type3A_413 = arith.extui %ge3A_412 : i1 to i32
        %cond3A_414 = arith.constant 0 : i32
        %cond3A_415 = arith.cmpi ne, %convert_element_type3A_413, %cond3A_414 : i32
        scf.if %cond3A_415 {
          %dma_wait3A_436 = arith.constant 1 : i32
          %dma_wait3A_437 = arith.constant 0 : i32
          %dma_wait3A_438 = tpu.memref_slice %arg12[%dma_wait3A_436, %dma_wait3A_437] : memref<2x80xi32, #tpu.memory_space<vmem>> -> memref<1x80xi32, #tpu.memory_space<vmem>>
          %dma_wait3A_439 = tpu.memref_squeeze %dma_wait3A_438 : memref<1x80xi32, #tpu.memory_space<vmem>> -> memref<80xi32, #tpu.memory_space<vmem>>
          %dma_wait3A_440 = arith.constant 0 : i32
          %dma_wait3A_441 = arith.constant 0 : i32
          %dma_wait3A_442 = tpu.memref_slice %arg17[%dma_wait3A_440, %dma_wait3A_441] : memref<10112x128xf32, #tpu.memory_space<vmem_shared>> -> memref<10112x128xf32, #tpu.memory_space<vmem_shared>>
          tpu.wait_indirect_dma semaphore(%arg25 : memref<!tpu.dma_semaphore, #tpu.memory_space<semaphore_mem>>) src(%arg16 : memref<80x128xf32, #tpu.memory_space<vmem>>) dst(%dma_wait3A_442 : memref<10112x128xf32, #tpu.memory_space<vmem_shared>>)
        } else {
        }
        %add3A_416 = arith.addi %mul3A_2, %add3A_155 : i32
        %add3A_417 = arith.constant 5 : i32
        %add3A_418 = arith.addi %add3A_416, %add3A_417 : i32
        %add3A_419 = arith.constant 2 : i32
        %add3A_420 = arith.addi %add3A_418, %add3A_419 : i32
        %dma_wait3A_421 = arith.constant 0 : i32
        %dma_wait3A_422 = arith.constant 0 : i32
        %dma_wait3A_423 = tpu.memref_slice %arg3[%add3A_420, %dma_wait3A_421, %dma_wait3A_422] : memref<4096x2x80xi32, #tpu.memory_space<hbm>> -> memref<1x2x80xi32, #tpu.memory_space<hbm>>
        %dma_wait3A_424 = tpu.memref_squeeze %dma_wait3A_423 : memref<1x2x80xi32, #tpu.memory_space<hbm>> -> memref<2x80xi32, #tpu.memory_space<hbm>>
        %dma_wait3A_425 = arith.constant 0 : i32
        %dma_wait3A_426 = arith.constant 0 : i32
        %dma_wait3A_427 = tpu.memref_slice %arg3[%add3A_420, %dma_wait3A_425, %dma_wait3A_426] : memref<4096x2x80xi32, #tpu.memory_space<hbm>> -> memref<1x2x80xi32, #tpu.memory_space<hbm>>
        %dma_wait3A_428 = tpu.memref_squeeze %dma_wait3A_427 : memref<1x2x80xi32, #tpu.memory_space<hbm>> -> memref<2x80xi32, #tpu.memory_space<hbm>>
        tpu.wait_dma2 semaphore(%arg33 : memref<!tpu.dma_semaphore, #tpu.memory_space<semaphore_mem>>) src(%dma_wait3A_428 : memref<2x80xi32, #tpu.memory_space<hbm>>) dst(%arg12 : memref<2x80xi32, #tpu.memory_space<vmem>>)
        %dma_start3A_429 = arith.constant 0 : i32
        %dma_start3A_430 = arith.constant 0 : i32
        %dma_start3A_431 = tpu.memref_slice %arg12[%dma_start3A_429, %dma_start3A_430] : memref<2x80xi32, #tpu.memory_space<vmem>> -> memref<1x80xi32, #tpu.memory_space<vmem>>
        %dma_start3A_432 = tpu.memref_squeeze %dma_start3A_431 : memref<1x80xi32, #tpu.memory_space<vmem>> -> memref<80xi32, #tpu.memory_space<vmem>>
        %dma_start3A_433 = arith.constant 0 : i32
        %dma_start3A_434 = arith.constant 0 : i32
        %dma_start3A_435 = tpu.memref_slice %arg2[%dma_start3A_433, %dma_start3A_434] : memref<10080x128xf32, #tpu.memory_space<hbm>> -> memref<10080x128xf32, #tpu.memory_space<hbm>>
        tpu.enqueue_indirect_dma source(%dma_start3A_435 : memref<10080x128xf32, #tpu.memory_space<hbm>>) target(%arg16 : memref<80x128xf32, #tpu.memory_space<vmem>>) offsets(%dma_start3A_432 : memref<80xi32, #tpu.memory_space<vmem>>) semaphore(%arg21 : memref<!tpu.dma_semaphore, #tpu.memory_space<semaphore_mem>>)
      } else {
      }
      %add3A_336 = arith.constant 5 : i32
      %add3A_337 = arith.addi %add3A_155, %add3A_336 : i32
      %add3A_338 = arith.constant 6 : i32
      %add3A_339 = arith.addi %add3A_337, %add3A_338 : i32
      %lt3A_340 = arith.constant 128 : i32
      %lt3A_341 = arith.cmpi slt, %add3A_339, %lt3A_340 : i32
      %convert_element_type3A_342 = arith.extui %lt3A_341 : i1 to i32
      %cond3A_343 = arith.constant 0 : i32
      %cond3A_344 = arith.cmpi ne, %convert_element_type3A_342, %cond3A_343 : i32
      scf.if %cond3A_344 {
        %add3A_409 = arith.addi %mul3A_2, %add3A_155 : i32
        %add3A_410 = arith.constant 5 : i32
        %add3A_411 = arith.addi %add3A_409, %add3A_410 : i32
        %add3A_412 = arith.constant 6 : i32
        %add3A_413 = arith.addi %add3A_411, %add3A_412 : i32
        %dma_start3A_414 = arith.constant 0 : i32
        %dma_start3A_415 = arith.constant 0 : i32
        %dma_start3A_416 = tpu.memref_slice %arg3[%add3A_413, %dma_start3A_414, %dma_start3A_415] : memref<4096x2x80xi32, #tpu.memory_space<hbm>> -> memref<1x2x80xi32, #tpu.memory_space<hbm>>
        %dma_start3A_417 = tpu.memref_squeeze %dma_start3A_416 : memref<1x2x80xi32, #tpu.memory_space<hbm>> -> memref<2x80xi32, #tpu.memory_space<hbm>>
        %dma_start3A_418 = arith.constant 0 : i32
        %dma_start3A_419 = arith.constant 0 : i32
        %dma_start3A_420 = tpu.memref_slice %arg3[%add3A_413, %dma_start3A_418, %dma_start3A_419] : memref<4096x2x80xi32, #tpu.memory_space<hbm>> -> memref<1x2x80xi32, #tpu.memory_space<hbm>>
        %dma_start3A_421 = tpu.memref_squeeze %dma_start3A_420 : memref<1x2x80xi32, #tpu.memory_space<hbm>> -> memref<2x80xi32, #tpu.memory_space<hbm>>
        tpu.enqueue_dma source(%dma_start3A_421 : memref<2x80xi32, #tpu.memory_space<hbm>>) target(%arg8 : memref<2x80xi32, #tpu.memory_space<vmem>>) target_semaphore(%arg29 : memref<!tpu.dma_semaphore, #tpu.memory_space<semaphore_mem>>)
      } else {
      }
      %dma_wait3A_345 = arith.constant 0 : i32
      %dma_wait3A_346 = arith.constant 0 : i32
      %dma_wait3A_347 = tpu.memref_slice %arg11[%dma_wait3A_345, %dma_wait3A_346] : memref<2x80xi32, #tpu.memory_space<vmem>> -> memref<1x80xi32, #tpu.memory_space<vmem>>
      %dma_wait3A_348 = tpu.memref_squeeze %dma_wait3A_347 : memref<1x80xi32, #tpu.memory_space<vmem>> -> memref<80xi32, #tpu.memory_space<vmem>>
      %dma_wait3A_349 = arith.constant 0 : i32
      %dma_wait3A_350 = arith.constant 0 : i32
      %dma_wait3A_351 = tpu.memref_slice %arg2[%dma_wait3A_349, %dma_wait3A_350] : memref<10080x128xf32, #tpu.memory_space<hbm>> -> memref<10080x128xf32, #tpu.memory_space<hbm>>
      tpu.wait_indirect_dma semaphore(%arg20 : memref<!tpu.dma_semaphore, #tpu.memory_space<semaphore_mem>>) src(%dma_wait3A_351 : memref<10080x128xf32, #tpu.memory_space<hbm>>) dst(%arg15 : memref<80x128xf32, #tpu.memory_space<vmem>>)
      %dma_start3A_352 = arith.constant 1 : i32
      %dma_start3A_353 = arith.constant 0 : i32
      %dma_start3A_354 = tpu.memref_slice %arg11[%dma_start3A_352, %dma_start3A_353] : memref<2x80xi32, #tpu.memory_space<vmem>> -> memref<1x80xi32, #tpu.memory_space<vmem>>
      %dma_start3A_355 = tpu.memref_squeeze %dma_start3A_354 : memref<1x80xi32, #tpu.memory_space<vmem>> -> memref<80xi32, #tpu.memory_space<vmem>>
      %dma_start3A_356 = arith.constant 0 : i32
      %dma_start3A_357 = arith.constant 0 : i32
      %dma_start3A_358 = tpu.memref_slice %arg17[%dma_start3A_356, %dma_start3A_357] : memref<10112x128xf32, #tpu.memory_space<vmem_shared>> -> memref<10112x128xf32, #tpu.memory_space<vmem_shared>>
      tpu.enqueue_indirect_dma source(%arg15 : memref<80x128xf32, #tpu.memory_space<vmem>>) target(%dma_start3A_358 : memref<10112x128xf32, #tpu.memory_space<vmem_shared>>) offsets(%dma_start3A_355 : memref<80xi32, #tpu.memory_space<vmem>>) semaphore(%arg24 : memref<!tpu.dma_semaphore, #tpu.memory_space<semaphore_mem>>) {add = true}
      %add3A_359 = arith.constant 6 : i32
      %add3A_360 = arith.addi %add3A_155, %add3A_359 : i32
      %add3A_361 = arith.constant 2 : i32
      %add3A_362 = arith.addi %add3A_360, %add3A_361 : i32
      %lt3A_363 = arith.constant 128 : i32
      %lt3A_364 = arith.cmpi slt, %add3A_362, %lt3A_363 : i32
      %convert_element_type3A_365 = arith.extui %lt3A_364 : i1 to i32
      %cond3A_366 = arith.constant 0 : i32
      %cond3A_367 = arith.cmpi ne, %convert_element_type3A_365, %cond3A_366 : i32
      scf.if %cond3A_367 {
        %add3A_409 = arith.constant 6 : i32
        %add3A_410 = arith.addi %add3A_155, %add3A_409 : i32
        %sub3A = arith.constant 2 : i32
        %sub3A_411 = arith.subi %add3A_410, %sub3A : i32
        %ge3A = arith.constant 0 : i32
        %ge3A_412 = arith.cmpi sge, %sub3A_411, %ge3A : i32
        %convert_element_type3A_413 = arith.extui %ge3A_412 : i1 to i32
        %cond3A_414 = arith.constant 0 : i32
        %cond3A_415 = arith.cmpi ne, %convert_element_type3A_413, %cond3A_414 : i32
        scf.if %cond3A_415 {
          %dma_wait3A_436 = arith.constant 1 : i32
          %dma_wait3A_437 = arith.constant 0 : i32
          %dma_wait3A_438 = tpu.memref_slice %arg5[%dma_wait3A_436, %dma_wait3A_437] : memref<2x80xi32, #tpu.memory_space<vmem>> -> memref<1x80xi32, #tpu.memory_space<vmem>>
          %dma_wait3A_439 = tpu.memref_squeeze %dma_wait3A_438 : memref<1x80xi32, #tpu.memory_space<vmem>> -> memref<80xi32, #tpu.memory_space<vmem>>
          %dma_wait3A_440 = arith.constant 0 : i32
          %dma_wait3A_441 = arith.constant 0 : i32
          %dma_wait3A_442 = tpu.memref_slice %arg17[%dma_wait3A_440, %dma_wait3A_441] : memref<10112x128xf32, #tpu.memory_space<vmem_shared>> -> memref<10112x128xf32, #tpu.memory_space<vmem_shared>>
          tpu.wait_indirect_dma semaphore(%arg22 : memref<!tpu.dma_semaphore, #tpu.memory_space<semaphore_mem>>) src(%arg13 : memref<80x128xf32, #tpu.memory_space<vmem>>) dst(%dma_wait3A_442 : memref<10112x128xf32, #tpu.memory_space<vmem_shared>>)
        } else {
        }
        %add3A_416 = arith.addi %mul3A_2, %add3A_155 : i32
        %add3A_417 = arith.constant 6 : i32
        %add3A_418 = arith.addi %add3A_416, %add3A_417 : i32
        %add3A_419 = arith.constant 2 : i32
        %add3A_420 = arith.addi %add3A_418, %add3A_419 : i32
        %dma_wait3A_421 = arith.constant 0 : i32
        %dma_wait3A_422 = arith.constant 0 : i32
        %dma_wait3A_423 = tpu.memref_slice %arg3[%add3A_420, %dma_wait3A_421, %dma_wait3A_422] : memref<4096x2x80xi32, #tpu.memory_space<hbm>> -> memref<1x2x80xi32, #tpu.memory_space<hbm>>
        %dma_wait3A_424 = tpu.memref_squeeze %dma_wait3A_423 : memref<1x2x80xi32, #tpu.memory_space<hbm>> -> memref<2x80xi32, #tpu.memory_space<hbm>>
        %dma_wait3A_425 = arith.constant 0 : i32
        %dma_wait3A_426 = arith.constant 0 : i32
        %dma_wait3A_427 = tpu.memref_slice %arg3[%add3A_420, %dma_wait3A_425, %dma_wait3A_426] : memref<4096x2x80xi32, #tpu.memory_space<hbm>> -> memref<1x2x80xi32, #tpu.memory_space<hbm>>
        %dma_wait3A_428 = tpu.memref_squeeze %dma_wait3A_427 : memref<1x2x80xi32, #tpu.memory_space<hbm>> -> memref<2x80xi32, #tpu.memory_space<hbm>>
        tpu.wait_dma2 semaphore(%arg26 : memref<!tpu.dma_semaphore, #tpu.memory_space<semaphore_mem>>) src(%dma_wait3A_428 : memref<2x80xi32, #tpu.memory_space<hbm>>) dst(%arg5 : memref<2x80xi32, #tpu.memory_space<vmem>>)
        %dma_start3A_429 = arith.constant 0 : i32
        %dma_start3A_430 = arith.constant 0 : i32
        %dma_start3A_431 = tpu.memref_slice %arg5[%dma_start3A_429, %dma_start3A_430] : memref<2x80xi32, #tpu.memory_space<vmem>> -> memref<1x80xi32, #tpu.memory_space<vmem>>
        %dma_start3A_432 = tpu.memref_squeeze %dma_start3A_431 : memref<1x80xi32, #tpu.memory_space<vmem>> -> memref<80xi32, #tpu.memory_space<vmem>>
        %dma_start3A_433 = arith.constant 0 : i32
        %dma_start3A_434 = arith.constant 0 : i32
        %dma_start3A_435 = tpu.memref_slice %arg2[%dma_start3A_433, %dma_start3A_434] : memref<10080x128xf32, #tpu.memory_space<hbm>> -> memref<10080x128xf32, #tpu.memory_space<hbm>>
        tpu.enqueue_indirect_dma source(%dma_start3A_435 : memref<10080x128xf32, #tpu.memory_space<hbm>>) target(%arg13 : memref<80x128xf32, #tpu.memory_space<vmem>>) offsets(%dma_start3A_432 : memref<80xi32, #tpu.memory_space<vmem>>) semaphore(%arg18 : memref<!tpu.dma_semaphore, #tpu.memory_space<semaphore_mem>>)
      } else {
      }
      %add3A_368 = arith.constant 6 : i32
      %add3A_369 = arith.addi %add3A_155, %add3A_368 : i32
      %add3A_370 = arith.constant 6 : i32
      %add3A_371 = arith.addi %add3A_369, %add3A_370 : i32
      %lt3A_372 = arith.constant 128 : i32
      %lt3A_373 = arith.cmpi slt, %add3A_371, %lt3A_372 : i32
      %convert_element_type3A_374 = arith.extui %lt3A_373 : i1 to i32
      %cond3A_375 = arith.constant 0 : i32
      %cond3A_376 = arith.cmpi ne, %convert_element_type3A_374, %cond3A_375 : i32
      scf.if %cond3A_376 {
        %add3A_409 = arith.addi %mul3A_2, %add3A_155 : i32
        %add3A_410 = arith.constant 6 : i32
        %add3A_411 = arith.addi %add3A_409, %add3A_410 : i32
        %add3A_412 = arith.constant 6 : i32
        %add3A_413 = arith.addi %add3A_411, %add3A_412 : i32
        %dma_start3A_414 = arith.constant 0 : i32
        %dma_start3A_415 = arith.constant 0 : i32
        %dma_start3A_416 = tpu.memref_slice %arg3[%add3A_413, %dma_start3A_414, %dma_start3A_415] : memref<4096x2x80xi32, #tpu.memory_space<hbm>> -> memref<1x2x80xi32, #tpu.memory_space<hbm>>
        %dma_start3A_417 = tpu.memref_squeeze %dma_start3A_416 : memref<1x2x80xi32, #tpu.memory_space<hbm>> -> memref<2x80xi32, #tpu.memory_space<hbm>>
        %dma_start3A_418 = arith.constant 0 : i32
        %dma_start3A_419 = arith.constant 0 : i32
        %dma_start3A_420 = tpu.memref_slice %arg3[%add3A_413, %dma_start3A_418, %dma_start3A_419] : memref<4096x2x80xi32, #tpu.memory_space<hbm>> -> memref<1x2x80xi32, #tpu.memory_space<hbm>>
        %dma_start3A_421 = tpu.memref_squeeze %dma_start3A_420 : memref<1x2x80xi32, #tpu.memory_space<hbm>> -> memref<2x80xi32, #tpu.memory_space<hbm>>
        tpu.enqueue_dma source(%dma_start3A_421 : memref<2x80xi32, #tpu.memory_space<hbm>>) target(%arg9 : memref<2x80xi32, #tpu.memory_space<vmem>>) target_semaphore(%arg30 : memref<!tpu.dma_semaphore, #tpu.memory_space<semaphore_mem>>)
      } else {
      }
      %dma_wait3A_377 = arith.constant 0 : i32
      %dma_wait3A_378 = arith.constant 0 : i32
      %dma_wait3A_379 = tpu.memref_slice %arg12[%dma_wait3A_377, %dma_wait3A_378] : memref<2x80xi32, #tpu.memory_space<vmem>> -> memref<1x80xi32, #tpu.memory_space<vmem>>
      %dma_wait3A_380 = tpu.memref_squeeze %dma_wait3A_379 : memref<1x80xi32, #tpu.memory_space<vmem>> -> memref<80xi32, #tpu.memory_space<vmem>>
      %dma_wait3A_381 = arith.constant 0 : i32
      %dma_wait3A_382 = arith.constant 0 : i32
      %dma_wait3A_383 = tpu.memref_slice %arg2[%dma_wait3A_381, %dma_wait3A_382] : memref<10080x128xf32, #tpu.memory_space<hbm>> -> memref<10080x128xf32, #tpu.memory_space<hbm>>
      tpu.wait_indirect_dma semaphore(%arg21 : memref<!tpu.dma_semaphore, #tpu.memory_space<semaphore_mem>>) src(%dma_wait3A_383 : memref<10080x128xf32, #tpu.memory_space<hbm>>) dst(%arg16 : memref<80x128xf32, #tpu.memory_space<vmem>>)
      %dma_start3A_384 = arith.constant 1 : i32
      %dma_start3A_385 = arith.constant 0 : i32
      %dma_start3A_386 = tpu.memref_slice %arg12[%dma_start3A_384, %dma_start3A_385] : memref<2x80xi32, #tpu.memory_space<vmem>> -> memref<1x80xi32, #tpu.memory_space<vmem>>
      %dma_start3A_387 = tpu.memref_squeeze %dma_start3A_386 : memref<1x80xi32, #tpu.memory_space<vmem>> -> memref<80xi32, #tpu.memory_space<vmem>>
      %dma_start3A_388 = arith.constant 0 : i32
      %dma_start3A_389 = arith.constant 0 : i32
      %dma_start3A_390 = tpu.memref_slice %arg17[%dma_start3A_388, %dma_start3A_389] : memref<10112x128xf32, #tpu.memory_space<vmem_shared>> -> memref<10112x128xf32, #tpu.memory_space<vmem_shared>>
      tpu.enqueue_indirect_dma source(%arg16 : memref<80x128xf32, #tpu.memory_space<vmem>>) target(%dma_start3A_390 : memref<10112x128xf32, #tpu.memory_space<vmem_shared>>) offsets(%dma_start3A_387 : memref<80xi32, #tpu.memory_space<vmem>>) semaphore(%arg25 : memref<!tpu.dma_semaphore, #tpu.memory_space<semaphore_mem>>) {add = true}
      %add3A_391 = arith.constant 7 : i32
      %add3A_392 = arith.addi %add3A_155, %add3A_391 : i32
      %add3A_393 = arith.constant 2 : i32
      %add3A_394 = arith.addi %add3A_392, %add3A_393 : i32
      %lt3A_395 = arith.constant 128 : i32
      %lt3A_396 = arith.cmpi slt, %add3A_394, %lt3A_395 : i32
      %convert_element_type3A_397 = arith.extui %lt3A_396 : i1 to i32
      %cond3A_398 = arith.constant 0 : i32
      %cond3A_399 = arith.cmpi ne, %convert_element_type3A_397, %cond3A_398 : i32
      scf.if %cond3A_399 {
        %add3A_409 = arith.constant 7 : i32
        %add3A_410 = arith.addi %add3A_155, %add3A_409 : i32
        %sub3A = arith.constant 2 : i32
        %sub3A_411 = arith.subi %add3A_410, %sub3A : i32
        %ge3A = arith.constant 0 : i32
        %ge3A_412 = arith.cmpi sge, %sub3A_411, %ge3A : i32
        %convert_element_type3A_413 = arith.extui %ge3A_412 : i1 to i32
        %cond3A_414 = arith.constant 0 : i32
        %cond3A_415 = arith.cmpi ne, %convert_element_type3A_413, %cond3A_414 : i32
        scf.if %cond3A_415 {
          %dma_wait3A_436 = arith.constant 1 : i32
          %dma_wait3A_437 = arith.constant 0 : i32
          %dma_wait3A_438 = tpu.memref_slice %arg6[%dma_wait3A_436, %dma_wait3A_437] : memref<2x80xi32, #tpu.memory_space<vmem>> -> memref<1x80xi32, #tpu.memory_space<vmem>>
          %dma_wait3A_439 = tpu.memref_squeeze %dma_wait3A_438 : memref<1x80xi32, #tpu.memory_space<vmem>> -> memref<80xi32, #tpu.memory_space<vmem>>
          %dma_wait3A_440 = arith.constant 0 : i32
          %dma_wait3A_441 = arith.constant 0 : i32
          %dma_wait3A_442 = tpu.memref_slice %arg17[%dma_wait3A_440, %dma_wait3A_441] : memref<10112x128xf32, #tpu.memory_space<vmem_shared>> -> memref<10112x128xf32, #tpu.memory_space<vmem_shared>>
          tpu.wait_indirect_dma semaphore(%arg23 : memref<!tpu.dma_semaphore, #tpu.memory_space<semaphore_mem>>) src(%arg14 : memref<80x128xf32, #tpu.memory_space<vmem>>) dst(%dma_wait3A_442 : memref<10112x128xf32, #tpu.memory_space<vmem_shared>>)
        } else {
        }
        %add3A_416 = arith.addi %mul3A_2, %add3A_155 : i32
        %add3A_417 = arith.constant 7 : i32
        %add3A_418 = arith.addi %add3A_416, %add3A_417 : i32
        %add3A_419 = arith.constant 2 : i32
        %add3A_420 = arith.addi %add3A_418, %add3A_419 : i32
        %dma_wait3A_421 = arith.constant 0 : i32
        %dma_wait3A_422 = arith.constant 0 : i32
        %dma_wait3A_423 = tpu.memref_slice %arg3[%add3A_420, %dma_wait3A_421, %dma_wait3A_422] : memref<4096x2x80xi32, #tpu.memory_space<hbm>> -> memref<1x2x80xi32, #tpu.memory_space<hbm>>
        %dma_wait3A_424 = tpu.memref_squeeze %dma_wait3A_423 : memref<1x2x80xi32, #tpu.memory_space<hbm>> -> memref<2x80xi32, #tpu.memory_space<hbm>>
        %dma_wait3A_425 = arith.constant 0 : i32
        %dma_wait3A_426 = arith.constant 0 : i32
        %dma_wait3A_427 = tpu.memref_slice %arg3[%add3A_420, %dma_wait3A_425, %dma_wait3A_426] : memref<4096x2x80xi32, #tpu.memory_space<hbm>> -> memref<1x2x80xi32, #tpu.memory_space<hbm>>
        %dma_wait3A_428 = tpu.memref_squeeze %dma_wait3A_427 : memref<1x2x80xi32, #tpu.memory_space<hbm>> -> memref<2x80xi32, #tpu.memory_space<hbm>>
        tpu.wait_dma2 semaphore(%arg27 : memref<!tpu.dma_semaphore, #tpu.memory_space<semaphore_mem>>) src(%dma_wait3A_428 : memref<2x80xi32, #tpu.memory_space<hbm>>) dst(%arg6 : memref<2x80xi32, #tpu.memory_space<vmem>>)
        %dma_start3A_429 = arith.constant 0 : i32
        %dma_start3A_430 = arith.constant 0 : i32
        %dma_start3A_431 = tpu.memref_slice %arg6[%dma_start3A_429, %dma_start3A_430] : memref<2x80xi32, #tpu.memory_space<vmem>> -> memref<1x80xi32, #tpu.memory_space<vmem>>
        %dma_start3A_432 = tpu.memref_squeeze %dma_start3A_431 : memref<1x80xi32, #tpu.memory_space<vmem>> -> memref<80xi32, #tpu.memory_space<vmem>>
        %dma_start3A_433 = arith.constant 0 : i32
        %dma_start3A_434 = arith.constant 0 : i32
        %dma_start3A_435 = tpu.memref_slice %arg2[%dma_start3A_433, %dma_start3A_434] : memref<10080x128xf32, #tpu.memory_space<hbm>> -> memref<10080x128xf32, #tpu.memory_space<hbm>>
        tpu.enqueue_indirect_dma source(%dma_start3A_435 : memref<10080x128xf32, #tpu.memory_space<hbm>>) target(%arg14 : memref<80x128xf32, #tpu.memory_space<vmem>>) offsets(%dma_start3A_432 : memref<80xi32, #tpu.memory_space<vmem>>) semaphore(%arg19 : memref<!tpu.dma_semaphore, #tpu.memory_space<semaphore_mem>>)
      } else {
      }
      %add3A_400 = arith.constant 7 : i32
      %add3A_401 = arith.addi %add3A_155, %add3A_400 : i32
      %add3A_402 = arith.constant 6 : i32
      %add3A_403 = arith.addi %add3A_401, %add3A_402 : i32
      %lt3A_404 = arith.constant 128 : i32
      %lt3A_405 = arith.cmpi slt, %add3A_403, %lt3A_404 : i32
      %convert_element_type3A_406 = arith.extui %lt3A_405 : i1 to i32
      %cond3A_407 = arith.constant 0 : i32
      %cond3A_408 = arith.cmpi ne, %convert_element_type3A_406, %cond3A_407 : i32
      scf.if %cond3A_408 {
        %add3A_409 = arith.addi %mul3A_2, %add3A_155 : i32
        %add3A_410 = arith.constant 7 : i32
        %add3A_411 = arith.addi %add3A_409, %add3A_410 : i32
        %add3A_412 = arith.constant 6 : i32
        %add3A_413 = arith.addi %add3A_411, %add3A_412 : i32
        %dma_start3A_414 = arith.constant 0 : i32
        %dma_start3A_415 = arith.constant 0 : i32
        %dma_start3A_416 = tpu.memref_slice %arg3[%add3A_413, %dma_start3A_414, %dma_start3A_415] : memref<4096x2x80xi32, #tpu.memory_space<hbm>> -> memref<1x2x80xi32, #tpu.memory_space<hbm>>
        %dma_start3A_417 = tpu.memref_squeeze %dma_start3A_416 : memref<1x2x80xi32, #tpu.memory_space<hbm>> -> memref<2x80xi32, #tpu.memory_space<hbm>>
        %dma_start3A_418 = arith.constant 0 : i32
        %dma_start3A_419 = arith.constant 0 : i32
        %dma_start3A_420 = tpu.memref_slice %arg3[%add3A_413, %dma_start3A_418, %dma_start3A_419] : memref<4096x2x80xi32, #tpu.memory_space<hbm>> -> memref<1x2x80xi32, #tpu.memory_space<hbm>>
        %dma_start3A_421 = tpu.memref_squeeze %dma_start3A_420 : memref<1x2x80xi32, #tpu.memory_space<hbm>> -> memref<2x80xi32, #tpu.memory_space<hbm>>
        tpu.enqueue_dma source(%dma_start3A_421 : memref<2x80xi32, #tpu.memory_space<hbm>>) target(%arg10 : memref<2x80xi32, #tpu.memory_space<vmem>>) target_semaphore(%arg31 : memref<!tpu.dma_semaphore, #tpu.memory_space<semaphore_mem>>)
      } else {
      }
    }
    %scan3A_112 = arith.constant 16 : i32
    %dma_wait3A_113 = arith.constant 1 : i32
    %dma_wait3A_114 = arith.constant 0 : i32
    %dma_wait3A_115 = tpu.memref_slice %arg9[%dma_wait3A_113, %dma_wait3A_114] : memref<2x80xi32, #tpu.memory_space<vmem>> -> memref<1x80xi32, #tpu.memory_space<vmem>>
    %dma_wait3A_116 = tpu.memref_squeeze %dma_wait3A_115 : memref<1x80xi32, #tpu.memory_space<vmem>> -> memref<80xi32, #tpu.memory_space<vmem>>
    %dma_wait3A_117 = arith.constant 0 : i32
    %dma_wait3A_118 = arith.constant 0 : i32
    %dma_wait3A_119 = tpu.memref_slice %arg17[%dma_wait3A_117, %dma_wait3A_118] : memref<10112x128xf32, #tpu.memory_space<vmem_shared>> -> memref<10112x128xf32, #tpu.memory_space<vmem_shared>>
    tpu.wait_indirect_dma semaphore(%arg22 : memref<!tpu.dma_semaphore, #tpu.memory_space<semaphore_mem>>) src(%arg13 : memref<80x128xf32, #tpu.memory_space<vmem>>) dst(%dma_wait3A_119 : memref<10112x128xf32, #tpu.memory_space<vmem_shared>>)
    %dma_wait3A_120 = arith.constant 1 : i32
    %dma_wait3A_121 = arith.constant 0 : i32
    %dma_wait3A_122 = tpu.memref_slice %arg10[%dma_wait3A_120, %dma_wait3A_121] : memref<2x80xi32, #tpu.memory_space<vmem>> -> memref<1x80xi32, #tpu.memory_space<vmem>>
    %dma_wait3A_123 = tpu.memref_squeeze %dma_wait3A_122 : memref<1x80xi32, #tpu.memory_space<vmem>> -> memref<80xi32, #tpu.memory_space<vmem>>
    %dma_wait3A_124 = arith.constant 0 : i32
    %dma_wait3A_125 = arith.constant 0 : i32
    %dma_wait3A_126 = tpu.memref_slice %arg17[%dma_wait3A_124, %dma_wait3A_125] : memref<10112x128xf32, #tpu.memory_space<vmem_shared>> -> memref<10112x128xf32, #tpu.memory_space<vmem_shared>>
    tpu.wait_indirect_dma semaphore(%arg23 : memref<!tpu.dma_semaphore, #tpu.memory_space<semaphore_mem>>) src(%arg14 : memref<80x128xf32, #tpu.memory_space<vmem>>) dst(%dma_wait3A_126 : memref<10112x128xf32, #tpu.memory_space<vmem_shared>>)
    %dma_wait3A_127 = arith.constant 1 : i32
    %dma_wait3A_128 = arith.constant 0 : i32
    %dma_wait3A_129 = tpu.memref_slice %arg11[%dma_wait3A_127, %dma_wait3A_128] : memref<2x80xi32, #tpu.memory_space<vmem>> -> memref<1x80xi32, #tpu.memory_space<vmem>>
    %dma_wait3A_130 = tpu.memref_squeeze %dma_wait3A_129 : memref<1x80xi32, #tpu.memory_space<vmem>> -> memref<80xi32, #tpu.memory_space<vmem>>
    %dma_wait3A_131 = arith.constant 0 : i32
    %dma_wait3A_132 = arith.constant 0 : i32
    %dma_wait3A_133 = tpu.memref_slice %arg17[%dma_wait3A_131, %dma_wait3A_132] : memref<10112x128xf32, #tpu.memory_space<vmem_shared>> -> memref<10112x128xf32, #tpu.memory_space<vmem_shared>>
    tpu.wait_indirect_dma semaphore(%arg24 : memref<!tpu.dma_semaphore, #tpu.memory_space<semaphore_mem>>) src(%arg15 : memref<80x128xf32, #tpu.memory_space<vmem>>) dst(%dma_wait3A_133 : memref<10112x128xf32, #tpu.memory_space<vmem_shared>>)
    %dma_wait3A_134 = arith.constant 1 : i32
    %dma_wait3A_135 = arith.constant 0 : i32
    %dma_wait3A_136 = tpu.memref_slice %arg12[%dma_wait3A_134, %dma_wait3A_135] : memref<2x80xi32, #tpu.memory_space<vmem>> -> memref<1x80xi32, #tpu.memory_space<vmem>>
    %dma_wait3A_137 = tpu.memref_squeeze %dma_wait3A_136 : memref<1x80xi32, #tpu.memory_space<vmem>> -> memref<80xi32, #tpu.memory_space<vmem>>
    %dma_wait3A_138 = arith.constant 0 : i32
    %dma_wait3A_139 = arith.constant 0 : i32
    %dma_wait3A_140 = tpu.memref_slice %arg17[%dma_wait3A_138, %dma_wait3A_139] : memref<10112x128xf32, #tpu.memory_space<vmem_shared>> -> memref<10112x128xf32, #tpu.memory_space<vmem_shared>>
    tpu.wait_indirect_dma semaphore(%arg25 : memref<!tpu.dma_semaphore, #tpu.memory_space<semaphore_mem>>) src(%arg16 : memref<80x128xf32, #tpu.memory_space<vmem>>) dst(%dma_wait3A_140 : memref<10112x128xf32, #tpu.memory_space<vmem_shared>>)
    %barrier3A_141 = arith.constant 0 : index
    tpu.barrier barrier_id(%barrier3A_141)
    %scan3A_142 = arith.constant 0 : i32
    %scan3A_143 = arith.constant 7 : i32
    %scan3A_144 = arith.addi %scan3A_142, %scan3A_143 : i32
    %scan3A_145 = arith.constant 1 : i32
    scf.for %scan3A_151 = %scan3A_142 to %scan3A_144 step %scan3A_145  : i32 {
      %mul3A_152 = arith.constant 1 : i32
      %mul3A_153 = arith.muli %scan3A_151, %mul3A_152 : i32
      %add3A_154 = arith.constant 0 : i32
      %add3A_155 = arith.addi %add3A_154, %mul3A_153 : i32
      %mul3A_156 = arith.constant 632 : i32
      %mul3A_157 = arith.muli %arg1, %mul3A_156 : i32
      %mul3A_158 = arith.constant 80 : i32
      %mul3A_159 = arith.muli %add3A_155, %mul3A_158 : i32
      %add3A_160 = arith.addi %mul3A_157, %mul3A_159 : i32
      "tpu.region"() ({
        %run_scoped3A = tpu.sem_alloc : memref<!tpu.dma_semaphore, #tpu.memory_space<semaphore_mem>>
        %dma_start3A_161 = arith.constant 0 : i32
        %dma_start3A_162 = arith.constant 0 : i32
        %dma_start3A_163 = tpu.memref_slice %arg4[%arg0, %dma_start3A_161, %dma_start3A_162] : memref<2x10112x128xf32, #tpu.memory_space<hbm>> -> memref<1x10112x128xf32, #tpu.memory_space<hbm>>
        %dma_start3A_164 = tpu.memref_squeeze %dma_start3A_163 : memref<1x10112x128xf32, #tpu.memory_space<hbm>> -> memref<10112x128xf32, #tpu.memory_space<hbm>>
        %dma_start3A_165 = arith.constant 0 : i32
        %dma_start3A_166 = tpu.memref_slice %dma_start3A_164[%add3A_160, %dma_start3A_165] : memref<10112x128xf32, #tpu.memory_space<hbm>> -> memref<80x128xf32, #tpu.memory_space<hbm>>
        %dma_start3A_167 = arith.constant 0 : i32
        %dma_start3A_168 = tpu.memref_slice %arg17[%add3A_160, %dma_start3A_167] : memref<10112x128xf32, #tpu.memory_space<vmem_shared>> -> memref<80x128xf32, #tpu.memory_space<vmem_shared>>
        tpu.enqueue_dma source(%dma_start3A_168 : memref<80x128xf32, #tpu.memory_space<vmem_shared>>) target(%dma_start3A_166 : memref<80x128xf32, #tpu.memory_space<hbm>>) target_semaphore(%run_scoped3A : memref<!tpu.dma_semaphore, #tpu.memory_space<semaphore_mem>>)
        %dma_wait3A_169 = arith.constant 0 : i32
        %dma_wait3A_170 = arith.constant 0 : i32
        %dma_wait3A_171 = tpu.memref_slice %arg4[%arg0, %dma_wait3A_169, %dma_wait3A_170] : memref<2x10112x128xf32, #tpu.memory_space<hbm>> -> memref<1x10112x128xf32, #tpu.memory_space<hbm>>
        %dma_wait3A_172 = tpu.memref_squeeze %dma_wait3A_171 : memref<1x10112x128xf32, #tpu.memory_space<hbm>> -> memref<10112x128xf32, #tpu.memory_space<hbm>>
        %dma_wait3A_173 = arith.constant 0 : i32
        %dma_wait3A_174 = tpu.memref_slice %dma_wait3A_172[%add3A_160, %dma_wait3A_173] : memref<10112x128xf32, #tpu.memory_space<hbm>> -> memref<80x128xf32, #tpu.memory_space<hbm>>
        %dma_wait3A_175 = arith.constant 0 : i32
        %dma_wait3A_176 = tpu.memref_slice %arg17[%add3A_160, %dma_wait3A_175] : memref<10112x128xf32, #tpu.memory_space<vmem_shared>> -> memref<80x128xf32, #tpu.memory_space<vmem_shared>>
        tpu.wait_dma2 semaphore(%run_scoped3A : memref<!tpu.dma_semaphore, #tpu.memory_space<semaphore_mem>>) src(%dma_wait3A_176 : memref<80x128xf32, #tpu.memory_space<vmem_shared>>) dst(%dma_wait3A_174 : memref<80x128xf32, #tpu.memory_space<hbm>>)
        tpu.yield
      }) : () -> ()
    }
    %scan3A_146 = arith.constant 7 : i32
    %mul3A_147 = arith.constant 632 : i32
    %mul3A_148 = arith.muli %arg1, %mul3A_147 : i32
    %add3A_149 = arith.constant 560 : i32
    %add3A_150 = arith.addi %mul3A_148, %add3A_149 : i32
    "tpu.region"() ({
      %run_scoped3A = tpu.sem_alloc : memref<!tpu.dma_semaphore, #tpu.memory_space<semaphore_mem>>
      %dma_start3A_151 = arith.constant 0 : i32
      %dma_start3A_152 = arith.constant 0 : i32
      %dma_start3A_153 = tpu.memref_slice %arg4[%arg0, %dma_start3A_151, %dma_start3A_152] : memref<2x10112x128xf32, #tpu.memory_space<hbm>> -> memref<1x10112x128xf32, #tpu.memory_space<hbm>>
      %dma_start3A_154 = tpu.memref_squeeze %dma_start3A_153 : memref<1x10112x128xf32, #tpu.memory_space<hbm>> -> memref<10112x128xf32, #tpu.memory_space<hbm>>
      %dma_start3A_155 = arith.constant 0 : i32
      %dma_start3A_156 = tpu.memref_slice %dma_start3A_154[%add3A_150, %dma_start3A_155] : memref<10112x128xf32, #tpu.memory_space<hbm>> -> memref<72x128xf32, #tpu.memory_space<hbm>>
      %dma_start3A_157 = arith.constant 0 : i32
      %dma_start3A_158 = tpu.memref_slice %arg17[%add3A_150, %dma_start3A_157] : memref<10112x128xf32, #tpu.memory_space<vmem_shared>> -> memref<72x128xf32, #tpu.memory_space<vmem_shared>>
      tpu.enqueue_dma source(%dma_start3A_158 : memref<72x128xf32, #tpu.memory_space<vmem_shared>>) target(%dma_start3A_156 : memref<72x128xf32, #tpu.memory_space<hbm>>) target_semaphore(%run_scoped3A : memref<!tpu.dma_semaphore, #tpu.memory_space<semaphore_mem>>)
      %dma_wait3A_159 = arith.constant 0 : i32
      %dma_wait3A_160 = arith.constant 0 : i32
      %dma_wait3A_161 = tpu.memref_slice %arg4[%arg0, %dma_wait3A_159, %dma_wait3A_160] : memref<2x10112x128xf32, #tpu.memory_space<hbm>> -> memref<1x10112x128xf32, #tpu.memory_space<hbm>>
      %dma_wait3A_162 = tpu.memref_squeeze %dma_wait3A_161 : memref<1x10112x128xf32, #tpu.memory_space<hbm>> -> memref<10112x128xf32, #tpu.memory_space<hbm>>
      %dma_wait3A_163 = arith.constant 0 : i32
      %dma_wait3A_164 = tpu.memref_slice %dma_wait3A_162[%add3A_150, %dma_wait3A_163] : memref<10112x128xf32, #tpu.memory_space<hbm>> -> memref<72x128xf32, #tpu.memory_space<hbm>>
      %dma_wait3A_165 = arith.constant 0 : i32
      %dma_wait3A_166 = tpu.memref_slice %arg17[%add3A_150, %dma_wait3A_165] : memref<10112x128xf32, #tpu.memory_space<vmem_shared>> -> memref<72x128xf32, #tpu.memory_space<vmem_shared>>
      tpu.wait_dma2 semaphore(%run_scoped3A : memref<!tpu.dma_semaphore, #tpu.memory_space<semaphore_mem>>) src(%dma_wait3A_166 : memref<72x128xf32, #tpu.memory_space<vmem_shared>>) dst(%dma_wait3A_164 : memref<72x128xf32, #tpu.memory_space<hbm>>)
      tpu.yield
    }) : () -> ()
    return
  }
}

module attributes {stable_mosaic.version = 14 : i64} {
  func.func @body(%arg0: i32, %arg1: memref<400x128xf32, #tpu.memory_space<vmem>>, %arg2: memref<128x128xf32, #tpu.memory_space<vmem>>, %arg3: memref<1x400x16xf32, #tpu.memory_space<vmem>>, %arg4: memref<1x400x16xf32, #tpu.memory_space<vmem>>, %arg5: memref<400x128xf32, #tpu.memory_space<vmem>>) attributes {dimension_semantics = [#tpu.dimension_semantics<arbitrary>], iteration_bounds = array<i64: 25>, scalar_prefetch = 0 : i64, scratch_operands = 0 : i64, tpu.core_type = #tpu.core_type<tc>, window_params = [{transform_indices = @transform_0, window_bounds = array<i64: 400, 128>}, {pipeline_mode = #tpu.pipeline_mode<synchronous>, transform_indices = @transform_1, window_bounds = array<i64: 128, 128>}, {transform_indices = @transform_2, window_bounds = array<i64: 1, 400, 16>}, {transform_indices = @transform_3, window_bounds = array<i64: 1, 400, 16>}, {transform_indices = @transform_4, window_bounds = array<i64: 400, 128>}]} {
    %get3A = arith.constant 0 : index
    %get3A_0 = arith.constant 0 : index
    %get3A_1 = arith.constant 0 : index
    %get3A_2 = vector.load %arg3[%get3A, %get3A_0, %get3A_1] : memref<1x400x16xf32, #tpu.memory_space<vmem>>, vector<1x400x16xf32>
    %get3A_3 = vector.shape_cast %get3A_2 : vector<1x400x16xf32> to vector<400x16xf32>
    %reduce_sum3A = arith.constant dense<0.000000e+00> : vector<400xf32>
    %reduce_sum3A_4 = vector.multi_reduction <add>, %get3A_3, %reduce_sum3A [1] : vector<400x16xf32> to vector<400xf32>
    %get3A_5 = arith.constant 0 : index
    %get3A_6 = arith.constant 0 : index
    %get3A_7 = arith.constant 0 : index
    %get3A_8 = vector.load %arg4[%get3A_5, %get3A_6, %get3A_7] : memref<1x400x16xf32, #tpu.memory_space<vmem>>, vector<1x400x16xf32>
    %get3A_9 = vector.shape_cast %get3A_8 : vector<1x400x16xf32> to vector<400x16xf32>
    %reduce_sum3A_10 = arith.constant dense<0.000000e+00> : vector<400xf32>
    %reduce_sum3A_11 = vector.multi_reduction <add>, %get3A_9, %reduce_sum3A_10 [1] : vector<400x16xf32> to vector<400xf32>
    %add3A = arith.addf %reduce_sum3A_4, %reduce_sum3A_11 : vector<400xf32>
    %add3A_12 = arith.constant 1.000000e+00 : f32
    %add3A_13 = vector.broadcast %add3A_12 : f32 to vector<400xf32>
    %add3A_14 = arith.addf %add3A, %add3A_13 : vector<400xf32>
    %rsqrt3A = math.rsqrt %add3A_14 : vector<400xf32>
    %get3A_15 = arith.constant 0 : index
    %get3A_16 = arith.constant 0 : index
    %get3A_17 = vector.load %arg1[%get3A_15, %get3A_16] : memref<400x128xf32, #tpu.memory_space<vmem>>, vector<400x128xf32>
    %get3A_18 = arith.constant 0 : index
    %get3A_19 = arith.constant 0 : index
    %get3A_20 = vector.load %arg2[%get3A_18, %get3A_19] : memref<128x128xf32, #tpu.memory_space<vmem>>, vector<128x128xf32>
    %dot_general3A = arith.constant dense<0.000000e+00> : vector<400x128xf32>
    %dot_general3A_21 = tpu.matmul %get3A_17, %get3A_20, %dot_general3A {dimension_numbers = #tpu.dot_dimension_numbers<[1], [0], [0], [1], [0, 0, 1, 1], [], []>, transpose_lhs_hint = false} : vector<400x128xf32>, vector<128x128xf32>, vector<400x128xf32> -> vector<400x128xf32>
    %broadcast_in_dim3A = vector.shape_cast %rsqrt3A : vector<400xf32> to vector<400x1xf32>
    %mul3A = vector.broadcast %broadcast_in_dim3A : vector<400x1xf32> to vector<400x128xf32>
    %mul3A_22 = arith.mulf %dot_general3A_21, %mul3A : vector<400x128xf32>
    %swap3A = arith.constant 0 : index
    %swap3A_23 = arith.constant 0 : index
    %swap3A_24 = vector.load %arg5[%swap3A, %swap3A_23] : memref<400x128xf32, #tpu.memory_space<vmem>>, vector<400x128xf32>
    tpu.vector_store %arg5[%swap3A, %swap3A_23], %mul3A_22 {strides = array<i32>} : memref<400x128xf32, #tpu.memory_space<vmem>>, vector<400x128xf32>,
    return
  }
  func.func @transform_0(%arg0: i32) -> (i32, i32) {
    %c0_i32 = arith.constant 0 : i32
    %c0_i32_0 = arith.constant 0 : i32
    return %arg0, %c0_i32 : i32, i32
  }
  func.func @transform_1(%arg0: i32) -> (i32, i32) {
    %c0_i32 = arith.constant 0 : i32
    %c0_i32_0 = arith.constant 0 : i32
    %c0_i32_1 = arith.constant 0 : i32
    return %c0_i32, %c0_i32_0 : i32, i32
  }
  func.func @transform_2(%arg0: i32) -> (i32, i32, i32) {
    %c0_i32 = arith.constant 0 : i32
    %c0_i32_0 = arith.constant 0 : i32
    %c0_i32_1 = arith.constant 0 : i32
    return %c0_i32, %arg0, %c0_i32_0 : i32, i32, i32
  }
  func.func @transform_3(%arg0: i32) -> (i32, i32, i32) {
    %c1_i32 = arith.constant 1 : i32
    %c0_i32 = arith.constant 0 : i32
    %c0_i32_0 = arith.constant 0 : i32
    return %c1_i32, %arg0, %c0_i32 : i32, i32, i32
  }
  func.func @transform_4(%arg0: i32) -> (i32, i32) {
    %c0_i32 = arith.constant 0 : i32
    %c0_i32_0 = arith.constant 0 : i32
    return %arg0, %c0_i32 : i32, i32
  }
}

module attributes {stable_mosaic.version = 14 : i64} {
  func.func @body(%arg0: i32, %arg1: memref<1x400x128xf32, #tpu.memory_space<vmem>>, %arg2: memref<1x400x128xf32, #tpu.memory_space<vmem>>, %arg3: memref<400x128xf32, #tpu.memory_space<vmem>>, %arg4: memref<1x400x16xf32, #tpu.memory_space<vmem>>, %arg5: memref<1x400x16xf32, #tpu.memory_space<vmem>>, %arg6: memref<1x128xf32, #tpu.memory_space<vmem>>, %arg7: memref<400x128xf32, #tpu.memory_space<vmem>>) attributes {dimension_semantics = [#tpu.dimension_semantics<arbitrary>], iteration_bounds = array<i64: 25>, scalar_prefetch = 0 : i64, scratch_operands = 0 : i64, tpu.core_type = #tpu.core_type<tc>, window_params = [{transform_indices = @transform_0, window_bounds = array<i64: 1, 400, 128>}, {transform_indices = @transform_1, window_bounds = array<i64: 1, 400, 128>}, {transform_indices = @transform_2, window_bounds = array<i64: 400, 128>}, {transform_indices = @transform_3, window_bounds = array<i64: 1, 400, 16>}, {transform_indices = @transform_4, window_bounds = array<i64: 1, 400, 16>}, {pipeline_mode = #tpu.pipeline_mode<synchronous>, transform_indices = @transform_5, window_bounds = array<i64: 1, 128>}, {transform_indices = @transform_6, window_bounds = array<i64: 400, 128>}]} {
    %get3A = arith.constant 0 : index
    %get3A_0 = arith.constant 0 : index
    %get3A_1 = arith.constant 0 : index
    %get3A_2 = vector.load %arg4[%get3A, %get3A_0, %get3A_1] : memref<1x400x16xf32, #tpu.memory_space<vmem>>, vector<1x400x16xf32>
    %get3A_3 = vector.shape_cast %get3A_2 : vector<1x400x16xf32> to vector<400x16xf32>
    %reduce_sum3A = arith.constant dense<0.000000e+00> : vector<400xf32>
    %reduce_sum3A_4 = vector.multi_reduction <add>, %get3A_3, %reduce_sum3A [1] : vector<400x16xf32> to vector<400xf32>
    %get3A_5 = arith.constant 0 : index
    %get3A_6 = arith.constant 0 : index
    %get3A_7 = arith.constant 0 : index
    %get3A_8 = vector.load %arg5[%get3A_5, %get3A_6, %get3A_7] : memref<1x400x16xf32, #tpu.memory_space<vmem>>, vector<1x400x16xf32>
    %get3A_9 = vector.shape_cast %get3A_8 : vector<1x400x16xf32> to vector<400x16xf32>
    %reduce_sum3A_10 = arith.constant dense<0.000000e+00> : vector<400xf32>
    %reduce_sum3A_11 = vector.multi_reduction <add>, %get3A_9, %reduce_sum3A_10 [1] : vector<400x16xf32> to vector<400xf32>
    %add3A = arith.addf %reduce_sum3A_4, %reduce_sum3A_11 : vector<400xf32>
    %add3A_12 = arith.constant 1.000000e+00 : f32
    %add3A_13 = vector.broadcast %add3A_12 : f32 to vector<400xf32>
    %add3A_14 = arith.addf %add3A, %add3A_13 : vector<400xf32>
    %rsqrt3A = math.rsqrt %add3A_14 : vector<400xf32>
    %get3A_15 = arith.constant 0 : index
    %get3A_16 = arith.constant 0 : index
    %get3A_17 = arith.constant 0 : index
    %get3A_18 = vector.load %arg1[%get3A_15, %get3A_16, %get3A_17] : memref<1x400x128xf32, #tpu.memory_space<vmem>>, vector<1x400x128xf32>
    %get3A_19 = vector.shape_cast %get3A_18 : vector<1x400x128xf32> to vector<400x128xf32>
    %get3A_20 = arith.constant 0 : index
    %get3A_21 = arith.constant 0 : index
    %get3A_22 = arith.constant 0 : index
    %get3A_23 = vector.load %arg2[%get3A_20, %get3A_21, %get3A_22] : memref<1x400x128xf32, #tpu.memory_space<vmem>>, vector<1x400x128xf32>
    %get3A_24 = vector.shape_cast %get3A_23 : vector<1x400x128xf32> to vector<400x128xf32>
    %add3A_25 = arith.addf %get3A_19, %get3A_24 : vector<400x128xf32>
    %get3A_26 = arith.constant 0 : index
    %get3A_27 = arith.constant 0 : index
    %get3A_28 = vector.load %arg3[%get3A_26, %get3A_27] : memref<400x128xf32, #tpu.memory_space<vmem>>, vector<400x128xf32>
    %add3A_29 = arith.addf %add3A_25, %get3A_28 : vector<400x128xf32>
    %broadcast_in_dim3A = vector.shape_cast %rsqrt3A : vector<400xf32> to vector<400x1xf32>
    %mul3A = vector.broadcast %broadcast_in_dim3A : vector<400x1xf32> to vector<400x128xf32>
    %mul3A_30 = arith.mulf %add3A_29, %mul3A : vector<400x128xf32>
    %get3A_31 = arith.constant 0 : index
    %get3A_32 = arith.constant 0 : index
    %get3A_33 = vector.load %arg6[%get3A_31, %get3A_32] : memref<1x128xf32, #tpu.memory_space<vmem>>, vector<1x128xf32>
    %add3A_34 = vector.broadcast %get3A_33 : vector<1x128xf32> to vector<400x128xf32>
    %add3A_35 = arith.addf %mul3A_30, %add3A_34 : vector<400x128xf32>
    %max3A = arith.constant 0.000000e+00 : f32
    %max3A_36 = vector.broadcast %max3A : f32 to vector<400x128xf32>
    %max3A_37 = arith.maximumf %add3A_35, %max3A_36 : vector<400x128xf32>
    %broadcast_in_dim3A_38 = vector.shape_cast %rsqrt3A : vector<400xf32> to vector<400x1xf32>
    %mul3A_39 = vector.broadcast %broadcast_in_dim3A_38 : vector<400x1xf32> to vector<400x128xf32>
    %mul3A_40 = arith.mulf %max3A_37, %mul3A_39 : vector<400x128xf32>
    %swap3A = arith.constant 0 : index
    %swap3A_41 = arith.constant 0 : index
    %swap3A_42 = vector.load %arg7[%swap3A, %swap3A_41] : memref<400x128xf32, #tpu.memory_space<vmem>>, vector<400x128xf32>
    tpu.vector_store %arg7[%swap3A, %swap3A_41], %mul3A_40 {strides = array<i32>} : memref<400x128xf32, #tpu.memory_space<vmem>>, vector<400x128xf32>,
    return
  }
  func.func @transform_0(%arg0: i32) -> (i32, i32, i32) {
    %c0_i32 = arith.constant 0 : i32
    %c0_i32_0 = arith.constant 0 : i32
    %c0_i32_1 = arith.constant 0 : i32
    return %c0_i32, %arg0, %c0_i32_0 : i32, i32, i32
  }
  func.func @transform_1(%arg0: i32) -> (i32, i32, i32) {
    %c1_i32 = arith.constant 1 : i32
    %c0_i32 = arith.constant 0 : i32
    %c0_i32_0 = arith.constant 0 : i32
    return %c1_i32, %arg0, %c0_i32 : i32, i32, i32
  }
  func.func @transform_2(%arg0: i32) -> (i32, i32) {
    %c0_i32 = arith.constant 0 : i32
    %c0_i32_0 = arith.constant 0 : i32
    return %arg0, %c0_i32 : i32, i32
  }
  func.func @transform_3(%arg0: i32) -> (i32, i32, i32) {
    %c0_i32 = arith.constant 0 : i32
    %c0_i32_0 = arith.constant 0 : i32
    %c0_i32_1 = arith.constant 0 : i32
    return %c0_i32, %arg0, %c0_i32_0 : i32, i32, i32
  }
  func.func @transform_4(%arg0: i32) -> (i32, i32, i32) {
    %c1_i32 = arith.constant 1 : i32
    %c0_i32 = arith.constant 0 : i32
    %c0_i32_0 = arith.constant 0 : i32
    return %c1_i32, %arg0, %c0_i32 : i32, i32, i32
  }
  func.func @transform_5(%arg0: i32) -> (i32, i32) {
    %c0_i32 = arith.constant 0 : i32
    %c0_i32_0 = arith.constant 0 : i32
    %c0_i32_1 = arith.constant 0 : i32
    return %c0_i32, %c0_i32_0 : i32, i32
  }
  func.func @transform_6(%arg0: i32) -> (i32, i32) {
    %c0_i32 = arith.constant 0 : i32
    %c0_i32_0 = arith.constant 0 : i32
    return %arg0, %c0_i32 : i32, i32
  }
}

module attributes {stable_mosaic.version = 14 : i64} {
  func.func @body(%arg0: i32, %arg1: memref<1x400x128xf32, #tpu.memory_space<vmem>>, %arg2: memref<1x400x128xf32, #tpu.memory_space<vmem>>, %arg3: memref<400x128xf32, #tpu.memory_space<vmem>>, %arg4: memref<1x400x16xf32, #tpu.memory_space<vmem>>, %arg5: memref<1x400x16xf32, #tpu.memory_space<vmem>>, %arg6: memref<128x40xf32, #tpu.memory_space<vmem>>, %arg7: memref<1x40xf32, #tpu.memory_space<vmem>>, %arg8: memref<400x40xf32, #tpu.memory_space<vmem>>) attributes {dimension_semantics = [#tpu.dimension_semantics<arbitrary>], iteration_bounds = array<i64: 25>, scalar_prefetch = 0 : i64, scratch_operands = 0 : i64, tpu.core_type = #tpu.core_type<tc>, window_params = [{transform_indices = @transform_0, window_bounds = array<i64: 1, 400, 128>}, {transform_indices = @transform_1, window_bounds = array<i64: 1, 400, 128>}, {transform_indices = @transform_2, window_bounds = array<i64: 400, 128>}, {transform_indices = @transform_3, window_bounds = array<i64: 1, 400, 16>}, {transform_indices = @transform_4, window_bounds = array<i64: 1, 400, 16>}, {pipeline_mode = #tpu.pipeline_mode<synchronous>, transform_indices = @transform_5, window_bounds = array<i64: 128, 40>}, {pipeline_mode = #tpu.pipeline_mode<synchronous>, transform_indices = @transform_6, window_bounds = array<i64: 1, 40>}, {transform_indices = @transform_7, window_bounds = array<i64: 400, 40>}]} {
    %get3A = arith.constant 0 : index
    %get3A_0 = arith.constant 0 : index
    %get3A_1 = arith.constant 0 : index
    %get3A_2 = vector.load %arg4[%get3A, %get3A_0, %get3A_1] : memref<1x400x16xf32, #tpu.memory_space<vmem>>, vector<1x400x16xf32>
    %get3A_3 = vector.shape_cast %get3A_2 : vector<1x400x16xf32> to vector<400x16xf32>
    %reduce_sum3A = arith.constant dense<0.000000e+00> : vector<400xf32>
    %reduce_sum3A_4 = vector.multi_reduction <add>, %get3A_3, %reduce_sum3A [1] : vector<400x16xf32> to vector<400xf32>
    %get3A_5 = arith.constant 0 : index
    %get3A_6 = arith.constant 0 : index
    %get3A_7 = arith.constant 0 : index
    %get3A_8 = vector.load %arg5[%get3A_5, %get3A_6, %get3A_7] : memref<1x400x16xf32, #tpu.memory_space<vmem>>, vector<1x400x16xf32>
    %get3A_9 = vector.shape_cast %get3A_8 : vector<1x400x16xf32> to vector<400x16xf32>
    %reduce_sum3A_10 = arith.constant dense<0.000000e+00> : vector<400xf32>
    %reduce_sum3A_11 = vector.multi_reduction <add>, %get3A_9, %reduce_sum3A_10 [1] : vector<400x16xf32> to vector<400xf32>
    %add3A = arith.addf %reduce_sum3A_4, %reduce_sum3A_11 : vector<400xf32>
    %add3A_12 = arith.constant 1.000000e+00 : f32
    %add3A_13 = vector.broadcast %add3A_12 : f32 to vector<400xf32>
    %add3A_14 = arith.addf %add3A, %add3A_13 : vector<400xf32>
    %rsqrt3A = math.rsqrt %add3A_14 : vector<400xf32>
    %get3A_15 = arith.constant 0 : index
    %get3A_16 = arith.constant 0 : index
    %get3A_17 = arith.constant 0 : index
    %get3A_18 = vector.load %arg1[%get3A_15, %get3A_16, %get3A_17] : memref<1x400x128xf32, #tpu.memory_space<vmem>>, vector<1x400x128xf32>
    %get3A_19 = vector.shape_cast %get3A_18 : vector<1x400x128xf32> to vector<400x128xf32>
    %get3A_20 = arith.constant 0 : index
    %get3A_21 = arith.constant 0 : index
    %get3A_22 = arith.constant 0 : index
    %get3A_23 = vector.load %arg2[%get3A_20, %get3A_21, %get3A_22] : memref<1x400x128xf32, #tpu.memory_space<vmem>>, vector<1x400x128xf32>
    %get3A_24 = vector.shape_cast %get3A_23 : vector<1x400x128xf32> to vector<400x128xf32>
    %add3A_25 = arith.addf %get3A_19, %get3A_24 : vector<400x128xf32>
    %get3A_26 = arith.constant 0 : index
    %get3A_27 = arith.constant 0 : index
    %get3A_28 = vector.load %arg3[%get3A_26, %get3A_27] : memref<400x128xf32, #tpu.memory_space<vmem>>, vector<400x128xf32>
    %add3A_29 = arith.addf %add3A_25, %get3A_28 : vector<400x128xf32>
    %broadcast_in_dim3A = vector.shape_cast %rsqrt3A : vector<400xf32> to vector<400x1xf32>
    %mul3A = vector.broadcast %broadcast_in_dim3A : vector<400x1xf32> to vector<400x128xf32>
    %mul3A_30 = arith.mulf %add3A_29, %mul3A : vector<400x128xf32>
    %get3A_31 = arith.constant 0 : index
    %get3A_32 = arith.constant 0 : index
    %get3A_33 = vector.load %arg6[%get3A_31, %get3A_32] : memref<128x40xf32, #tpu.memory_space<vmem>>, vector<128x40xf32>
    %dot_general3A = arith.constant dense<0.000000e+00> : vector<400x40xf32>
    %dot_general3A_34 = tpu.matmul %mul3A_30, %get3A_33, %dot_general3A {dimension_numbers = #tpu.dot_dimension_numbers<[1], [0], [0], [1], [0, 0, 1, 1], [], []>, transpose_lhs_hint = false} : vector<400x128xf32>, vector<128x40xf32>, vector<400x40xf32> -> vector<400x40xf32>
    %get3A_35 = arith.constant 0 : index
    %get3A_36 = arith.constant 0 : index
    %get3A_37 = vector.load %arg7[%get3A_35, %get3A_36] : memref<1x40xf32, #tpu.memory_space<vmem>>, vector<1x40xf32>
    %add3A_38 = vector.broadcast %get3A_37 : vector<1x40xf32> to vector<400x40xf32>
    %add3A_39 = arith.addf %dot_general3A_34, %add3A_38 : vector<400x40xf32>
    %swap3A = arith.constant 0 : index
    %swap3A_40 = arith.constant 0 : index
    %swap3A_41 = vector.load %arg8[%swap3A, %swap3A_40] : memref<400x40xf32, #tpu.memory_space<vmem>>, vector<400x40xf32>
    tpu.vector_store %arg8[%swap3A, %swap3A_40], %add3A_39 {strides = array<i32>} : memref<400x40xf32, #tpu.memory_space<vmem>>, vector<400x40xf32>,
    return
  }
  func.func @transform_0(%arg0: i32) -> (i32, i32, i32) {
    %c0_i32 = arith.constant 0 : i32
    %c0_i32_0 = arith.constant 0 : i32
    %c0_i32_1 = arith.constant 0 : i32
    return %c0_i32, %arg0, %c0_i32_0 : i32, i32, i32
  }
  func.func @transform_1(%arg0: i32) -> (i32, i32, i32) {
    %c1_i32 = arith.constant 1 : i32
    %c0_i32 = arith.constant 0 : i32
    %c0_i32_0 = arith.constant 0 : i32
    return %c1_i32, %arg0, %c0_i32 : i32, i32, i32
  }
  func.func @transform_2(%arg0: i32) -> (i32, i32) {
    %c0_i32 = arith.constant 0 : i32
    %c0_i32_0 = arith.constant 0 : i32
    return %arg0, %c0_i32 : i32, i32
  }
  func.func @transform_3(%arg0: i32) -> (i32, i32, i32) {
    %c0_i32 = arith.constant 0 : i32
    %c0_i32_0 = arith.constant 0 : i32
    %c0_i32_1 = arith.constant 0 : i32
    return %c0_i32, %arg0, %c0_i32_0 : i32, i32, i32
  }
  func.func @transform_4(%arg0: i32) -> (i32, i32, i32) {
    %c1_i32 = arith.constant 1 : i32
    %c0_i32 = arith.constant 0 : i32
    %c0_i32_0 = arith.constant 0 : i32
    return %c1_i32, %arg0, %c0_i32 : i32, i32, i32
  }
  func.func @transform_5(%arg0: i32) -> (i32, i32) {
    %c0_i32 = arith.constant 0 : i32
    %c0_i32_0 = arith.constant 0 : i32
    %c0_i32_1 = arith.constant 0 : i32
    return %c0_i32, %c0_i32_0 : i32, i32
  }
  func.func @transform_6(%arg0: i32) -> (i32, i32) {
    %c0_i32 = arith.constant 0 : i32
    %c0_i32_0 = arith.constant 0 : i32
    %c0_i32_1 = arith.constant 0 : i32
    return %c0_i32, %c0_i32_0 : i32, i32
  }
  func.func @transform_7(%arg0: i32) -> (i32, i32) {
    %c0_i32 = arith.constant 0 : i32
    %c0_i32_0 = arith.constant 0 : i32
    return %arg0, %c0_i32 : i32, i32
  }
}

</mosaic_0001>

<sc_bundles>
// kernel: kernel.11.cloned.1.call-start
scs
__scs_entry_jumppad:
0x0: {  	(pc) =	sbr.rel $0x88, $3  }
0x1: {  	(tag) =	ssettag $0x0;
	lr =	simm.s32 $0x1  }
0x2: {  	[smem:$0x3F9B] =	sst lr;
	_ =	strace $0xD0000000  }
0x3: {  	_ = 	snop  }
0x4: {  	_ = 	snop  }
0x5: {  	_ = 	snop  }
0x6: {  	_ = 	snop  }
0x7: {  	_ = 	snop  }
__scs_overlays_trampoline_lowered:
0x8: {  	[smem:$0x3FAA] =	sst s0  }
0x9: {  	[smem:$0x3FAB] =	sst s1  }
0xa: {  	[smem:$0x3FAC] =	sst s2  }
0xb: {  	[smem:$0x3FAD] =	sst s3  }
0xc: {  	[smem:$0x3FAE] =	sst s4  }
0xd: {  	[smem:$0x3FAF] =	sst s5  }
0xe: {  	[smem:$0x3FB0] =	sst s6  }
0xf: {  	[smem:$0x3FB1] =	sst s7  }
0x10: {  	[smem:$0x3FB2] =	sst s8  }
0x11: {  	[smem:$0x3FB3] =	sst s9;
	s0 =	simm.s32 @!p0 $0x0  }
0x12: {  	s1 =	sld [smem:$0x3F99];
	s0 =	simm.s32 @p0 $0x1  }
0x13: {  	[smem:$0x3FB4] =	sst s0;
	s0 =	simm.s32 @!p1 $0x0  }
0x14: {  	s2 =	sld [smem:$0x3F98];
	s0 =	simm.s32 @p1 $0x1  }
0x15: {  	[smem:$0x3FB5] =	sst s0;
	s0 =	simm.s32 @!p2 $0x0  }
0x16: {  	s3 =	sld [smem:$0x3FDB];
	s0 =	simm.s32 @p2 $0x1  }
0x17: {  	s4 =	simm.s32 $0x1BF5;
	[smem:$0x3FB7] =	sst s0  }
0x18: {  	s0 =	sld [smem:$0x3F9A];
	_ =	swait.ge [sflag:s4], $0x0  }
0x19: {  	s7 =	sld [smem:$0x3F9B]  }
0x1a: {  	s8 =	sadd.s32 $0xFFFFE003, lr  }
0x1b: {  	s9 =	sadd.s32 $0xFFFFFEF7, lr;
	s5 =	simm.s32 $0xFFFFFFFF;
	p2 =	slt.u32 s8, $0xFFFFF086  }
0x1c: {  	p1 =	slt.u32 s9, $0xF7A;
	s5 =	simm.s32 @!p2 $0x0  }
0x1d: {  	s5 =	simm.s32 @p1 $0x1;
	p0 =	seq.s32 s7, s2  }
0x1e: {  	s7 =	smul.u32 @!p0 $0xF7A, s2;
	p2 =	seq.s32 @!p0 s5, $0x0  }
0x1f: {  	s9 =	smul.u32 $0xF7A, s1;
	s8 =	simm.s32 @!p0 $0x1BF5;
	p2 =	por !p2, p0  }
0x20: {  	[sflag:s8] =	ssyncset.s32 @!p0 $0xFFFFF086;
	s6 =	sadd.s32 @!p0 s3, s7;
	s7 =	simm.s32 @!p0 $0x108  }
0x21: {  	s3 =	sadd.s32 s3, s9;
	s6 =	sadd.s32 @!p0 $0x88, s6;
	s7 =	simm.s32 @p2 $0x1082  }
0x22: {  	[simem:s7], [sflag:s8] =	dma.local @!p0 [hbm:s6], $0xF7A  }
0x23: {  	s9 =	sor.u32 $0xD0000000, s2;
	s6 =	simm.s32 $0x108;
	_ =	swait.ge @!p0 [sflag:s8], $0x0  }
0x24: {  	s3 =	sadd.s32 $0x88, s3;
	s6 =	simm.s32 @!p1 $0x1082;
	[sflag:s4] =	ssyncset.s32 $0xFFFFF086  }
0x25: {  	[simem:s6], [sflag:s4] =	dma.local [hbm:s3], $0xF7A  }
0x26: {  	[smem:$0x3F9B] =	sst s1;
	(tag) =	ssettag s2;
	_ =	strace s9  }
0x27: {  	s1 =	sld [smem:$0x3FAB]  }
0x28: {  	s2 =	sld [smem:$0x3FAC]  }
0x29: {  	s4 =	sld [smem:$0x3FAE]  }
0x2a: {  	p0 =	seq.s32 s5, $0x0;
	s5 =	sld [smem:$0x3FAF]  }
0x2b: {  	s6 =	sld [smem:$0x3FB0]  }
0x2c: {  	s7 =	sld [smem:$0x3FB1]  }
0x2d: {  	s3 =	simm.s32 $0x108;
	s8 =	sld [smem:$0x3FB2]  }
0x2e: {  	s3 =	simm.s32 @!p0 $0x1082;
	s9 =	sld [smem:$0x3FB3]  }
0x2f: {  	lr =	sadd.s32 s0, s3;
	s0 =	sld [smem:$0x3FAA]  }
0x30: {  	s3 =	sld [smem:$0x3FAD]  }
0x31: {  	[smem:$0x3FB6] =	sst s10  }
0x32: {  	s10 =	sld [smem:$0x3FB4];
	_ =	sdelay $0x3  }
0x33: {  	p0 =	seq.s32 s10, $0x1;
	s10 =	sld [smem:$0x3FB6];
	_ =	sdelay $0x3  }
0x34: {  	[smem:$0x3FB6] =	sst s10  }
0x35: {  	s10 =	sld [smem:$0x3FB5];
	_ =	sdelay $0x3  }
0x36: {  	p1 =	seq.s32 s10, $0x1;
	s10 =	sld [smem:$0x3FB6];
	_ =	sdelay $0x3  }
0x37: {  	[smem:$0x3FB6] =	sst s10  }
0x38: {  	s10 =	sld [smem:$0x3FB7]  }
0x39: {  	_ = 	snop;
	(pc) =	sbr.ind lr, $3  }
0x3a: {  	_ = 	snop  }
0x3b: {  	_ = 	snop  }
0x3c: {  	p2 =	seq.s32 s10, $0x1;
	s10 =	sld [smem:$0x3FB6]  }
0x3d: {  	_ =	shalt  }
0x3e: {  	_ =	shalt  }
0x3f: {  	_ =	shalt  }
0x40: {  	_ =	shalt  }
0x41: {  	_ =	shalt  }
0x42: {  	_ =	shalt  }
0x43: {  	_ =	shalt  }
0x44: {  	_ =	shalt  }
0x45: {  	_ =	shalt  }
0x46: {  	_ =	shalt  }
0x47: {  	_ =	shalt  }
0x48: {  	_ =	shalt  }
0x49: {  	_ =	shalt  }
0x4a: {  	_ =	shalt  }
0x4b: {  	_ =	shalt  }
0x4c: {  	_ =	shalt  }
0x4d: {  	_ =	shalt  }
0x4e: {  	_ =	shalt  }
0x4f: {  	_ =	shalt  }
0x50: {  	_ =	shalt  }
0x51: {  	_ =	shalt  }
0x52: {  	_ =	shalt  }
0x53: {  	_ =	shalt  }
0x54: {  	_ =	shalt  }
0x55: {  	_ =	shalt  }
0x56: {  	_ =	shalt  }
0x57: {  	_ =	shalt  }
0x58: {  	_ =	shalt  }
0x59: {  	_ =	shalt  }
0x5a: {  	_ =	shalt  }
0x5b: {  	_ =	shalt  }
0x5c: {  	_ =	shalt  }
0x5d: {  	_ =	shalt  }
0x5e: {  	_ =	shalt  }
0x5f: {  	_ =	shalt  }
0x60: {  	_ =	shalt  }
0x61: {  	_ =	shalt  }
0x62: {  	_ =	shalt  }
0x63: {  	_ =	shalt  }
0x64: {  	_ =	shalt  }
0x65: {  	_ =	shalt  }
0x66: {  	_ =	shalt  }
0x67: {  	_ =	shalt  }
0x68: {  	_ =	shalt  }
0x69: {  	_ =	shalt  }
0x6a: {  	_ =	shalt  }
0x6b: {  	_ =	shalt  }
0x6c: {  	_ =	shalt  }
0x6d: {  	_ =	shalt  }
0x6e: {  	_ =	shalt  }
0x6f: {  	_ =	shalt  }
0x70: {  	_ =	shalt  }
0x71: {  	_ =	shalt  }
0x72: {  	_ =	shalt  }
0x73: {  	_ =	shalt  }
0x74: {  	_ =	shalt  }
0x75: {  	_ =	shalt  }
0x76: {  	_ =	shalt  }
0x77: {  	_ =	shalt  }
0x78: {  	_ =	shalt  }
0x79: {  	_ =	shalt  }
0x7a: {  	_ =	shalt  }
0x7b: {  	_ =	shalt  }
0x7c: {  	_ =	shalt  }
0x7d: {  	_ =	shalt  }
0x7e: {  	_ =	shalt  }
0x7f: {  	_ =	shalt  }
0x80: {  	_ =	shalt  }
0x81: {  	_ =	shalt  }
0x82: {  	_ =	shalt  }
0x83: {  	_ =	shalt  }
0x84: {  	_ =	shalt  }
0x85: {  	_ =	shalt  }
0x86: {  	_ =	shalt  }
0x87: {  	_ =	shalt  }
.Lfunc_end0:
.L_simem_size_0:
called_computation.1_lowered:
.L_overlay_start_0:
0x88: {  	s2 =	sld [smem:$0x3FD9]  }
0x89: {  	s3 =	sld [smem:$0x3FFE];
	_ =	sdelay $0x1  }
0x8a: {  	s1 =	srdreg.scid  }
0x8b: {  	s0 =	sand.u32 $0x1, s1  }
0x8c: {  	s16 =	sshll.u32 s0, $0xA;
	s2 =	sadd.s32 s3, s2  }
0x8d: {  	s2 =	sadd.s32 s2, s16  }
0x8e: {  	[smem:$0x3FC2] =	sst s2  }
0x8f: {  	_ = 	snop  }
0x90: {  	(tm) =	ssettm $0x1  }
0x91: {  	s17 =	sld [smem:$0x3FFB];
	_ =	sdelay $0x3  }
0x92: {  	_ =	strace s17  }
0x93: {  	s2 =	sld [smem:$0x3FFC];
	_ =	sdelay $0x3  }
0x94: {  	_ =	strace s2  }
0x95: {  	s2 =	sld [smem:$0x3FFD];
	_ =	sdelay $0x3  }
0x96: {  	_ =	strace s2  }
0x97: {  	_ =	strace $0x8FFFFFFF  }
0x98: {  	s18 =	sld [smem:$0x3FDB];
	_ =	sdelay $0x1  }
0x99: {  	s19 =	simm.s32 $_scs_section_size  }
0x9a: {  	s4 =	simm.s32 $_size__tile_overlayer_lowered;
	s5 =	simm.s32 $_tile_overlayer_lowered  }
0x9b: {  	s22 =	simm.s32 $0x1BFF;
	s21 =	sshll.u32 s5, $0x1;
	s2 =	sadd.s32 s19, s18  }
0x9c: {  	s6 =	simm.s32 $0x0;
	s20 =	sshll.u32 s4, $0x1;
	s4 =	sadd.s32 s21, s2  }
0x9d: {  	[timem:s6], [sflag:s22] =	dma.local [hbm:s4], s20  }
0x9e: {  	_ =	swait.ge [sflag:s22], s20  }
0x9f: {  	s3 =	ssub.s32 $0x0, s20;
	[sflag:s22] =	ssyncset.done $0x0  }
0xa0: {  	[sflag:s22] =	ssyncadd.s32 s3;
	_ =	sdelay $0x1  }
0xa1: {  	s23 =	simm.s32 $0x1B8B  }
0xa2: {  	_ =	swait.ge [sflag:s23], $0x1  }
0xa3: {  	[sflag:s23] =	ssyncset.done $0x0  }
0xa4: {  	s25 =	simm.s32 $0x1B8E;
	s24 =	sld [smem:$0x3FFE];
	[sflag:s23] =	ssyncadd.s32 $0xFFFFFFFF  }
0xa5: {  	s26 =	simm.s32 $execute0_lowered;
	[smem:$0x3FD2] =	sst s25  }
0xa6: {  	s4 =	sshll.u32 s26, $0x1;
	_ =	strace $0x80000049;
	[dreg:$0x1] =	wrdreg $0xFFFFFFFF  }
0xa7: {  	s28 =	simm.s32 $_size_execute0_lowered;
	s2 =	sadd.s32 s2, s4;
	[dreg:$0x0] =	wrdreg $0x0  }
0xa8: {  	s4 =	sshll.u32 s28, $0x1;
	[dreg:$0x2] =	wrdreg s2  }
0xa9: {  	[dreg:$0x3] =	wrdreg s4  }
0xaa: {  	[dreg:$0x4] =	wrdreg $0xC0  }
0xab: {  	_ =	task [dreg:s6], $0x5FFFF  }
0xac: {  	[dreg:$0x1] =	wrdreg $0xFFFFFFFF  }
0xad: {  	[dreg:$0x0] =	wrdreg $0x60  }
0xae: {  	[dreg:$0x2] =	wrdreg s24  }
0xaf: {  	[dreg:$0x3] =	wrdreg $0xA8000  }
0xb0: {  	[dreg:$0x4] =	wrdreg $0x9  }
0xb1: {  	_ =	task.clear_ibuf [dreg:s6], $0x5FFFF;
	_ =	strace $0x90000049  }
0xb2: {  	s29 =	simm.s32 $0x9;
	_ =	strace $0x8000004B  }
0xb3: {  	_ =	swait.ge [sflag:s29], $0x1  }
0xb4: {  	[sflag:s29] =	ssyncadd.s32 $0xFFFFFFFF  }
0xb5: {  	_ =	strace $0x9000004B  }
0xb6: {  	_ =	sfence  }
0xb7: {  	s30 =	sld [smem:$0x0];
	_ =	sdelay $0x2  }
0xb8: {  	s31 =	sshll.u32 s1, $0xD;
	s1 =	sshrl.u32 s1, $0x2  }
0xb9: {  	s3 =	sand.u32 $0x4000, s31;
	s1 =	sadd.s32 s1, s30  }
0xba: {  	s0 =	sor.u32 s3, s0;
	s1 =	sshll.u32 s1, $0x11  }
0xbb: {  	s0 =	sor.u32 s1, s0  }
0xbc: {  	s0 =	sadd.s32 $0x8F2B, s0  }
0xbd: {  	[sflag:s0] =	ssyncadd.remote.s32 $0x1  }
0xbe: {  	_ =	sfence.sel $0xFFFF  }
0xbf: {  	[dreg:$0x0] =	wrdreg $0xFFFFFFFF;
	(pc) =	sbr.abs _section_cstart, $3  }
0xc0: {  	[dreg:$0x1] =	wrdreg $0xFFFFFFFF  }
0xc1: {  	_ =	task.clear_ibuf [dreg:s6], $0x2FFFF;
	_ =	strace $0x9FFFFFFF  }
0xc2: {  	(tm) =	ssettm $0x7FFFFFFF  }
0xc3: {  	_ =	shalt  }
tec
execute0_lowered:
.L_overlay_start_1:
0x0: {  	(tag) =	ssettag $0x1  }
0x1: {  	s0 =	rddreg [dreg:$0x0]  }
0x2: {  	s1 =	rddreg [dreg:$0x1]  }
0x3: {  	s2 =	simm.s32 $0x0;
	s3 =	srdreg.scid;
	s12 =	stileid.u32  }
0x4: {  	s29 =	simm.s32 $0x2;
	s30 =	simm.s32 $0xE;
	[smem:$0x7FF] =	sst s2  }
0x5: {  	s4 =	sadd.s32 $0x81E00, s0;
	s5 =	sadd.s32 $0x11E00, s0;
	s10 =	smul.u32 $0x278, s12  }
0x6: {  	s3 =	sand.u32 $0x1, s3;
	s8 =	sshll.u32 s12, $0xC;
	s11 =	smul.u32 $0x4F000, s12  }
0x7: {  	s12 =	smul.u32 $0x2780, s12;
	_ =	strace $0x8000004A;
	s7 =	sshll.u32 s3, $0x10  }
0x8: {  	s6 =	smul.u32 $0x27800, s3;
	s3 =	ssub.s32 $0x2, s3;
	s9 =	sor.u32 s8, s7  }
0x9: {  	s24 =	sshrl.u32 s3, $0x1;
	s26 =	sadd.s32 $0x230, s10;
	s13 =	sadd.s32 $0x50, s10  }
0xa: {  	s14 =	sadd.s32 $0xA0, s10;
	s15 =	sadd.s32 $0xF0, s10;
	s16 =	sadd.s32 $0x140, s10  }
0xb: {  	s17 =	sadd.s32 $0x190, s10;
	s10 =	sadd.s32 $0x1E0, s10;
	s0 =	sadd.s32 s6, s0  }
0xc: {  	s23 =	sadd.s32 s5, s9;
	s3 =	ssub.s32 s3, s24;
	s9 =	sshll.u32 s26, $0x7  }
0xd: {  	s6 =	sshll.u32 s26, $0x4;
	s18 =	sshll.u32 s13, $0x4;
	s5 =	sadd.s32 s7, s5  }
0xe: {  	s25 =	sadd.s32 $0x20, s23;
	s0 =	sadd.s32 $0xA9400, s0;
	[dreg:$0x3] =	wrdreg s23  }
0xf: {  	s7 =	sadd.s32 s8, s5;
	s8 =	sadd.s32 $0x40, s23;
	[dreg:$0x4] =	wrdreg s25  }
0x10: {  	s19 =	sshll.u32 s14, $0x4;
	s12 =	sadd.s32 s12, s0;
	[dreg:$0xd] =	wrdreg s8  }
0x11: {  	s20 =	sshll.u32 s15, $0x4;
	s18 =	sadd.s32 s18, s0;
	[dreg:$0x5] =	wrdreg s12  }
0x12: {  	s21 =	sshll.u32 s16, $0x4;
	s19 =	sadd.s32 s19, s0;
	[dreg:$0x6] =	wrdreg s18  }
0x13: {  	s22 =	sshll.u32 s17, $0x4;
	s24 =	sadd.s32 s20, s0;
	[dreg:$0x7] =	wrdreg s19  }
0x14: {  	s5 =	sshll.u32 s10, $0x4;
	s25 =	sadd.s32 s21, s0;
	[dreg:$0x8] =	wrdreg s24  }
0x15: {  	s26 =	sadd.s32 s22, s0;
	s5 =	sadd.s32 s5, s0;
	[dreg:$0x9] =	wrdreg s25  }
0x16: {  	s0 =	sadd.s32 s6, s0;
	s20 =	sshll.u32 s10, $0x7;
	[dreg:$0xa] =	wrdreg s26  }
0x17: {  	s22 =	sadd.s32 $0x60, s23;
	s6 =	simm.s32 $0x0;
	[dreg:$0xb] =	wrdreg s5  }
0x18: {  	s8 =	simm.s32 $0x5800;
	s10 =	simm.s32 $0x700;
	[dreg:$0xc] =	wrdreg s0  }
0x19: {  	s24 =	sadd.s32 s9, s1;
	s9 =	sshrl.u32 s11, $0x2;
	s11 =	smax.u32 s3, $0x1  }
0x1a: {  	s12 =	sshll.u32 s13, $0x7;
	s13 =	sshll.u32 s14, $0x7;
	s14 =	sshll.u32 s15, $0x7  }
0x1b: {  	s18 =	sshll.u32 s16, $0x7;
	s19 =	sshll.u32 s17, $0x7;
	s21 =	sadd.s32 s20, s1  }
0x1c: {  	[dreg:$0x17] =	wrdreg s22;
	s25 =	sadd.s32 $0x80, s23;
	s26 =	sadd.s32 $0xA0, s23  }
0x1d: {  	s22 =	simm.s32 $0xD;
	s23 =	simm.s32 $0x4;
	[dreg:$0x10] =	wrdreg s11  }
0x1e: {  	s16 =	simm.s32 $0xF;
	s5 =	simm.s32 $0x8;
	[dreg:$0x16] =	wrdreg s21  }
0x1f: {  	s20 =	simm.s32 $0x10;
	s28 =	sadd.s32 s9, s1;
	[dreg:$0x18] =	wrdreg s25  }
0x20: {  	s31 =	sadd.s32 s12, s1;
	s0 =	sadd.s32 s13, s1;
	[dreg:$0x19] =	wrdreg s26  }
0x21: {  	s15 =	sadd.s32 s14, s1;
	s17 =	sadd.s32 s19, s1;
	[dreg:$0xe] =	wrdreg s24  }
0x22: {  	s9 =	simm.s32 $0x50;
	s19 =	simm.s32 $0x800;
	[dreg:$0x12] =	wrdreg s0  }
.Ltmp0:
0x23: {  	s12 =	simm.s32 $0x3000;
	[dreg:$0x13] =	wrdreg s15;
	(pc) =	sbr.rel .LBB2_1-.Ltmp0, $4  }
0x24: {  	s13 =	simm.s32 $0x8000;
	s21 =	simm.s32 $0x5;
	[dreg:$0xf] =	wrdreg s28  }
0x25: {  	s25 =	simm.s32 $0x6;
	s26 =	simm.s32 $0x800;
	[dreg:$0x11] =	wrdreg s31  }
0x26: {  	s0 =	sadd.s32 s18, s1;
	s15 =	simm.s32 $0x1;
	[dreg:$0x15] =	wrdreg s17  }
0x27: {  	v0 =	vimm.f32 $0.0e+00;
	s18 =	simm.s32 $0x3;
	[dreg:$0x14] =	wrdreg s0;
	s0 =	simm.s32 $0x7  }
.LBB2_6:
0x28: {  	_ =	swait.ge [sflag:s21], $0x2800  }
0x29: {  	[sflag:s21] =	ssyncset.done $0x0  }
0x2a: {  	[sflag:s21] =	ssyncadd.s32 $0xFFFFD800  }
0x2b: {  	_ =	swait.ge [sflag:s25], $0x2800  }
0x2c: {  	[sflag:s25] =	ssyncset.done $0x0  }
0x2d: {  	[sflag:s25] =	ssyncadd.s32 $0xFFFFD800  }
0x2e: {  	_ =	swait.ge [sflag:s0], $0x2800  }
0x2f: {  	[sflag:s0] =	ssyncset.done $0x0  }
0x30: {  	[sflag:s0] =	ssyncadd.s32 $0xFFFFD800  }
0x31: {  	_ =	swait.ge [sflag:s5], $0x2800  }
0x32: {  	[sflag:s5] =	ssyncset.done $0x0  }
0x33: {  	[sflag:s5] =	ssyncadd.s32 $0xFFFFD800  }
0x34: {  	s3 =	stileid.u32;
	[bflag:$0x0] =	sbarrier.arrive $0xFFFF  }
0x35: {  	s2 =	simm.s32 $0x11;
	s3 =	sshll.u32 s3, $0x6;
	s28 =	rddreg [dreg:$0xf]  }
0x36: {  	s3 =	sor.u32 $0x1C11, s3;
	s14 =	rddreg [dreg:$0x5];
	s6 =	sshrl.u32 s28, $0x3  }
0x37: {  	[hbm:s14], [sflag:s3] =	dma.local [spmem:s6], $0x500  }
0x38: {  	_ =	swait.ge [sflag:s2], $0x500  }
0x39: {  	[sflag:s2] =	ssyncset.done $0x0;
	s31 =	rddreg [dreg:$0x11]  }
0x3a: {  	s11 =	rddreg [dreg:$0x6];
	[sflag:s2] =	ssyncadd.s32 $0xFFFFFB00;
	s24 =	sshrl.u32 s31, $0x3  }
0x3b: {  	[hbm:s11], [sflag:s3] =	dma.local [spmem:s24], $0x500  }
0x3c: {  	_ =	swait.ge [sflag:s2], $0x500  }
0x3d: {  	[sflag:s2] =	ssyncset.done $0x0;
	s14 =	rddreg [dreg:$0x12]  }
0x3e: {  	s17 =	rddreg [dreg:$0x7];
	[sflag:s2] =	ssyncadd.s32 $0xFFFFFB00;
	s6 =	sshrl.u32 s14, $0x3  }
0x3f: {  	[hbm:s17], [sflag:s3] =	dma.local [spmem:s6], $0x500  }
0x40: {  	_ =	swait.ge [sflag:s2], $0x500  }
0x41: {  	[sflag:s2] =	ssyncset.done $0x0;
	s24 =	rddreg [dreg:$0x13]  }
0x42: {  	s11 =	rddreg [dreg:$0x8];
	[sflag:s2] =	ssyncadd.s32 $0xFFFFFB00;
	s6 =	sshrl.u32 s24, $0x3  }
0x43: {  	[hbm:s11], [sflag:s3] =	dma.local [spmem:s6], $0x500  }
0x44: {  	_ =	swait.ge [sflag:s2], $0x500  }
0x45: {  	[sflag:s2] =	ssyncset.done $0x0;
	s14 =	rddreg [dreg:$0x14]  }
0x46: {  	s17 =	rddreg [dreg:$0x9];
	[sflag:s2] =	ssyncadd.s32 $0xFFFFFB00;
	s6 =	sshrl.u32 s14, $0x3  }
0x47: {  	[hbm:s17], [sflag:s3] =	dma.local [spmem:s6], $0x500  }
0x48: {  	_ =	swait.ge [sflag:s2], $0x500  }
0x49: {  	[sflag:s2] =	ssyncset.done $0x0;
	s17 =	rddreg [dreg:$0x15]  }
0x4a: {  	s11 =	rddreg [dreg:$0xa];
	[sflag:s2] =	ssyncadd.s32 $0xFFFFFB00;
	s24 =	sshrl.u32 s17, $0x3  }
0x4b: {  	[hbm:s11], [sflag:s3] =	dma.local [spmem:s24], $0x500  }
0x4c: {  	_ =	swait.ge [sflag:s2], $0x500  }
0x4d: {  	[sflag:s2] =	ssyncset.done $0x0;
	s24 =	rddreg [dreg:$0x16]  }
0x4e: {  	s11 =	rddreg [dreg:$0xb];
	[sflag:s2] =	ssyncadd.s32 $0xFFFFFB00;
	s6 =	sshrl.u32 s24, $0x3  }
0x4f: {  	[hbm:s11], [sflag:s3] =	dma.local [spmem:s6], $0x500  }
0x50: {  	_ =	swait.ge [sflag:s2], $0x500  }
0x51: {  	[sflag:s2] =	ssyncset.done $0x0;
	s24 =	rddreg [dreg:$0xe]  }
0x52: {  	s11 =	rddreg [dreg:$0xc];
	[sflag:s2] =	ssyncadd.s32 $0xFFFFFB00;
	s14 =	sshrl.u32 s24, $0x3  }
0x53: {  	[hbm:s11], [sflag:s3] =	dma.local [spmem:s14], $0x480  }
0x54: {  	_ =	swait.ge [sflag:s2], $0x480  }
0x55: {  	s11 =	rddreg [dreg:$0x1a]  }
0x56: {  	s14 =	rddreg [dreg:$0x10];
	s6 =	sadd.s32 $0x1, s11  }
0x57: {  	p0 =	sne.s32 s6, s14  }
.Ltmp1:
0x58: {  	_ = 	snop;
	(pc) =	sbr.rel @!p0 .LBB2_7-.Ltmp1, $3  }
0x59: {  	_ =	sdelay $0x1  }
0x5a: {  	[sflag:s2] =	ssyncset.done $0x0  }
0x5b: {  	[sflag:s2] =	ssyncadd.s32 $0xFFFFFB80;
	s2 =	simm.s32 $0x0  }
.LBB2_1:
0x5c: {  	[dreg:$0x1a] =	wrdreg s6  }
0x5d: {  	s3 =	rddreg [dreg:$0x3]  }
0x5e: {  	[tilespmem:s2], [sflag:$0x9] =	stream.linear.gather [hbm4b:s3+s2], $0x100, $0x38;
	[tilespmem:$0x1E400] =	vst v63  }
0x5f: {  	s14 =	rddreg [dreg:$0x4];
	s6 =	simm.s32 $0x100  }
0x60: {  	[tilespmem:s6], [sflag:$0xA] =	stream.linear.gather [hbm4b:s14+s2], $0x100, $0x38;
	[tilespmem:$0x1E400] =	vst v63  }
0x61: {  	s11 =	rddreg [dreg:$0xd];
	s14 =	simm.s32 $0x200  }
0x62: {  	[tilespmem:s14], [sflag:$0xB] =	stream.linear.gather [hbm4b:s11+s2], $0x100, $0x38;
	[tilespmem:$0x1E400] =	vst v63  }
0x63: {  	s14 =	rddreg [dreg:$0x17];
	s11 =	simm.s32 $0x300  }
0x64: {  	[tilespmem:s11], [sflag:$0xC] =	stream.linear.gather [hbm4b:s14+s2], $0x100, $0x38;
	[tilespmem:$0x1E400] =	vst v63  }
0x65: {  	s14 =	rddreg [dreg:$0x18];
	s11 =	simm.s32 $0x400  }
0x66: {  	[tilespmem:s11], [sflag:$0xD] =	stream.linear.gather [hbm4b:s14+s2], $0x100, $0x38;
	[tilespmem:$0x1E400] =	vst v63  }
0x67: {  	s2 =	rddreg [dreg:$0x19];
	s11 =	simm.s32 $0x0;
	s14 =	simm.s32 $0x500  }
0x68: {  	[tilespmem:s14], [sflag:$0xE] =	stream.linear.gather [hbm4b:s2+s11], $0x100, $0x38;
	[tilespmem:$0x1E400] =	vst v63  }
0x69: {  	s14 =	simm.s32 $0x9  }
0x6a: {  	_ =	swait.ge [sflag:s14], $0x100  }
0x6b: {  	[sflag:s14] =	ssyncset.done $0x0  }
0x6c: {  	s2 =	simm.s32 $0x0;
	[sflag:s14] =	ssyncadd.s32 $0xFFFFFF00  }
0x6d: {  	[tilespmem:s19], [sflag:$0x1] =	stream.indirect.gather [hbm4b:s4+s9], $0x80, s2, s9, $0xb8;
	[tilespmem:$0x1E400] =	vst v63  }
0x6e: {  	s19 =	simm.s32 $0xA  }
0x6f: {  	_ =	swait.ge [sflag:s19], $0x100  }
0x70: {  	[sflag:s19] =	ssyncset.done $0x0  }
0x71: {  	s3 =	simm.s32 $0x70;
	s14 =	simm.s32 $0x3C0;
	[sflag:s19] =	ssyncadd.s32 $0xFFFFFF00  }
0x72: {  	[tilespmem:s12], [sflag:$0x2] =	stream.indirect.gather [hbm4b:s4+s9], $0x80, s6, s9, $0xb8;
	[tilespmem:$0x1E400] =	vst v63  }
.LBB2_2:
0x73: {  	p0 =	seq.s32 s14, $0x9FC0;
	[tilespmem:s3+$0x8000] =	vst v0  }
0x74: {  	[tilespmem:s3+$0x7F90] =	vst v0  }
0x75: {  	[tilespmem:s3+$0x7FA0] =	vst v0  }
.Ltmp2:
0x76: {  	[tilespmem:s3+$0x7FB0] =	vst v0;
	(pc) =	sbr.rel @!p0 .LBB2_2-.Ltmp2, $4  }
0x77: {  	[tilespmem:s3+$0x7FC0] =	vst v0  }
0x78: {  	[tilespmem:s3+$0x7FD0] =	vst v0  }
0x79: {  	[tilespmem:s3+$0x7FE0] =	vst v0  }
0x7a: {  	[tilespmem:s3+$0x7FF0] =	vst v0;
	s3 =	sshra.s32 s14, $0x2;
	s14 =	sadd.s32 $0x200, s14  }
0x7b: {  	[tilespmem:s3+$0x8000] =	vst v0  }
0x7c: {  	[tilespmem:s3+$0x7F90] =	vst v0  }
0x7d: {  	[tilespmem:s3+$0x7FA0] =	vst v0  }
0x7e: {  	[tilespmem:s3+$0x7FB0] =	vst v0  }
0x7f: {  	[tilespmem:s3+$0x7FC0] =	vst v0  }
0x80: {  	[tilespmem:s3+$0x7FD0] =	vst v0  }
0x81: {  	[tilespmem:s3+$0x7FE0] =	vst v0  }
0x82: {  	[tilespmem:s3+$0x7FF0] =	vst v0;
	s6 =	simm.s32 $0x11  }
0x83: {  	[spmem:s28] =	stream.linear.scatter [tilespmem:s13], [sflag:$0x11], $0x2800, $0x38;
	[tilespmem:$0x1E400] =	vst v63  }
0x84: {  	_ =	swait.ge [sflag:s6], $0x2800  }
0x85: {  	[sflag:s6] =	ssyncset.done $0x0  }
0x86: {  	[sflag:s6] =	ssyncadd.s32 $0xFFFFD800  }
0x87: {  	[spmem:s31] =	stream.linear.scatter [tilespmem:s13], [sflag:$0x11], $0x2800, $0x38;
	[tilespmem:$0x1E400] =	vst v63  }
0x88: {  	_ =	swait.ge [sflag:s6], $0x2800  }
0x89: {  	[sflag:s6] =	ssyncset.done $0x0  }
0x8a: {  	s11 =	rddreg [dreg:$0x12];
	[sflag:s6] =	ssyncadd.s32 $0xFFFFD800  }
0x8b: {  	[spmem:s11] =	stream.linear.scatter [tilespmem:s13], [sflag:$0x11], $0x2800, $0x38;
	[tilespmem:$0x1E400] =	vst v63  }
0x8c: {  	_ =	swait.ge [sflag:s6], $0x2800  }
0x8d: {  	[sflag:s6] =	ssyncset.done $0x0  }
0x8e: {  	s14 =	rddreg [dreg:$0x13];
	[sflag:s6] =	ssyncadd.s32 $0xFFFFD800  }
0x8f: {  	[spmem:s14] =	stream.linear.scatter [tilespmem:s13], [sflag:$0x11], $0x2800, $0x38;
	[tilespmem:$0x1E400] =	vst v63  }
0x90: {  	_ =	swait.ge [sflag:s6], $0x2800  }
0x91: {  	[sflag:s6] =	ssyncset.done $0x0  }
0x92: {  	s19 =	rddreg [dreg:$0x14];
	[sflag:s6] =	ssyncadd.s32 $0xFFFFD800  }
0x93: {  	[spmem:s19] =	stream.linear.scatter [tilespmem:s13], [sflag:$0x11], $0x2800, $0x38;
	[tilespmem:$0x1E400] =	vst v63  }
0x94: {  	_ =	swait.ge [sflag:s6], $0x2800  }
0x95: {  	[sflag:s6] =	ssyncset.done $0x0  }
0x96: {  	[sflag:s6] =	ssyncadd.s32 $0xFFFFD800  }
0x97: {  	[spmem:s17] =	stream.linear.scatter [tilespmem:s13], [sflag:$0x11], $0x2800, $0x38;
	[tilespmem:$0x1E400] =	vst v63  }
0x98: {  	_ =	swait.ge [sflag:s6], $0x2800  }
0x99: {  	[sflag:s6] =	ssyncset.done $0x0  }
0x9a: {  	s28 =	rddreg [dreg:$0x16];
	[sflag:s6] =	ssyncadd.s32 $0xFFFFD800  }
0x9b: {  	[spmem:s28] =	stream.linear.scatter [tilespmem:s13], [sflag:$0x11], $0x2800, $0x38;
	[tilespmem:$0x1E400] =	vst v63  }
0x9c: {  	_ =	swait.ge [sflag:s6], $0x2800  }
0x9d: {  	[sflag:s6] =	ssyncset.done $0x0  }
0x9e: {  	[sflag:s6] =	ssyncadd.s32 $0xFFFFD800  }
0x9f: {  	[spmem:s24] =	stream.linear.scatter [tilespmem:s13], [sflag:$0x11], $0x2400, $0x38;
	[tilespmem:$0x1E400] =	vst v63  }
0xa0: {  	_ =	swait.ge [sflag:s6], $0x2400  }
0xa1: {  	[sflag:s6] =	ssyncset.done $0x0  }
0xa2: {  	[sflag:s6] =	ssyncadd.s32 $0xFFFFDC00  }
0xa3: {  	s31 =	simm.s32 $0x0;
	s17 =	simm.s32 $0x500;
	[bflag:$0x0] =	sbarrier.arrive $0xFFFF  }
.LBB2_4:
0xa4: {  	_ =	swait.ge [sflag:s15], $0x2800  }
0xa5: {  	[sflag:s15] =	ssyncset.done $0x0  }
0xa6: {  	s3 =	simm.s32 $0x80;
	p0 =	seq.s32 s31, $0x0;
	[sflag:s15] =	ssyncadd.s32 $0xFFFFD800  }
0xa7: {  	[spmem:s1] =	stream.indirect.scatter.add.f32 [tilespmem:s26], [sflag:$0x5], $0x80, s3, s9, $0xb8;
	[tilespmem:$0x1E400] =	vst v63  }
0xa8: {  	s3 =	simm.s32 @!p0 $0x7  }
0xa9: {  	_ =	swait.ge @!p0 [sflag:s3], $0x2800  }
0xaa: {  	[sflag:s3] =	ssyncset.done @!p0 $0x0  }
0xab: {  	s14 =	simm.s32 $0xB;
	[sflag:s3] =	ssyncadd.s32 @!p0 $0xFFFFD800  }
0xac: {  	_ =	swait.ge [sflag:s14], $0x100  }
0xad: {  	[sflag:s14] =	ssyncset.done $0x0  }
0xae: {  	s19 =	simm.s32 $0x200;
	s3 =	sadd.s32 s31, s7;
	[sflag:s14] =	ssyncadd.s32 $0xFFFFFF00  }
0xaf: {  	[tilespmem:s8], [sflag:$0x3] =	stream.indirect.gather [hbm4b:s4+s9], $0x80, s19, s9, $0xb8;
	[tilespmem:$0x1E400] =	vst v63  }
0xb0: {  	s11 =	simm.s32 $0x600;
	s14 =	sadd.s32 $0xC0, s3  }
0xb1: {  	[tilespmem:s11], [sflag:$0xF] =	stream.linear.gather [hbm4b:s14+s2], $0x100, $0x38;
	[tilespmem:$0x1E400] =	vst v63  }
0xb2: {  	_ =	swait.ge [sflag:s29], $0x2800  }
0xb3: {  	[sflag:s29] =	ssyncset.done $0x0  }
0xb4: {  	s6 =	simm.s32 $0x180;
	s14 =	simm.s32 @!p0 $0x8;
	[sflag:s29] =	ssyncadd.s32 $0xFFFFD800  }
0xb5: {  	[spmem:s1] =	stream.indirect.scatter.add.f32 [tilespmem:s12], [sflag:$0x6], $0x80, s6, s9, $0xb8;
	[tilespmem:$0x1E400] =	vst v63  }
0xb6: {  	_ =	swait.ge @!p0 [sflag:s14], $0x2800  }
0xb7: {  	[sflag:s14] =	ssyncset.done @!p0 $0x0  }
0xb8: {  	s24 =	simm.s32 $0xC;
	[sflag:s14] =	ssyncadd.s32 @!p0 $0xFFFFD800  }
0xb9: {  	_ =	swait.ge [sflag:s24], $0x100  }
0xba: {  	[sflag:s24] =	ssyncset.done $0x0  }
0xbb: {  	s28 =	simm.s32 $0x300;
	[sflag:s24] =	ssyncadd.s32 $0xFFFFFF00  }
0xbc: {  	[tilespmem:s13], [sflag:$0x4] =	stream.indirect.gather [hbm4b:s4+s9], $0x80, s28, s9, $0xb8;
	[tilespmem:$0x1E400] =	vst v63  }
0xbd: {  	s6 =	sadd.s32 $0xE0, s3  }
0xbe: {  	[tilespmem:s10], [sflag:$0x10] =	stream.linear.gather [hbm4b:s6+s2], $0x100, $0x38;
	[tilespmem:$0x1E400] =	vst v63  }
0xbf: {  	_ =	swait.ge [sflag:s18], $0x2800  }
0xc0: {  	[sflag:s18] =	ssyncset.done $0x0  }
0xc1: {  	s19 =	simm.s32 $0x280;
	[sflag:s18] =	ssyncadd.s32 $0xFFFFD800  }
0xc2: {  	[spmem:s1] =	stream.indirect.scatter.add.f32 [tilespmem:s8], [sflag:$0x7], $0x80, s19, s9, $0xb8;
	[tilespmem:$0x1E400] =	vst v63  }
0xc3: {  	_ =	swait.ge [sflag:s21], $0x2800  }
0xc4: {  	[sflag:s21] =	ssyncset.done $0x0  }
0xc5: {  	[sflag:s21] =	ssyncadd.s32 $0xFFFFD800  }
0xc6: {  	_ =	swait.ge [sflag:s22], $0x100  }
0xc7: {  	[sflag:s22] =	ssyncset.done $0x0  }
0xc8: {  	p0 =	seq.s32 s31, $0xF00;
	s24 =	simm.s32 $0x400;
	[sflag:s22] =	ssyncadd.s32 $0xFFFFFF00  }
0xc9: {  	[tilespmem:s26], [sflag:$0x1] =	stream.indirect.gather [hbm4b:s4+s9], $0x80, s24, s9, $0xb8;
	[tilespmem:$0x1E400] =	vst v63  }
0xca: {  	s24 =	sadd.s32 @!p0 s31, s7  }
0xcb: {  	s14 =	simm.s32 @!p0 $0x0;
	s6 =	sadd.s32 @!p0 $0x100, s24  }
0xcc: {  	[tilespmem:s14], [sflag:$0x9] =	stream.linear.gather @!p0 [hbm4b:s6+s14], $0x100, $0x38;
	[tilespmem:$0x1E400] =	vst v63  }
0xcd: {  	_ =	swait.ge [sflag:s23], $0x2800  }
0xce: {  	[sflag:s23] =	ssyncset.done $0x0  }
0xcf: {  	s28 =	simm.s32 $0x380;
	[sflag:s23] =	ssyncadd.s32 $0xFFFFD800  }
0xd0: {  	[spmem:s1] =	stream.indirect.scatter.add.f32 [tilespmem:s13], [sflag:$0x8], $0x80, s28, s9, $0xb8;
	[tilespmem:$0x1E400] =	vst v63  }
0xd1: {  	_ =	swait.ge [sflag:s25], $0x2800  }
0xd2: {  	[sflag:s25] =	ssyncset.done $0x0  }
0xd3: {  	[sflag:s25] =	ssyncadd.s32 $0xFFFFD800  }
0xd4: {  	_ =	swait.ge [sflag:s30], $0x100  }
0xd5: {  	[sflag:s30] =	ssyncset.done $0x0  }
0xd6: {  	[sflag:s30] =	ssyncadd.s32 $0xFFFFFF00  }
0xd7: {  	[tilespmem:s12], [sflag:$0x2] =	stream.indirect.gather [hbm4b:s4+s9], $0x80, s17, s9, $0xb8;
	[tilespmem:$0x1E400] =	vst v63  }
0xd8: {  	s6 =	sadd.s32 @!p0 $0x120, s24;
	s28 =	simm.s32 @!p0 $0x100  }
0xd9: {  	[tilespmem:s28], [sflag:$0xA] =	stream.linear.gather @!p0 [hbm4b:s6+s14], $0x100, $0x38;
	[tilespmem:$0x1E400] =	vst v63  }
0xda: {  	_ =	swait.ge [sflag:s15], $0x2800  }
0xdb: {  	[sflag:s15] =	ssyncset.done $0x0  }
0xdc: {  	s6 =	simm.s32 $0x480;
	[sflag:s15] =	ssyncadd.s32 $0xFFFFD800  }
0xdd: {  	[spmem:s1] =	stream.indirect.scatter.add.f32 [tilespmem:s26], [sflag:$0x5], $0x80, s6, s9, $0xb8;
	[tilespmem:$0x1E400] =	vst v63  }
0xde: {  	_ =	swait.ge [sflag:s0], $0x2800  }
0xdf: {  	[sflag:s0] =	ssyncset.done $0x0  }
0xe0: {  	[sflag:s0] =	ssyncadd.s32 $0xFFFFD800  }
0xe1: {  	_ =	swait.ge [sflag:s16], $0x100  }
0xe2: {  	[sflag:s16] =	ssyncset.done $0x0  }
0xe3: {  	[sflag:s16] =	ssyncadd.s32 $0xFFFFFF00  }
0xe4: {  	[tilespmem:s8], [sflag:$0x3] =	stream.indirect.gather [hbm4b:s4+s9], $0x80, s11, s9, $0xb8;
	[tilespmem:$0x1E400] =	vst v63  }
0xe5: {  	s28 =	simm.s32 @!p0 $0x200;
	s6 =	sadd.s32 @!p0 $0x140, s24  }
0xe6: {  	[tilespmem:s28], [sflag:$0xB] =	stream.linear.gather @!p0 [hbm4b:s6+s14], $0x100, $0x38;
	[tilespmem:$0x1E400] =	vst v63  }
0xe7: {  	_ =	swait.ge [sflag:s29], $0x2800  }
0xe8: {  	[sflag:s29] =	ssyncset.done $0x0  }
0xe9: {  	s17 =	simm.s32 $0x580;
	[sflag:s29] =	ssyncadd.s32 $0xFFFFD800  }
0xea: {  	[spmem:s1] =	stream.indirect.scatter.add.f32 [tilespmem:s12], [sflag:$0x6], $0x80, s17, s9, $0xb8;
	[tilespmem:$0x1E400] =	vst v63  }
0xeb: {  	_ =	swait.ge [sflag:s5], $0x2800  }
0xec: {  	[sflag:s5] =	ssyncset.done $0x0  }
0xed: {  	[sflag:s5] =	ssyncadd.s32 $0xFFFFD800  }
0xee: {  	_ =	swait.ge [sflag:s20], $0x100  }
0xef: {  	[sflag:s20] =	ssyncset.done $0x0  }
0xf0: {  	s6 =	simm.s32 @p0 $0x3;
	[sflag:s20] =	ssyncadd.s32 $0xFFFFFF00  }
0xf1: {  	[tilespmem:s13], [sflag:$0x4] =	stream.indirect.gather [hbm4b:s4+s9], $0x80, s10, s9, $0xb8;
	[tilespmem:$0x1E400] =	vst v63  }
0xf2: {  	_ =	swait.ge @p0 [sflag:s6], $0x2800  }
0xf3: {  	s28 =	simm.s32 @p0 $0x680;
	[sflag:s6] =	ssyncset.done @p0 $0x0  }
0xf4: {  	s17 =	simm.s32 @p0 $0x5800;
	[sflag:s6] =	ssyncadd.s32 @p0 $0xFFFFD800;
	s6 =	simm.s32 @p0 $0x50  }
0xf5: {  	[spmem:s1] =	stream.indirect.scatter.add.f32 @p0 [tilespmem:s17], [sflag:$0x7], $0x80, s28, s6, $0xb8;
	[tilespmem:$0x1E400] =	vst v63  }
0xf6: {  	s6 =	sadd.s32 @!p0 $0x160, s24;
	s17 =	simm.s32 @!p0 $0x300  }
0xf7: {  	[tilespmem:s17], [sflag:$0xC] =	stream.linear.gather @!p0 [hbm4b:s6+s14], $0x100, $0x38;
	[tilespmem:$0x1E400] =	vst v63  }
0xf8: {  	s6 =	simm.s32 @!p0 $0x3  }
0xf9: {  	_ =	swait.ge @!p0 [sflag:s6], $0x2800  }
0xfa: {  	s28 =	simm.s32 @!p0 $0x5800;
	[sflag:s6] =	ssyncset.done @!p0 $0x0  }
0xfb: {  	s17 =	simm.s32 @!p0 $0x680;
	[sflag:s6] =	ssyncadd.s32 @!p0 $0xFFFFD800;
	s6 =	simm.s32 @!p0 $0x50  }
0xfc: {  	[spmem:s1] =	stream.indirect.scatter.add.f32 @!p0 [tilespmem:s28], [sflag:$0x7], $0x80, s17, s6, $0xb8;
	[tilespmem:$0x1E400] =	vst v63  }
0xfd: {  	s17 =	simm.s32 @!p0 $0x5  }
0xfe: {  	_ =	swait.ge @!p0 [sflag:s17], $0x2800  }
0xff: {  	[sflag:s17] =	ssyncset.done @!p0 $0x0  }
0x100: {  	[sflag:s17] =	ssyncadd.s32 @!p0 $0xFFFFD800;
	s17 =	simm.s32 @!p0 $0x9  }
0x101: {  	_ =	swait.ge @!p0 [sflag:s17], $0x100  }
0x102: {  	[sflag:s17] =	ssyncset.done @!p0 $0x0  }
0x103: {  	[sflag:s17] =	ssyncadd.s32 @!p0 $0xFFFFFF00;
	s17 =	simm.s32 @!p0 $0x800  }
0x104: {  	[tilespmem:s17], [sflag:$0x1] =	stream.indirect.gather @!p0 [hbm4b:s4+s6], $0x80, s14, s6, $0xb8;
	[tilespmem:$0x1E400] =	vst v63  }
0x105: {  	s6 =	sadd.s32 @!p0 $0x180, s24;
	s17 =	simm.s32 @!p0 $0x400  }
0x106: {  	[tilespmem:s17], [sflag:$0xD] =	stream.linear.gather @!p0 [hbm4b:s6+s14], $0x100, $0x38;
	[tilespmem:$0x1E400] =	vst v63  }
.Ltmp3:
0x107: {  	_ = 	snop;
	(pc) =	sbr.rel @p0 .LBB2_6-.Ltmp3, $4  }
0x108: {  	_ =	swait.ge [sflag:s23], $0x2800  }
0x109: {  	s2 =	simm.s32 $0x500;
	s19 =	simm.s32 $0x800;
	[sflag:s23] =	ssyncset.done $0x0  }
0x10a: {  	s11 =	simm.s32 $0x0;
	s28 =	simm.s32 $0x780;
	[sflag:s23] =	ssyncadd.s32 $0xFFFFD800  }
0x10b: {  	[spmem:s1] =	stream.indirect.scatter.add.f32 [tilespmem:s13], [sflag:$0x8], $0x80, s28, s9, $0xb8;
	[tilespmem:$0x1E400] =	vst v63  }
0x10c: {  	_ =	swait.ge [sflag:s25], $0x2800  }
0x10d: {  	[sflag:s25] =	ssyncset.done $0x0  }
0x10e: {  	s6 =	simm.s32 $0xA;
	[sflag:s25] =	ssyncadd.s32 $0xFFFFD800  }
0x10f: {  	_ =	swait.ge [sflag:s6], $0x100  }
0x110: {  	[sflag:s6] =	ssyncset.done $0x0  }
.Ltmp4:
0x111: {  	s28 =	simm.s32 $0x100;
	[sflag:s6] =	ssyncadd.s32 $0xFFFFFF00;
	(pc) =	sbr.rel .LBB2_4-.Ltmp4, $4  }
0x112: {  	[tilespmem:s12], [sflag:$0x2] =	stream.indirect.gather [hbm4b:s4+s9], $0x80, s28, s9, $0xb8;
	[tilespmem:$0x1E400] =	vst v63  }
0x113: {  	s3 =	sadd.s32 $0x1A0, s3  }
0x114: {  	[tilespmem:s2], [sflag:$0xE] =	stream.linear.gather [hbm4b:s3+s11], $0x100, $0x38;
	[tilespmem:$0x1E400] =	vst v63  }
0x115: {  	s31 =	sadd.s32 $0x100, s31;
	s17 =	simm.s32 $0x500;
	s2 =	simm.s32 $0x0  }
.LBB2_7:
0x116: {  	_ =	sfence.sel $0x180000  }
0x117: {  	[bflag:$0x0] =	sbarrier.arrive $0xFFFF  }
0x118: {  	_ =	strace $0x9000004A  }
0x119: {  	s0 =	stileid.u32;
	[bflag:$0x2] =	sbarrier.arrive $0xFFFF  }
0x11a: {  	p0 =	sne.s32 s0, $0x0;
	s0 =	rddreg [dreg:$0x2]  }
0x11b: {  	s0 =	sadd.s32 @!p0 $0x100000, s0  }
0x11c: {  	[sflag:s0] =	ssyncadd.tile.s32 @!p0 $0x1;
	_ =	shalt  }
.Lfunc_end2:
_tile_overlayer_lowered:
.L_overlay_start_2:
0x11d: {  	(tag) =	ssettag $0x2  }
0x11e: {  	s0 =	rddreg [dreg:$0x0];
	s2 =	stileid.u32  }
0x11f: {  	s1 =	rddreg [dreg:$0x1];
	p0 =	sne.s32 s2, $0x0  }
0x120: {  	s3 =	rddreg [dreg:$0x2];
	[bflag:$0x3] =	sbarrier.arrive $0xFFFF;
	s2 =	simm.s32 @!p0 $0x1C11  }
0x121: {  	[timem:s3], [sflag:s2] =	dma.local @!p0 [hbm:s0], s1  }
0x122: {  	s0 =	simm.s32 @!p0 $0x11  }
0x123: {  	_ =	swait.ge @!p0 [sflag:s0], s1  }
0x124: {  	s1 =	ssub.s32 @!p0 $0x0, s1;
	[sflag:s0] =	ssyncset.done @!p0 $0x0  }
0x125: {  	[sflag:s0] =	ssyncadd.s32 @!p0 s1  }
0x126: {  	[bflag:$0x3] =	sbarrier.arrive $0xFFFF  }
0x127: {  	_ =	shalt  }

// kernel: kernel.14.cloned.1.call-start
scs
__scs_entry_jumppad:
0x0: {  	(pc) =	sbr.rel $0x88, $3  }
0x1: {  	(tag) =	ssettag $0x0;
	lr =	simm.s32 $0x1  }
0x2: {  	[smem:$0x3F9B] =	sst lr;
	_ =	strace $0xD0000000  }
0x3: {  	_ = 	snop  }
0x4: {  	_ = 	snop  }
0x5: {  	_ = 	snop  }
0x6: {  	_ = 	snop  }
0x7: {  	_ = 	snop  }
__scs_overlays_trampoline_lowered:
0x8: {  	[smem:$0x3FAA] =	sst s0  }
0x9: {  	[smem:$0x3FAB] =	sst s1  }
0xa: {  	[smem:$0x3FAC] =	sst s2  }
0xb: {  	[smem:$0x3FAD] =	sst s3  }
0xc: {  	[smem:$0x3FAE] =	sst s4  }
0xd: {  	[smem:$0x3FAF] =	sst s5  }
0xe: {  	[smem:$0x3FB0] =	sst s6  }
0xf: {  	[smem:$0x3FB1] =	sst s7  }
0x10: {  	[smem:$0x3FB2] =	sst s8  }
0x11: {  	[smem:$0x3FB3] =	sst s9;
	s0 =	simm.s32 @!p0 $0x0  }
0x12: {  	s1 =	sld [smem:$0x3F99];
	s0 =	simm.s32 @p0 $0x1  }
0x13: {  	[smem:$0x3FB4] =	sst s0;
	s0 =	simm.s32 @!p1 $0x0  }
0x14: {  	s2 =	sld [smem:$0x3F98];
	s0 =	simm.s32 @p1 $0x1  }
0x15: {  	[smem:$0x3FB5] =	sst s0;
	s0 =	simm.s32 @!p2 $0x0  }
0x16: {  	s3 =	sld [smem:$0x3FDB];
	s0 =	simm.s32 @p2 $0x1  }
0x17: {  	s4 =	simm.s32 $0x1BF5;
	[smem:$0x3FB7] =	sst s0  }
0x18: {  	s0 =	sld [smem:$0x3F9A];
	_ =	swait.ge [sflag:s4], $0x0  }
0x19: {  	s7 =	sld [smem:$0x3F9B]  }
0x1a: {  	s8 =	sadd.s32 $0xFFFFE003, lr  }
0x1b: {  	s9 =	sadd.s32 $0xFFFFFEF7, lr;
	s5 =	simm.s32 $0xFFFFFFFF;
	p2 =	slt.u32 s8, $0xFFFFF086  }
0x1c: {  	p1 =	slt.u32 s9, $0xF7A;
	s5 =	simm.s32 @!p2 $0x0  }
0x1d: {  	s5 =	simm.s32 @p1 $0x1;
	p0 =	seq.s32 s7, s2  }
0x1e: {  	s7 =	smul.u32 @!p0 $0xF7A, s2;
	p2 =	seq.s32 @!p0 s5, $0x0  }
0x1f: {  	s9 =	smul.u32 $0xF7A, s1;
	s8 =	simm.s32 @!p0 $0x1BF5;
	p2 =	por !p2, p0  }
0x20: {  	[sflag:s8] =	ssyncset.s32 @!p0 $0xFFFFF086;
	s6 =	sadd.s32 @!p0 s3, s7;
	s7 =	simm.s32 @!p0 $0x108  }
0x21: {  	s3 =	sadd.s32 s3, s9;
	s6 =	sadd.s32 @!p0 $0x88, s6;
	s7 =	simm.s32 @p2 $0x1082  }
0x22: {  	[simem:s7], [sflag:s8] =	dma.local @!p0 [hbm:s6], $0xF7A  }
0x23: {  	s9 =	sor.u32 $0xD0000000, s2;
	s6 =	simm.s32 $0x108;
	_ =	swait.ge @!p0 [sflag:s8], $0x0  }
0x24: {  	s3 =	sadd.s32 $0x88, s3;
	s6 =	simm.s32 @!p1 $0x1082;
	[sflag:s4] =	ssyncset.s32 $0xFFFFF086  }
0x25: {  	[simem:s6], [sflag:s4] =	dma.local [hbm:s3], $0xF7A  }
0x26: {  	[smem:$0x3F9B] =	sst s1;
	(tag) =	ssettag s2;
	_ =	strace s9  }
0x27: {  	s1 =	sld [smem:$0x3FAB]  }
0x28: {  	s2 =	sld [smem:$0x3FAC]  }
0x29: {  	s4 =	sld [smem:$0x3FAE]  }
0x2a: {  	p0 =	seq.s32 s5, $0x0;
	s5 =	sld [smem:$0x3FAF]  }
0x2b: {  	s6 =	sld [smem:$0x3FB0]  }
0x2c: {  	s7 =	sld [smem:$0x3FB1]  }
0x2d: {  	s3 =	simm.s32 $0x108;
	s8 =	sld [smem:$0x3FB2]  }
0x2e: {  	s3 =	simm.s32 @!p0 $0x1082;
	s9 =	sld [smem:$0x3FB3]  }
0x2f: {  	lr =	sadd.s32 s0, s3;
	s0 =	sld [smem:$0x3FAA]  }
0x30: {  	s3 =	sld [smem:$0x3FAD]  }
0x31: {  	[smem:$0x3FB6] =	sst s10  }
0x32: {  	s10 =	sld [smem:$0x3FB4];
	_ =	sdelay $0x3  }
0x33: {  	p0 =	seq.s32 s10, $0x1;
	s10 =	sld [smem:$0x3FB6];
	_ =	sdelay $0x3  }
0x34: {  	[smem:$0x3FB6] =	sst s10  }
0x35: {  	s10 =	sld [smem:$0x3FB5];
	_ =	sdelay $0x3  }
0x36: {  	p1 =	seq.s32 s10, $0x1;
	s10 =	sld [smem:$0x3FB6];
	_ =	sdelay $0x3  }
0x37: {  	[smem:$0x3FB6] =	sst s10  }
0x38: {  	s10 =	sld [smem:$0x3FB7]  }
0x39: {  	_ = 	snop;
	(pc) =	sbr.ind lr, $3  }
0x3a: {  	_ = 	snop  }
0x3b: {  	_ = 	snop  }
0x3c: {  	p2 =	seq.s32 s10, $0x1;
	s10 =	sld [smem:$0x3FB6]  }
0x3d: {  	_ =	shalt  }
0x3e: {  	_ =	shalt  }
0x3f: {  	_ =	shalt  }
0x40: {  	_ =	shalt  }
0x41: {  	_ =	shalt  }
0x42: {  	_ =	shalt  }
0x43: {  	_ =	shalt  }
0x44: {  	_ =	shalt  }
0x45: {  	_ =	shalt  }
0x46: {  	_ =	shalt  }
0x47: {  	_ =	shalt  }
0x48: {  	_ =	shalt  }
0x49: {  	_ =	shalt  }
0x4a: {  	_ =	shalt  }
0x4b: {  	_ =	shalt  }
0x4c: {  	_ =	shalt  }
0x4d: {  	_ =	shalt  }
0x4e: {  	_ =	shalt  }
0x4f: {  	_ =	shalt  }
0x50: {  	_ =	shalt  }
0x51: {  	_ =	shalt  }
0x52: {  	_ =	shalt  }
0x53: {  	_ =	shalt  }
0x54: {  	_ =	shalt  }
0x55: {  	_ =	shalt  }
0x56: {  	_ =	shalt  }
0x57: {  	_ =	shalt  }
0x58: {  	_ =	shalt  }
0x59: {  	_ =	shalt  }
0x5a: {  	_ =	shalt  }
0x5b: {  	_ =	shalt  }
0x5c: {  	_ =	shalt  }
0x5d: {  	_ =	shalt  }
0x5e: {  	_ =	shalt  }
0x5f: {  	_ =	shalt  }
0x60: {  	_ =	shalt  }
0x61: {  	_ =	shalt  }
0x62: {  	_ =	shalt  }
0x63: {  	_ =	shalt  }
0x64: {  	_ =	shalt  }
0x65: {  	_ =	shalt  }
0x66: {  	_ =	shalt  }
0x67: {  	_ =	shalt  }
0x68: {  	_ =	shalt  }
0x69: {  	_ =	shalt  }
0x6a: {  	_ =	shalt  }
0x6b: {  	_ =	shalt  }
0x6c: {  	_ =	shalt  }
0x6d: {  	_ =	shalt  }
0x6e: {  	_ =	shalt  }
0x6f: {  	_ =	shalt  }
0x70: {  	_ =	shalt  }
0x71: {  	_ =	shalt  }
0x72: {  	_ =	shalt  }
0x73: {  	_ =	shalt  }
0x74: {  	_ =	shalt  }
0x75: {  	_ =	shalt  }
0x76: {  	_ =	shalt  }
0x77: {  	_ =	shalt  }
0x78: {  	_ =	shalt  }
0x79: {  	_ =	shalt  }
0x7a: {  	_ =	shalt  }
0x7b: {  	_ =	shalt  }
0x7c: {  	_ =	shalt  }
0x7d: {  	_ =	shalt  }
0x7e: {  	_ =	shalt  }
0x7f: {  	_ =	shalt  }
0x80: {  	_ =	shalt  }
0x81: {  	_ =	shalt  }
0x82: {  	_ =	shalt  }
0x83: {  	_ =	shalt  }
0x84: {  	_ =	shalt  }
0x85: {  	_ =	shalt  }
0x86: {  	_ =	shalt  }
0x87: {  	_ =	shalt  }
.Lfunc_end0:
.L_simem_size_0:
called_computation.2_lowered:
.L_overlay_start_0:
0x88: {  	s2 =	sld [smem:$0x3FD9]  }
0x89: {  	s3 =	sld [smem:$0x3FFE];
	_ =	sdelay $0x1  }
0x8a: {  	s1 =	srdreg.scid  }
0x8b: {  	s0 =	sand.u32 $0x1, s1  }
0x8c: {  	s16 =	sshll.u32 s0, $0xA;
	s2 =	sadd.s32 s3, s2  }
0x8d: {  	s2 =	sadd.s32 s2, s16  }
0x8e: {  	[smem:$0x3FC2] =	sst s2  }
0x8f: {  	_ = 	snop  }
0x90: {  	(tm) =	ssettm $0x1  }
0x91: {  	s17 =	sld [smem:$0x3FFB];
	_ =	sdelay $0x3  }
0x92: {  	_ =	strace s17  }
0x93: {  	s2 =	sld [smem:$0x3FFC];
	_ =	sdelay $0x3  }
0x94: {  	_ =	strace s2  }
0x95: {  	s2 =	sld [smem:$0x3FFD];
	_ =	sdelay $0x3  }
0x96: {  	_ =	strace s2  }
0x97: {  	_ =	strace $0x8FFFFFFF  }
0x98: {  	s18 =	sld [smem:$0x3FDB];
	_ =	sdelay $0x1  }
0x99: {  	s19 =	simm.s32 $_scs_section_size  }
0x9a: {  	s4 =	simm.s32 $_size__tile_overlayer_lowered;
	s5 =	simm.s32 $_tile_overlayer_lowered  }
0x9b: {  	s22 =	simm.s32 $0x1BFF;
	s21 =	sshll.u32 s5, $0x1;
	s2 =	sadd.s32 s19, s18  }
0x9c: {  	s6 =	simm.s32 $0x0;
	s20 =	sshll.u32 s4, $0x1;
	s4 =	sadd.s32 s21, s2  }
0x9d: {  	[timem:s6], [sflag:s22] =	dma.local [hbm:s4], s20  }
0x9e: {  	_ =	swait.ge [sflag:s22], s20  }
0x9f: {  	s3 =	ssub.s32 $0x0, s20;
	[sflag:s22] =	ssyncset.done $0x0  }
0xa0: {  	[sflag:s22] =	ssyncadd.s32 s3;
	_ =	sdelay $0x1  }
0xa1: {  	s23 =	simm.s32 $0x1B8B  }
0xa2: {  	_ =	swait.ge [sflag:s23], $0x1  }
0xa3: {  	[sflag:s23] =	ssyncset.done $0x0  }
0xa4: {  	s25 =	simm.s32 $0x1B8E;
	s24 =	sld [smem:$0x3FFE];
	[sflag:s23] =	ssyncadd.s32 $0xFFFFFFFF  }
0xa5: {  	s26 =	simm.s32 $execute0_lowered;
	[smem:$0x3FD2] =	sst s25  }
0xa6: {  	s4 =	sshll.u32 s26, $0x1;
	_ =	strace $0x8000004C;
	[dreg:$0x1] =	wrdreg $0xFFFFFFFF  }
0xa7: {  	s28 =	simm.s32 $_size_execute0_lowered;
	s2 =	sadd.s32 s2, s4;
	[dreg:$0x0] =	wrdreg $0x0  }
0xa8: {  	s4 =	sshll.u32 s28, $0x1;
	[dreg:$0x2] =	wrdreg s2  }
0xa9: {  	[dreg:$0x3] =	wrdreg s4  }
0xaa: {  	[dreg:$0x4] =	wrdreg $0xC0  }
0xab: {  	_ =	task [dreg:s6], $0x5FFFF  }
0xac: {  	[dreg:$0x1] =	wrdreg $0xFFFFFFFF  }
0xad: {  	[dreg:$0x0] =	wrdreg $0x60  }
0xae: {  	[dreg:$0x2] =	wrdreg s24  }
0xaf: {  	[dreg:$0x3] =	wrdreg $0xA8000  }
0xb0: {  	[dreg:$0x4] =	wrdreg $0x9  }
0xb1: {  	_ =	task.clear_ibuf [dreg:s6], $0x5FFFF;
	_ =	strace $0x9000004C  }
0xb2: {  	s29 =	simm.s32 $0x9;
	_ =	strace $0x8000004E  }
0xb3: {  	_ =	swait.ge [sflag:s29], $0x1  }
0xb4: {  	[sflag:s29] =	ssyncadd.s32 $0xFFFFFFFF  }
0xb5: {  	_ =	strace $0x9000004E  }
0xb6: {  	_ =	sfence  }
0xb7: {  	s30 =	sld [smem:$0x0];
	_ =	sdelay $0x2  }
0xb8: {  	s31 =	sshll.u32 s1, $0xD;
	s1 =	sshrl.u32 s1, $0x2  }
0xb9: {  	s3 =	sand.u32 $0x4000, s31;
	s1 =	sadd.s32 s1, s30  }
0xba: {  	s0 =	sor.u32 s3, s0;
	s1 =	sshll.u32 s1, $0x11  }
0xbb: {  	s0 =	sor.u32 s1, s0  }
0xbc: {  	s0 =	sadd.s32 $0x8F2B, s0  }
0xbd: {  	[sflag:s0] =	ssyncadd.remote.s32 $0x1  }
0xbe: {  	_ =	sfence.sel $0xFFFF  }
0xbf: {  	[dreg:$0x0] =	wrdreg $0xFFFFFFFF;
	(pc) =	sbr.abs _section_cstart, $3  }
0xc0: {  	[dreg:$0x1] =	wrdreg $0xFFFFFFFF  }
0xc1: {  	_ =	task.clear_ibuf [dreg:s6], $0x2FFFF;
	_ =	strace $0x9FFFFFFF  }
0xc2: {  	(tm) =	ssettm $0x7FFFFFFF  }
0xc3: {  	_ =	shalt  }
tec
execute0_lowered:
.L_overlay_start_1:
0x0: {  	(tag) =	ssettag $0x1  }
0x1: {  	s0 =	rddreg [dreg:$0x0]  }
0x2: {  	s1 =	rddreg [dreg:$0x1]  }
0x3: {  	s2 =	simm.s32 $0x0;
	s3 =	srdreg.scid;
	s12 =	stileid.u32  }
0x4: {  	s29 =	simm.s32 $0x2;
	s30 =	simm.s32 $0xE;
	[smem:$0x7FF] =	sst s2  }
0x5: {  	s4 =	sadd.s32 $0x81E00, s0;
	s5 =	sadd.s32 $0x11E00, s0;
	s10 =	smul.u32 $0x278, s12  }
0x6: {  	s3 =	sand.u32 $0x1, s3;
	s8 =	sshll.u32 s12, $0xC;
	s11 =	smul.u32 $0x4F000, s12  }
0x7: {  	s12 =	smul.u32 $0x2780, s12;
	_ =	strace $0x8000004D;
	s7 =	sshll.u32 s3, $0x10  }
0x8: {  	s6 =	smul.u32 $0x27800, s3;
	s3 =	ssub.s32 $0x2, s3;
	s9 =	sor.u32 s8, s7  }
0x9: {  	s24 =	sshrl.u32 s3, $0x1;
	s26 =	sadd.s32 $0x230, s10;
	s13 =	sadd.s32 $0x50, s10  }
0xa: {  	s14 =	sadd.s32 $0xA0, s10;
	s15 =	sadd.s32 $0xF0, s10;
	s16 =	sadd.s32 $0x140, s10  }
0xb: {  	s17 =	sadd.s32 $0x190, s10;
	s10 =	sadd.s32 $0x1E0, s10;
	s0 =	sadd.s32 s6, s0  }
0xc: {  	s23 =	sadd.s32 s5, s9;
	s3 =	ssub.s32 s3, s24;
	s9 =	sshll.u32 s26, $0x7  }
0xd: {  	s6 =	sshll.u32 s26, $0x4;
	s18 =	sshll.u32 s13, $0x4;
	s5 =	sadd.s32 s7, s5  }
0xe: {  	s25 =	sadd.s32 $0x20, s23;
	s0 =	sadd.s32 $0xA9400, s0;
	[dreg:$0x3] =	wrdreg s23  }
0xf: {  	s7 =	sadd.s32 s8, s5;
	s8 =	sadd.s32 $0x40, s23;
	[dreg:$0x4] =	wrdreg s25  }
0x10: {  	s19 =	sshll.u32 s14, $0x4;
	s12 =	sadd.s32 s12, s0;
	[dreg:$0xd] =	wrdreg s8  }
0x11: {  	s20 =	sshll.u32 s15, $0x4;
	s18 =	sadd.s32 s18, s0;
	[dreg:$0x5] =	wrdreg s12  }
0x12: {  	s21 =	sshll.u32 s16, $0x4;
	s19 =	sadd.s32 s19, s0;
	[dreg:$0x6] =	wrdreg s18  }
0x13: {  	s22 =	sshll.u32 s17, $0x4;
	s24 =	sadd.s32 s20, s0;
	[dreg:$0x7] =	wrdreg s19  }
0x14: {  	s5 =	sshll.u32 s10, $0x4;
	s25 =	sadd.s32 s21, s0;
	[dreg:$0x8] =	wrdreg s24  }
0x15: {  	s26 =	sadd.s32 s22, s0;
	s5 =	sadd.s32 s5, s0;
	[dreg:$0x9] =	wrdreg s25  }
0x16: {  	s0 =	sadd.s32 s6, s0;
	s20 =	sshll.u32 s10, $0x7;
	[dreg:$0xa] =	wrdreg s26  }
0x17: {  	s22 =	sadd.s32 $0x60, s23;
	s6 =	simm.s32 $0x0;
	[dreg:$0xb] =	wrdreg s5  }
0x18: {  	s8 =	simm.s32 $0x5800;
	s10 =	simm.s32 $0x700;
	[dreg:$0xc] =	wrdreg s0  }
0x19: {  	s24 =	sadd.s32 s9, s1;
	s9 =	sshrl.u32 s11, $0x2;
	s11 =	smax.u32 s3, $0x1  }
0x1a: {  	s12 =	sshll.u32 s13, $0x7;
	s13 =	sshll.u32 s14, $0x7;
	s14 =	sshll.u32 s15, $0x7  }
0x1b: {  	s18 =	sshll.u32 s16, $0x7;
	s19 =	sshll.u32 s17, $0x7;
	s21 =	sadd.s32 s20, s1  }
0x1c: {  	[dreg:$0x17] =	wrdreg s22;
	s25 =	sadd.s32 $0x80, s23;
	s26 =	sadd.s32 $0xA0, s23  }
0x1d: {  	s22 =	simm.s32 $0xD;
	s23 =	simm.s32 $0x4;
	[dreg:$0x10] =	wrdreg s11  }
0x1e: {  	s16 =	simm.s32 $0xF;
	s5 =	simm.s32 $0x8;
	[dreg:$0x16] =	wrdreg s21  }
0x1f: {  	s20 =	simm.s32 $0x10;
	s28 =	sadd.s32 s9, s1;
	[dreg:$0x18] =	wrdreg s25  }
0x20: {  	s31 =	sadd.s32 s12, s1;
	s0 =	sadd.s32 s13, s1;
	[dreg:$0x19] =	wrdreg s26  }
0x21: {  	s15 =	sadd.s32 s14, s1;
	s17 =	sadd.s32 s19, s1;
	[dreg:$0xe] =	wrdreg s24  }
0x22: {  	s9 =	simm.s32 $0x50;
	s19 =	simm.s32 $0x800;
	[dreg:$0x12] =	wrdreg s0  }
.Ltmp0:
0x23: {  	s12 =	simm.s32 $0x3000;
	[dreg:$0x13] =	wrdreg s15;
	(pc) =	sbr.rel .LBB2_1-.Ltmp0, $4  }
0x24: {  	s13 =	simm.s32 $0x8000;
	s21 =	simm.s32 $0x5;
	[dreg:$0xf] =	wrdreg s28  }
0x25: {  	s25 =	simm.s32 $0x6;
	s26 =	simm.s32 $0x800;
	[dreg:$0x11] =	wrdreg s31  }
0x26: {  	s0 =	sadd.s32 s18, s1;
	s15 =	simm.s32 $0x1;
	[dreg:$0x15] =	wrdreg s17  }
0x27: {  	v0 =	vimm.f32 $0.0e+00;
	s18 =	simm.s32 $0x3;
	[dreg:$0x14] =	wrdreg s0;
	s0 =	simm.s32 $0x7  }
.LBB2_6:
0x28: {  	_ =	swait.ge [sflag:s21], $0x2800  }
0x29: {  	[sflag:s21] =	ssyncset.done $0x0  }
0x2a: {  	[sflag:s21] =	ssyncadd.s32 $0xFFFFD800  }
0x2b: {  	_ =	swait.ge [sflag:s25], $0x2800  }
0x2c: {  	[sflag:s25] =	ssyncset.done $0x0  }
0x2d: {  	[sflag:s25] =	ssyncadd.s32 $0xFFFFD800  }
0x2e: {  	_ =	swait.ge [sflag:s0], $0x2800  }
0x2f: {  	[sflag:s0] =	ssyncset.done $0x0  }
0x30: {  	[sflag:s0] =	ssyncadd.s32 $0xFFFFD800  }
0x31: {  	_ =	swait.ge [sflag:s5], $0x2800  }
0x32: {  	[sflag:s5] =	ssyncset.done $0x0  }
0x33: {  	[sflag:s5] =	ssyncadd.s32 $0xFFFFD800  }
0x34: {  	s3 =	stileid.u32;
	[bflag:$0x0] =	sbarrier.arrive $0xFFFF  }
0x35: {  	s2 =	simm.s32 $0x11;
	s3 =	sshll.u32 s3, $0x6;
	s28 =	rddreg [dreg:$0xf]  }
0x36: {  	s3 =	sor.u32 $0x1C11, s3;
	s14 =	rddreg [dreg:$0x5];
	s6 =	sshrl.u32 s28, $0x3  }
0x37: {  	[hbm:s14], [sflag:s3] =	dma.local [spmem:s6], $0x500  }
0x38: {  	_ =	swait.ge [sflag:s2], $0x500  }
0x39: {  	[sflag:s2] =	ssyncset.done $0x0;
	s31 =	rddreg [dreg:$0x11]  }
0x3a: {  	s11 =	rddreg [dreg:$0x6];
	[sflag:s2] =	ssyncadd.s32 $0xFFFFFB00;
	s24 =	sshrl.u32 s31, $0x3  }
0x3b: {  	[hbm:s11], [sflag:s3] =	dma.local [spmem:s24], $0x500  }
0x3c: {  	_ =	swait.ge [sflag:s2], $0x500  }
0x3d: {  	[sflag:s2] =	ssyncset.done $0x0;
	s14 =	rddreg [dreg:$0x12]  }
0x3e: {  	s17 =	rddreg [dreg:$0x7];
	[sflag:s2] =	ssyncadd.s32 $0xFFFFFB00;
	s6 =	sshrl.u32 s14, $0x3  }
0x3f: {  	[hbm:s17], [sflag:s3] =	dma.local [spmem:s6], $0x500  }
0x40: {  	_ =	swait.ge [sflag:s2], $0x500  }
0x41: {  	[sflag:s2] =	ssyncset.done $0x0;
	s24 =	rddreg [dreg:$0x13]  }
0x42: {  	s11 =	rddreg [dreg:$0x8];
	[sflag:s2] =	ssyncadd.s32 $0xFFFFFB00;
	s6 =	sshrl.u32 s24, $0x3  }
0x43: {  	[hbm:s11], [sflag:s3] =	dma.local [spmem:s6], $0x500  }
0x44: {  	_ =	swait.ge [sflag:s2], $0x500  }
0x45: {  	[sflag:s2] =	ssyncset.done $0x0;
	s14 =	rddreg [dreg:$0x14]  }
0x46: {  	s17 =	rddreg [dreg:$0x9];
	[sflag:s2] =	ssyncadd.s32 $0xFFFFFB00;
	s6 =	sshrl.u32 s14, $0x3  }
0x47: {  	[hbm:s17], [sflag:s3] =	dma.local [spmem:s6], $0x500  }
0x48: {  	_ =	swait.ge [sflag:s2], $0x500  }
0x49: {  	[sflag:s2] =	ssyncset.done $0x0;
	s17 =	rddreg [dreg:$0x15]  }
0x4a: {  	s11 =	rddreg [dreg:$0xa];
	[sflag:s2] =	ssyncadd.s32 $0xFFFFFB00;
	s24 =	sshrl.u32 s17, $0x3  }
0x4b: {  	[hbm:s11], [sflag:s3] =	dma.local [spmem:s24], $0x500  }
0x4c: {  	_ =	swait.ge [sflag:s2], $0x500  }
0x4d: {  	[sflag:s2] =	ssyncset.done $0x0;
	s24 =	rddreg [dreg:$0x16]  }
0x4e: {  	s11 =	rddreg [dreg:$0xb];
	[sflag:s2] =	ssyncadd.s32 $0xFFFFFB00;
	s6 =	sshrl.u32 s24, $0x3  }
0x4f: {  	[hbm:s11], [sflag:s3] =	dma.local [spmem:s6], $0x500  }
0x50: {  	_ =	swait.ge [sflag:s2], $0x500  }
0x51: {  	[sflag:s2] =	ssyncset.done $0x0;
	s24 =	rddreg [dreg:$0xe]  }
0x52: {  	s11 =	rddreg [dreg:$0xc];
	[sflag:s2] =	ssyncadd.s32 $0xFFFFFB00;
	s14 =	sshrl.u32 s24, $0x3  }
0x53: {  	[hbm:s11], [sflag:s3] =	dma.local [spmem:s14], $0x480  }
0x54: {  	_ =	swait.ge [sflag:s2], $0x480  }
0x55: {  	s11 =	rddreg [dreg:$0x1a]  }
0x56: {  	s14 =	rddreg [dreg:$0x10];
	s6 =	sadd.s32 $0x1, s11  }
0x57: {  	p0 =	sne.s32 s6, s14  }
.Ltmp1:
0x58: {  	_ = 	snop;
	(pc) =	sbr.rel @!p0 .LBB2_7-.Ltmp1, $3  }
0x59: {  	_ =	sdelay $0x1  }
0x5a: {  	[sflag:s2] =	ssyncset.done $0x0  }
0x5b: {  	[sflag:s2] =	ssyncadd.s32 $0xFFFFFB80;
	s2 =	simm.s32 $0x0  }
.LBB2_1:
0x5c: {  	[dreg:$0x1a] =	wrdreg s6  }
0x5d: {  	s3 =	rddreg [dreg:$0x3]  }
0x5e: {  	[tilespmem:s2], [sflag:$0x9] =	stream.linear.gather [hbm4b:s3+s2], $0x100, $0x38;
	[tilespmem:$0x1E400] =	vst v63  }
0x5f: {  	s14 =	rddreg [dreg:$0x4];
	s6 =	simm.s32 $0x100  }
0x60: {  	[tilespmem:s6], [sflag:$0xA] =	stream.linear.gather [hbm4b:s14+s2], $0x100, $0x38;
	[tilespmem:$0x1E400] =	vst v63  }
0x61: {  	s11 =	rddreg [dreg:$0xd];
	s14 =	simm.s32 $0x200  }
0x62: {  	[tilespmem:s14], [sflag:$0xB] =	stream.linear.gather [hbm4b:s11+s2], $0x100, $0x38;
	[tilespmem:$0x1E400] =	vst v63  }
0x63: {  	s14 =	rddreg [dreg:$0x17];
	s11 =	simm.s32 $0x300  }
0x64: {  	[tilespmem:s11], [sflag:$0xC] =	stream.linear.gather [hbm4b:s14+s2], $0x100, $0x38;
	[tilespmem:$0x1E400] =	vst v63  }
0x65: {  	s14 =	rddreg [dreg:$0x18];
	s11 =	simm.s32 $0x400  }
0x66: {  	[tilespmem:s11], [sflag:$0xD] =	stream.linear.gather [hbm4b:s14+s2], $0x100, $0x38;
	[tilespmem:$0x1E400] =	vst v63  }
0x67: {  	s2 =	rddreg [dreg:$0x19];
	s11 =	simm.s32 $0x0;
	s14 =	simm.s32 $0x500  }
0x68: {  	[tilespmem:s14], [sflag:$0xE] =	stream.linear.gather [hbm4b:s2+s11], $0x100, $0x38;
	[tilespmem:$0x1E400] =	vst v63  }
0x69: {  	s14 =	simm.s32 $0x9  }
0x6a: {  	_ =	swait.ge [sflag:s14], $0x100  }
0x6b: {  	[sflag:s14] =	ssyncset.done $0x0  }
0x6c: {  	s2 =	simm.s32 $0x0;
	[sflag:s14] =	ssyncadd.s32 $0xFFFFFF00  }
0x6d: {  	[tilespmem:s19], [sflag:$0x1] =	stream.indirect.gather [hbm4b:s4+s9], $0x80, s2, s9, $0xb8;
	[tilespmem:$0x1E400] =	vst v63  }
0x6e: {  	s19 =	simm.s32 $0xA  }
0x6f: {  	_ =	swait.ge [sflag:s19], $0x100  }
0x70: {  	[sflag:s19] =	ssyncset.done $0x0  }
0x71: {  	s3 =	simm.s32 $0x70;
	s14 =	simm.s32 $0x3C0;
	[sflag:s19] =	ssyncadd.s32 $0xFFFFFF00  }
0x72: {  	[tilespmem:s12], [sflag:$0x2] =	stream.indirect.gather [hbm4b:s4+s9], $0x80, s6, s9, $0xb8;
	[tilespmem:$0x1E400] =	vst v63  }
.LBB2_2:
0x73: {  	p0 =	seq.s32 s14, $0x9FC0;
	[tilespmem:s3+$0x8000] =	vst v0  }
0x74: {  	[tilespmem:s3+$0x7F90] =	vst v0  }
0x75: {  	[tilespmem:s3+$0x7FA0] =	vst v0  }
.Ltmp2:
0x76: {  	[tilespmem:s3+$0x7FB0] =	vst v0;
	(pc) =	sbr.rel @!p0 .LBB2_2-.Ltmp2, $4  }
0x77: {  	[tilespmem:s3+$0x7FC0] =	vst v0  }
0x78: {  	[tilespmem:s3+$0x7FD0] =	vst v0  }
0x79: {  	[tilespmem:s3+$0x7FE0] =	vst v0  }
0x7a: {  	[tilespmem:s3+$0x7FF0] =	vst v0;
	s3 =	sshra.s32 s14, $0x2;
	s14 =	sadd.s32 $0x200, s14  }
0x7b: {  	[tilespmem:s3+$0x8000] =	vst v0  }
0x7c: {  	[tilespmem:s3+$0x7F90] =	vst v0  }
0x7d: {  	[tilespmem:s3+$0x7FA0] =	vst v0  }
0x7e: {  	[tilespmem:s3+$0x7FB0] =	vst v0  }
0x7f: {  	[tilespmem:s3+$0x7FC0] =	vst v0  }
0x80: {  	[tilespmem:s3+$0x7FD0] =	vst v0  }
0x81: {  	[tilespmem:s3+$0x7FE0] =	vst v0  }
0x82: {  	[tilespmem:s3+$0x7FF0] =	vst v0;
	s6 =	simm.s32 $0x11  }
0x83: {  	[spmem:s28] =	stream.linear.scatter [tilespmem:s13], [sflag:$0x11], $0x2800, $0x38;
	[tilespmem:$0x1E400] =	vst v63  }
0x84: {  	_ =	swait.ge [sflag:s6], $0x2800  }
0x85: {  	[sflag:s6] =	ssyncset.done $0x0  }
0x86: {  	[sflag:s6] =	ssyncadd.s32 $0xFFFFD800  }
0x87: {  	[spmem:s31] =	stream.linear.scatter [tilespmem:s13], [sflag:$0x11], $0x2800, $0x38;
	[tilespmem:$0x1E400] =	vst v63  }
0x88: {  	_ =	swait.ge [sflag:s6], $0x2800  }
0x89: {  	[sflag:s6] =	ssyncset.done $0x0  }
0x8a: {  	s11 =	rddreg [dreg:$0x12];
	[sflag:s6] =	ssyncadd.s32 $0xFFFFD800  }
0x8b: {  	[spmem:s11] =	stream.linear.scatter [tilespmem:s13], [sflag:$0x11], $0x2800, $0x38;
	[tilespmem:$0x1E400] =	vst v63  }
0x8c: {  	_ =	swait.ge [sflag:s6], $0x2800  }
0x8d: {  	[sflag:s6] =	ssyncset.done $0x0  }
0x8e: {  	s14 =	rddreg [dreg:$0x13];
	[sflag:s6] =	ssyncadd.s32 $0xFFFFD800  }
0x8f: {  	[spmem:s14] =	stream.linear.scatter [tilespmem:s13], [sflag:$0x11], $0x2800, $0x38;
	[tilespmem:$0x1E400] =	vst v63  }
0x90: {  	_ =	swait.ge [sflag:s6], $0x2800  }
0x91: {  	[sflag:s6] =	ssyncset.done $0x0  }
0x92: {  	s19 =	rddreg [dreg:$0x14];
	[sflag:s6] =	ssyncadd.s32 $0xFFFFD800  }
0x93: {  	[spmem:s19] =	stream.linear.scatter [tilespmem:s13], [sflag:$0x11], $0x2800, $0x38;
	[tilespmem:$0x1E400] =	vst v63  }
0x94: {  	_ =	swait.ge [sflag:s6], $0x2800  }
0x95: {  	[sflag:s6] =	ssyncset.done $0x0  }
0x96: {  	[sflag:s6] =	ssyncadd.s32 $0xFFFFD800  }
0x97: {  	[spmem:s17] =	stream.linear.scatter [tilespmem:s13], [sflag:$0x11], $0x2800, $0x38;
	[tilespmem:$0x1E400] =	vst v63  }
0x98: {  	_ =	swait.ge [sflag:s6], $0x2800  }
0x99: {  	[sflag:s6] =	ssyncset.done $0x0  }
0x9a: {  	s28 =	rddreg [dreg:$0x16];
	[sflag:s6] =	ssyncadd.s32 $0xFFFFD800  }
0x9b: {  	[spmem:s28] =	stream.linear.scatter [tilespmem:s13], [sflag:$0x11], $0x2800, $0x38;
	[tilespmem:$0x1E400] =	vst v63  }
0x9c: {  	_ =	swait.ge [sflag:s6], $0x2800  }
0x9d: {  	[sflag:s6] =	ssyncset.done $0x0  }
0x9e: {  	[sflag:s6] =	ssyncadd.s32 $0xFFFFD800  }
0x9f: {  	[spmem:s24] =	stream.linear.scatter [tilespmem:s13], [sflag:$0x11], $0x2400, $0x38;
	[tilespmem:$0x1E400] =	vst v63  }
0xa0: {  	_ =	swait.ge [sflag:s6], $0x2400  }
0xa1: {  	[sflag:s6] =	ssyncset.done $0x0  }
0xa2: {  	[sflag:s6] =	ssyncadd.s32 $0xFFFFDC00  }
0xa3: {  	s31 =	simm.s32 $0x0;
	s17 =	simm.s32 $0x500;
	[bflag:$0x0] =	sbarrier.arrive $0xFFFF  }
.LBB2_4:
0xa4: {  	_ =	swait.ge [sflag:s15], $0x2800  }
0xa5: {  	[sflag:s15] =	ssyncset.done $0x0  }
0xa6: {  	s3 =	simm.s32 $0x80;
	p0 =	seq.s32 s31, $0x0;
	[sflag:s15] =	ssyncadd.s32 $0xFFFFD800  }
0xa7: {  	[spmem:s1] =	stream.indirect.scatter.add.f32 [tilespmem:s26], [sflag:$0x5], $0x80, s3, s9, $0xb8;
	[tilespmem:$0x1E400] =	vst v63  }
0xa8: {  	s3 =	simm.s32 @!p0 $0x7  }
0xa9: {  	_ =	swait.ge @!p0 [sflag:s3], $0x2800  }
0xaa: {  	[sflag:s3] =	ssyncset.done @!p0 $0x0  }
0xab: {  	s14 =	simm.s32 $0xB;
	[sflag:s3] =	ssyncadd.s32 @!p0 $0xFFFFD800  }
0xac: {  	_ =	swait.ge [sflag:s14], $0x100  }
0xad: {  	[sflag:s14] =	ssyncset.done $0x0  }
0xae: {  	s19 =	simm.s32 $0x200;
	s3 =	sadd.s32 s31, s7;
	[sflag:s14] =	ssyncadd.s32 $0xFFFFFF00  }
0xaf: {  	[tilespmem:s8], [sflag:$0x3] =	stream.indirect.gather [hbm4b:s4+s9], $0x80, s19, s9, $0xb8;
	[tilespmem:$0x1E400] =	vst v63  }
0xb0: {  	s11 =	simm.s32 $0x600;
	s14 =	sadd.s32 $0xC0, s3  }
0xb1: {  	[tilespmem:s11], [sflag:$0xF] =	stream.linear.gather [hbm4b:s14+s2], $0x100, $0x38;
	[tilespmem:$0x1E400] =	vst v63  }
0xb2: {  	_ =	swait.ge [sflag:s29], $0x2800  }
0xb3: {  	[sflag:s29] =	ssyncset.done $0x0  }
0xb4: {  	s6 =	simm.s32 $0x180;
	s14 =	simm.s32 @!p0 $0x8;
	[sflag:s29] =	ssyncadd.s32 $0xFFFFD800  }
0xb5: {  	[spmem:s1] =	stream.indirect.scatter.add.f32 [tilespmem:s12], [sflag:$0x6], $0x80, s6, s9, $0xb8;
	[tilespmem:$0x1E400] =	vst v63  }
0xb6: {  	_ =	swait.ge @!p0 [sflag:s14], $0x2800  }
0xb7: {  	[sflag:s14] =	ssyncset.done @!p0 $0x0  }
0xb8: {  	s24 =	simm.s32 $0xC;
	[sflag:s14] =	ssyncadd.s32 @!p0 $0xFFFFD800  }
0xb9: {  	_ =	swait.ge [sflag:s24], $0x100  }
0xba: {  	[sflag:s24] =	ssyncset.done $0x0  }
0xbb: {  	s28 =	simm.s32 $0x300;
	[sflag:s24] =	ssyncadd.s32 $0xFFFFFF00  }
0xbc: {  	[tilespmem:s13], [sflag:$0x4] =	stream.indirect.gather [hbm4b:s4+s9], $0x80, s28, s9, $0xb8;
	[tilespmem:$0x1E400] =	vst v63  }
0xbd: {  	s6 =	sadd.s32 $0xE0, s3  }
0xbe: {  	[tilespmem:s10], [sflag:$0x10] =	stream.linear.gather [hbm4b:s6+s2], $0x100, $0x38;
	[tilespmem:$0x1E400] =	vst v63  }
0xbf: {  	_ =	swait.ge [sflag:s18], $0x2800  }
0xc0: {  	[sflag:s18] =	ssyncset.done $0x0  }
0xc1: {  	s19 =	simm.s32 $0x280;
	[sflag:s18] =	ssyncadd.s32 $0xFFFFD800  }
0xc2: {  	[spmem:s1] =	stream.indirect.scatter.add.f32 [tilespmem:s8], [sflag:$0x7], $0x80, s19, s9, $0xb8;
	[tilespmem:$0x1E400] =	vst v63  }
0xc3: {  	_ =	swait.ge [sflag:s21], $0x2800  }
0xc4: {  	[sflag:s21] =	ssyncset.done $0x0  }
0xc5: {  	[sflag:s21] =	ssyncadd.s32 $0xFFFFD800  }
0xc6: {  	_ =	swait.ge [sflag:s22], $0x100  }
0xc7: {  	[sflag:s22] =	ssyncset.done $0x0  }
0xc8: {  	p0 =	seq.s32 s31, $0xF00;
	s24 =	simm.s32 $0x400;
	[sflag:s22] =	ssyncadd.s32 $0xFFFFFF00  }
0xc9: {  	[tilespmem:s26], [sflag:$0x1] =	stream.indirect.gather [hbm4b:s4+s9], $0x80, s24, s9, $0xb8;
	[tilespmem:$0x1E400] =	vst v63  }
0xca: {  	s24 =	sadd.s32 @!p0 s31, s7  }
0xcb: {  	s14 =	simm.s32 @!p0 $0x0;
	s6 =	sadd.s32 @!p0 $0x100, s24  }
0xcc: {  	[tilespmem:s14], [sflag:$0x9] =	stream.linear.gather @!p0 [hbm4b:s6+s14], $0x100, $0x38;
	[tilespmem:$0x1E400] =	vst v63  }
0xcd: {  	_ =	swait.ge [sflag:s23], $0x2800  }
0xce: {  	[sflag:s23] =	ssyncset.done $0x0  }
0xcf: {  	s28 =	simm.s32 $0x380;
	[sflag:s23] =	ssyncadd.s32 $0xFFFFD800  }
0xd0: {  	[spmem:s1] =	stream.indirect.scatter.add.f32 [tilespmem:s13], [sflag:$0x8], $0x80, s28, s9, $0xb8;
	[tilespmem:$0x1E400] =	vst v63  }
0xd1: {  	_ =	swait.ge [sflag:s25], $0x2800  }
0xd2: {  	[sflag:s25] =	ssyncset.done $0x0  }
0xd3: {  	[sflag:s25] =	ssyncadd.s32 $0xFFFFD800  }
0xd4: {  	_ =	swait.ge [sflag:s30], $0x100  }
0xd5: {  	[sflag:s30] =	ssyncset.done $0x0  }
0xd6: {  	[sflag:s30] =	ssyncadd.s32 $0xFFFFFF00  }
0xd7: {  	[tilespmem:s12], [sflag:$0x2] =	stream.indirect.gather [hbm4b:s4+s9], $0x80, s17, s9, $0xb8;
	[tilespmem:$0x1E400] =	vst v63  }
0xd8: {  	s6 =	sadd.s32 @!p0 $0x120, s24;
	s28 =	simm.s32 @!p0 $0x100  }
0xd9: {  	[tilespmem:s28], [sflag:$0xA] =	stream.linear.gather @!p0 [hbm4b:s6+s14], $0x100, $0x38;
	[tilespmem:$0x1E400] =	vst v63  }
0xda: {  	_ =	swait.ge [sflag:s15], $0x2800  }
0xdb: {  	[sflag:s15] =	ssyncset.done $0x0  }
0xdc: {  	s6 =	simm.s32 $0x480;
	[sflag:s15] =	ssyncadd.s32 $0xFFFFD800  }
0xdd: {  	[spmem:s1] =	stream.indirect.scatter.add.f32 [tilespmem:s26], [sflag:$0x5], $0x80, s6, s9, $0xb8;
	[tilespmem:$0x1E400] =	vst v63  }
0xde: {  	_ =	swait.ge [sflag:s0], $0x2800  }
0xdf: {  	[sflag:s0] =	ssyncset.done $0x0  }
0xe0: {  	[sflag:s0] =	ssyncadd.s32 $0xFFFFD800  }
0xe1: {  	_ =	swait.ge [sflag:s16], $0x100  }
0xe2: {  	[sflag:s16] =	ssyncset.done $0x0  }
0xe3: {  	[sflag:s16] =	ssyncadd.s32 $0xFFFFFF00  }
0xe4: {  	[tilespmem:s8], [sflag:$0x3] =	stream.indirect.gather [hbm4b:s4+s9], $0x80, s11, s9, $0xb8;
	[tilespmem:$0x1E400] =	vst v63  }
0xe5: {  	s28 =	simm.s32 @!p0 $0x200;
	s6 =	sadd.s32 @!p0 $0x140, s24  }
0xe6: {  	[tilespmem:s28], [sflag:$0xB] =	stream.linear.gather @!p0 [hbm4b:s6+s14], $0x100, $0x38;
	[tilespmem:$0x1E400] =	vst v63  }
0xe7: {  	_ =	swait.ge [sflag:s29], $0x2800  }
0xe8: {  	[sflag:s29] =	ssyncset.done $0x0  }
0xe9: {  	s17 =	simm.s32 $0x580;
	[sflag:s29] =	ssyncadd.s32 $0xFFFFD800  }
0xea: {  	[spmem:s1] =	stream.indirect.scatter.add.f32 [tilespmem:s12], [sflag:$0x6], $0x80, s17, s9, $0xb8;
	[tilespmem:$0x1E400] =	vst v63  }
0xeb: {  	_ =	swait.ge [sflag:s5], $0x2800  }
0xec: {  	[sflag:s5] =	ssyncset.done $0x0  }
0xed: {  	[sflag:s5] =	ssyncadd.s32 $0xFFFFD800  }
0xee: {  	_ =	swait.ge [sflag:s20], $0x100  }
0xef: {  	[sflag:s20] =	ssyncset.done $0x0  }
0xf0: {  	s6 =	simm.s32 @p0 $0x3;
	[sflag:s20] =	ssyncadd.s32 $0xFFFFFF00  }
0xf1: {  	[tilespmem:s13], [sflag:$0x4] =	stream.indirect.gather [hbm4b:s4+s9], $0x80, s10, s9, $0xb8;
	[tilespmem:$0x1E400] =	vst v63  }
0xf2: {  	_ =	swait.ge @p0 [sflag:s6], $0x2800  }
0xf3: {  	s28 =	simm.s32 @p0 $0x680;
	[sflag:s6] =	ssyncset.done @p0 $0x0  }
0xf4: {  	s17 =	simm.s32 @p0 $0x5800;
	[sflag:s6] =	ssyncadd.s32 @p0 $0xFFFFD800;
	s6 =	simm.s32 @p0 $0x50  }
0xf5: {  	[spmem:s1] =	stream.indirect.scatter.add.f32 @p0 [tilespmem:s17], [sflag:$0x7], $0x80, s28, s6, $0xb8;
	[tilespmem:$0x1E400] =	vst v63  }
0xf6: {  	s6 =	sadd.s32 @!p0 $0x160, s24;
	s17 =	simm.s32 @!p0 $0x300  }
0xf7: {  	[tilespmem:s17], [sflag:$0xC] =	stream.linear.gather @!p0 [hbm4b:s6+s14], $0x100, $0x38;
	[tilespmem:$0x1E400] =	vst v63  }
0xf8: {  	s6 =	simm.s32 @!p0 $0x3  }
0xf9: {  	_ =	swait.ge @!p0 [sflag:s6], $0x2800  }
0xfa: {  	s28 =	simm.s32 @!p0 $0x5800;
	[sflag:s6] =	ssyncset.done @!p0 $0x0  }
0xfb: {  	s17 =	simm.s32 @!p0 $0x680;
	[sflag:s6] =	ssyncadd.s32 @!p0 $0xFFFFD800;
	s6 =	simm.s32 @!p0 $0x50  }
0xfc: {  	[spmem:s1] =	stream.indirect.scatter.add.f32 @!p0 [tilespmem:s28], [sflag:$0x7], $0x80, s17, s6, $0xb8;
	[tilespmem:$0x1E400] =	vst v63  }
0xfd: {  	s17 =	simm.s32 @!p0 $0x5  }
0xfe: {  	_ =	swait.ge @!p0 [sflag:s17], $0x2800  }
0xff: {  	[sflag:s17] =	ssyncset.done @!p0 $0x0  }
0x100: {  	[sflag:s17] =	ssyncadd.s32 @!p0 $0xFFFFD800;
	s17 =	simm.s32 @!p0 $0x9  }
0x101: {  	_ =	swait.ge @!p0 [sflag:s17], $0x100  }
0x102: {  	[sflag:s17] =	ssyncset.done @!p0 $0x0  }
0x103: {  	[sflag:s17] =	ssyncadd.s32 @!p0 $0xFFFFFF00;
	s17 =	simm.s32 @!p0 $0x800  }
0x104: {  	[tilespmem:s17], [sflag:$0x1] =	stream.indirect.gather @!p0 [hbm4b:s4+s6], $0x80, s14, s6, $0xb8;
	[tilespmem:$0x1E400] =	vst v63  }
0x105: {  	s6 =	sadd.s32 @!p0 $0x180, s24;
	s17 =	simm.s32 @!p0 $0x400  }
0x106: {  	[tilespmem:s17], [sflag:$0xD] =	stream.linear.gather @!p0 [hbm4b:s6+s14], $0x100, $0x38;
	[tilespmem:$0x1E400] =	vst v63  }
.Ltmp3:
0x107: {  	_ = 	snop;
	(pc) =	sbr.rel @p0 .LBB2_6-.Ltmp3, $4  }
0x108: {  	_ =	swait.ge [sflag:s23], $0x2800  }
0x109: {  	s2 =	simm.s32 $0x500;
	s19 =	simm.s32 $0x800;
	[sflag:s23] =	ssyncset.done $0x0  }
0x10a: {  	s11 =	simm.s32 $0x0;
	s28 =	simm.s32 $0x780;
	[sflag:s23] =	ssyncadd.s32 $0xFFFFD800  }
0x10b: {  	[spmem:s1] =	stream.indirect.scatter.add.f32 [tilespmem:s13], [sflag:$0x8], $0x80, s28, s9, $0xb8;
	[tilespmem:$0x1E400] =	vst v63  }
0x10c: {  	_ =	swait.ge [sflag:s25], $0x2800  }
0x10d: {  	[sflag:s25] =	ssyncset.done $0x0  }
0x10e: {  	s6 =	simm.s32 $0xA;
	[sflag:s25] =	ssyncadd.s32 $0xFFFFD800  }
0x10f: {  	_ =	swait.ge [sflag:s6], $0x100  }
0x110: {  	[sflag:s6] =	ssyncset.done $0x0  }
.Ltmp4:
0x111: {  	s28 =	simm.s32 $0x100;
	[sflag:s6] =	ssyncadd.s32 $0xFFFFFF00;
	(pc) =	sbr.rel .LBB2_4-.Ltmp4, $4  }
0x112: {  	[tilespmem:s12], [sflag:$0x2] =	stream.indirect.gather [hbm4b:s4+s9], $0x80, s28, s9, $0xb8;
	[tilespmem:$0x1E400] =	vst v63  }
0x113: {  	s3 =	sadd.s32 $0x1A0, s3  }
0x114: {  	[tilespmem:s2], [sflag:$0xE] =	stream.linear.gather [hbm4b:s3+s11], $0x100, $0x38;
	[tilespmem:$0x1E400] =	vst v63  }
0x115: {  	s31 =	sadd.s32 $0x100, s31;
	s17 =	simm.s32 $0x500;
	s2 =	simm.s32 $0x0  }
.LBB2_7:
0x116: {  	_ =	sfence.sel $0x180000  }
0x117: {  	[bflag:$0x0] =	sbarrier.arrive $0xFFFF  }
0x118: {  	_ =	strace $0x9000004D  }
0x119: {  	s0 =	stileid.u32;
	[bflag:$0x2] =	sbarrier.arrive $0xFFFF  }
0x11a: {  	p0 =	sne.s32 s0, $0x0;
	s0 =	rddreg [dreg:$0x2]  }
0x11b: {  	s0 =	sadd.s32 @!p0 $0x100000, s0  }
0x11c: {  	[sflag:s0] =	ssyncadd.tile.s32 @!p0 $0x1;
	_ =	shalt  }
.Lfunc_end2:
_tile_overlayer_lowered:
.L_overlay_start_2:
0x11d: {  	(tag) =	ssettag $0x2  }
0x11e: {  	s0 =	rddreg [dreg:$0x0];
	s2 =	stileid.u32  }
0x11f: {  	s1 =	rddreg [dreg:$0x1];
	p0 =	sne.s32 s2, $0x0  }
0x120: {  	s3 =	rddreg [dreg:$0x2];
	[bflag:$0x3] =	sbarrier.arrive $0xFFFF;
	s2 =	simm.s32 @!p0 $0x1C11  }
0x121: {  	[timem:s3], [sflag:s2] =	dma.local @!p0 [hbm:s0], s1  }
0x122: {  	s0 =	simm.s32 @!p0 $0x11  }
0x123: {  	_ =	swait.ge @!p0 [sflag:s0], s1  }
0x124: {  	s1 =	ssub.s32 @!p0 $0x0, s1;
	[sflag:s0] =	ssyncset.done @!p0 $0x0  }
0x125: {  	[sflag:s0] =	ssyncadd.s32 @!p0 s1  }
0x126: {  	[bflag:$0x3] =	sbarrier.arrive $0xFFFF  }
0x127: {  	_ =	shalt  }

// kernel: kernel.8.cloned.1.call-start
scs
__scs_entry_jumppad:
0x0: {  	(pc) =	sbr.rel $0x88, $3  }
0x1: {  	(tag) =	ssettag $0x0;
	lr =	simm.s32 $0x1  }
0x2: {  	[smem:$0x3F9B] =	sst lr;
	_ =	strace $0xD0000000  }
0x3: {  	_ = 	snop  }
0x4: {  	_ = 	snop  }
0x5: {  	_ = 	snop  }
0x6: {  	_ = 	snop  }
0x7: {  	_ = 	snop  }
__scs_overlays_trampoline_lowered:
0x8: {  	[smem:$0x3FAA] =	sst s0  }
0x9: {  	[smem:$0x3FAB] =	sst s1  }
0xa: {  	[smem:$0x3FAC] =	sst s2  }
0xb: {  	[smem:$0x3FAD] =	sst s3  }
0xc: {  	[smem:$0x3FAE] =	sst s4  }
0xd: {  	[smem:$0x3FAF] =	sst s5  }
0xe: {  	[smem:$0x3FB0] =	sst s6  }
0xf: {  	[smem:$0x3FB1] =	sst s7  }
0x10: {  	[smem:$0x3FB2] =	sst s8  }
0x11: {  	[smem:$0x3FB3] =	sst s9;
	s0 =	simm.s32 @!p0 $0x0  }
0x12: {  	s1 =	sld [smem:$0x3F99];
	s0 =	simm.s32 @p0 $0x1  }
0x13: {  	[smem:$0x3FB4] =	sst s0;
	s0 =	simm.s32 @!p1 $0x0  }
0x14: {  	s2 =	sld [smem:$0x3F98];
	s0 =	simm.s32 @p1 $0x1  }
0x15: {  	[smem:$0x3FB5] =	sst s0;
	s0 =	simm.s32 @!p2 $0x0  }
0x16: {  	s3 =	sld [smem:$0x3FDB];
	s0 =	simm.s32 @p2 $0x1  }
0x17: {  	s4 =	simm.s32 $0x1BF5;
	[smem:$0x3FB7] =	sst s0  }
0x18: {  	s0 =	sld [smem:$0x3F9A];
	_ =	swait.ge [sflag:s4], $0x0  }
0x19: {  	s7 =	sld [smem:$0x3F9B]  }
0x1a: {  	s8 =	sadd.s32 $0xFFFFE003, lr  }
0x1b: {  	s9 =	sadd.s32 $0xFFFFFEF7, lr;
	s5 =	simm.s32 $0xFFFFFFFF;
	p2 =	slt.u32 s8, $0xFFFFF086  }
0x1c: {  	p1 =	slt.u32 s9, $0xF7A;
	s5 =	simm.s32 @!p2 $0x0  }
0x1d: {  	s5 =	simm.s32 @p1 $0x1;
	p0 =	seq.s32 s7, s2  }
0x1e: {  	s7 =	smul.u32 @!p0 $0xF7A, s2;
	p2 =	seq.s32 @!p0 s5, $0x0  }
0x1f: {  	s9 =	smul.u32 $0xF7A, s1;
	s8 =	simm.s32 @!p0 $0x1BF5;
	p2 =	por !p2, p0  }
0x20: {  	[sflag:s8] =	ssyncset.s32 @!p0 $0xFFFFF086;
	s6 =	sadd.s32 @!p0 s3, s7;
	s7 =	simm.s32 @!p0 $0x108  }
0x21: {  	s3 =	sadd.s32 s3, s9;
	s6 =	sadd.s32 @!p0 $0x88, s6;
	s7 =	simm.s32 @p2 $0x1082  }
0x22: {  	[simem:s7], [sflag:s8] =	dma.local @!p0 [hbm:s6], $0xF7A  }
0x23: {  	s9 =	sor.u32 $0xD0000000, s2;
	s6 =	simm.s32 $0x108;
	_ =	swait.ge @!p0 [sflag:s8], $0x0  }
0x24: {  	s3 =	sadd.s32 $0x88, s3;
	s6 =	simm.s32 @!p1 $0x1082;
	[sflag:s4] =	ssyncset.s32 $0xFFFFF086  }
0x25: {  	[simem:s6], [sflag:s4] =	dma.local [hbm:s3], $0xF7A  }
0x26: {  	[smem:$0x3F9B] =	sst s1;
	(tag) =	ssettag s2;
	_ =	strace s9  }
0x27: {  	s1 =	sld [smem:$0x3FAB]  }
0x28: {  	s2 =	sld [smem:$0x3FAC]  }
0x29: {  	s4 =	sld [smem:$0x3FAE]  }
0x2a: {  	p0 =	seq.s32 s5, $0x0;
	s5 =	sld [smem:$0x3FAF]  }
0x2b: {  	s6 =	sld [smem:$0x3FB0]  }
0x2c: {  	s7 =	sld [smem:$0x3FB1]  }
0x2d: {  	s3 =	simm.s32 $0x108;
	s8 =	sld [smem:$0x3FB2]  }
0x2e: {  	s3 =	simm.s32 @!p0 $0x1082;
	s9 =	sld [smem:$0x3FB3]  }
0x2f: {  	lr =	sadd.s32 s0, s3;
	s0 =	sld [smem:$0x3FAA]  }
0x30: {  	s3 =	sld [smem:$0x3FAD]  }
0x31: {  	[smem:$0x3FB6] =	sst s10  }
0x32: {  	s10 =	sld [smem:$0x3FB4];
	_ =	sdelay $0x3  }
0x33: {  	p0 =	seq.s32 s10, $0x1;
	s10 =	sld [smem:$0x3FB6];
	_ =	sdelay $0x3  }
0x34: {  	[smem:$0x3FB6] =	sst s10  }
0x35: {  	s10 =	sld [smem:$0x3FB5];
	_ =	sdelay $0x3  }
0x36: {  	p1 =	seq.s32 s10, $0x1;
	s10 =	sld [smem:$0x3FB6];
	_ =	sdelay $0x3  }
0x37: {  	[smem:$0x3FB6] =	sst s10  }
0x38: {  	s10 =	sld [smem:$0x3FB7]  }
0x39: {  	_ = 	snop;
	(pc) =	sbr.ind lr, $3  }
0x3a: {  	_ = 	snop  }
0x3b: {  	_ = 	snop  }
0x3c: {  	p2 =	seq.s32 s10, $0x1;
	s10 =	sld [smem:$0x3FB6]  }
0x3d: {  	_ =	shalt  }
0x3e: {  	_ =	shalt  }
0x3f: {  	_ =	shalt  }
0x40: {  	_ =	shalt  }
0x41: {  	_ =	shalt  }
0x42: {  	_ =	shalt  }
0x43: {  	_ =	shalt  }
0x44: {  	_ =	shalt  }
0x45: {  	_ =	shalt  }
0x46: {  	_ =	shalt  }
0x47: {  	_ =	shalt  }
0x48: {  	_ =	shalt  }
0x49: {  	_ =	shalt  }
0x4a: {  	_ =	shalt  }
0x4b: {  	_ =	shalt  }
0x4c: {  	_ =	shalt  }
0x4d: {  	_ =	shalt  }
0x4e: {  	_ =	shalt  }
0x4f: {  	_ =	shalt  }
0x50: {  	_ =	shalt  }
0x51: {  	_ =	shalt  }
0x52: {  	_ =	shalt  }
0x53: {  	_ =	shalt  }
0x54: {  	_ =	shalt  }
0x55: {  	_ =	shalt  }
0x56: {  	_ =	shalt  }
0x57: {  	_ =	shalt  }
0x58: {  	_ =	shalt  }
0x59: {  	_ =	shalt  }
0x5a: {  	_ =	shalt  }
0x5b: {  	_ =	shalt  }
0x5c: {  	_ =	shalt  }
0x5d: {  	_ =	shalt  }
0x5e: {  	_ =	shalt  }
0x5f: {  	_ =	shalt  }
0x60: {  	_ =	shalt  }
0x61: {  	_ =	shalt  }
0x62: {  	_ =	shalt  }
0x63: {  	_ =	shalt  }
0x64: {  	_ =	shalt  }
0x65: {  	_ =	shalt  }
0x66: {  	_ =	shalt  }
0x67: {  	_ =	shalt  }
0x68: {  	_ =	shalt  }
0x69: {  	_ =	shalt  }
0x6a: {  	_ =	shalt  }
0x6b: {  	_ =	shalt  }
0x6c: {  	_ =	shalt  }
0x6d: {  	_ =	shalt  }
0x6e: {  	_ =	shalt  }
0x6f: {  	_ =	shalt  }
0x70: {  	_ =	shalt  }
0x71: {  	_ =	shalt  }
0x72: {  	_ =	shalt  }
0x73: {  	_ =	shalt  }
0x74: {  	_ =	shalt  }
0x75: {  	_ =	shalt  }
0x76: {  	_ =	shalt  }
0x77: {  	_ =	shalt  }
0x78: {  	_ =	shalt  }
0x79: {  	_ =	shalt  }
0x7a: {  	_ =	shalt  }
0x7b: {  	_ =	shalt  }
0x7c: {  	_ =	shalt  }
0x7d: {  	_ =	shalt  }
0x7e: {  	_ =	shalt  }
0x7f: {  	_ =	shalt  }
0x80: {  	_ =	shalt  }
0x81: {  	_ =	shalt  }
0x82: {  	_ =	shalt  }
0x83: {  	_ =	shalt  }
0x84: {  	_ =	shalt  }
0x85: {  	_ =	shalt  }
0x86: {  	_ =	shalt  }
0x87: {  	_ =	shalt  }
.Lfunc_end0:
.L_simem_size_0:
called_computation_lowered:
.L_overlay_start_0:
0x88: {  	s2 =	sld [smem:$0x3FD9]  }
0x89: {  	s3 =	sld [smem:$0x3FFE];
	_ =	sdelay $0x1  }
0x8a: {  	s1 =	srdreg.scid  }
0x8b: {  	s0 =	sand.u32 $0x1, s1  }
0x8c: {  	s17 =	sshll.u32 s0, $0xA;
	s2 =	sadd.s32 s3, s2  }
0x8d: {  	s2 =	sadd.s32 s2, s17  }
0x8e: {  	[smem:$0x3FC2] =	sst s2  }
0x8f: {  	_ = 	snop  }
0x90: {  	s2 =	sld [smem:$0x3FD0];
	(tm) =	ssettm $0x1  }
0x91: {  	s18 =	sld [smem:$0x3FFB];
	_ =	sdelay $0x3  }
0x92: {  	_ =	strace s18  }
0x93: {  	s3 =	sld [smem:$0x3FFC];
	_ =	sdelay $0x3  }
0x94: {  	_ =	strace s3  }
0x95: {  	s3 =	sld [smem:$0x3FFD];
	_ =	sdelay $0x3  }
0x96: {  	_ =	strace s3  }
0x97: {  	_ =	strace $0x8FFFFFFF  }
0x98: {  	s19 =	sld [smem:$0x3FDB];
	_ =	sdelay $0x1  }
0x99: {  	s4 =	simm.s32 $_scs_section_size  }
0x9a: {  	s5 =	simm.s32 $_size__tile_overlayer_lowered;
	s6 =	simm.s32 $_tile_overlayer_lowered  }
0x9b: {  	s22 =	simm.s32 $0x1BFF;
	s21 =	sshll.u32 s6, $0x1;
	s3 =	sadd.s32 s4, s19  }
0x9c: {  	s7 =	simm.s32 $0x0;
	s20 =	sshll.u32 s5, $0x1;
	s5 =	sadd.s32 s21, s3  }
0x9d: {  	[timem:s7], [sflag:s22] =	dma.local [hbm:s5], s20  }
0x9e: {  	_ =	swait.ge [sflag:s22], s20  }
0x9f: {  	s4 =	ssub.s32 $0x0, s20;
	[sflag:s22] =	ssyncset.done $0x0  }
0xa0: {  	[sflag:s22] =	ssyncadd.s32 s4;
	_ =	sdelay $0x1  }
0xa1: {  	s23 =	simm.s32 $0x1B8B  }
0xa2: {  	_ =	swait.ge [sflag:s23], $0x1  }
0xa3: {  	[sflag:s23] =	ssyncset.done $0x0  }
0xa4: {  	s25 =	simm.s32 $0x1B8E;
	s24 =	sld [smem:$0x3FFE];
	[sflag:s23] =	ssyncadd.s32 $0xFFFFFFFF  }
0xa5: {  	s26 =	simm.s32 $execute0_lowered;
	[smem:$0x3FD2] =	sst s25  }
0xa6: {  	s5 =	sshll.u32 s26, $0x1;
	_ =	strace $0x80000046;
	[dreg:$0x1] =	wrdreg $0xFFFFFFFF  }
0xa7: {  	s28 =	simm.s32 $_size_execute0_lowered;
	s3 =	sadd.s32 s3, s5;
	[dreg:$0x0] =	wrdreg $0x0  }
0xa8: {  	s5 =	sshll.u32 s28, $0x1;
	[dreg:$0x2] =	wrdreg s3  }
0xa9: {  	[dreg:$0x3] =	wrdreg s5  }
0xaa: {  	[dreg:$0x4] =	wrdreg $0xC0  }
0xab: {  	_ =	task [dreg:s7], $0x5FFFF  }
0xac: {  	[dreg:$0x1] =	wrdreg $0xFFFFFFFF  }
0xad: {  	[dreg:$0x0] =	wrdreg $0x60  }
0xae: {  	[dreg:$0x2] =	wrdreg s24  }
0xaf: {  	[dreg:$0x3] =	wrdreg s2  }
0xb0: {  	[dreg:$0x4] =	wrdreg $0x188000  }
0xb1: {  	[dreg:$0x5] =	wrdreg $0x9  }
0xb2: {  	_ =	task.clear_ibuf [dreg:s7], $0x6FFFF;
	_ =	strace $0x90000046  }
0xb3: {  	s29 =	simm.s32 $0x9;
	_ =	strace $0x80000048  }
0xb4: {  	_ =	swait.ge [sflag:s29], $0x1  }
0xb5: {  	[sflag:s29] =	ssyncadd.s32 $0xFFFFFFFF  }
0xb6: {  	_ =	strace $0x90000048  }
0xb7: {  	_ =	sfence  }
0xb8: {  	s30 =	sld [smem:$0x0];
	_ =	sdelay $0x2  }
0xb9: {  	s31 =	sshll.u32 s1, $0xD;
	s1 =	sshrl.u32 s1, $0x2  }
0xba: {  	s3 =	sand.u32 $0x4000, s31;
	s1 =	sadd.s32 s1, s30  }
0xbb: {  	s0 =	sor.u32 s3, s0;
	s1 =	sshll.u32 s1, $0x11  }
0xbc: {  	s0 =	sor.u32 s1, s0  }
0xbd: {  	s0 =	sadd.s32 $0x8F2B, s0  }
0xbe: {  	[sflag:s0] =	ssyncadd.remote.s32 $0x1  }
0xbf: {  	_ =	sfence.sel $0xFFFF  }
0xc0: {  	[dreg:$0x0] =	wrdreg $0xFFFFFFFF;
	(pc) =	sbr.abs _section_cstart, $3  }
0xc1: {  	[dreg:$0x1] =	wrdreg $0xFFFFFFFF  }
0xc2: {  	_ =	task.clear_ibuf [dreg:s7], $0x2FFFF;
	_ =	strace $0x9FFFFFFF  }
0xc3: {  	(tm) =	ssettm $0x7FFFFFFF  }
tec
execute0_lowered:
.L_overlay_start_1:
0x0: {  	(tag) =	ssettag $0x1  }
0x1: {  	s4 =	rddreg [dreg:$0x0]  }
0x2: {  	s7 =	rddreg [dreg:$0x1]  }
0x3: {  	s2 =	rddreg [dreg:$0x2]  }
0x4: {  	s0 =	rddreg [dreg:$0x3];
	s3 =	simm.s32 $0x0;
	s1 =	stileid.u32  }
0x5: {  	s6 =	srdreg.scid;
	s13 =	simm.s32 $0x8000;
	s14 =	simm.s32 $0x18100  }
0x6: {  	s15 =	simm.s32 $0xC000;
	s16 =	simm.s32 $0x18180;
	s17 =	simm.s32 $0x10000  }
0x7: {  	s18 =	simm.s32 $0x18200;
	s19 =	simm.s32 $0x14000;
	s20 =	simm.s32 $0x18280  }
0x8: {  	s21 =	simm.s32 $0x18300;
	s22 =	simm.s32 $0x18380;
	s23 =	simm.s32 $0x18400  }
0x9: {  	s26 =	simm.s32 $0x0;
	[smem:$0x7FF] =	sst s3;
	s9 =	smul.u32 $0xA000, s1  }
0xa: {  	s5 =	sshll.u32 s1, $0xB;
	s6 =	sand.u32 $0x1, s6;
	s25 =	smul.u32 $0x500, s1  }
0xb: {  	_ =	strace $0x80000047;
	s5 =	sadd.s32 s5, s4;
	s4 =	sadd.s32 $0x1C00, s4  }
0xc: {  	s8 =	ssub.s32 $0x2, s6;
	s11 =	sshll.u32 s6, $0xF;
	s12 =	smul.u32 $0x5000, s6  }
0xd: {  	s10 =	sshrl.u32 s8, $0x1;
	s5 =	sadd.s32 s11, s5;
	s31 =	sshrl.u32 s9, $0x2  }
0xe: {  	s9 =	simm.s32 $0x18000;
	s11 =	simm.s32 $0x80;
	s8 =	ssub.s32 s8, s10  }
0xf: {  	s5 =	sadd.s32 $0x1E00, s5;
	s6 =	sadd.s32 s31, s2;
	s24 =	sadd.s32 s7, s12  }
0x10: {  	v0 =	vlaneseq.u32;
	s10 =	simm.s32 $0x4000;
	s12 =	simm.s32 $0x18080;
	s7 =	smax.u32 s8, $0x1  }
0x11: {  	v1 =	vimm.f32 $0.0e+00;
	v2 =	vimm.f32 $1.000000000e+00;
	v3 =	vor.u32 $0xFFFEC000, v0;
	s8 =	simm.s32 $0x1;
	s24 =	sadd.s32 s25, s24;
	s25 =	simm.s32 $0x18480  }
.LBB2_1:
0x12: {  	[tilespmem:s3], [sflag:$0x1] =	stream.linear.gather [hbm4b:s5+s3], $0x4000, $0x38;
	[tilespmem:$0x1B000] =	vst v63  }
0x13: {  	_ =	swait.ge [sflag:s8], $0x4000  }
0x14: {  	[sflag:s8] =	ssyncset.done $0x0  }
0x15: {  	[sflag:s8] =	ssyncadd.s32 $0xFFFFC000  }
0x16: {  	[tilespmem:s9], [sflag:$0x1] =	stream.linear.gather [hbm4b:s4+s3], $0x500, $0x38;
	[tilespmem:$0x1B000] =	vst v63  }
0x17: {  	_ =	swait.ge [sflag:s8], $0x500  }
0x18: {  	[sflag:s8] =	ssyncset.done $0x0  }
0x19: {  	s28 =	simm.s32 $0x70;
	s29 =	simm.s32 $0x3C0;
	[sflag:s8] =	ssyncadd.s32 $0xFFFFFB00  }
.LBB2_2:
0x1a: {  	p0 =	sne.s32 s29, $0x4FFC0;
	[tilespmem:s28+$0x4000] =	vst v1  }
0x1b: {  	[tilespmem:s28+$0x3F90] =	vst v1  }
0x1c: {  	[tilespmem:s28+$0x3FA0] =	vst v1  }
.Ltmp0:
0x1d: {  	[tilespmem:s28+$0x3FB0] =	vst v1;
	(pc) =	sbr.rel @p0 .LBB2_2-.Ltmp0, $4  }
0x1e: {  	[tilespmem:s28+$0x3FC0] =	vst v1  }
0x1f: {  	[tilespmem:s28+$0x3FD0] =	vst v1  }
0x20: {  	[tilespmem:s28+$0x3FE0] =	vst v1  }
0x21: {  	[tilespmem:s28+$0x3FF0] =	vst v1;
	s28 =	sshra.s32 s29, $0x2;
	s29 =	sadd.s32 $0x200, s29  }
0x22: {  	[tilespmem:s28+$0x4000] =	vst v1  }
0x23: {  	[tilespmem:s28+$0x3F90] =	vst v1  }
0x24: {  	[tilespmem:s28+$0x3FA0] =	vst v1  }
0x25: {  	[tilespmem:s28+$0x3FB0] =	vst v1  }
0x26: {  	[tilespmem:s28+$0x3FC0] =	vst v1  }
0x27: {  	[tilespmem:s28+$0x3FD0] =	vst v1  }
0x28: {  	[tilespmem:s28+$0x3FE0] =	vst v1  }
0x29: {  	[tilespmem:s28+$0x3FF0] =	vst v1  }
0x2a: {  	[spmem:s6] =	stream.linear.scatter [tilespmem:s10], [sflag:$0x1], $0x2800, $0x38;
	[tilespmem:$0x1B000] =	vst v63  }
0x2b: {  	_ =	swait.ge [sflag:s8], $0x2800  }
0x2c: {  	[sflag:s8] =	ssyncset.done $0x0  }
0x2d: {  	[sflag:s8] =	ssyncadd.s32 $0xFFFFD800  }
0x2e: {  	s28 =	simm.s32 $0x0;
	[bflag:$0x0] =	sbarrier.arrive $0xFFFF  }
.LBB2_4:
0x2f: {  	s29 =	sshra.s32 s28, $0x2  }
0x30: {  	v4 =	vld [tilespmem:s29+$0x0];
	_ =	sdelay $0x4  }
0x31: {  	vm0 =	vlt.s32 v4, $0x1400;
	v4 =	vshll.u32 v4, $0x4  }
0x32: {  	v4 =	vor.u32 v0, v4;
	_ =	sdelay $0x4  }
0x33: {  	[tilespmem:v4+s10+$0x0] =	vst.idx.add.f32.msk vm0, v2  }
0x34: {  	v4 =	vld [tilespmem:s29+$0x10];
	_ =	sdelay $0x4  }
0x35: {  	vm12 =	vlt.s32 v4, $0x1400;
	v4 =	vshll.u32 v4, $0x4  }
0x36: {  	v4 =	vor.u32 v0, v4;
	_ =	sdelay $0x4  }
0x37: {  	[tilespmem:v4+s10+$0x0] =	vst.idx.add.f32.msk vm12, v2  }
0x38: {  	v4 =	vld [tilespmem:s29+$0x20];
	_ =	sdelay $0x4  }
0x39: {  	vm13 =	vlt.s32 v4, $0x1400;
	v4 =	vshll.u32 v4, $0x4  }
0x3a: {  	v4 =	vor.u32 v0, v4;
	_ =	sdelay $0x4  }
0x3b: {  	[tilespmem:v4+s10+$0x0] =	vst.idx.add.f32.msk vm13, v2  }
0x3c: {  	v4 =	vld [tilespmem:s29+$0x30];
	_ =	sdelay $0x4  }
0x3d: {  	vm14 =	vlt.s32 v4, $0x1400;
	v4 =	vshll.u32 v4, $0x4  }
0x3e: {  	v4 =	vor.u32 v0, v4;
	_ =	sdelay $0x4  }
0x3f: {  	[tilespmem:v4+s10+$0x0] =	vst.idx.add.f32.msk vm14, v2  }
0x40: {  	v4 =	vld [tilespmem:s29+$0x40];
	_ =	sdelay $0x4  }
0x41: {  	vm15 =	vlt.s32 v4, $0x1400;
	v4 =	vshll.u32 v4, $0x4  }
0x42: {  	p0 =	sne.s32 s28, $0xFE00;
	v4 =	vor.u32 v0, v4  }
.Ltmp1:
0x43: {  	_ = 	snop;
	(pc) =	sbr.rel @p0 .LBB2_4-.Ltmp1, $2  }
0x44: {  	_ =	sdelay $0x2  }
0x45: {  	s28 =	sadd.s32 $0x200, s28;
	[tilespmem:v4+s10+$0x0] =	vst.idx.add.f32.msk vm15, v2  }
0x46: {  	[spmem:s2] =	stream.indirect.scatter.add.f32 [tilespmem:s10], [sflag:$0x1], $0x80, s9, s11, $0xb8;
	[tilespmem:$0x1B000] =	vst v63  }
0x47: {  	_ =	swait.ge [sflag:s8], $0x4000  }
0x48: {  	[sflag:s8] =	ssyncset.done $0x0  }
0x49: {  	[sflag:s8] =	ssyncadd.s32 $0xFFFFC000  }
0x4a: {  	[spmem:s2] =	stream.indirect.scatter.add.f32 [tilespmem:s13], [sflag:$0x1], $0x80, s12, s11, $0xb8;
	[tilespmem:$0x1B000] =	vst v63  }
0x4b: {  	_ =	swait.ge [sflag:s8], $0x4000  }
0x4c: {  	[sflag:s8] =	ssyncset.done $0x0  }
0x4d: {  	[sflag:s8] =	ssyncadd.s32 $0xFFFFC000  }
0x4e: {  	[spmem:s2] =	stream.indirect.scatter.add.f32 [tilespmem:s15], [sflag:$0x1], $0x80, s14, s11, $0xb8;
	[tilespmem:$0x1B000] =	vst v63  }
0x4f: {  	_ =	swait.ge [sflag:s8], $0x4000  }
0x50: {  	[sflag:s8] =	ssyncset.done $0x0  }
0x51: {  	[sflag:s8] =	ssyncadd.s32 $0xFFFFC000  }
0x52: {  	[spmem:s2] =	stream.indirect.scatter.add.f32 [tilespmem:s17], [sflag:$0x1], $0x80, s16, s11, $0xb8;
	[tilespmem:$0x1B000] =	vst v63  }
0x53: {  	_ =	swait.ge [sflag:s8], $0x4000  }
0x54: {  	[sflag:s8] =	ssyncset.done $0x0  }
0x55: {  	[sflag:s8] =	ssyncadd.s32 $0xFFFFC000  }
0x56: {  	[spmem:s2] =	stream.indirect.scatter.add.f32 [tilespmem:s19], [sflag:$0x1], $0x80, s18, s11, $0xb8;
	[tilespmem:$0x1B000] =	vst v63  }
0x57: {  	_ =	swait.ge [sflag:s8], $0x4000  }
0x58: {  	[sflag:s8] =	ssyncset.done $0x0  }
0x59: {  	s28 =	simm.s32 $0x70;
	s29 =	simm.s32 $0x3C0;
	[sflag:s8] =	ssyncadd.s32 $0xFFFFC000  }
.LBB2_6:
0x5a: {  	p0 =	sne.s32 s29, $0x4FFC0;
	[tilespmem:s28+$0x4000] =	vst v1  }
0x5b: {  	[tilespmem:s28+$0x3F90] =	vst v1  }
0x5c: {  	[tilespmem:s28+$0x3FA0] =	vst v1  }
.Ltmp2:
0x5d: {  	[tilespmem:s28+$0x3FB0] =	vst v1;
	(pc) =	sbr.rel @p0 .LBB2_6-.Ltmp2, $4  }
0x5e: {  	[tilespmem:s28+$0x3FC0] =	vst v1  }
0x5f: {  	[tilespmem:s28+$0x3FD0] =	vst v1  }
0x60: {  	[tilespmem:s28+$0x3FE0] =	vst v1  }
0x61: {  	[tilespmem:s28+$0x3FF0] =	vst v1;
	s28 =	sshra.s32 s29, $0x2;
	s29 =	sadd.s32 $0x200, s29  }
0x62: {  	[tilespmem:s28+$0x4000] =	vst v1  }
0x63: {  	[tilespmem:s28+$0x3F90] =	vst v1  }
0x64: {  	[tilespmem:s28+$0x3FA0] =	vst v1  }
0x65: {  	[tilespmem:s28+$0x3FB0] =	vst v1  }
0x66: {  	[tilespmem:s28+$0x3FC0] =	vst v1  }
0x67: {  	[tilespmem:s28+$0x3FD0] =	vst v1  }
0x68: {  	[tilespmem:s28+$0x3FE0] =	vst v1  }
0x69: {  	[tilespmem:s28+$0x3FF0] =	vst v1;
	s28 =	simm.s32 $0x0  }
.LBB2_8:
0x6a: {  	s29 =	sshra.s32 s28, $0x2  }
0x6b: {  	v4 =	vld [tilespmem:s29+$0x0];
	_ =	sdelay $0x4  }
0x6c: {  	vm0 =	vgt.s32 v4, $0x13FF;
	v4 =	vshll.u32 v4, $0x4  }
0x6d: {  	v4 =	vadd.s32 v3, v4;
	_ =	sdelay $0x4  }
0x6e: {  	[tilespmem:v4+s10+$0x0] =	vst.idx.add.f32.msk vm0, v2  }
0x6f: {  	v4 =	vld [tilespmem:s29+$0x10];
	_ =	sdelay $0x4  }
0x70: {  	vm12 =	vgt.s32 v4, $0x13FF;
	v4 =	vshll.u32 v4, $0x4  }
0x71: {  	v4 =	vadd.s32 v3, v4;
	_ =	sdelay $0x4  }
0x72: {  	[tilespmem:v4+s10+$0x0] =	vst.idx.add.f32.msk vm12, v2  }
0x73: {  	v4 =	vld [tilespmem:s29+$0x20];
	_ =	sdelay $0x4  }
0x74: {  	vm13 =	vgt.s32 v4, $0x13FF;
	v4 =	vshll.u32 v4, $0x4  }
0x75: {  	v4 =	vadd.s32 v3, v4;
	_ =	sdelay $0x4  }
0x76: {  	[tilespmem:v4+s10+$0x0] =	vst.idx.add.f32.msk vm13, v2  }
0x77: {  	v4 =	vld [tilespmem:s29+$0x30];
	_ =	sdelay $0x4  }
0x78: {  	vm14 =	vgt.s32 v4, $0x13FF;
	v4 =	vshll.u32 v4, $0x4  }
0x79: {  	v4 =	vadd.s32 v3, v4;
	_ =	sdelay $0x4  }
0x7a: {  	[tilespmem:v4+s10+$0x0] =	vst.idx.add.f32.msk vm14, v2  }
0x7b: {  	v4 =	vld [tilespmem:s29+$0x40];
	_ =	sdelay $0x4  }
0x7c: {  	vm15 =	vgt.s32 v4, $0x13FF;
	v4 =	vshll.u32 v4, $0x4  }
0x7d: {  	p0 =	sne.s32 s28, $0xFE00;
	v4 =	vadd.s32 v3, v4  }
.Ltmp3:
0x7e: {  	_ = 	snop;
	(pc) =	sbr.rel @p0 .LBB2_8-.Ltmp3, $2  }
0x7f: {  	_ =	sdelay $0x2  }
0x80: {  	s28 =	sadd.s32 $0x200, s28;
	[tilespmem:v4+s10+$0x0] =	vst.idx.add.f32.msk vm15, v2  }
0x81: {  	[spmem:s2] =	stream.indirect.scatter.add.f32 [tilespmem:s10], [sflag:$0x1], $0x80, s20, s11, $0xb8;
	[tilespmem:$0x1B000] =	vst v63  }
0x82: {  	_ =	swait.ge [sflag:s8], $0x4000  }
0x83: {  	[sflag:s8] =	ssyncset.done $0x0  }
0x84: {  	[sflag:s8] =	ssyncadd.s32 $0xFFFFC000  }
0x85: {  	[spmem:s2] =	stream.indirect.scatter.add.f32 [tilespmem:s13], [sflag:$0x1], $0x80, s21, s11, $0xb8;
	[tilespmem:$0x1B000] =	vst v63  }
0x86: {  	_ =	swait.ge [sflag:s8], $0x4000  }
0x87: {  	[sflag:s8] =	ssyncset.done $0x0  }
0x88: {  	[sflag:s8] =	ssyncadd.s32 $0xFFFFC000  }
0x89: {  	[spmem:s2] =	stream.indirect.scatter.add.f32 [tilespmem:s15], [sflag:$0x1], $0x80, s22, s11, $0xb8;
	[tilespmem:$0x1B000] =	vst v63  }
0x8a: {  	_ =	swait.ge [sflag:s8], $0x4000  }
0x8b: {  	[sflag:s8] =	ssyncset.done $0x0  }
0x8c: {  	[sflag:s8] =	ssyncadd.s32 $0xFFFFC000  }
0x8d: {  	[spmem:s2] =	stream.indirect.scatter.add.f32 [tilespmem:s17], [sflag:$0x1], $0x80, s23, s11, $0xb8;
	[tilespmem:$0x1B000] =	vst v63  }
0x8e: {  	_ =	swait.ge [sflag:s8], $0x4000  }
0x8f: {  	[sflag:s8] =	ssyncset.done $0x0  }
0x90: {  	[sflag:s8] =	ssyncadd.s32 $0xFFFFC000  }
0x91: {  	[spmem:s2] =	stream.indirect.scatter.add.f32 [tilespmem:s19], [sflag:$0x1], $0x80, s25, s11, $0xb8;
	[tilespmem:$0x1B000] =	vst v63  }
0x92: {  	_ =	swait.ge [sflag:s8], $0x4000  }
0x93: {  	s28 =	sshll.u32 s1, $0x6;
	s26 =	sadd.s32 $0x1, s26;
	[sflag:s8] =	ssyncset.done $0x0  }
0x94: {  	s29 =	sshrl.u32 s6, $0x3;
	p0 =	sne.s32 s26, s7;
	[sflag:s8] =	ssyncadd.s32 $0xFFFFC000  }
.Ltmp4:
0x95: {  	s28 =	sor.u32 $0x1C01, s28;
	[bflag:$0x0] =	sbarrier.arrive $0xFFFF;
	(pc) =	sbr.rel @p0 .LBB2_1-.Ltmp4, $4  }
0x96: {  	[hbm:s24], [sflag:s28] =	dma.local [spmem:s29], $0x500  }
0x97: {  	_ =	swait.ge [sflag:s8], $0x500  }
0x98: {  	[sflag:s8] =	ssyncset.done $0x0  }
0x99: {  	[sflag:s8] =	ssyncadd.s32 $0xFFFFFB00  }
0x9a: {  	_ =	sfence.sel $0x180000  }
0x9b: {  	[bflag:$0x0] =	sbarrier.arrive $0xFFFF  }
0x9c: {  	p0 =	sne.s32 s1, $0x0;
	_ =	strace $0x90000047  }
0x9d: {  	s0 =	sadd.s32 @!p0 $0x100000, s0;
	[bflag:$0x2] =	sbarrier.arrive $0xFFFF  }
0x9e: {  	[sflag:s0] =	ssyncadd.tile.s32 @!p0 $0x1;
	_ =	shalt  }
.Lfunc_end2:
_tile_overlayer_lowered:
.L_overlay_start_2:
0x9f: {  	(tag) =	ssettag $0x2  }
0xa0: {  	s0 =	rddreg [dreg:$0x0];
	s2 =	stileid.u32  }
0xa1: {  	s1 =	rddreg [dreg:$0x1];
	p0 =	sne.s32 s2, $0x0  }
0xa2: {  	s3 =	rddreg [dreg:$0x2];
	[bflag:$0x3] =	sbarrier.arrive $0xFFFF;
	s2 =	simm.s32 @!p0 $0x1C01  }
0xa3: {  	[timem:s3], [sflag:s2] =	dma.local @!p0 [hbm:s0], s1  }
0xa4: {  	s0 =	simm.s32 @!p0 $0x1  }
0xa5: {  	_ =	swait.ge @!p0 [sflag:s0], s1  }
0xa6: {  	s1 =	ssub.s32 @!p0 $0x0, s1;
	[sflag:s0] =	ssyncset.done @!p0 $0x0  }
0xa7: {  	[sflag:s0] =	ssyncadd.s32 @!p0 s1  }
0xa8: {  	[bflag:$0x3] =	sbarrier.arrive $0xFFFF  }
0xa9: {  	_ =	shalt  }

</sc_bundles>
